<compile_context>
chip_gen: v7x
topology: tpu7x:2x2x1
jax: 0.10.2.dev20260603
libtpu: 0.0.44.dev20260713+nightly
codegen_flags: <defaults>
</compile_context>

<pallas_src>
import jax
import jax.numpy as jnp
from jax import lax
from jax.experimental import pallas as pl
from jax.experimental.pallas import tpu as pltpu
from jax.experimental.pallas import tpu_sc as plsc

_B, _N = 128, 4096
_M = 128
_ALPHA = 0.8
_L = 16
_NC, _NS = 2, 16
_NW = _NC * _NS
_ROWS = _B // _NW
_CHUNKS = _N // _L
_SHIFTS = (27, 23, 19)
_UN = 4

_LN2 = 0.6931471805599453


def _ln1p(y):
    y2 = y * y
    lo = 0.00014158017 + 0.99542666 * y
    hi = -0.46407070 + 0.21640858 * y + -0.054862311 * y2
    return lo + y2 * hi


def _ln(p):
    u = plsc.bitcast(p, jnp.int32)
    e = (u >> 23) - 127
    mu = (u & 0x7FFFFF) | 0x3F800000
    m = plsc.bitcast(mu, jnp.float32)
    t = (m - 1.0) / (m + 1.0)
    t2 = t * t
    poly = 2.0 + t2 * (2.0 / 3.0 + t2 * (2.0 / 5.0 + t2 * (2.0 / 7.0 + t2 * (2.0 / 9.0))))
    return e.astype(jnp.float32) * _LN2 + t * poly


def _sc_body(lg_hbm, tg_hbm, out_hbm, lg_v, tg_v, bu_v, hist_v, res_v):
    c = lax.axis_index("c")
    s = lax.axis_index("s")
    wid = s * _NC + c
    base = wid * _ROWS
    pltpu.sync_copy(lg_hbm.at[pl.ds(base, _ROWS)], lg_v)
    pltpu.sync_copy(tg_hbm.at[pl.ds(base, _ROWS)], tg_v)

    lanes = lax.iota(jnp.int32, _L)
    zero_i = jnp.zeros((_L,), jnp.int32)
    res = jnp.zeros((_L,), jnp.float32)

    def walk(c_above_v):
        hv = hist_v[pl.ds(0, _L)]
        sfx = plsc.cumsum(lax.rev(hv, (0,))) + c_above_v
        ge = sfx >= _M
        b_v = (_L - 1) - plsc.all_reduce_ffs(ge)
        c_above_v = c_above_v + jnp.sum(jnp.where(lanes > b_v, hv, jnp.int32(0)))
        return b_v, c_above_v

    for r in range(_ROWS):
        def pass1(i, carry, r=r):
            sacc, cntp = carry
            for j in range(_UN):
                sl = pl.ds((i * _UN + j) * _L, _L)
                x = lg_v[r, sl]
                t = tg_v[r, sl]
                pos = t == 1
                sacc = sacc + jnp.where(pos, 0.0, jnp.exp(x))
                cntp = cntp + jnp.where(pos, 1.0, 0.0)
            return sacc, cntp

        sacc, cntp = lax.fori_loop(
            0, _CHUNKS // _UN, pass1,
            (jnp.zeros((_L,), jnp.float32), jnp.zeros((_L,), jnp.float32)))
        npos_r = jnp.sum(cntp)
        ssum = jnp.maximum(jnp.sum(sacc), 1e-30)
        neg_lse = _ln(ssum * jnp.ones((_L,), jnp.float32))

        hist_v[pl.ds(0, _L)] = zero_i
        hist_v[pl.ds(_L, _L)] = zero_i

        def pass2(i, pacc, r=r):
            for j in range(_UN):
                sl = pl.ds((i * _UN + j) * _L, _L)
                x = lg_v[r, sl]
                t = tg_v[r, sl]
                pos = t == 1
                w = jnp.exp(-jnp.abs(x))
                z = jnp.where(pos, -x, x)
                bce = jnp.maximum(z, 0.0) + _ln1p(w)
                u = plsc.bitcast(bce, jnp.int32)
                bu_v[sl] = u
                idx = u >> _SHIFTS[0]
                cnts, last = plsc.scan_count(idx)
                plsc.addupdate_scatter(hist_v, [idx], cnts, mask=last)
                z2 = jnp.clip(neg_lse - x, -80.0, 80.0)
                w2 = jnp.exp(-jnp.abs(z2))
                sp = jnp.maximum(z2, 0.0) + _ln1p(w2)
                pacc = pacc + jnp.where(pos, sp, 0.0)
            return pacc

        pacc = lax.fori_loop(0, _CHUNKS // _UN, pass2, jnp.zeros((_L,), jnp.float32))
        psum = jnp.sum(pacc)

        b_v, c_above = walk(jnp.zeros((_L,), jnp.int32))
        thr = b_v << _SHIFTS[0]

        for sh in _SHIFTS[1:]:
            hist_v[pl.ds(0, _L)] = zero_i
            hist_v[pl.ds(_L, _L)] = zero_i
            width = jnp.int32(1 << (sh + 4))

            def hpass(i, carry, sh=sh, thr=thr, width=width):
                for j in range(_UN):
                    sl = pl.ds((i * _UN + j) * _L, _L)
                    u = bu_v[sl]
                    inb = (u >= thr) & (u < thr + width)
                    idx = jnp.where(inb, (u >> sh) & jnp.int32(_L - 1), jnp.int32(_L))
                    cnts, last = plsc.scan_count(idx)
                    plsc.addupdate_scatter(hist_v, [idx], cnts, mask=last)
                return carry

            lax.fori_loop(0, _CHUNKS // _UN, hpass, 0)
            b_v, c_above = walk(c_above)
            thr = thr + (b_v << sh)

        up = thr + jnp.int32(1 << _SHIFTS[-1])
        mid_f = plsc.bitcast(thr + jnp.int32(1 << (_SHIFTS[-1] - 1)), jnp.float32)

        def pass4(i, carry):
            sm, cg = carry
            for j in range(_UN):
                u = bu_v[pl.ds((i * _UN + j) * _L, _L)]
                f = plsc.bitcast(u, jnp.float32)
                g = u >= up
                sm = sm + jnp.where(g, f, 0.0)
                cg = cg + jnp.where(g, jnp.int32(1), jnp.int32(0))
            return sm, cg

        sm_v, cg_v = lax.fori_loop(
            0, _CHUNKS // _UN, pass4,
            (jnp.zeros((_L,), jnp.float32), jnp.zeros((_L,), jnp.int32)))
        c2 = jnp.sum(cg_v)
        topk_v = (jnp.sum(sm_v)
                  + (jnp.float32(_M) - c2.astype(jnp.float32)) * mid_f)

        res = jnp.where(lanes == r, topk_v, res)
        res = jnp.where(lanes == r + _ROWS, psum, res)
        res = jnp.where(lanes == r + 2 * _ROWS, npos_r, res)

    res_v[...] = res
    pltpu.sync_copy(res_v, out_hbm.at[wid])


_sc_call = pl.kernel(
    _sc_body,
    out_type=jax.ShapeDtypeStruct((_NW, _L), jnp.float32),
    mesh=plsc.VectorSubcoreMesh(core_axis_name="c", subcore_axis_name="s"),
    compiler_params=pltpu.CompilerParams(needs_layout_passes=False),
    scratch_types=[
        pltpu.VMEM((_ROWS, _N), jnp.float32),
        pltpu.VMEM((_ROWS, _N), jnp.int32),
        pltpu.VMEM((_N,), jnp.int32),
        pltpu.VMEM((2 * _L,), jnp.int32),
        pltpu.VMEM((_L,), jnp.float32),
    ],
)


def kernel(logits, targets):
    out = _sc_call(logits, targets.astype(jnp.int32))
    topk = jnp.sum(out[:, 0:_ROWS])
    psum = jnp.sum(out[:, _ROWS:2 * _ROWS])
    npos = jnp.sum(out[:, 2 * _ROWS:3 * _ROWS])
    mbce = topk / jnp.float32(_B * _M)
    ce = jnp.where(npos > 0, psum / jnp.maximum(npos, 1.0), 0.0)
    return (_ALPHA * ce + (1.0 - _ALPHA) * mbce).astype(jnp.float32)

# --- scband reference (transcript-rebuilt; emitter-appended) ---
"""Pipeline reference for scband-ctn-lt-loss-41566693491289 (READ-ONLY COPY).

The authoritative reference and input builder live on the scoring server;
editing this copy changes nothing except your own understanding.
"""

import jax, jax.numpy as jnp
import numpy as np
from jax.scipy.special import logsumexp

ALPHA = 0.8
M = 128
B, N = 128, 4096


def setup_inputs(seed: int = 0):
    key = jax.random.key(seed)
    k1, k2 = jax.random.split(key)
    logits = jax.random.normal(k1, (B, N), dtype=jnp.float32)
    targets = jax.random.randint(k2, (B, N), 0, 2)
    return {"logits": logits, "targets": targets}


def _adapted_ce(logits, targets):
    # For each positive label p in row i: loss = logsumexep([logit_p, neg_logits_i]) - logit_p
    # (equivalent to -log_softmax(cat([pos, negs]))[0] in the torch loop)
    pos = targets == 1
    neg = targets == 0
    masked_neg = jnp.where(neg, logits, -jnp.inf)
    neg_lse = logsumexp(masked_neg, axis=1)  # [B]
    per_pos = jnp.logaddexp(logits, neg_lse[:, None]) - logits  # [B, N]
    total = jnp.sum(jnp.where(pos, per_pos, 0.0))
    num_pos = jnp.sum(pos)
    denom = jnp.maximum(num_pos, 1).astype(logits.dtype)
    return jnp.where(num_pos > 0, total / denom, jnp.asarray(0.0, logits.dtype))


def _masked_bce(logits, targets):
    t = targets.astype(logits.dtype)
    probs = jax.nn.sigmoid(logits)
    bce = -t * jnp.log(probs + 1e-08) - (1.0 - t) * jnp.log(1.0 - probs + 1e-08)
    k = min(M, bce.shape[1])
    top_m, _ = jax.lax.top_k(bce, k)  # [B, k]
    return jnp.mean(jnp.mean(top_m, axis=1))


def reference(logits, targets):
    ce = _adapted_ce(logits, targets)
    mbce = _masked_bce(logits, targets)
    total_loss = ALPHA * ce + (1.0 - ALPHA) * mbce
    return total_loss

if __name__ == "__main__":
    import jax
    _d = setup_inputs()
    print(jax.jit(kernel)(*tuple(_d.values())))

</pallas_src>

<mosaic_0001>
#map = affine_map<(d0, d1) -> (0, 0)>
module attributes {stable_mosaic.version = 14 : i64} {
  func.func @_sc_body(%arg0: i32, %arg1: i32, %arg2: memref<128x4096xf32, #tpu.memory_space<hbm>>, %arg3: memref<128x4096xi32, #tpu.memory_space<hbm>>, %arg4: memref<32x16xf32, #tpu.memory_space<hbm>>, %arg5: memref<4x4096xf32, #tpu.memory_space<vmem>>, %arg6: memref<4x4096xi32, #tpu.memory_space<vmem>>, %arg7: memref<4096xi32, #tpu.memory_space<vmem>>, %arg8: memref<32xi32, #tpu.memory_space<vmem>>, %arg9: memref<16xf32, #tpu.memory_space<vmem>>) attributes {dimension_semantics = [#tpu.dimension_semantics<core_parallel>, #tpu.dimension_semantics<subcore_parallel>], iteration_bounds = array<i64: 2, 16>, scalar_prefetch = 0 : i64, scratch_operands = 5 : i64, tpu.core_type = #tpu.core_type<sc_vector_subcore>, window_params = [{transform_indices = #map}, {transform_indices = #map}, {transform_indices = #map}]} {
    %mul3A = arith.constant 2 : i32
    %mul3A_0 = arith.muli %arg1, %mul3A : i32
    %add3A = arith.addi %mul3A_0, %arg0 : i32
    %mul3A_1 = arith.constant 4 : i32
    %mul3A_2 = arith.muli %add3A, %mul3A_1 : i32
    "tpu.region"() ({
      %run_scoped3A = tpu.sem_alloc : memref<!tpu.dma_semaphore, #tpu.memory_space<semaphore_mem>>
      %dma_start3A = arith.constant 0 : i32
      %dma_start3A_991 = tpu.memref_slice %arg2[%mul3A_2, %dma_start3A] : memref<128x4096xf32, #tpu.memory_space<hbm>> -> memref<4x4096xf32, #tpu.memory_space<hbm>>
      %dma_start3A_992 = arith.constant 0 : i32
      %dma_start3A_993 = tpu.memref_slice %arg2[%mul3A_2, %dma_start3A_992] : memref<128x4096xf32, #tpu.memory_space<hbm>> -> memref<4x4096xf32, #tpu.memory_space<hbm>>
      tpu.enqueue_dma source(%dma_start3A_993 : memref<4x4096xf32, #tpu.memory_space<hbm>>) target(%arg5 : memref<4x4096xf32, #tpu.memory_space<vmem>>) target_semaphore(%run_scoped3A : memref<!tpu.dma_semaphore, #tpu.memory_space<semaphore_mem>>)
      %dma_wait3A = arith.constant 0 : i32
      %dma_wait3A_994 = tpu.memref_slice %arg2[%mul3A_2, %dma_wait3A] : memref<128x4096xf32, #tpu.memory_space<hbm>> -> memref<4x4096xf32, #tpu.memory_space<hbm>>
      %dma_wait3A_995 = arith.constant 0 : i32
      %dma_wait3A_996 = tpu.memref_slice %arg2[%mul3A_2, %dma_wait3A_995] : memref<128x4096xf32, #tpu.memory_space<hbm>> -> memref<4x4096xf32, #tpu.memory_space<hbm>>
      tpu.wait_dma2 semaphore(%run_scoped3A : memref<!tpu.dma_semaphore, #tpu.memory_space<semaphore_mem>>) src(%dma_wait3A_996 : memref<4x4096xf32, #tpu.memory_space<hbm>>) dst(%arg5 : memref<4x4096xf32, #tpu.memory_space<vmem>>)
      tpu.yield
    }) : () -> ()
    "tpu.region"() ({
      %run_scoped3A = tpu.sem_alloc : memref<!tpu.dma_semaphore, #tpu.memory_space<semaphore_mem>>
      %dma_start3A = arith.constant 0 : i32
      %dma_start3A_991 = tpu.memref_slice %arg3[%mul3A_2, %dma_start3A] : memref<128x4096xi32, #tpu.memory_space<hbm>> -> memref<4x4096xi32, #tpu.memory_space<hbm>>
      %dma_start3A_992 = arith.constant 0 : i32
      %dma_start3A_993 = tpu.memref_slice %arg3[%mul3A_2, %dma_start3A_992] : memref<128x4096xi32, #tpu.memory_space<hbm>> -> memref<4x4096xi32, #tpu.memory_space<hbm>>
      tpu.enqueue_dma source(%dma_start3A_993 : memref<4x4096xi32, #tpu.memory_space<hbm>>) target(%arg6 : memref<4x4096xi32, #tpu.memory_space<vmem>>) target_semaphore(%run_scoped3A : memref<!tpu.dma_semaphore, #tpu.memory_space<semaphore_mem>>)
      %dma_wait3A = arith.constant 0 : i32
      %dma_wait3A_994 = tpu.memref_slice %arg3[%mul3A_2, %dma_wait3A] : memref<128x4096xi32, #tpu.memory_space<hbm>> -> memref<4x4096xi32, #tpu.memory_space<hbm>>
      %dma_wait3A_995 = arith.constant 0 : i32
      %dma_wait3A_996 = tpu.memref_slice %arg3[%mul3A_2, %dma_wait3A_995] : memref<128x4096xi32, #tpu.memory_space<hbm>> -> memref<4x4096xi32, #tpu.memory_space<hbm>>
      tpu.wait_dma2 semaphore(%run_scoped3A : memref<!tpu.dma_semaphore, #tpu.memory_space<semaphore_mem>>) src(%dma_wait3A_996 : memref<4x4096xi32, #tpu.memory_space<hbm>>) dst(%arg6 : memref<4x4096xi32, #tpu.memory_space<vmem>>)
      tpu.yield
    }) : () -> ()
    %iota3A = tpu.iota {dimensions = array<i32: 0>} : vector<16xi32>
    %broadcast_in_dim3A = arith.constant 0 : i32
    %broadcast_in_dim3A_3 = vector.broadcast %broadcast_in_dim3A : i32 to vector<16xi32>
    %broadcast_in_dim3A_4 = arith.constant 0.000000e+00 : f32
    %broadcast_in_dim3A_5 = vector.broadcast %broadcast_in_dim3A_4 : f32 to vector<16xf32>
    %broadcast_in_dim3A_6 = arith.constant 0.000000e+00 : f32
    %broadcast_in_dim3A_7 = vector.broadcast %broadcast_in_dim3A_6 : f32 to vector<16xf32>
    %broadcast_in_dim3A_8 = arith.constant 0.000000e+00 : f32
    %broadcast_in_dim3A_9 = vector.broadcast %broadcast_in_dim3A_8 : f32 to vector<16xf32>
    %scan3A = arith.constant 0 : i32
    %scan3A_10 = arith.constant 64 : i32
    %scan3A_11 = arith.addi %scan3A, %scan3A_10 : i32
    %scan3A_12 = arith.constant 1 : i32
    %scan3A_13:2 = scf.for %scan3A_991 = %scan3A to %scan3A_11 step %scan3A_12 iter_args(%scan3A_992 = %broadcast_in_dim3A_7, %scan3A_993 = %broadcast_in_dim3A_9) -> (vector<16xf32>, vector<16xf32>)  : i32 {
      %mul3A_994 = arith.constant 4 : i32
      %mul3A_995 = arith.muli %scan3A_991, %mul3A_994 : i32
      %add3A_996 = arith.constant 0 : i32
      %add3A_997 = arith.addi %mul3A_995, %add3A_996 : i32
      %mul3A_998 = arith.constant 16 : i32
      %mul3A_999 = arith.muli %add3A_997, %mul3A_998 : i32
      %get3A_1000 = arith.constant 0 : i32
      %get3A_1001 = arith.index_cast %get3A_1000 : i32 to index
      %get3A_1002 = arith.index_cast %mul3A_999 : i32 to index
      %get3A_1003 = tpu.vector_load %arg5[%get3A_1001, %get3A_1002] {strides = array<i32>} : memref<4x4096xf32, #tpu.memory_space<vmem>>, vector<16xf32>,
      %get3A_1004 = arith.constant 0 : i32
      %get3A_1005 = arith.index_cast %get3A_1004 : i32 to index
      %get3A_1006 = arith.index_cast %mul3A_999 : i32 to index
      %get3A_1007 = tpu.vector_load %arg6[%get3A_1005, %get3A_1006] {strides = array<i32>} : memref<4x4096xi32, #tpu.memory_space<vmem>>, vector<16xi32>,
      %eq3A_1008 = arith.constant 1 : i32
      %eq3A_1009 = vector.broadcast %eq3A_1008 : i32 to vector<16xi32>
      %eq3A_1010 = arith.cmpi eq, %get3A_1007, %eq3A_1009 : vector<16xi32>
      %exp3A = math.exp %get3A_1003 : vector<16xf32>
      %jit3A_1011 = arith.constant 0.000000e+00 : f32
      %broadcast_in_dim3A_1012 = vector.broadcast %jit3A_1011 : f32 to vector<16xf32>
      %select_n3A_1013 = arith.select %eq3A_1010, %broadcast_in_dim3A_1012, %exp3A : vector<16xi1>, vector<16xf32>
      %add3A_1014 = arith.addf %scan3A_992, %select_n3A_1013 : vector<16xf32>
      %jit3A_1015 = arith.constant 1.000000e+00 : f32
      %jit3A_1016 = arith.constant 0.000000e+00 : f32
      %broadcast_in_dim3A_1017 = vector.broadcast %jit3A_1015 : f32 to vector<16xf32>
      %broadcast_in_dim3A_1018 = vector.broadcast %jit3A_1016 : f32 to vector<16xf32>
      %select_n3A_1019 = arith.select %eq3A_1010, %broadcast_in_dim3A_1017, %broadcast_in_dim3A_1018 : vector<16xi1>, vector<16xf32>
      %add3A_1020 = arith.addf %scan3A_993, %select_n3A_1019 : vector<16xf32>
      %mul3A_1021 = arith.constant 4 : i32
      %mul3A_1022 = arith.muli %scan3A_991, %mul3A_1021 : i32
      %add3A_1023 = arith.constant 1 : i32
      %add3A_1024 = arith.addi %mul3A_1022, %add3A_1023 : i32
      %mul3A_1025 = arith.constant 16 : i32
      %mul3A_1026 = arith.muli %add3A_1024, %mul3A_1025 : i32
      %get3A_1027 = arith.constant 0 : i32
      %get3A_1028 = arith.index_cast %get3A_1027 : i32 to index
      %get3A_1029 = arith.index_cast %mul3A_1026 : i32 to index
      %get3A_1030 = tpu.vector_load %arg5[%get3A_1028, %get3A_1029] {strides = array<i32>} : memref<4x4096xf32, #tpu.memory_space<vmem>>, vector<16xf32>,
      %get3A_1031 = arith.constant 0 : i32
      %get3A_1032 = arith.index_cast %get3A_1031 : i32 to index
      %get3A_1033 = arith.index_cast %mul3A_1026 : i32 to index
      %get3A_1034 = tpu.vector_load %arg6[%get3A_1032, %get3A_1033] {strides = array<i32>} : memref<4x4096xi32, #tpu.memory_space<vmem>>, vector<16xi32>,
      %eq3A_1035 = arith.constant 1 : i32
      %eq3A_1036 = vector.broadcast %eq3A_1035 : i32 to vector<16xi32>
      %eq3A_1037 = arith.cmpi eq, %get3A_1034, %eq3A_1036 : vector<16xi32>
      %exp3A_1038 = math.exp %get3A_1030 : vector<16xf32>
      %jit3A_1039 = arith.constant 0.000000e+00 : f32
      %broadcast_in_dim3A_1040 = vector.broadcast %jit3A_1039 : f32 to vector<16xf32>
      %select_n3A_1041 = arith.select %eq3A_1037, %broadcast_in_dim3A_1040, %exp3A_1038 : vector<16xi1>, vector<16xf32>
      %add3A_1042 = arith.addf %add3A_1014, %select_n3A_1041 : vector<16xf32>
      %jit3A_1043 = arith.constant 1.000000e+00 : f32
      %jit3A_1044 = arith.constant 0.000000e+00 : f32
      %broadcast_in_dim3A_1045 = vector.broadcast %jit3A_1043 : f32 to vector<16xf32>
      %broadcast_in_dim3A_1046 = vector.broadcast %jit3A_1044 : f32 to vector<16xf32>
      %select_n3A_1047 = arith.select %eq3A_1037, %broadcast_in_dim3A_1045, %broadcast_in_dim3A_1046 : vector<16xi1>, vector<16xf32>
      %add3A_1048 = arith.addf %add3A_1020, %select_n3A_1047 : vector<16xf32>
      %mul3A_1049 = arith.constant 4 : i32
      %mul3A_1050 = arith.muli %scan3A_991, %mul3A_1049 : i32
      %add3A_1051 = arith.constant 2 : i32
      %add3A_1052 = arith.addi %mul3A_1050, %add3A_1051 : i32
      %mul3A_1053 = arith.constant 16 : i32
      %mul3A_1054 = arith.muli %add3A_1052, %mul3A_1053 : i32
      %get3A_1055 = arith.constant 0 : i32
      %get3A_1056 = arith.index_cast %get3A_1055 : i32 to index
      %get3A_1057 = arith.index_cast %mul3A_1054 : i32 to index
      %get3A_1058 = tpu.vector_load %arg5[%get3A_1056, %get3A_1057] {strides = array<i32>} : memref<4x4096xf32, #tpu.memory_space<vmem>>, vector<16xf32>,
      %get3A_1059 = arith.constant 0 : i32
      %get3A_1060 = arith.index_cast %get3A_1059 : i32 to index
      %get3A_1061 = arith.index_cast %mul3A_1054 : i32 to index
      %get3A_1062 = tpu.vector_load %arg6[%get3A_1060, %get3A_1061] {strides = array<i32>} : memref<4x4096xi32, #tpu.memory_space<vmem>>, vector<16xi32>,
      %eq3A_1063 = arith.constant 1 : i32
      %eq3A_1064 = vector.broadcast %eq3A_1063 : i32 to vector<16xi32>
      %eq3A_1065 = arith.cmpi eq, %get3A_1062, %eq3A_1064 : vector<16xi32>
      %exp3A_1066 = math.exp %get3A_1058 : vector<16xf32>
      %jit3A_1067 = arith.constant 0.000000e+00 : f32
      %broadcast_in_dim3A_1068 = vector.broadcast %jit3A_1067 : f32 to vector<16xf32>
      %select_n3A_1069 = arith.select %eq3A_1065, %broadcast_in_dim3A_1068, %exp3A_1066 : vector<16xi1>, vector<16xf32>
      %add3A_1070 = arith.addf %add3A_1042, %select_n3A_1069 : vector<16xf32>
      %jit3A_1071 = arith.constant 1.000000e+00 : f32
      %jit3A_1072 = arith.constant 0.000000e+00 : f32
      %broadcast_in_dim3A_1073 = vector.broadcast %jit3A_1071 : f32 to vector<16xf32>
      %broadcast_in_dim3A_1074 = vector.broadcast %jit3A_1072 : f32 to vector<16xf32>
      %select_n3A_1075 = arith.select %eq3A_1065, %broadcast_in_dim3A_1073, %broadcast_in_dim3A_1074 : vector<16xi1>, vector<16xf32>
      %add3A_1076 = arith.addf %add3A_1048, %select_n3A_1075 : vector<16xf32>
      %mul3A_1077 = arith.constant 4 : i32
      %mul3A_1078 = arith.muli %scan3A_991, %mul3A_1077 : i32
      %add3A_1079 = arith.constant 3 : i32
      %add3A_1080 = arith.addi %mul3A_1078, %add3A_1079 : i32
      %mul3A_1081 = arith.constant 16 : i32
      %mul3A_1082 = arith.muli %add3A_1080, %mul3A_1081 : i32
      %get3A_1083 = arith.constant 0 : i32
      %get3A_1084 = arith.index_cast %get3A_1083 : i32 to index
      %get3A_1085 = arith.index_cast %mul3A_1082 : i32 to index
      %get3A_1086 = tpu.vector_load %arg5[%get3A_1084, %get3A_1085] {strides = array<i32>} : memref<4x4096xf32, #tpu.memory_space<vmem>>, vector<16xf32>,
      %get3A_1087 = arith.constant 0 : i32
      %get3A_1088 = arith.index_cast %get3A_1087 : i32 to index
      %get3A_1089 = arith.index_cast %mul3A_1082 : i32 to index
      %get3A_1090 = tpu.vector_load %arg6[%get3A_1088, %get3A_1089] {strides = array<i32>} : memref<4x4096xi32, #tpu.memory_space<vmem>>, vector<16xi32>,
      %eq3A_1091 = arith.constant 1 : i32
      %eq3A_1092 = vector.broadcast %eq3A_1091 : i32 to vector<16xi32>
      %eq3A_1093 = arith.cmpi eq, %get3A_1090, %eq3A_1092 : vector<16xi32>
      %exp3A_1094 = math.exp %get3A_1086 : vector<16xf32>
      %jit3A_1095 = arith.constant 0.000000e+00 : f32
      %broadcast_in_dim3A_1096 = vector.broadcast %jit3A_1095 : f32 to vector<16xf32>
      %select_n3A_1097 = arith.select %eq3A_1093, %broadcast_in_dim3A_1096, %exp3A_1094 : vector<16xi1>, vector<16xf32>
      %add3A_1098 = arith.addf %add3A_1070, %select_n3A_1097 : vector<16xf32>
      %jit3A_1099 = arith.constant 1.000000e+00 : f32
      %jit3A_1100 = arith.constant 0.000000e+00 : f32
      %broadcast_in_dim3A_1101 = vector.broadcast %jit3A_1099 : f32 to vector<16xf32>
      %broadcast_in_dim3A_1102 = vector.broadcast %jit3A_1100 : f32 to vector<16xf32>
      %select_n3A_1103 = arith.select %eq3A_1093, %broadcast_in_dim3A_1101, %broadcast_in_dim3A_1102 : vector<16xi1>, vector<16xf32>
      %add3A_1104 = arith.addf %add3A_1076, %select_n3A_1103 : vector<16xf32>
      scf.yield %add3A_1098, %add3A_1104 : vector<16xf32>, vector<16xf32>
    }
    %scan3A_14 = arith.constant 64 : i32
    %reduce_sum3A = arith.constant true
    %reduce_sum3A_15 = vector.broadcast %reduce_sum3A : i1 to vector<16xi1>
    %reduce_sum3A_16 = tpu.scan <sum>, %scan3A_13#1 masked %reduce_sum3A_15 : vector<16xf32>, vector<16xi1> -> vector<16xf32>
    %reduce_sum3A_17 = vector.extract %reduce_sum3A_16[15] : f32 from vector<16xf32>
    %reduce_sum3A_18 = arith.constant true
    %reduce_sum3A_19 = vector.broadcast %reduce_sum3A_18 : i1 to vector<16xi1>
    %reduce_sum3A_20 = tpu.scan <sum>, %scan3A_13#0 masked %reduce_sum3A_19 : vector<16xf32>, vector<16xi1> -> vector<16xf32>
    %reduce_sum3A_21 = vector.extract %reduce_sum3A_20[15] : f32 from vector<16xf32>
    %max3A = arith.constant 1.000000e-30 : f32
    %max3A_22 = arith.maximumf %reduce_sum3A_21, %max3A : f32
    %broadcast_in_dim3A_23 = arith.constant 1.000000e+00 : f32
    %broadcast_in_dim3A_24 = vector.broadcast %broadcast_in_dim3A_23 : f32 to vector<16xf32>
    %mul3A_25 = vector.broadcast %max3A_22 : f32 to vector<16xf32>
    %mul3A_26 = arith.mulf %mul3A_25, %broadcast_in_dim3A_24 : vector<16xf32>
    %bitcast3A = vector.bitcast %mul3A_26 : vector<16xf32> to vector<16xi32>
    %shift_right_arithmetic3A = arith.constant 23 : i32
    %shift_right_arithmetic3A_27 = vector.broadcast %shift_right_arithmetic3A : i32 to vector<16xi32>
    %shift_right_arithmetic3A_28 = arith.shrsi %bitcast3A, %shift_right_arithmetic3A_27 : vector<16xi32>
    %sub3A = arith.constant 127 : i32
    %sub3A_29 = vector.broadcast %sub3A : i32 to vector<16xi32>
    %sub3A_30 = arith.subi %shift_right_arithmetic3A_28, %sub3A_29 : vector<16xi32>
    %and3A = arith.constant 8388607 : i32
    %and3A_31 = vector.broadcast %and3A : i32 to vector<16xi32>
    %and3A_32 = arith.andi %bitcast3A, %and3A_31 : vector<16xi32>
    %or3A = arith.constant 1065353216 : i32
    %or3A_33 = vector.broadcast %or3A : i32 to vector<16xi32>
    %or3A_34 = arith.ori %and3A_32, %or3A_33 : vector<16xi32>
    %bitcast3A_35 = vector.bitcast %or3A_34 : vector<16xi32> to vector<16xf32>
    %sub3A_36 = arith.constant 1.000000e+00 : f32
    %sub3A_37 = vector.broadcast %sub3A_36 : f32 to vector<16xf32>
    %sub3A_38 = arith.subf %bitcast3A_35, %sub3A_37 : vector<16xf32>
    %add3A_39 = arith.constant 1.000000e+00 : f32
    %add3A_40 = vector.broadcast %add3A_39 : f32 to vector<16xf32>
    %add3A_41 = arith.addf %bitcast3A_35, %add3A_40 : vector<16xf32>
    %div3A = arith.divf %sub3A_38, %add3A_41 : vector<16xf32>
    %mul3A_42 = arith.mulf %div3A, %div3A : vector<16xf32>
    %mul3A_43 = arith.constant 0.222222224 : f32
    %mul3A_44 = vector.broadcast %mul3A_43 : f32 to vector<16xf32>
    %mul3A_45 = arith.mulf %mul3A_42, %mul3A_44 : vector<16xf32>
    %add3A_46 = arith.constant 0.285714298 : f32
    %add3A_47 = vector.broadcast %add3A_46 : f32 to vector<16xf32>
    %add3A_48 = arith.addf %add3A_47, %mul3A_45 : vector<16xf32>
    %mul3A_49 = arith.mulf %mul3A_42, %add3A_48 : vector<16xf32>
    %add3A_50 = arith.constant 4.000000e-01 : f32
    %add3A_51 = vector.broadcast %add3A_50 : f32 to vector<16xf32>
    %add3A_52 = arith.addf %add3A_51, %mul3A_49 : vector<16xf32>
    %mul3A_53 = arith.mulf %mul3A_42, %add3A_52 : vector<16xf32>
    %add3A_54 = arith.constant 0.666666686 : f32
    %add3A_55 = vector.broadcast %add3A_54 : f32 to vector<16xf32>
    %add3A_56 = arith.addf %add3A_55, %mul3A_53 : vector<16xf32>
    %mul3A_57 = arith.mulf %mul3A_42, %add3A_56 : vector<16xf32>
    %add3A_58 = arith.constant 2.000000e+00 : f32
    %add3A_59 = vector.broadcast %add3A_58 : f32 to vector<16xf32>
    %add3A_60 = arith.addf %add3A_59, %mul3A_57 : vector<16xf32>
    %convert_element_type3A = arith.sitofp %sub3A_30 : vector<16xi32> to vector<16xf32>
    %mul3A_61 = arith.constant 0.693147182 : f32
    %mul3A_62 = vector.broadcast %mul3A_61 : f32 to vector<16xf32>
    %mul3A_63 = arith.mulf %convert_element_type3A, %mul3A_62 : vector<16xf32>
    %mul3A_64 = arith.mulf %div3A, %add3A_60 : vector<16xf32>
    %add3A_65 = arith.addf %mul3A_63, %mul3A_64 : vector<16xf32>
    %swap3A = arith.constant 0 : index
    %swap3A_66 = tpu.vector_load %arg8[%swap3A] {strides = array<i32>} : memref<32xi32, #tpu.memory_space<vmem>>, vector<16xi32>,
    tpu.vector_store %arg8[%swap3A], %broadcast_in_dim3A_3 {strides = array<i32>} : memref<32xi32, #tpu.memory_space<vmem>>, vector<16xi32>,
    %swap3A_67 = arith.constant 16 : index
    %swap3A_68 = tpu.vector_load %arg8[%swap3A_67] {strides = array<i32>} : memref<32xi32, #tpu.memory_space<vmem>>, vector<16xi32>,
    tpu.vector_store %arg8[%swap3A_67], %broadcast_in_dim3A_3 {strides = array<i32>} : memref<32xi32, #tpu.memory_space<vmem>>, vector<16xi32>,
    %broadcast_in_dim3A_69 = arith.constant 0.000000e+00 : f32
    %broadcast_in_dim3A_70 = vector.broadcast %broadcast_in_dim3A_69 : f32 to vector<16xf32>
    %scan3A_71 = arith.constant 0 : i32
    %scan3A_72 = arith.constant 64 : i32
    %scan3A_73 = arith.addi %scan3A_71, %scan3A_72 : i32
    %scan3A_74 = arith.constant 1 : i32
    %scan3A_75 = scf.for %scan3A_991 = %scan3A_71 to %scan3A_73 step %scan3A_74 iter_args(%scan3A_992 = %broadcast_in_dim3A_70) -> (vector<16xf32>)  : i32 {
      %mul3A_993 = arith.constant 4 : i32
      %mul3A_994 = arith.muli %scan3A_991, %mul3A_993 : i32
      %add3A_995 = arith.constant 0 : i32
      %add3A_996 = arith.addi %mul3A_994, %add3A_995 : i32
      %mul3A_997 = arith.constant 16 : i32
      %mul3A_998 = arith.muli %add3A_996, %mul3A_997 : i32
      %get3A_999 = arith.constant 0 : i32
      %get3A_1000 = arith.index_cast %get3A_999 : i32 to index
      %get3A_1001 = arith.index_cast %mul3A_998 : i32 to index
      %get3A_1002 = tpu.vector_load %arg5[%get3A_1000, %get3A_1001] {strides = array<i32>} : memref<4x4096xf32, #tpu.memory_space<vmem>>, vector<16xf32>,
      %get3A_1003 = arith.constant 0 : i32
      %get3A_1004 = arith.index_cast %get3A_1003 : i32 to index
      %get3A_1005 = arith.index_cast %mul3A_998 : i32 to index
      %get3A_1006 = tpu.vector_load %arg6[%get3A_1004, %get3A_1005] {strides = array<i32>} : memref<4x4096xi32, #tpu.memory_space<vmem>>, vector<16xi32>,
      %eq3A_1007 = arith.constant 1 : i32
      %eq3A_1008 = vector.broadcast %eq3A_1007 : i32 to vector<16xi32>
      %eq3A_1009 = arith.cmpi eq, %get3A_1006, %eq3A_1008 : vector<16xi32>
      %abs3A = math.absf %get3A_1002 : vector<16xf32>
      %neg3A = arith.constant 0.000000e+00 : f32
      %neg3A_1010 = vector.broadcast %neg3A : f32 to vector<16xf32>
      %neg3A_1011 = arith.subf %neg3A_1010, %abs3A : vector<16xf32>
      %exp3A = math.exp %neg3A_1011 : vector<16xf32>
      %neg3A_1012 = arith.constant 0.000000e+00 : f32
      %neg3A_1013 = vector.broadcast %neg3A_1012 : f32 to vector<16xf32>
      %neg3A_1014 = arith.subf %neg3A_1013, %get3A_1002 : vector<16xf32>
      %select_n3A_1015 = arith.select %eq3A_1009, %neg3A_1014, %get3A_1002 : vector<16xi1>, vector<16xf32>
      %max3A_1016 = arith.constant 0.000000e+00 : f32
      %max3A_1017 = vector.broadcast %max3A_1016 : f32 to vector<16xf32>
      %max3A_1018 = arith.maximumf %select_n3A_1015, %max3A_1017 : vector<16xf32>
      %mul3A_1019 = arith.mulf %exp3A, %exp3A : vector<16xf32>
      %mul3A_1020 = arith.constant 0.995426654 : f32
      %mul3A_1021 = vector.broadcast %mul3A_1020 : f32 to vector<16xf32>
      %mul3A_1022 = arith.mulf %mul3A_1021, %exp3A : vector<16xf32>
      %add3A_1023 = arith.constant 1.41580167E-4 : f32
      %add3A_1024 = vector.broadcast %add3A_1023 : f32 to vector<16xf32>
      %add3A_1025 = arith.addf %add3A_1024, %mul3A_1022 : vector<16xf32>
      %mul3A_1026 = arith.constant 0.216408581 : f32
      %mul3A_1027 = vector.broadcast %mul3A_1026 : f32 to vector<16xf32>
      %mul3A_1028 = arith.mulf %mul3A_1027, %exp3A : vector<16xf32>
      %add3A_1029 = arith.constant -0.464070708 : f32
      %add3A_1030 = vector.broadcast %add3A_1029 : f32 to vector<16xf32>
      %add3A_1031 = arith.addf %add3A_1030, %mul3A_1028 : vector<16xf32>
      %mul3A_1032 = arith.constant -0.0548623092 : f32
      %mul3A_1033 = vector.broadcast %mul3A_1032 : f32 to vector<16xf32>
      %mul3A_1034 = arith.mulf %mul3A_1033, %mul3A_1019 : vector<16xf32>
      %add3A_1035 = arith.addf %add3A_1031, %mul3A_1034 : vector<16xf32>
      %mul3A_1036 = arith.mulf %mul3A_1019, %add3A_1035 : vector<16xf32>
      %add3A_1037 = arith.addf %add3A_1025, %mul3A_1036 : vector<16xf32>
      %add3A_1038 = arith.addf %max3A_1018, %add3A_1037 : vector<16xf32>
      %bitcast3A_1039 = vector.bitcast %add3A_1038 : vector<16xf32> to vector<16xi32>
      %swap3A_1040 = arith.index_cast %mul3A_998 : i32 to index
      %swap3A_1041 = tpu.vector_load %arg7[%swap3A_1040] {strides = array<i32>} : memref<4096xi32, #tpu.memory_space<vmem>>, vector<16xi32>,
      tpu.vector_store %arg7[%swap3A_1040], %bitcast3A_1039 {strides = array<i32>} : memref<4096xi32, #tpu.memory_space<vmem>>, vector<16xi32>,
      %shift_right_arithmetic3A_1042 = arith.constant 27 : i32
      %shift_right_arithmetic3A_1043 = vector.broadcast %shift_right_arithmetic3A_1042 : i32 to vector<16xi32>
      %shift_right_arithmetic3A_1044 = arith.shrsi %bitcast3A_1039, %shift_right_arithmetic3A_1043 : vector<16xi32>
      %broadcast_in_dim3A_1045 = arith.constant true
      %broadcast_in_dim3A_1046 = vector.broadcast %broadcast_in_dim3A_1045 : i1 to vector<16xi1>
      %unique3A, %unique3A_1047 = tpu.scan_count mask(%broadcast_in_dim3A_1046 : vector<16xi1>) value(%shift_right_arithmetic3A_1044 : vector<16xi32>) : vector<16xi1>, vector<16xi32>
      tpu.vector_store_idx %arg8[%shift_right_arithmetic3A_1044], %unique3A_1047 masked %unique3A {add = true} : memref<32xi32, #tpu.memory_space<vmem>>[vector<16xi32>], vector<16xi32>, vector<16xi1>
      %sub3A_1048 = arith.subf %add3A_65, %get3A_1002 : vector<16xf32>
      %jit3A_1049 = arith.constant -8.000000e+01 : f32
      %jit3A_1050 = arith.constant 8.000000e+01 : f32
      %max3A_1051 = vector.broadcast %jit3A_1049 : f32 to vector<16xf32>
      %max3A_1052 = arith.maximumf %max3A_1051, %sub3A_1048 : vector<16xf32>
      %min3A = vector.broadcast %jit3A_1050 : f32 to vector<16xf32>
      %min3A_1053 = arith.minimumf %min3A, %max3A_1052 : vector<16xf32>
      %abs3A_1054 = math.absf %min3A_1053 : vector<16xf32>
      %neg3A_1055 = arith.constant 0.000000e+00 : f32
      %neg3A_1056 = vector.broadcast %neg3A_1055 : f32 to vector<16xf32>
      %neg3A_1057 = arith.subf %neg3A_1056, %abs3A_1054 : vector<16xf32>
      %exp3A_1058 = math.exp %neg3A_1057 : vector<16xf32>
      %max3A_1059 = arith.constant 0.000000e+00 : f32
      %max3A_1060 = vector.broadcast %max3A_1059 : f32 to vector<16xf32>
      %max3A_1061 = arith.maximumf %min3A_1053, %max3A_1060 : vector<16xf32>
      %mul3A_1062 = arith.mulf %exp3A_1058, %exp3A_1058 : vector<16xf32>
      %mul3A_1063 = arith.constant 0.995426654 : f32
      %mul3A_1064 = vector.broadcast %mul3A_1063 : f32 to vector<16xf32>
      %mul3A_1065 = arith.mulf %mul3A_1064, %exp3A_1058 : vector<16xf32>
      %add3A_1066 = arith.constant 1.41580167E-4 : f32
      %add3A_1067 = vector.broadcast %add3A_1066 : f32 to vector<16xf32>
      %add3A_1068 = arith.addf %add3A_1067, %mul3A_1065 : vector<16xf32>
      %mul3A_1069 = arith.constant 0.216408581 : f32
      %mul3A_1070 = vector.broadcast %mul3A_1069 : f32 to vector<16xf32>
      %mul3A_1071 = arith.mulf %mul3A_1070, %exp3A_1058 : vector<16xf32>
      %add3A_1072 = arith.constant -0.464070708 : f32
      %add3A_1073 = vector.broadcast %add3A_1072 : f32 to vector<16xf32>
      %add3A_1074 = arith.addf %add3A_1073, %mul3A_1071 : vector<16xf32>
      %mul3A_1075 = arith.constant -0.0548623092 : f32
      %mul3A_1076 = vector.broadcast %mul3A_1075 : f32 to vector<16xf32>
      %mul3A_1077 = arith.mulf %mul3A_1076, %mul3A_1062 : vector<16xf32>
      %add3A_1078 = arith.addf %add3A_1074, %mul3A_1077 : vector<16xf32>
      %mul3A_1079 = arith.mulf %mul3A_1062, %add3A_1078 : vector<16xf32>
      %add3A_1080 = arith.addf %add3A_1068, %mul3A_1079 : vector<16xf32>
      %add3A_1081 = arith.addf %max3A_1061, %add3A_1080 : vector<16xf32>
      %jit3A_1082 = arith.constant 0.000000e+00 : f32
      %broadcast_in_dim3A_1083 = vector.broadcast %jit3A_1082 : f32 to vector<16xf32>
      %select_n3A_1084 = arith.select %eq3A_1009, %add3A_1081, %broadcast_in_dim3A_1083 : vector<16xi1>, vector<16xf32>
      %add3A_1085 = arith.addf %scan3A_992, %select_n3A_1084 : vector<16xf32>
      %mul3A_1086 = arith.constant 4 : i32
      %mul3A_1087 = arith.muli %scan3A_991, %mul3A_1086 : i32
      %add3A_1088 = arith.constant 1 : i32
      %add3A_1089 = arith.addi %mul3A_1087, %add3A_1088 : i32
      %mul3A_1090 = arith.constant 16 : i32
      %mul3A_1091 = arith.muli %add3A_1089, %mul3A_1090 : i32
      %get3A_1092 = arith.constant 0 : i32
      %get3A_1093 = arith.index_cast %get3A_1092 : i32 to index
      %get3A_1094 = arith.index_cast %mul3A_1091 : i32 to index
      %get3A_1095 = tpu.vector_load %arg5[%get3A_1093, %get3A_1094] {strides = array<i32>} : memref<4x4096xf32, #tpu.memory_space<vmem>>, vector<16xf32>,
      %get3A_1096 = arith.constant 0 : i32
      %get3A_1097 = arith.index_cast %get3A_1096 : i32 to index
      %get3A_1098 = arith.index_cast %mul3A_1091 : i32 to index
      %get3A_1099 = tpu.vector_load %arg6[%get3A_1097, %get3A_1098] {strides = array<i32>} : memref<4x4096xi32, #tpu.memory_space<vmem>>, vector<16xi32>,
      %eq3A_1100 = arith.constant 1 : i32
      %eq3A_1101 = vector.broadcast %eq3A_1100 : i32 to vector<16xi32>
      %eq3A_1102 = arith.cmpi eq, %get3A_1099, %eq3A_1101 : vector<16xi32>
      %abs3A_1103 = math.absf %get3A_1095 : vector<16xf32>
      %neg3A_1104 = arith.constant 0.000000e+00 : f32
      %neg3A_1105 = vector.broadcast %neg3A_1104 : f32 to vector<16xf32>
      %neg3A_1106 = arith.subf %neg3A_1105, %abs3A_1103 : vector<16xf32>
      %exp3A_1107 = math.exp %neg3A_1106 : vector<16xf32>
      %neg3A_1108 = arith.constant 0.000000e+00 : f32
      %neg3A_1109 = vector.broadcast %neg3A_1108 : f32 to vector<16xf32>
      %neg3A_1110 = arith.subf %neg3A_1109, %get3A_1095 : vector<16xf32>
      %select_n3A_1111 = arith.select %eq3A_1102, %neg3A_1110, %get3A_1095 : vector<16xi1>, vector<16xf32>
      %max3A_1112 = arith.constant 0.000000e+00 : f32
      %max3A_1113 = vector.broadcast %max3A_1112 : f32 to vector<16xf32>
      %max3A_1114 = arith.maximumf %select_n3A_1111, %max3A_1113 : vector<16xf32>
      %mul3A_1115 = arith.mulf %exp3A_1107, %exp3A_1107 : vector<16xf32>
      %mul3A_1116 = arith.constant 0.995426654 : f32
      %mul3A_1117 = vector.broadcast %mul3A_1116 : f32 to vector<16xf32>
      %mul3A_1118 = arith.mulf %mul3A_1117, %exp3A_1107 : vector<16xf32>
      %add3A_1119 = arith.constant 1.41580167E-4 : f32
      %add3A_1120 = vector.broadcast %add3A_1119 : f32 to vector<16xf32>
      %add3A_1121 = arith.addf %add3A_1120, %mul3A_1118 : vector<16xf32>
      %mul3A_1122 = arith.constant 0.216408581 : f32
      %mul3A_1123 = vector.broadcast %mul3A_1122 : f32 to vector<16xf32>
      %mul3A_1124 = arith.mulf %mul3A_1123, %exp3A_1107 : vector<16xf32>
      %add3A_1125 = arith.constant -0.464070708 : f32
      %add3A_1126 = vector.broadcast %add3A_1125 : f32 to vector<16xf32>
      %add3A_1127 = arith.addf %add3A_1126, %mul3A_1124 : vector<16xf32>
      %mul3A_1128 = arith.constant -0.0548623092 : f32
      %mul3A_1129 = vector.broadcast %mul3A_1128 : f32 to vector<16xf32>
      %mul3A_1130 = arith.mulf %mul3A_1129, %mul3A_1115 : vector<16xf32>
      %add3A_1131 = arith.addf %add3A_1127, %mul3A_1130 : vector<16xf32>
      %mul3A_1132 = arith.mulf %mul3A_1115, %add3A_1131 : vector<16xf32>
      %add3A_1133 = arith.addf %add3A_1121, %mul3A_1132 : vector<16xf32>
      %add3A_1134 = arith.addf %max3A_1114, %add3A_1133 : vector<16xf32>
      %bitcast3A_1135 = vector.bitcast %add3A_1134 : vector<16xf32> to vector<16xi32>
      %swap3A_1136 = arith.index_cast %mul3A_1091 : i32 to index
      %swap3A_1137 = tpu.vector_load %arg7[%swap3A_1136] {strides = array<i32>} : memref<4096xi32, #tpu.memory_space<vmem>>, vector<16xi32>,
      tpu.vector_store %arg7[%swap3A_1136], %bitcast3A_1135 {strides = array<i32>} : memref<4096xi32, #tpu.memory_space<vmem>>, vector<16xi32>,
      %shift_right_arithmetic3A_1138 = arith.constant 27 : i32
      %shift_right_arithmetic3A_1139 = vector.broadcast %shift_right_arithmetic3A_1138 : i32 to vector<16xi32>
      %shift_right_arithmetic3A_1140 = arith.shrsi %bitcast3A_1135, %shift_right_arithmetic3A_1139 : vector<16xi32>
      %broadcast_in_dim3A_1141 = arith.constant true
      %broadcast_in_dim3A_1142 = vector.broadcast %broadcast_in_dim3A_1141 : i1 to vector<16xi1>
      %unique3A_1143, %unique3A_1144 = tpu.scan_count mask(%broadcast_in_dim3A_1142 : vector<16xi1>) value(%shift_right_arithmetic3A_1140 : vector<16xi32>) : vector<16xi1>, vector<16xi32>
      tpu.vector_store_idx %arg8[%shift_right_arithmetic3A_1140], %unique3A_1144 masked %unique3A_1143 {add = true} : memref<32xi32, #tpu.memory_space<vmem>>[vector<16xi32>], vector<16xi32>, vector<16xi1>
      %sub3A_1145 = arith.subf %add3A_65, %get3A_1095 : vector<16xf32>
      %jit3A_1146 = arith.constant -8.000000e+01 : f32
      %jit3A_1147 = arith.constant 8.000000e+01 : f32
      %max3A_1148 = vector.broadcast %jit3A_1146 : f32 to vector<16xf32>
      %max3A_1149 = arith.maximumf %max3A_1148, %sub3A_1145 : vector<16xf32>
      %min3A_1150 = vector.broadcast %jit3A_1147 : f32 to vector<16xf32>
      %min3A_1151 = arith.minimumf %min3A_1150, %max3A_1149 : vector<16xf32>
      %abs3A_1152 = math.absf %min3A_1151 : vector<16xf32>
      %neg3A_1153 = arith.constant 0.000000e+00 : f32
      %neg3A_1154 = vector.broadcast %neg3A_1153 : f32 to vector<16xf32>
      %neg3A_1155 = arith.subf %neg3A_1154, %abs3A_1152 : vector<16xf32>
      %exp3A_1156 = math.exp %neg3A_1155 : vector<16xf32>
      %max3A_1157 = arith.constant 0.000000e+00 : f32
      %max3A_1158 = vector.broadcast %max3A_1157 : f32 to vector<16xf32>
      %max3A_1159 = arith.maximumf %min3A_1151, %max3A_1158 : vector<16xf32>
      %mul3A_1160 = arith.mulf %exp3A_1156, %exp3A_1156 : vector<16xf32>
      %mul3A_1161 = arith.constant 0.995426654 : f32
      %mul3A_1162 = vector.broadcast %mul3A_1161 : f32 to vector<16xf32>
      %mul3A_1163 = arith.mulf %mul3A_1162, %exp3A_1156 : vector<16xf32>
      %add3A_1164 = arith.constant 1.41580167E-4 : f32
      %add3A_1165 = vector.broadcast %add3A_1164 : f32 to vector<16xf32>
      %add3A_1166 = arith.addf %add3A_1165, %mul3A_1163 : vector<16xf32>
      %mul3A_1167 = arith.constant 0.216408581 : f32
      %mul3A_1168 = vector.broadcast %mul3A_1167 : f32 to vector<16xf32>
      %mul3A_1169 = arith.mulf %mul3A_1168, %exp3A_1156 : vector<16xf32>
      %add3A_1170 = arith.constant -0.464070708 : f32
      %add3A_1171 = vector.broadcast %add3A_1170 : f32 to vector<16xf32>
      %add3A_1172 = arith.addf %add3A_1171, %mul3A_1169 : vector<16xf32>
      %mul3A_1173 = arith.constant -0.0548623092 : f32
      %mul3A_1174 = vector.broadcast %mul3A_1173 : f32 to vector<16xf32>
      %mul3A_1175 = arith.mulf %mul3A_1174, %mul3A_1160 : vector<16xf32>
      %add3A_1176 = arith.addf %add3A_1172, %mul3A_1175 : vector<16xf32>
      %mul3A_1177 = arith.mulf %mul3A_1160, %add3A_1176 : vector<16xf32>
      %add3A_1178 = arith.addf %add3A_1166, %mul3A_1177 : vector<16xf32>
      %add3A_1179 = arith.addf %max3A_1159, %add3A_1178 : vector<16xf32>
      %jit3A_1180 = arith.constant 0.000000e+00 : f32
      %broadcast_in_dim3A_1181 = vector.broadcast %jit3A_1180 : f32 to vector<16xf32>
      %select_n3A_1182 = arith.select %eq3A_1102, %add3A_1179, %broadcast_in_dim3A_1181 : vector<16xi1>, vector<16xf32>
      %add3A_1183 = arith.addf %add3A_1085, %select_n3A_1182 : vector<16xf32>
      %mul3A_1184 = arith.constant 4 : i32
      %mul3A_1185 = arith.muli %scan3A_991, %mul3A_1184 : i32
      %add3A_1186 = arith.constant 2 : i32
      %add3A_1187 = arith.addi %mul3A_1185, %add3A_1186 : i32
      %mul3A_1188 = arith.constant 16 : i32
      %mul3A_1189 = arith.muli %add3A_1187, %mul3A_1188 : i32
      %get3A_1190 = arith.constant 0 : i32
      %get3A_1191 = arith.index_cast %get3A_1190 : i32 to index
      %get3A_1192 = arith.index_cast %mul3A_1189 : i32 to index
      %get3A_1193 = tpu.vector_load %arg5[%get3A_1191, %get3A_1192] {strides = array<i32>} : memref<4x4096xf32, #tpu.memory_space<vmem>>, vector<16xf32>,
      %get3A_1194 = arith.constant 0 : i32
      %get3A_1195 = arith.index_cast %get3A_1194 : i32 to index
      %get3A_1196 = arith.index_cast %mul3A_1189 : i32 to index
      %get3A_1197 = tpu.vector_load %arg6[%get3A_1195, %get3A_1196] {strides = array<i32>} : memref<4x4096xi32, #tpu.memory_space<vmem>>, vector<16xi32>,
      %eq3A_1198 = arith.constant 1 : i32
      %eq3A_1199 = vector.broadcast %eq3A_1198 : i32 to vector<16xi32>
      %eq3A_1200 = arith.cmpi eq, %get3A_1197, %eq3A_1199 : vector<16xi32>
      %abs3A_1201 = math.absf %get3A_1193 : vector<16xf32>
      %neg3A_1202 = arith.constant 0.000000e+00 : f32
      %neg3A_1203 = vector.broadcast %neg3A_1202 : f32 to vector<16xf32>
      %neg3A_1204 = arith.subf %neg3A_1203, %abs3A_1201 : vector<16xf32>
      %exp3A_1205 = math.exp %neg3A_1204 : vector<16xf32>
      %neg3A_1206 = arith.constant 0.000000e+00 : f32
      %neg3A_1207 = vector.broadcast %neg3A_1206 : f32 to vector<16xf32>
      %neg3A_1208 = arith.subf %neg3A_1207, %get3A_1193 : vector<16xf32>
      %select_n3A_1209 = arith.select %eq3A_1200, %neg3A_1208, %get3A_1193 : vector<16xi1>, vector<16xf32>
      %max3A_1210 = arith.constant 0.000000e+00 : f32
      %max3A_1211 = vector.broadcast %max3A_1210 : f32 to vector<16xf32>
      %max3A_1212 = arith.maximumf %select_n3A_1209, %max3A_1211 : vector<16xf32>
      %mul3A_1213 = arith.mulf %exp3A_1205, %exp3A_1205 : vector<16xf32>
      %mul3A_1214 = arith.constant 0.995426654 : f32
      %mul3A_1215 = vector.broadcast %mul3A_1214 : f32 to vector<16xf32>
      %mul3A_1216 = arith.mulf %mul3A_1215, %exp3A_1205 : vector<16xf32>
      %add3A_1217 = arith.constant 1.41580167E-4 : f32
      %add3A_1218 = vector.broadcast %add3A_1217 : f32 to vector<16xf32>
      %add3A_1219 = arith.addf %add3A_1218, %mul3A_1216 : vector<16xf32>
      %mul3A_1220 = arith.constant 0.216408581 : f32
      %mul3A_1221 = vector.broadcast %mul3A_1220 : f32 to vector<16xf32>
      %mul3A_1222 = arith.mulf %mul3A_1221, %exp3A_1205 : vector<16xf32>
      %add3A_1223 = arith.constant -0.464070708 : f32
      %add3A_1224 = vector.broadcast %add3A_1223 : f32 to vector<16xf32>
      %add3A_1225 = arith.addf %add3A_1224, %mul3A_1222 : vector<16xf32>
      %mul3A_1226 = arith.constant -0.0548623092 : f32
      %mul3A_1227 = vector.broadcast %mul3A_1226 : f32 to vector<16xf32>
      %mul3A_1228 = arith.mulf %mul3A_1227, %mul3A_1213 : vector<16xf32>
      %add3A_1229 = arith.addf %add3A_1225, %mul3A_1228 : vector<16xf32>
      %mul3A_1230 = arith.mulf %mul3A_1213, %add3A_1229 : vector<16xf32>
      %add3A_1231 = arith.addf %add3A_1219, %mul3A_1230 : vector<16xf32>
      %add3A_1232 = arith.addf %max3A_1212, %add3A_1231 : vector<16xf32>
      %bitcast3A_1233 = vector.bitcast %add3A_1232 : vector<16xf32> to vector<16xi32>
      %swap3A_1234 = arith.index_cast %mul3A_1189 : i32 to index
      %swap3A_1235 = tpu.vector_load %arg7[%swap3A_1234] {strides = array<i32>} : memref<4096xi32, #tpu.memory_space<vmem>>, vector<16xi32>,
      tpu.vector_store %arg7[%swap3A_1234], %bitcast3A_1233 {strides = array<i32>} : memref<4096xi32, #tpu.memory_space<vmem>>, vector<16xi32>,
      %shift_right_arithmetic3A_1236 = arith.constant 27 : i32
      %shift_right_arithmetic3A_1237 = vector.broadcast %shift_right_arithmetic3A_1236 : i32 to vector<16xi32>
      %shift_right_arithmetic3A_1238 = arith.shrsi %bitcast3A_1233, %shift_right_arithmetic3A_1237 : vector<16xi32>
      %broadcast_in_dim3A_1239 = arith.constant true
      %broadcast_in_dim3A_1240 = vector.broadcast %broadcast_in_dim3A_1239 : i1 to vector<16xi1>
      %unique3A_1241, %unique3A_1242 = tpu.scan_count mask(%broadcast_in_dim3A_1240 : vector<16xi1>) value(%shift_right_arithmetic3A_1238 : vector<16xi32>) : vector<16xi1>, vector<16xi32>
      tpu.vector_store_idx %arg8[%shift_right_arithmetic3A_1238], %unique3A_1242 masked %unique3A_1241 {add = true} : memref<32xi32, #tpu.memory_space<vmem>>[vector<16xi32>], vector<16xi32>, vector<16xi1>
      %sub3A_1243 = arith.subf %add3A_65, %get3A_1193 : vector<16xf32>
      %jit3A_1244 = arith.constant -8.000000e+01 : f32
      %jit3A_1245 = arith.constant 8.000000e+01 : f32
      %max3A_1246 = vector.broadcast %jit3A_1244 : f32 to vector<16xf32>
      %max3A_1247 = arith.maximumf %max3A_1246, %sub3A_1243 : vector<16xf32>
      %min3A_1248 = vector.broadcast %jit3A_1245 : f32 to vector<16xf32>
      %min3A_1249 = arith.minimumf %min3A_1248, %max3A_1247 : vector<16xf32>
      %abs3A_1250 = math.absf %min3A_1249 : vector<16xf32>
      %neg3A_1251 = arith.constant 0.000000e+00 : f32
      %neg3A_1252 = vector.broadcast %neg3A_1251 : f32 to vector<16xf32>
      %neg3A_1253 = arith.subf %neg3A_1252, %abs3A_1250 : vector<16xf32>
      %exp3A_1254 = math.exp %neg3A_1253 : vector<16xf32>
      %max3A_1255 = arith.constant 0.000000e+00 : f32
      %max3A_1256 = vector.broadcast %max3A_1255 : f32 to vector<16xf32>
      %max3A_1257 = arith.maximumf %min3A_1249, %max3A_1256 : vector<16xf32>
      %mul3A_1258 = arith.mulf %exp3A_1254, %exp3A_1254 : vector<16xf32>
      %mul3A_1259 = arith.constant 0.995426654 : f32
      %mul3A_1260 = vector.broadcast %mul3A_1259 : f32 to vector<16xf32>
      %mul3A_1261 = arith.mulf %mul3A_1260, %exp3A_1254 : vector<16xf32>
      %add3A_1262 = arith.constant 1.41580167E-4 : f32
      %add3A_1263 = vector.broadcast %add3A_1262 : f32 to vector<16xf32>
      %add3A_1264 = arith.addf %add3A_1263, %mul3A_1261 : vector<16xf32>
      %mul3A_1265 = arith.constant 0.216408581 : f32
      %mul3A_1266 = vector.broadcast %mul3A_1265 : f32 to vector<16xf32>
      %mul3A_1267 = arith.mulf %mul3A_1266, %exp3A_1254 : vector<16xf32>
      %add3A_1268 = arith.constant -0.464070708 : f32
      %add3A_1269 = vector.broadcast %add3A_1268 : f32 to vector<16xf32>
      %add3A_1270 = arith.addf %add3A_1269, %mul3A_1267 : vector<16xf32>
      %mul3A_1271 = arith.constant -0.0548623092 : f32
      %mul3A_1272 = vector.broadcast %mul3A_1271 : f32 to vector<16xf32>
      %mul3A_1273 = arith.mulf %mul3A_1272, %mul3A_1258 : vector<16xf32>
      %add3A_1274 = arith.addf %add3A_1270, %mul3A_1273 : vector<16xf32>
      %mul3A_1275 = arith.mulf %mul3A_1258, %add3A_1274 : vector<16xf32>
      %add3A_1276 = arith.addf %add3A_1264, %mul3A_1275 : vector<16xf32>
      %add3A_1277 = arith.addf %max3A_1257, %add3A_1276 : vector<16xf32>
      %jit3A_1278 = arith.constant 0.000000e+00 : f32
      %broadcast_in_dim3A_1279 = vector.broadcast %jit3A_1278 : f32 to vector<16xf32>
      %select_n3A_1280 = arith.select %eq3A_1200, %add3A_1277, %broadcast_in_dim3A_1279 : vector<16xi1>, vector<16xf32>
      %add3A_1281 = arith.addf %add3A_1183, %select_n3A_1280 : vector<16xf32>
      %mul3A_1282 = arith.constant 4 : i32
      %mul3A_1283 = arith.muli %scan3A_991, %mul3A_1282 : i32
      %add3A_1284 = arith.constant 3 : i32
      %add3A_1285 = arith.addi %mul3A_1283, %add3A_1284 : i32
      %mul3A_1286 = arith.constant 16 : i32
      %mul3A_1287 = arith.muli %add3A_1285, %mul3A_1286 : i32
      %get3A_1288 = arith.constant 0 : i32
      %get3A_1289 = arith.index_cast %get3A_1288 : i32 to index
      %get3A_1290 = arith.index_cast %mul3A_1287 : i32 to index
      %get3A_1291 = tpu.vector_load %arg5[%get3A_1289, %get3A_1290] {strides = array<i32>} : memref<4x4096xf32, #tpu.memory_space<vmem>>, vector<16xf32>,
      %get3A_1292 = arith.constant 0 : i32
      %get3A_1293 = arith.index_cast %get3A_1292 : i32 to index
      %get3A_1294 = arith.index_cast %mul3A_1287 : i32 to index
      %get3A_1295 = tpu.vector_load %arg6[%get3A_1293, %get3A_1294] {strides = array<i32>} : memref<4x4096xi32, #tpu.memory_space<vmem>>, vector<16xi32>,
      %eq3A_1296 = arith.constant 1 : i32
      %eq3A_1297 = vector.broadcast %eq3A_1296 : i32 to vector<16xi32>
      %eq3A_1298 = arith.cmpi eq, %get3A_1295, %eq3A_1297 : vector<16xi32>
      %abs3A_1299 = math.absf %get3A_1291 : vector<16xf32>
      %neg3A_1300 = arith.constant 0.000000e+00 : f32
      %neg3A_1301 = vector.broadcast %neg3A_1300 : f32 to vector<16xf32>
      %neg3A_1302 = arith.subf %neg3A_1301, %abs3A_1299 : vector<16xf32>
      %exp3A_1303 = math.exp %neg3A_1302 : vector<16xf32>
      %neg3A_1304 = arith.constant 0.000000e+00 : f32
      %neg3A_1305 = vector.broadcast %neg3A_1304 : f32 to vector<16xf32>
      %neg3A_1306 = arith.subf %neg3A_1305, %get3A_1291 : vector<16xf32>
      %select_n3A_1307 = arith.select %eq3A_1298, %neg3A_1306, %get3A_1291 : vector<16xi1>, vector<16xf32>
      %max3A_1308 = arith.constant 0.000000e+00 : f32
      %max3A_1309 = vector.broadcast %max3A_1308 : f32 to vector<16xf32>
      %max3A_1310 = arith.maximumf %select_n3A_1307, %max3A_1309 : vector<16xf32>
      %mul3A_1311 = arith.mulf %exp3A_1303, %exp3A_1303 : vector<16xf32>
      %mul3A_1312 = arith.constant 0.995426654 : f32
      %mul3A_1313 = vector.broadcast %mul3A_1312 : f32 to vector<16xf32>
      %mul3A_1314 = arith.mulf %mul3A_1313, %exp3A_1303 : vector<16xf32>
      %add3A_1315 = arith.constant 1.41580167E-4 : f32
      %add3A_1316 = vector.broadcast %add3A_1315 : f32 to vector<16xf32>
      %add3A_1317 = arith.addf %add3A_1316, %mul3A_1314 : vector<16xf32>
      %mul3A_1318 = arith.constant 0.216408581 : f32
      %mul3A_1319 = vector.broadcast %mul3A_1318 : f32 to vector<16xf32>
      %mul3A_1320 = arith.mulf %mul3A_1319, %exp3A_1303 : vector<16xf32>
      %add3A_1321 = arith.constant -0.464070708 : f32
      %add3A_1322 = vector.broadcast %add3A_1321 : f32 to vector<16xf32>
      %add3A_1323 = arith.addf %add3A_1322, %mul3A_1320 : vector<16xf32>
      %mul3A_1324 = arith.constant -0.0548623092 : f32
      %mul3A_1325 = vector.broadcast %mul3A_1324 : f32 to vector<16xf32>
      %mul3A_1326 = arith.mulf %mul3A_1325, %mul3A_1311 : vector<16xf32>
      %add3A_1327 = arith.addf %add3A_1323, %mul3A_1326 : vector<16xf32>
      %mul3A_1328 = arith.mulf %mul3A_1311, %add3A_1327 : vector<16xf32>
      %add3A_1329 = arith.addf %add3A_1317, %mul3A_1328 : vector<16xf32>
      %add3A_1330 = arith.addf %max3A_1310, %add3A_1329 : vector<16xf32>
      %bitcast3A_1331 = vector.bitcast %add3A_1330 : vector<16xf32> to vector<16xi32>
      %swap3A_1332 = arith.index_cast %mul3A_1287 : i32 to index
      %swap3A_1333 = tpu.vector_load %arg7[%swap3A_1332] {strides = array<i32>} : memref<4096xi32, #tpu.memory_space<vmem>>, vector<16xi32>,
      tpu.vector_store %arg7[%swap3A_1332], %bitcast3A_1331 {strides = array<i32>} : memref<4096xi32, #tpu.memory_space<vmem>>, vector<16xi32>,
      %shift_right_arithmetic3A_1334 = arith.constant 27 : i32
      %shift_right_arithmetic3A_1335 = vector.broadcast %shift_right_arithmetic3A_1334 : i32 to vector<16xi32>
      %shift_right_arithmetic3A_1336 = arith.shrsi %bitcast3A_1331, %shift_right_arithmetic3A_1335 : vector<16xi32>
      %broadcast_in_dim3A_1337 = arith.constant true
      %broadcast_in_dim3A_1338 = vector.broadcast %broadcast_in_dim3A_1337 : i1 to vector<16xi1>
      %unique3A_1339, %unique3A_1340 = tpu.scan_count mask(%broadcast_in_dim3A_1338 : vector<16xi1>) value(%shift_right_arithmetic3A_1336 : vector<16xi32>) : vector<16xi1>, vector<16xi32>
      tpu.vector_store_idx %arg8[%shift_right_arithmetic3A_1336], %unique3A_1340 masked %unique3A_1339 {add = true} : memref<32xi32, #tpu.memory_space<vmem>>[vector<16xi32>], vector<16xi32>, vector<16xi1>
      %sub3A_1341 = arith.subf %add3A_65, %get3A_1291 : vector<16xf32>
      %jit3A_1342 = arith.constant -8.000000e+01 : f32
      %jit3A_1343 = arith.constant 8.000000e+01 : f32
      %max3A_1344 = vector.broadcast %jit3A_1342 : f32 to vector<16xf32>
      %max3A_1345 = arith.maximumf %max3A_1344, %sub3A_1341 : vector<16xf32>
      %min3A_1346 = vector.broadcast %jit3A_1343 : f32 to vector<16xf32>
      %min3A_1347 = arith.minimumf %min3A_1346, %max3A_1345 : vector<16xf32>
      %abs3A_1348 = math.absf %min3A_1347 : vector<16xf32>
      %neg3A_1349 = arith.constant 0.000000e+00 : f32
      %neg3A_1350 = vector.broadcast %neg3A_1349 : f32 to vector<16xf32>
      %neg3A_1351 = arith.subf %neg3A_1350, %abs3A_1348 : vector<16xf32>
      %exp3A_1352 = math.exp %neg3A_1351 : vector<16xf32>
      %max3A_1353 = arith.constant 0.000000e+00 : f32
      %max3A_1354 = vector.broadcast %max3A_1353 : f32 to vector<16xf32>
      %max3A_1355 = arith.maximumf %min3A_1347, %max3A_1354 : vector<16xf32>
      %mul3A_1356 = arith.mulf %exp3A_1352, %exp3A_1352 : vector<16xf32>
      %mul3A_1357 = arith.constant 0.995426654 : f32
      %mul3A_1358 = vector.broadcast %mul3A_1357 : f32 to vector<16xf32>
      %mul3A_1359 = arith.mulf %mul3A_1358, %exp3A_1352 : vector<16xf32>
      %add3A_1360 = arith.constant 1.41580167E-4 : f32
      %add3A_1361 = vector.broadcast %add3A_1360 : f32 to vector<16xf32>
      %add3A_1362 = arith.addf %add3A_1361, %mul3A_1359 : vector<16xf32>
      %mul3A_1363 = arith.constant 0.216408581 : f32
      %mul3A_1364 = vector.broadcast %mul3A_1363 : f32 to vector<16xf32>
      %mul3A_1365 = arith.mulf %mul3A_1364, %exp3A_1352 : vector<16xf32>
      %add3A_1366 = arith.constant -0.464070708 : f32
      %add3A_1367 = vector.broadcast %add3A_1366 : f32 to vector<16xf32>
      %add3A_1368 = arith.addf %add3A_1367, %mul3A_1365 : vector<16xf32>
      %mul3A_1369 = arith.constant -0.0548623092 : f32
      %mul3A_1370 = vector.broadcast %mul3A_1369 : f32 to vector<16xf32>
      %mul3A_1371 = arith.mulf %mul3A_1370, %mul3A_1356 : vector<16xf32>
      %add3A_1372 = arith.addf %add3A_1368, %mul3A_1371 : vector<16xf32>
      %mul3A_1373 = arith.mulf %mul3A_1356, %add3A_1372 : vector<16xf32>
      %add3A_1374 = arith.addf %add3A_1362, %mul3A_1373 : vector<16xf32>
      %add3A_1375 = arith.addf %max3A_1355, %add3A_1374 : vector<16xf32>
      %jit3A_1376 = arith.constant 0.000000e+00 : f32
      %broadcast_in_dim3A_1377 = vector.broadcast %jit3A_1376 : f32 to vector<16xf32>
      %select_n3A_1378 = arith.select %eq3A_1298, %add3A_1375, %broadcast_in_dim3A_1377 : vector<16xi1>, vector<16xf32>
      %add3A_1379 = arith.addf %add3A_1281, %select_n3A_1378 : vector<16xf32>
      scf.yield %add3A_1379 : vector<16xf32>
    }
    %scan3A_76 = arith.constant 64 : i32
    %reduce_sum3A_77 = arith.constant true
    %reduce_sum3A_78 = vector.broadcast %reduce_sum3A_77 : i1 to vector<16xi1>
    %reduce_sum3A_79 = tpu.scan <sum>, %scan3A_75 masked %reduce_sum3A_78 : vector<16xf32>, vector<16xi1> -> vector<16xf32>
    %reduce_sum3A_80 = vector.extract %reduce_sum3A_79[15] : f32 from vector<16xf32>
    %broadcast_in_dim3A_81 = arith.constant 0 : i32
    %broadcast_in_dim3A_82 = vector.broadcast %broadcast_in_dim3A_81 : i32 to vector<16xi32>
    %get3A = arith.constant 0 : index
    %get3A_83 = tpu.vector_load %arg8[%get3A] {strides = array<i32>} : memref<32xi32, #tpu.memory_space<vmem>>, vector<16xi32>,
    %rev3A = arith.constant 15 : i32
    %rev3A_84 = vector.broadcast %rev3A : i32 to vector<16xi32>
    %rev3A_85 = tpu.iota {dimensions = array<i32: 0>} : vector<16xi32>
    %rev3A_86 = arith.subi %rev3A_84, %rev3A_85 : vector<16xi32>
    %rev3A_87 = tpu.dynamic_gather %get3A_83[%rev3A_86] in [0] : vector<16xi32>, vector<16xi32> -> vector<16xi32>
    %broadcast_in_dim3A_88 = arith.constant true
    %broadcast_in_dim3A_89 = vector.broadcast %broadcast_in_dim3A_88 : i1 to vector<16xi1>
    %masked_cumsum3A = tpu.scan <sum>, %rev3A_87 masked %broadcast_in_dim3A_89 : vector<16xi32>, vector<16xi1> -> vector<16xi32>
    %add3A_90 = arith.addi %masked_cumsum3A, %broadcast_in_dim3A_82 : vector<16xi32>
    %ge3A = arith.constant 128 : i32
    %ge3A_91 = vector.broadcast %ge3A : i32 to vector<16xi32>
    %ge3A_92 = arith.cmpi sge, %add3A_90, %ge3A_91 : vector<16xi32>
    %all_reduce_ffs3A = tpu.all_reduce %ge3A_92 {dim = 0 : i64, kind = #tpu.reduction_kind<find_first_set>} : vector<16xi1> -> vector<16xi32>
    %sub3A_93 = arith.constant 15 : i32
    %sub3A_94 = vector.broadcast %sub3A_93 : i32 to vector<16xi32>
    %sub3A_95 = arith.subi %sub3A_94, %all_reduce_ffs3A : vector<16xi32>
    %gt3A = arith.cmpi sgt, %iota3A, %sub3A_95 : vector<16xi32>
    %jit3A = arith.constant 0 : i32
    %broadcast_in_dim3A_96 = vector.broadcast %jit3A : i32 to vector<16xi32>
    %select_n3A = arith.select %gt3A, %get3A_83, %broadcast_in_dim3A_96 : vector<16xi1>, vector<16xi32>
    %reduce_sum3A_97 = arith.constant true
    %reduce_sum3A_98 = vector.broadcast %reduce_sum3A_97 : i1 to vector<16xi1>
    %reduce_sum3A_99 = tpu.scan <sum>, %select_n3A masked %reduce_sum3A_98 : vector<16xi32>, vector<16xi1> -> vector<16xi32>
    %reduce_sum3A_100 = vector.extract %reduce_sum3A_99[15] : i32 from vector<16xi32>
    %add3A_101 = vector.broadcast %reduce_sum3A_100 : i32 to vector<16xi32>
    %add3A_102 = arith.addi %broadcast_in_dim3A_82, %add3A_101 : vector<16xi32>
    %shift_left3A = arith.constant 27 : i32
    %shift_left3A_103 = vector.broadcast %shift_left3A : i32 to vector<16xi32>
    %shift_left3A_104 = arith.shli %sub3A_95, %shift_left3A_103 : vector<16xi32>
    %swap3A_105 = arith.constant 0 : index
    %swap3A_106 = tpu.vector_load %arg8[%swap3A_105] {strides = array<i32>} : memref<32xi32, #tpu.memory_space<vmem>>, vector<16xi32>,
    tpu.vector_store %arg8[%swap3A_105], %broadcast_in_dim3A_3 {strides = array<i32>} : memref<32xi32, #tpu.memory_space<vmem>>, vector<16xi32>,
    %swap3A_107 = arith.constant 16 : index
    %swap3A_108 = tpu.vector_load %arg8[%swap3A_107] {strides = array<i32>} : memref<32xi32, #tpu.memory_space<vmem>>, vector<16xi32>,
    tpu.vector_store %arg8[%swap3A_107], %broadcast_in_dim3A_3 {strides = array<i32>} : memref<32xi32, #tpu.memory_space<vmem>>, vector<16xi32>,
    %scan3A_109 = arith.constant 0 : i32
    %scan3A_110 = arith.constant 134217728 : i32
    %scan3A_111 = arith.constant 0 : i32
    %scan3A_112 = arith.constant 64 : i32
    %scan3A_113 = arith.addi %scan3A_111, %scan3A_112 : i32
    %scan3A_114 = arith.constant 1 : i32
    scf.for %scan3A_991 = %scan3A_111 to %scan3A_113 step %scan3A_114  : i32 {
      %mul3A_992 = arith.constant 4 : i32
      %mul3A_993 = arith.muli %scan3A_991, %mul3A_992 : i32
      %add3A_994 = arith.constant 0 : i32
      %add3A_995 = arith.addi %mul3A_993, %add3A_994 : i32
      %mul3A_996 = arith.constant 16 : i32
      %mul3A_997 = arith.muli %add3A_995, %mul3A_996 : i32
      %get3A_998 = arith.index_cast %mul3A_997 : i32 to index
      %get3A_999 = tpu.vector_load %arg7[%get3A_998] {strides = array<i32>} : memref<4096xi32, #tpu.memory_space<vmem>>, vector<16xi32>,
      %ge3A_1000 = arith.cmpi sge, %get3A_999, %shift_left3A_104 : vector<16xi32>
      %add3A_1001 = vector.broadcast %scan3A_110 : i32 to vector<16xi32>
      %add3A_1002 = arith.addi %shift_left3A_104, %add3A_1001 : vector<16xi32>
      %lt3A = arith.cmpi slt, %get3A_999, %add3A_1002 : vector<16xi32>
      %and3A_1003 = arith.andi %ge3A_1000, %lt3A : vector<16xi1>
      %shift_right_arithmetic3A_1004 = arith.constant 23 : i32
      %shift_right_arithmetic3A_1005 = vector.broadcast %shift_right_arithmetic3A_1004 : i32 to vector<16xi32>
      %shift_right_arithmetic3A_1006 = arith.shrsi %get3A_999, %shift_right_arithmetic3A_1005 : vector<16xi32>
      %and3A_1007 = arith.constant 15 : i32
      %and3A_1008 = vector.broadcast %and3A_1007 : i32 to vector<16xi32>
      %and3A_1009 = arith.andi %shift_right_arithmetic3A_1006, %and3A_1008 : vector<16xi32>
      %jit3A_1010 = arith.constant 16 : i32
      %broadcast_in_dim3A_1011 = vector.broadcast %jit3A_1010 : i32 to vector<16xi32>
      %select_n3A_1012 = arith.select %and3A_1003, %and3A_1009, %broadcast_in_dim3A_1011 : vector<16xi1>, vector<16xi32>
      %broadcast_in_dim3A_1013 = arith.constant true
      %broadcast_in_dim3A_1014 = vector.broadcast %broadcast_in_dim3A_1013 : i1 to vector<16xi1>
      %unique3A, %unique3A_1015 = tpu.scan_count mask(%broadcast_in_dim3A_1014 : vector<16xi1>) value(%select_n3A_1012 : vector<16xi32>) : vector<16xi1>, vector<16xi32>
      tpu.vector_store_idx %arg8[%select_n3A_1012], %unique3A_1015 masked %unique3A {add = true} : memref<32xi32, #tpu.memory_space<vmem>>[vector<16xi32>], vector<16xi32>, vector<16xi1>
      %mul3A_1016 = arith.constant 4 : i32
      %mul3A_1017 = arith.muli %scan3A_991, %mul3A_1016 : i32
      %add3A_1018 = arith.constant 1 : i32
      %add3A_1019 = arith.addi %mul3A_1017, %add3A_1018 : i32
      %mul3A_1020 = arith.constant 16 : i32
      %mul3A_1021 = arith.muli %add3A_1019, %mul3A_1020 : i32
      %get3A_1022 = arith.index_cast %mul3A_1021 : i32 to index
      %get3A_1023 = tpu.vector_load %arg7[%get3A_1022] {strides = array<i32>} : memref<4096xi32, #tpu.memory_space<vmem>>, vector<16xi32>,
      %ge3A_1024 = arith.cmpi sge, %get3A_1023, %shift_left3A_104 : vector<16xi32>
      %add3A_1025 = vector.broadcast %scan3A_110 : i32 to vector<16xi32>
      %add3A_1026 = arith.addi %shift_left3A_104, %add3A_1025 : vector<16xi32>
      %lt3A_1027 = arith.cmpi slt, %get3A_1023, %add3A_1026 : vector<16xi32>
      %and3A_1028 = arith.andi %ge3A_1024, %lt3A_1027 : vector<16xi1>
      %shift_right_arithmetic3A_1029 = arith.constant 23 : i32
      %shift_right_arithmetic3A_1030 = vector.broadcast %shift_right_arithmetic3A_1029 : i32 to vector<16xi32>
      %shift_right_arithmetic3A_1031 = arith.shrsi %get3A_1023, %shift_right_arithmetic3A_1030 : vector<16xi32>
      %and3A_1032 = arith.constant 15 : i32
      %and3A_1033 = vector.broadcast %and3A_1032 : i32 to vector<16xi32>
      %and3A_1034 = arith.andi %shift_right_arithmetic3A_1031, %and3A_1033 : vector<16xi32>
      %jit3A_1035 = arith.constant 16 : i32
      %broadcast_in_dim3A_1036 = vector.broadcast %jit3A_1035 : i32 to vector<16xi32>
      %select_n3A_1037 = arith.select %and3A_1028, %and3A_1034, %broadcast_in_dim3A_1036 : vector<16xi1>, vector<16xi32>
      %broadcast_in_dim3A_1038 = arith.constant true
      %broadcast_in_dim3A_1039 = vector.broadcast %broadcast_in_dim3A_1038 : i1 to vector<16xi1>
      %unique3A_1040, %unique3A_1041 = tpu.scan_count mask(%broadcast_in_dim3A_1039 : vector<16xi1>) value(%select_n3A_1037 : vector<16xi32>) : vector<16xi1>, vector<16xi32>
      tpu.vector_store_idx %arg8[%select_n3A_1037], %unique3A_1041 masked %unique3A_1040 {add = true} : memref<32xi32, #tpu.memory_space<vmem>>[vector<16xi32>], vector<16xi32>, vector<16xi1>
      %mul3A_1042 = arith.constant 4 : i32
      %mul3A_1043 = arith.muli %scan3A_991, %mul3A_1042 : i32
      %add3A_1044 = arith.constant 2 : i32
      %add3A_1045 = arith.addi %mul3A_1043, %add3A_1044 : i32
      %mul3A_1046 = arith.constant 16 : i32
      %mul3A_1047 = arith.muli %add3A_1045, %mul3A_1046 : i32
      %get3A_1048 = arith.index_cast %mul3A_1047 : i32 to index
      %get3A_1049 = tpu.vector_load %arg7[%get3A_1048] {strides = array<i32>} : memref<4096xi32, #tpu.memory_space<vmem>>, vector<16xi32>,
      %ge3A_1050 = arith.cmpi sge, %get3A_1049, %shift_left3A_104 : vector<16xi32>
      %add3A_1051 = vector.broadcast %scan3A_110 : i32 to vector<16xi32>
      %add3A_1052 = arith.addi %shift_left3A_104, %add3A_1051 : vector<16xi32>
      %lt3A_1053 = arith.cmpi slt, %get3A_1049, %add3A_1052 : vector<16xi32>
      %and3A_1054 = arith.andi %ge3A_1050, %lt3A_1053 : vector<16xi1>
      %shift_right_arithmetic3A_1055 = arith.constant 23 : i32
      %shift_right_arithmetic3A_1056 = vector.broadcast %shift_right_arithmetic3A_1055 : i32 to vector<16xi32>
      %shift_right_arithmetic3A_1057 = arith.shrsi %get3A_1049, %shift_right_arithmetic3A_1056 : vector<16xi32>
      %and3A_1058 = arith.constant 15 : i32
      %and3A_1059 = vector.broadcast %and3A_1058 : i32 to vector<16xi32>
      %and3A_1060 = arith.andi %shift_right_arithmetic3A_1057, %and3A_1059 : vector<16xi32>
      %jit3A_1061 = arith.constant 16 : i32
      %broadcast_in_dim3A_1062 = vector.broadcast %jit3A_1061 : i32 to vector<16xi32>
      %select_n3A_1063 = arith.select %and3A_1054, %and3A_1060, %broadcast_in_dim3A_1062 : vector<16xi1>, vector<16xi32>
      %broadcast_in_dim3A_1064 = arith.constant true
      %broadcast_in_dim3A_1065 = vector.broadcast %broadcast_in_dim3A_1064 : i1 to vector<16xi1>
      %unique3A_1066, %unique3A_1067 = tpu.scan_count mask(%broadcast_in_dim3A_1065 : vector<16xi1>) value(%select_n3A_1063 : vector<16xi32>) : vector<16xi1>, vector<16xi32>
      tpu.vector_store_idx %arg8[%select_n3A_1063], %unique3A_1067 masked %unique3A_1066 {add = true} : memref<32xi32, #tpu.memory_space<vmem>>[vector<16xi32>], vector<16xi32>, vector<16xi1>
      %mul3A_1068 = arith.constant 4 : i32
      %mul3A_1069 = arith.muli %scan3A_991, %mul3A_1068 : i32
      %add3A_1070 = arith.constant 3 : i32
      %add3A_1071 = arith.addi %mul3A_1069, %add3A_1070 : i32
      %mul3A_1072 = arith.constant 16 : i32
      %mul3A_1073 = arith.muli %add3A_1071, %mul3A_1072 : i32
      %get3A_1074 = arith.index_cast %mul3A_1073 : i32 to index
      %get3A_1075 = tpu.vector_load %arg7[%get3A_1074] {strides = array<i32>} : memref<4096xi32, #tpu.memory_space<vmem>>, vector<16xi32>,
      %ge3A_1076 = arith.cmpi sge, %get3A_1075, %shift_left3A_104 : vector<16xi32>
      %add3A_1077 = vector.broadcast %scan3A_110 : i32 to vector<16xi32>
      %add3A_1078 = arith.addi %shift_left3A_104, %add3A_1077 : vector<16xi32>
      %lt3A_1079 = arith.cmpi slt, %get3A_1075, %add3A_1078 : vector<16xi32>
      %and3A_1080 = arith.andi %ge3A_1076, %lt3A_1079 : vector<16xi1>
      %shift_right_arithmetic3A_1081 = arith.constant 23 : i32
      %shift_right_arithmetic3A_1082 = vector.broadcast %shift_right_arithmetic3A_1081 : i32 to vector<16xi32>
      %shift_right_arithmetic3A_1083 = arith.shrsi %get3A_1075, %shift_right_arithmetic3A_1082 : vector<16xi32>
      %and3A_1084 = arith.constant 15 : i32
      %and3A_1085 = vector.broadcast %and3A_1084 : i32 to vector<16xi32>
      %and3A_1086 = arith.andi %shift_right_arithmetic3A_1083, %and3A_1085 : vector<16xi32>
      %jit3A_1087 = arith.constant 16 : i32
      %broadcast_in_dim3A_1088 = vector.broadcast %jit3A_1087 : i32 to vector<16xi32>
      %select_n3A_1089 = arith.select %and3A_1080, %and3A_1086, %broadcast_in_dim3A_1088 : vector<16xi1>, vector<16xi32>
      %broadcast_in_dim3A_1090 = arith.constant true
      %broadcast_in_dim3A_1091 = vector.broadcast %broadcast_in_dim3A_1090 : i1 to vector<16xi1>
      %unique3A_1092, %unique3A_1093 = tpu.scan_count mask(%broadcast_in_dim3A_1091 : vector<16xi1>) value(%select_n3A_1089 : vector<16xi32>) : vector<16xi1>, vector<16xi32>
      tpu.vector_store_idx %arg8[%select_n3A_1089], %unique3A_1093 masked %unique3A_1092 {add = true} : memref<32xi32, #tpu.memory_space<vmem>>[vector<16xi32>], vector<16xi32>, vector<16xi1>
    }
    %scan3A_115 = arith.constant 64 : i32
    %get3A_116 = arith.constant 0 : index
    %get3A_117 = tpu.vector_load %arg8[%get3A_116] {strides = array<i32>} : memref<32xi32, #tpu.memory_space<vmem>>, vector<16xi32>,
    %rev3A_118 = arith.constant 15 : i32
    %rev3A_119 = vector.broadcast %rev3A_118 : i32 to vector<16xi32>
    %rev3A_120 = tpu.iota {dimensions = array<i32: 0>} : vector<16xi32>
    %rev3A_121 = arith.subi %rev3A_119, %rev3A_120 : vector<16xi32>
    %rev3A_122 = tpu.dynamic_gather %get3A_117[%rev3A_121] in [0] : vector<16xi32>, vector<16xi32> -> vector<16xi32>
    %broadcast_in_dim3A_123 = arith.constant true
    %broadcast_in_dim3A_124 = vector.broadcast %broadcast_in_dim3A_123 : i1 to vector<16xi1>
    %masked_cumsum3A_125 = tpu.scan <sum>, %rev3A_122 masked %broadcast_in_dim3A_124 : vector<16xi32>, vector<16xi1> -> vector<16xi32>
    %add3A_126 = arith.addi %masked_cumsum3A_125, %add3A_102 : vector<16xi32>
    %ge3A_127 = arith.constant 128 : i32
    %ge3A_128 = vector.broadcast %ge3A_127 : i32 to vector<16xi32>
    %ge3A_129 = arith.cmpi sge, %add3A_126, %ge3A_128 : vector<16xi32>
    %all_reduce_ffs3A_130 = tpu.all_reduce %ge3A_129 {dim = 0 : i64, kind = #tpu.reduction_kind<find_first_set>} : vector<16xi1> -> vector<16xi32>
    %sub3A_131 = arith.constant 15 : i32
    %sub3A_132 = vector.broadcast %sub3A_131 : i32 to vector<16xi32>
    %sub3A_133 = arith.subi %sub3A_132, %all_reduce_ffs3A_130 : vector<16xi32>
    %gt3A_134 = arith.cmpi sgt, %iota3A, %sub3A_133 : vector<16xi32>
    %jit3A_135 = arith.constant 0 : i32
    %broadcast_in_dim3A_136 = vector.broadcast %jit3A_135 : i32 to vector<16xi32>
    %select_n3A_137 = arith.select %gt3A_134, %get3A_117, %broadcast_in_dim3A_136 : vector<16xi1>, vector<16xi32>
    %reduce_sum3A_138 = arith.constant true
    %reduce_sum3A_139 = vector.broadcast %reduce_sum3A_138 : i1 to vector<16xi1>
    %reduce_sum3A_140 = tpu.scan <sum>, %select_n3A_137 masked %reduce_sum3A_139 : vector<16xi32>, vector<16xi1> -> vector<16xi32>
    %reduce_sum3A_141 = vector.extract %reduce_sum3A_140[15] : i32 from vector<16xi32>
    %add3A_142 = vector.broadcast %reduce_sum3A_141 : i32 to vector<16xi32>
    %add3A_143 = arith.addi %add3A_102, %add3A_142 : vector<16xi32>
    %shift_left3A_144 = arith.constant 23 : i32
    %shift_left3A_145 = vector.broadcast %shift_left3A_144 : i32 to vector<16xi32>
    %shift_left3A_146 = arith.shli %sub3A_133, %shift_left3A_145 : vector<16xi32>
    %add3A_147 = arith.addi %shift_left3A_104, %shift_left3A_146 : vector<16xi32>
    %swap3A_148 = arith.constant 0 : index
    %swap3A_149 = tpu.vector_load %arg8[%swap3A_148] {strides = array<i32>} : memref<32xi32, #tpu.memory_space<vmem>>, vector<16xi32>,
    tpu.vector_store %arg8[%swap3A_148], %broadcast_in_dim3A_3 {strides = array<i32>} : memref<32xi32, #tpu.memory_space<vmem>>, vector<16xi32>,
    %swap3A_150 = arith.constant 16 : index
    %swap3A_151 = tpu.vector_load %arg8[%swap3A_150] {strides = array<i32>} : memref<32xi32, #tpu.memory_space<vmem>>, vector<16xi32>,
    tpu.vector_store %arg8[%swap3A_150], %broadcast_in_dim3A_3 {strides = array<i32>} : memref<32xi32, #tpu.memory_space<vmem>>, vector<16xi32>,
    %scan3A_152 = arith.constant 0 : i32
    %scan3A_153 = arith.constant 8388608 : i32
    %scan3A_154 = arith.constant 0 : i32
    %scan3A_155 = arith.constant 64 : i32
    %scan3A_156 = arith.addi %scan3A_154, %scan3A_155 : i32
    %scan3A_157 = arith.constant 1 : i32
    scf.for %scan3A_991 = %scan3A_154 to %scan3A_156 step %scan3A_157  : i32 {
      %mul3A_992 = arith.constant 4 : i32
      %mul3A_993 = arith.muli %scan3A_991, %mul3A_992 : i32
      %add3A_994 = arith.constant 0 : i32
      %add3A_995 = arith.addi %mul3A_993, %add3A_994 : i32
      %mul3A_996 = arith.constant 16 : i32
      %mul3A_997 = arith.muli %add3A_995, %mul3A_996 : i32
      %get3A_998 = arith.index_cast %mul3A_997 : i32 to index
      %get3A_999 = tpu.vector_load %arg7[%get3A_998] {strides = array<i32>} : memref<4096xi32, #tpu.memory_space<vmem>>, vector<16xi32>,
      %ge3A_1000 = arith.cmpi sge, %get3A_999, %add3A_147 : vector<16xi32>
      %add3A_1001 = vector.broadcast %scan3A_153 : i32 to vector<16xi32>
      %add3A_1002 = arith.addi %add3A_147, %add3A_1001 : vector<16xi32>
      %lt3A = arith.cmpi slt, %get3A_999, %add3A_1002 : vector<16xi32>
      %and3A_1003 = arith.andi %ge3A_1000, %lt3A : vector<16xi1>
      %shift_right_arithmetic3A_1004 = arith.constant 19 : i32
      %shift_right_arithmetic3A_1005 = vector.broadcast %shift_right_arithmetic3A_1004 : i32 to vector<16xi32>
      %shift_right_arithmetic3A_1006 = arith.shrsi %get3A_999, %shift_right_arithmetic3A_1005 : vector<16xi32>
      %and3A_1007 = arith.constant 15 : i32
      %and3A_1008 = vector.broadcast %and3A_1007 : i32 to vector<16xi32>
      %and3A_1009 = arith.andi %shift_right_arithmetic3A_1006, %and3A_1008 : vector<16xi32>
      %jit3A_1010 = arith.constant 16 : i32
      %broadcast_in_dim3A_1011 = vector.broadcast %jit3A_1010 : i32 to vector<16xi32>
      %select_n3A_1012 = arith.select %and3A_1003, %and3A_1009, %broadcast_in_dim3A_1011 : vector<16xi1>, vector<16xi32>
      %broadcast_in_dim3A_1013 = arith.constant true
      %broadcast_in_dim3A_1014 = vector.broadcast %broadcast_in_dim3A_1013 : i1 to vector<16xi1>
      %unique3A, %unique3A_1015 = tpu.scan_count mask(%broadcast_in_dim3A_1014 : vector<16xi1>) value(%select_n3A_1012 : vector<16xi32>) : vector<16xi1>, vector<16xi32>
      tpu.vector_store_idx %arg8[%select_n3A_1012], %unique3A_1015 masked %unique3A {add = true} : memref<32xi32, #tpu.memory_space<vmem>>[vector<16xi32>], vector<16xi32>, vector<16xi1>
      %mul3A_1016 = arith.constant 4 : i32
      %mul3A_1017 = arith.muli %scan3A_991, %mul3A_1016 : i32
      %add3A_1018 = arith.constant 1 : i32
      %add3A_1019 = arith.addi %mul3A_1017, %add3A_1018 : i32
      %mul3A_1020 = arith.constant 16 : i32
      %mul3A_1021 = arith.muli %add3A_1019, %mul3A_1020 : i32
      %get3A_1022 = arith.index_cast %mul3A_1021 : i32 to index
      %get3A_1023 = tpu.vector_load %arg7[%get3A_1022] {strides = array<i32>} : memref<4096xi32, #tpu.memory_space<vmem>>, vector<16xi32>,
      %ge3A_1024 = arith.cmpi sge, %get3A_1023, %add3A_147 : vector<16xi32>
      %add3A_1025 = vector.broadcast %scan3A_153 : i32 to vector<16xi32>
      %add3A_1026 = arith.addi %add3A_147, %add3A_1025 : vector<16xi32>
      %lt3A_1027 = arith.cmpi slt, %get3A_1023, %add3A_1026 : vector<16xi32>
      %and3A_1028 = arith.andi %ge3A_1024, %lt3A_1027 : vector<16xi1>
      %shift_right_arithmetic3A_1029 = arith.constant 19 : i32
      %shift_right_arithmetic3A_1030 = vector.broadcast %shift_right_arithmetic3A_1029 : i32 to vector<16xi32>
      %shift_right_arithmetic3A_1031 = arith.shrsi %get3A_1023, %shift_right_arithmetic3A_1030 : vector<16xi32>
      %and3A_1032 = arith.constant 15 : i32
      %and3A_1033 = vector.broadcast %and3A_1032 : i32 to vector<16xi32>
      %and3A_1034 = arith.andi %shift_right_arithmetic3A_1031, %and3A_1033 : vector<16xi32>
      %jit3A_1035 = arith.constant 16 : i32
      %broadcast_in_dim3A_1036 = vector.broadcast %jit3A_1035 : i32 to vector<16xi32>
      %select_n3A_1037 = arith.select %and3A_1028, %and3A_1034, %broadcast_in_dim3A_1036 : vector<16xi1>, vector<16xi32>
      %broadcast_in_dim3A_1038 = arith.constant true
      %broadcast_in_dim3A_1039 = vector.broadcast %broadcast_in_dim3A_1038 : i1 to vector<16xi1>
      %unique3A_1040, %unique3A_1041 = tpu.scan_count mask(%broadcast_in_dim3A_1039 : vector<16xi1>) value(%select_n3A_1037 : vector<16xi32>) : vector<16xi1>, vector<16xi32>
      tpu.vector_store_idx %arg8[%select_n3A_1037], %unique3A_1041 masked %unique3A_1040 {add = true} : memref<32xi32, #tpu.memory_space<vmem>>[vector<16xi32>], vector<16xi32>, vector<16xi1>
      %mul3A_1042 = arith.constant 4 : i32
      %mul3A_1043 = arith.muli %scan3A_991, %mul3A_1042 : i32
      %add3A_1044 = arith.constant 2 : i32
      %add3A_1045 = arith.addi %mul3A_1043, %add3A_1044 : i32
      %mul3A_1046 = arith.constant 16 : i32
      %mul3A_1047 = arith.muli %add3A_1045, %mul3A_1046 : i32
      %get3A_1048 = arith.index_cast %mul3A_1047 : i32 to index
      %get3A_1049 = tpu.vector_load %arg7[%get3A_1048] {strides = array<i32>} : memref<4096xi32, #tpu.memory_space<vmem>>, vector<16xi32>,
      %ge3A_1050 = arith.cmpi sge, %get3A_1049, %add3A_147 : vector<16xi32>
      %add3A_1051 = vector.broadcast %scan3A_153 : i32 to vector<16xi32>
      %add3A_1052 = arith.addi %add3A_147, %add3A_1051 : vector<16xi32>
      %lt3A_1053 = arith.cmpi slt, %get3A_1049, %add3A_1052 : vector<16xi32>
      %and3A_1054 = arith.andi %ge3A_1050, %lt3A_1053 : vector<16xi1>
      %shift_right_arithmetic3A_1055 = arith.constant 19 : i32
      %shift_right_arithmetic3A_1056 = vector.broadcast %shift_right_arithmetic3A_1055 : i32 to vector<16xi32>
      %shift_right_arithmetic3A_1057 = arith.shrsi %get3A_1049, %shift_right_arithmetic3A_1056 : vector<16xi32>
      %and3A_1058 = arith.constant 15 : i32
      %and3A_1059 = vector.broadcast %and3A_1058 : i32 to vector<16xi32>
      %and3A_1060 = arith.andi %shift_right_arithmetic3A_1057, %and3A_1059 : vector<16xi32>
      %jit3A_1061 = arith.constant 16 : i32
      %broadcast_in_dim3A_1062 = vector.broadcast %jit3A_1061 : i32 to vector<16xi32>
      %select_n3A_1063 = arith.select %and3A_1054, %and3A_1060, %broadcast_in_dim3A_1062 : vector<16xi1>, vector<16xi32>
      %broadcast_in_dim3A_1064 = arith.constant true
      %broadcast_in_dim3A_1065 = vector.broadcast %broadcast_in_dim3A_1064 : i1 to vector<16xi1>
      %unique3A_1066, %unique3A_1067 = tpu.scan_count mask(%broadcast_in_dim3A_1065 : vector<16xi1>) value(%select_n3A_1063 : vector<16xi32>) : vector<16xi1>, vector<16xi32>
      tpu.vector_store_idx %arg8[%select_n3A_1063], %unique3A_1067 masked %unique3A_1066 {add = true} : memref<32xi32, #tpu.memory_space<vmem>>[vector<16xi32>], vector<16xi32>, vector<16xi1>
      %mul3A_1068 = arith.constant 4 : i32
      %mul3A_1069 = arith.muli %scan3A_991, %mul3A_1068 : i32
      %add3A_1070 = arith.constant 3 : i32
      %add3A_1071 = arith.addi %mul3A_1069, %add3A_1070 : i32
      %mul3A_1072 = arith.constant 16 : i32
      %mul3A_1073 = arith.muli %add3A_1071, %mul3A_1072 : i32
      %get3A_1074 = arith.index_cast %mul3A_1073 : i32 to index
      %get3A_1075 = tpu.vector_load %arg7[%get3A_1074] {strides = array<i32>} : memref<4096xi32, #tpu.memory_space<vmem>>, vector<16xi32>,
      %ge3A_1076 = arith.cmpi sge, %get3A_1075, %add3A_147 : vector<16xi32>
      %add3A_1077 = vector.broadcast %scan3A_153 : i32 to vector<16xi32>
      %add3A_1078 = arith.addi %add3A_147, %add3A_1077 : vector<16xi32>
      %lt3A_1079 = arith.cmpi slt, %get3A_1075, %add3A_1078 : vector<16xi32>
      %and3A_1080 = arith.andi %ge3A_1076, %lt3A_1079 : vector<16xi1>
      %shift_right_arithmetic3A_1081 = arith.constant 19 : i32
      %shift_right_arithmetic3A_1082 = vector.broadcast %shift_right_arithmetic3A_1081 : i32 to vector<16xi32>
      %shift_right_arithmetic3A_1083 = arith.shrsi %get3A_1075, %shift_right_arithmetic3A_1082 : vector<16xi32>
      %and3A_1084 = arith.constant 15 : i32
      %and3A_1085 = vector.broadcast %and3A_1084 : i32 to vector<16xi32>
      %and3A_1086 = arith.andi %shift_right_arithmetic3A_1083, %and3A_1085 : vector<16xi32>
      %jit3A_1087 = arith.constant 16 : i32
      %broadcast_in_dim3A_1088 = vector.broadcast %jit3A_1087 : i32 to vector<16xi32>
      %select_n3A_1089 = arith.select %and3A_1080, %and3A_1086, %broadcast_in_dim3A_1088 : vector<16xi1>, vector<16xi32>
      %broadcast_in_dim3A_1090 = arith.constant true
      %broadcast_in_dim3A_1091 = vector.broadcast %broadcast_in_dim3A_1090 : i1 to vector<16xi1>
      %unique3A_1092, %unique3A_1093 = tpu.scan_count mask(%broadcast_in_dim3A_1091 : vector<16xi1>) value(%select_n3A_1089 : vector<16xi32>) : vector<16xi1>, vector<16xi32>
      tpu.vector_store_idx %arg8[%select_n3A_1089], %unique3A_1093 masked %unique3A_1092 {add = true} : memref<32xi32, #tpu.memory_space<vmem>>[vector<16xi32>], vector<16xi32>, vector<16xi1>
    }
    %scan3A_158 = arith.constant 64 : i32
    %get3A_159 = arith.constant 0 : index
    %get3A_160 = tpu.vector_load %arg8[%get3A_159] {strides = array<i32>} : memref<32xi32, #tpu.memory_space<vmem>>, vector<16xi32>,
    %rev3A_161 = arith.constant 15 : i32
    %rev3A_162 = vector.broadcast %rev3A_161 : i32 to vector<16xi32>
    %rev3A_163 = tpu.iota {dimensions = array<i32: 0>} : vector<16xi32>
    %rev3A_164 = arith.subi %rev3A_162, %rev3A_163 : vector<16xi32>
    %rev3A_165 = tpu.dynamic_gather %get3A_160[%rev3A_164] in [0] : vector<16xi32>, vector<16xi32> -> vector<16xi32>
    %broadcast_in_dim3A_166 = arith.constant true
    %broadcast_in_dim3A_167 = vector.broadcast %broadcast_in_dim3A_166 : i1 to vector<16xi1>
    %masked_cumsum3A_168 = tpu.scan <sum>, %rev3A_165 masked %broadcast_in_dim3A_167 : vector<16xi32>, vector<16xi1> -> vector<16xi32>
    %add3A_169 = arith.addi %masked_cumsum3A_168, %add3A_143 : vector<16xi32>
    %ge3A_170 = arith.constant 128 : i32
    %ge3A_171 = vector.broadcast %ge3A_170 : i32 to vector<16xi32>
    %ge3A_172 = arith.cmpi sge, %add3A_169, %ge3A_171 : vector<16xi32>
    %all_reduce_ffs3A_173 = tpu.all_reduce %ge3A_172 {dim = 0 : i64, kind = #tpu.reduction_kind<find_first_set>} : vector<16xi1> -> vector<16xi32>
    %sub3A_174 = arith.constant 15 : i32
    %sub3A_175 = vector.broadcast %sub3A_174 : i32 to vector<16xi32>
    %sub3A_176 = arith.subi %sub3A_175, %all_reduce_ffs3A_173 : vector<16xi32>
    %gt3A_177 = arith.cmpi sgt, %iota3A, %sub3A_176 : vector<16xi32>
    %jit3A_178 = arith.constant 0 : i32
    %broadcast_in_dim3A_179 = vector.broadcast %jit3A_178 : i32 to vector<16xi32>
    %select_n3A_180 = arith.select %gt3A_177, %get3A_160, %broadcast_in_dim3A_179 : vector<16xi1>, vector<16xi32>
    %reduce_sum3A_181 = arith.constant true
    %reduce_sum3A_182 = vector.broadcast %reduce_sum3A_181 : i1 to vector<16xi1>
    %reduce_sum3A_183 = tpu.scan <sum>, %select_n3A_180 masked %reduce_sum3A_182 : vector<16xi32>, vector<16xi1> -> vector<16xi32>
    %reduce_sum3A_184 = vector.extract %reduce_sum3A_183[15] : i32 from vector<16xi32>
    %add3A_185 = vector.broadcast %reduce_sum3A_184 : i32 to vector<16xi32>
    %add3A_186 = arith.addi %add3A_143, %add3A_185 : vector<16xi32>
    %shift_left3A_187 = arith.constant 19 : i32
    %shift_left3A_188 = vector.broadcast %shift_left3A_187 : i32 to vector<16xi32>
    %shift_left3A_189 = arith.shli %sub3A_176, %shift_left3A_188 : vector<16xi32>
    %add3A_190 = arith.addi %add3A_147, %shift_left3A_189 : vector<16xi32>
    %add3A_191 = arith.constant 524288 : i32
    %add3A_192 = vector.broadcast %add3A_191 : i32 to vector<16xi32>
    %add3A_193 = arith.addi %add3A_190, %add3A_192 : vector<16xi32>
    %add3A_194 = arith.constant 262144 : i32
    %add3A_195 = vector.broadcast %add3A_194 : i32 to vector<16xi32>
    %add3A_196 = arith.addi %add3A_190, %add3A_195 : vector<16xi32>
    %bitcast3A_197 = vector.bitcast %add3A_196 : vector<16xi32> to vector<16xf32>
    %broadcast_in_dim3A_198 = arith.constant 0.000000e+00 : f32
    %broadcast_in_dim3A_199 = vector.broadcast %broadcast_in_dim3A_198 : f32 to vector<16xf32>
    %broadcast_in_dim3A_200 = arith.constant 0 : i32
    %broadcast_in_dim3A_201 = vector.broadcast %broadcast_in_dim3A_200 : i32 to vector<16xi32>
    %scan3A_202 = arith.constant 0 : i32
    %scan3A_203 = arith.constant 64 : i32
    %scan3A_204 = arith.addi %scan3A_202, %scan3A_203 : i32
    %scan3A_205 = arith.constant 1 : i32
    %scan3A_206:2 = scf.for %scan3A_991 = %scan3A_202 to %scan3A_204 step %scan3A_205 iter_args(%scan3A_992 = %broadcast_in_dim3A_199, %scan3A_993 = %broadcast_in_dim3A_201) -> (vector<16xf32>, vector<16xi32>)  : i32 {
      %mul3A_994 = arith.constant 4 : i32
      %mul3A_995 = arith.muli %scan3A_991, %mul3A_994 : i32
      %add3A_996 = arith.constant 0 : i32
      %add3A_997 = arith.addi %mul3A_995, %add3A_996 : i32
      %mul3A_998 = arith.constant 16 : i32
      %mul3A_999 = arith.muli %add3A_997, %mul3A_998 : i32
      %get3A_1000 = arith.index_cast %mul3A_999 : i32 to index
      %get3A_1001 = tpu.vector_load %arg7[%get3A_1000] {strides = array<i32>} : memref<4096xi32, #tpu.memory_space<vmem>>, vector<16xi32>,
      %bitcast3A_1002 = vector.bitcast %get3A_1001 : vector<16xi32> to vector<16xf32>
      %ge3A_1003 = arith.cmpi sge, %get3A_1001, %add3A_193 : vector<16xi32>
      %jit3A_1004 = arith.constant 0.000000e+00 : f32
      %broadcast_in_dim3A_1005 = vector.broadcast %jit3A_1004 : f32 to vector<16xf32>
      %select_n3A_1006 = arith.select %ge3A_1003, %bitcast3A_1002, %broadcast_in_dim3A_1005 : vector<16xi1>, vector<16xf32>
      %add3A_1007 = arith.addf %scan3A_992, %select_n3A_1006 : vector<16xf32>
      %jit3A_1008 = arith.constant 1 : i32
      %jit3A_1009 = arith.constant 0 : i32
      %broadcast_in_dim3A_1010 = vector.broadcast %jit3A_1008 : i32 to vector<16xi32>
      %broadcast_in_dim3A_1011 = vector.broadcast %jit3A_1009 : i32 to vector<16xi32>
      %select_n3A_1012 = arith.select %ge3A_1003, %broadcast_in_dim3A_1010, %broadcast_in_dim3A_1011 : vector<16xi1>, vector<16xi32>
      %add3A_1013 = arith.addi %scan3A_993, %select_n3A_1012 : vector<16xi32>
      %mul3A_1014 = arith.constant 4 : i32
      %mul3A_1015 = arith.muli %scan3A_991, %mul3A_1014 : i32
      %add3A_1016 = arith.constant 1 : i32
      %add3A_1017 = arith.addi %mul3A_1015, %add3A_1016 : i32
      %mul3A_1018 = arith.constant 16 : i32
      %mul3A_1019 = arith.muli %add3A_1017, %mul3A_1018 : i32
      %get3A_1020 = arith.index_cast %mul3A_1019 : i32 to index
      %get3A_1021 = tpu.vector_load %arg7[%get3A_1020] {strides = array<i32>} : memref<4096xi32, #tpu.memory_space<vmem>>, vector<16xi32>,
      %bitcast3A_1022 = vector.bitcast %get3A_1021 : vector<16xi32> to vector<16xf32>
      %ge3A_1023 = arith.cmpi sge, %get3A_1021, %add3A_193 : vector<16xi32>
      %jit3A_1024 = arith.constant 0.000000e+00 : f32
      %broadcast_in_dim3A_1025 = vector.broadcast %jit3A_1024 : f32 to vector<16xf32>
      %select_n3A_1026 = arith.select %ge3A_1023, %bitcast3A_1022, %broadcast_in_dim3A_1025 : vector<16xi1>, vector<16xf32>
      %add3A_1027 = arith.addf %add3A_1007, %select_n3A_1026 : vector<16xf32>
      %jit3A_1028 = arith.constant 1 : i32
      %jit3A_1029 = arith.constant 0 : i32
      %broadcast_in_dim3A_1030 = vector.broadcast %jit3A_1028 : i32 to vector<16xi32>
      %broadcast_in_dim3A_1031 = vector.broadcast %jit3A_1029 : i32 to vector<16xi32>
      %select_n3A_1032 = arith.select %ge3A_1023, %broadcast_in_dim3A_1030, %broadcast_in_dim3A_1031 : vector<16xi1>, vector<16xi32>
      %add3A_1033 = arith.addi %add3A_1013, %select_n3A_1032 : vector<16xi32>
      %mul3A_1034 = arith.constant 4 : i32
      %mul3A_1035 = arith.muli %scan3A_991, %mul3A_1034 : i32
      %add3A_1036 = arith.constant 2 : i32
      %add3A_1037 = arith.addi %mul3A_1035, %add3A_1036 : i32
      %mul3A_1038 = arith.constant 16 : i32
      %mul3A_1039 = arith.muli %add3A_1037, %mul3A_1038 : i32
      %get3A_1040 = arith.index_cast %mul3A_1039 : i32 to index
      %get3A_1041 = tpu.vector_load %arg7[%get3A_1040] {strides = array<i32>} : memref<4096xi32, #tpu.memory_space<vmem>>, vector<16xi32>,
      %bitcast3A_1042 = vector.bitcast %get3A_1041 : vector<16xi32> to vector<16xf32>
      %ge3A_1043 = arith.cmpi sge, %get3A_1041, %add3A_193 : vector<16xi32>
      %jit3A_1044 = arith.constant 0.000000e+00 : f32
      %broadcast_in_dim3A_1045 = vector.broadcast %jit3A_1044 : f32 to vector<16xf32>
      %select_n3A_1046 = arith.select %ge3A_1043, %bitcast3A_1042, %broadcast_in_dim3A_1045 : vector<16xi1>, vector<16xf32>
      %add3A_1047 = arith.addf %add3A_1027, %select_n3A_1046 : vector<16xf32>
      %jit3A_1048 = arith.constant 1 : i32
      %jit3A_1049 = arith.constant 0 : i32
      %broadcast_in_dim3A_1050 = vector.broadcast %jit3A_1048 : i32 to vector<16xi32>
      %broadcast_in_dim3A_1051 = vector.broadcast %jit3A_1049 : i32 to vector<16xi32>
      %select_n3A_1052 = arith.select %ge3A_1043, %broadcast_in_dim3A_1050, %broadcast_in_dim3A_1051 : vector<16xi1>, vector<16xi32>
      %add3A_1053 = arith.addi %add3A_1033, %select_n3A_1052 : vector<16xi32>
      %mul3A_1054 = arith.constant 4 : i32
      %mul3A_1055 = arith.muli %scan3A_991, %mul3A_1054 : i32
      %add3A_1056 = arith.constant 3 : i32
      %add3A_1057 = arith.addi %mul3A_1055, %add3A_1056 : i32
      %mul3A_1058 = arith.constant 16 : i32
      %mul3A_1059 = arith.muli %add3A_1057, %mul3A_1058 : i32
      %get3A_1060 = arith.index_cast %mul3A_1059 : i32 to index
      %get3A_1061 = tpu.vector_load %arg7[%get3A_1060] {strides = array<i32>} : memref<4096xi32, #tpu.memory_space<vmem>>, vector<16xi32>,
      %bitcast3A_1062 = vector.bitcast %get3A_1061 : vector<16xi32> to vector<16xf32>
      %ge3A_1063 = arith.cmpi sge, %get3A_1061, %add3A_193 : vector<16xi32>
      %jit3A_1064 = arith.constant 0.000000e+00 : f32
      %broadcast_in_dim3A_1065 = vector.broadcast %jit3A_1064 : f32 to vector<16xf32>
      %select_n3A_1066 = arith.select %ge3A_1063, %bitcast3A_1062, %broadcast_in_dim3A_1065 : vector<16xi1>, vector<16xf32>
      %add3A_1067 = arith.addf %add3A_1047, %select_n3A_1066 : vector<16xf32>
      %jit3A_1068 = arith.constant 1 : i32
      %jit3A_1069 = arith.constant 0 : i32
      %broadcast_in_dim3A_1070 = vector.broadcast %jit3A_1068 : i32 to vector<16xi32>
      %broadcast_in_dim3A_1071 = vector.broadcast %jit3A_1069 : i32 to vector<16xi32>
      %select_n3A_1072 = arith.select %ge3A_1063, %broadcast_in_dim3A_1070, %broadcast_in_dim3A_1071 : vector<16xi1>, vector<16xi32>
      %add3A_1073 = arith.addi %add3A_1053, %select_n3A_1072 : vector<16xi32>
      scf.yield %add3A_1067, %add3A_1073 : vector<16xf32>, vector<16xi32>
    }
    %scan3A_207 = arith.constant 64 : i32
    %reduce_sum3A_208 = arith.constant true
    %reduce_sum3A_209 = vector.broadcast %reduce_sum3A_208 : i1 to vector<16xi1>
    %reduce_sum3A_210 = tpu.scan <sum>, %scan3A_206#1 masked %reduce_sum3A_209 : vector<16xi32>, vector<16xi1> -> vector<16xi32>
    %reduce_sum3A_211 = vector.extract %reduce_sum3A_210[15] : i32 from vector<16xi32>
    %reduce_sum3A_212 = arith.constant true
    %reduce_sum3A_213 = vector.broadcast %reduce_sum3A_212 : i1 to vector<16xi1>
    %reduce_sum3A_214 = tpu.scan <sum>, %scan3A_206#0 masked %reduce_sum3A_213 : vector<16xf32>, vector<16xi1> -> vector<16xf32>
    %reduce_sum3A_215 = vector.extract %reduce_sum3A_214[15] : f32 from vector<16xf32>
    %convert_element_type3A_216 = arith.sitofp %reduce_sum3A_211 : i32 to f32
    %sub3A_217 = arith.constant 1.280000e+02 : f32
    %sub3A_218 = arith.subf %sub3A_217, %convert_element_type3A_216 : f32
    %mul3A_219 = vector.broadcast %sub3A_218 : f32 to vector<16xf32>
    %mul3A_220 = arith.mulf %mul3A_219, %bitcast3A_197 : vector<16xf32>
    %add3A_221 = vector.broadcast %reduce_sum3A_215 : f32 to vector<16xf32>
    %add3A_222 = arith.addf %add3A_221, %mul3A_220 : vector<16xf32>
    %eq3A = arith.constant 0 : i32
    %eq3A_223 = vector.broadcast %eq3A : i32 to vector<16xi32>
    %eq3A_224 = arith.cmpi eq, %iota3A, %eq3A_223 : vector<16xi32>
    %select_n3A_225 = arith.select %eq3A_224, %add3A_222, %broadcast_in_dim3A_5 : vector<16xi1>, vector<16xf32>
    %eq3A_226 = arith.constant 4 : i32
    %eq3A_227 = vector.broadcast %eq3A_226 : i32 to vector<16xi32>
    %eq3A_228 = arith.cmpi eq, %iota3A, %eq3A_227 : vector<16xi32>
    %broadcast_in_dim3A_229 = vector.broadcast %reduce_sum3A_80 : f32 to vector<16xf32>
    %select_n3A_230 = arith.select %eq3A_228, %broadcast_in_dim3A_229, %select_n3A_225 : vector<16xi1>, vector<16xf32>
    %eq3A_231 = arith.constant 8 : i32
    %eq3A_232 = vector.broadcast %eq3A_231 : i32 to vector<16xi32>
    %eq3A_233 = arith.cmpi eq, %iota3A, %eq3A_232 : vector<16xi32>
    %broadcast_in_dim3A_234 = vector.broadcast %reduce_sum3A_17 : f32 to vector<16xf32>
    %select_n3A_235 = arith.select %eq3A_233, %broadcast_in_dim3A_234, %select_n3A_230 : vector<16xi1>, vector<16xf32>
    %broadcast_in_dim3A_236 = arith.constant 0.000000e+00 : f32
    %broadcast_in_dim3A_237 = vector.broadcast %broadcast_in_dim3A_236 : f32 to vector<16xf32>
    %broadcast_in_dim3A_238 = arith.constant 0.000000e+00 : f32
    %broadcast_in_dim3A_239 = vector.broadcast %broadcast_in_dim3A_238 : f32 to vector<16xf32>
    %scan3A_240 = arith.constant 0 : i32
    %scan3A_241 = arith.constant 64 : i32
    %scan3A_242 = arith.addi %scan3A_240, %scan3A_241 : i32
    %scan3A_243 = arith.constant 1 : i32
    %scan3A_244:2 = scf.for %scan3A_991 = %scan3A_240 to %scan3A_242 step %scan3A_243 iter_args(%scan3A_992 = %broadcast_in_dim3A_237, %scan3A_993 = %broadcast_in_dim3A_239) -> (vector<16xf32>, vector<16xf32>)  : i32 {
      %mul3A_994 = arith.constant 4 : i32
      %mul3A_995 = arith.muli %scan3A_991, %mul3A_994 : i32
      %add3A_996 = arith.constant 0 : i32
      %add3A_997 = arith.addi %mul3A_995, %add3A_996 : i32
      %mul3A_998 = arith.constant 16 : i32
      %mul3A_999 = arith.muli %add3A_997, %mul3A_998 : i32
      %get3A_1000 = arith.constant 1 : i32
      %get3A_1001 = arith.index_cast %get3A_1000 : i32 to index
      %get3A_1002 = arith.index_cast %mul3A_999 : i32 to index
      %get3A_1003 = tpu.vector_load %arg5[%get3A_1001, %get3A_1002] {strides = array<i32>} : memref<4x4096xf32, #tpu.memory_space<vmem>>, vector<16xf32>,
      %get3A_1004 = arith.constant 1 : i32
      %get3A_1005 = arith.index_cast %get3A_1004 : i32 to index
      %get3A_1006 = arith.index_cast %mul3A_999 : i32 to index
      %get3A_1007 = tpu.vector_load %arg6[%get3A_1005, %get3A_1006] {strides = array<i32>} : memref<4x4096xi32, #tpu.memory_space<vmem>>, vector<16xi32>,
      %eq3A_1008 = arith.constant 1 : i32
      %eq3A_1009 = vector.broadcast %eq3A_1008 : i32 to vector<16xi32>
      %eq3A_1010 = arith.cmpi eq, %get3A_1007, %eq3A_1009 : vector<16xi32>
      %exp3A = math.exp %get3A_1003 : vector<16xf32>
      %jit3A_1011 = arith.constant 0.000000e+00 : f32
      %broadcast_in_dim3A_1012 = vector.broadcast %jit3A_1011 : f32 to vector<16xf32>
      %select_n3A_1013 = arith.select %eq3A_1010, %broadcast_in_dim3A_1012, %exp3A : vector<16xi1>, vector<16xf32>
      %add3A_1014 = arith.addf %scan3A_992, %select_n3A_1013 : vector<16xf32>
      %jit3A_1015 = arith.constant 1.000000e+00 : f32
      %jit3A_1016 = arith.constant 0.000000e+00 : f32
      %broadcast_in_dim3A_1017 = vector.broadcast %jit3A_1015 : f32 to vector<16xf32>
      %broadcast_in_dim3A_1018 = vector.broadcast %jit3A_1016 : f32 to vector<16xf32>
      %select_n3A_1019 = arith.select %eq3A_1010, %broadcast_in_dim3A_1017, %broadcast_in_dim3A_1018 : vector<16xi1>, vector<16xf32>
      %add3A_1020 = arith.addf %scan3A_993, %select_n3A_1019 : vector<16xf32>
      %mul3A_1021 = arith.constant 4 : i32
      %mul3A_1022 = arith.muli %scan3A_991, %mul3A_1021 : i32
      %add3A_1023 = arith.constant 1 : i32
      %add3A_1024 = arith.addi %mul3A_1022, %add3A_1023 : i32
      %mul3A_1025 = arith.constant 16 : i32
      %mul3A_1026 = arith.muli %add3A_1024, %mul3A_1025 : i32
      %get3A_1027 = arith.constant 1 : i32
      %get3A_1028 = arith.index_cast %get3A_1027 : i32 to index
      %get3A_1029 = arith.index_cast %mul3A_1026 : i32 to index
      %get3A_1030 = tpu.vector_load %arg5[%get3A_1028, %get3A_1029] {strides = array<i32>} : memref<4x4096xf32, #tpu.memory_space<vmem>>, vector<16xf32>,
      %get3A_1031 = arith.constant 1 : i32
      %get3A_1032 = arith.index_cast %get3A_1031 : i32 to index
      %get3A_1033 = arith.index_cast %mul3A_1026 : i32 to index
      %get3A_1034 = tpu.vector_load %arg6[%get3A_1032, %get3A_1033] {strides = array<i32>} : memref<4x4096xi32, #tpu.memory_space<vmem>>, vector<16xi32>,
      %eq3A_1035 = arith.constant 1 : i32
      %eq3A_1036 = vector.broadcast %eq3A_1035 : i32 to vector<16xi32>
      %eq3A_1037 = arith.cmpi eq, %get3A_1034, %eq3A_1036 : vector<16xi32>
      %exp3A_1038 = math.exp %get3A_1030 : vector<16xf32>
      %jit3A_1039 = arith.constant 0.000000e+00 : f32
      %broadcast_in_dim3A_1040 = vector.broadcast %jit3A_1039 : f32 to vector<16xf32>
      %select_n3A_1041 = arith.select %eq3A_1037, %broadcast_in_dim3A_1040, %exp3A_1038 : vector<16xi1>, vector<16xf32>
      %add3A_1042 = arith.addf %add3A_1014, %select_n3A_1041 : vector<16xf32>
      %jit3A_1043 = arith.constant 1.000000e+00 : f32
      %jit3A_1044 = arith.constant 0.000000e+00 : f32
      %broadcast_in_dim3A_1045 = vector.broadcast %jit3A_1043 : f32 to vector<16xf32>
      %broadcast_in_dim3A_1046 = vector.broadcast %jit3A_1044 : f32 to vector<16xf32>
      %select_n3A_1047 = arith.select %eq3A_1037, %broadcast_in_dim3A_1045, %broadcast_in_dim3A_1046 : vector<16xi1>, vector<16xf32>
      %add3A_1048 = arith.addf %add3A_1020, %select_n3A_1047 : vector<16xf32>
      %mul3A_1049 = arith.constant 4 : i32
      %mul3A_1050 = arith.muli %scan3A_991, %mul3A_1049 : i32
      %add3A_1051 = arith.constant 2 : i32
      %add3A_1052 = arith.addi %mul3A_1050, %add3A_1051 : i32
      %mul3A_1053 = arith.constant 16 : i32
      %mul3A_1054 = arith.muli %add3A_1052, %mul3A_1053 : i32
      %get3A_1055 = arith.constant 1 : i32
      %get3A_1056 = arith.index_cast %get3A_1055 : i32 to index
      %get3A_1057 = arith.index_cast %mul3A_1054 : i32 to index
      %get3A_1058 = tpu.vector_load %arg5[%get3A_1056, %get3A_1057] {strides = array<i32>} : memref<4x4096xf32, #tpu.memory_space<vmem>>, vector<16xf32>,
      %get3A_1059 = arith.constant 1 : i32
      %get3A_1060 = arith.index_cast %get3A_1059 : i32 to index
      %get3A_1061 = arith.index_cast %mul3A_1054 : i32 to index
      %get3A_1062 = tpu.vector_load %arg6[%get3A_1060, %get3A_1061] {strides = array<i32>} : memref<4x4096xi32, #tpu.memory_space<vmem>>, vector<16xi32>,
      %eq3A_1063 = arith.constant 1 : i32
      %eq3A_1064 = vector.broadcast %eq3A_1063 : i32 to vector<16xi32>
      %eq3A_1065 = arith.cmpi eq, %get3A_1062, %eq3A_1064 : vector<16xi32>
      %exp3A_1066 = math.exp %get3A_1058 : vector<16xf32>
      %jit3A_1067 = arith.constant 0.000000e+00 : f32
      %broadcast_in_dim3A_1068 = vector.broadcast %jit3A_1067 : f32 to vector<16xf32>
      %select_n3A_1069 = arith.select %eq3A_1065, %broadcast_in_dim3A_1068, %exp3A_1066 : vector<16xi1>, vector<16xf32>
      %add3A_1070 = arith.addf %add3A_1042, %select_n3A_1069 : vector<16xf32>
      %jit3A_1071 = arith.constant 1.000000e+00 : f32
      %jit3A_1072 = arith.constant 0.000000e+00 : f32
      %broadcast_in_dim3A_1073 = vector.broadcast %jit3A_1071 : f32 to vector<16xf32>
      %broadcast_in_dim3A_1074 = vector.broadcast %jit3A_1072 : f32 to vector<16xf32>
      %select_n3A_1075 = arith.select %eq3A_1065, %broadcast_in_dim3A_1073, %broadcast_in_dim3A_1074 : vector<16xi1>, vector<16xf32>
      %add3A_1076 = arith.addf %add3A_1048, %select_n3A_1075 : vector<16xf32>
      %mul3A_1077 = arith.constant 4 : i32
      %mul3A_1078 = arith.muli %scan3A_991, %mul3A_1077 : i32
      %add3A_1079 = arith.constant 3 : i32
      %add3A_1080 = arith.addi %mul3A_1078, %add3A_1079 : i32
      %mul3A_1081 = arith.constant 16 : i32
      %mul3A_1082 = arith.muli %add3A_1080, %mul3A_1081 : i32
      %get3A_1083 = arith.constant 1 : i32
      %get3A_1084 = arith.index_cast %get3A_1083 : i32 to index
      %get3A_1085 = arith.index_cast %mul3A_1082 : i32 to index
      %get3A_1086 = tpu.vector_load %arg5[%get3A_1084, %get3A_1085] {strides = array<i32>} : memref<4x4096xf32, #tpu.memory_space<vmem>>, vector<16xf32>,
      %get3A_1087 = arith.constant 1 : i32
      %get3A_1088 = arith.index_cast %get3A_1087 : i32 to index
      %get3A_1089 = arith.index_cast %mul3A_1082 : i32 to index
      %get3A_1090 = tpu.vector_load %arg6[%get3A_1088, %get3A_1089] {strides = array<i32>} : memref<4x4096xi32, #tpu.memory_space<vmem>>, vector<16xi32>,
      %eq3A_1091 = arith.constant 1 : i32
      %eq3A_1092 = vector.broadcast %eq3A_1091 : i32 to vector<16xi32>
      %eq3A_1093 = arith.cmpi eq, %get3A_1090, %eq3A_1092 : vector<16xi32>
      %exp3A_1094 = math.exp %get3A_1086 : vector<16xf32>
      %jit3A_1095 = arith.constant 0.000000e+00 : f32
      %broadcast_in_dim3A_1096 = vector.broadcast %jit3A_1095 : f32 to vector<16xf32>
      %select_n3A_1097 = arith.select %eq3A_1093, %broadcast_in_dim3A_1096, %exp3A_1094 : vector<16xi1>, vector<16xf32>
      %add3A_1098 = arith.addf %add3A_1070, %select_n3A_1097 : vector<16xf32>
      %jit3A_1099 = arith.constant 1.000000e+00 : f32
      %jit3A_1100 = arith.constant 0.000000e+00 : f32
      %broadcast_in_dim3A_1101 = vector.broadcast %jit3A_1099 : f32 to vector<16xf32>
      %broadcast_in_dim3A_1102 = vector.broadcast %jit3A_1100 : f32 to vector<16xf32>
      %select_n3A_1103 = arith.select %eq3A_1093, %broadcast_in_dim3A_1101, %broadcast_in_dim3A_1102 : vector<16xi1>, vector<16xf32>
      %add3A_1104 = arith.addf %add3A_1076, %select_n3A_1103 : vector<16xf32>
      scf.yield %add3A_1098, %add3A_1104 : vector<16xf32>, vector<16xf32>
    }
    %scan3A_245 = arith.constant 64 : i32
    %reduce_sum3A_246 = arith.constant true
    %reduce_sum3A_247 = vector.broadcast %reduce_sum3A_246 : i1 to vector<16xi1>
    %reduce_sum3A_248 = tpu.scan <sum>, %scan3A_244#1 masked %reduce_sum3A_247 : vector<16xf32>, vector<16xi1> -> vector<16xf32>
    %reduce_sum3A_249 = vector.extract %reduce_sum3A_248[15] : f32 from vector<16xf32>
    %reduce_sum3A_250 = arith.constant true
    %reduce_sum3A_251 = vector.broadcast %reduce_sum3A_250 : i1 to vector<16xi1>
    %reduce_sum3A_252 = tpu.scan <sum>, %scan3A_244#0 masked %reduce_sum3A_251 : vector<16xf32>, vector<16xi1> -> vector<16xf32>
    %reduce_sum3A_253 = vector.extract %reduce_sum3A_252[15] : f32 from vector<16xf32>
    %max3A_254 = arith.constant 1.000000e-30 : f32
    %max3A_255 = arith.maximumf %reduce_sum3A_253, %max3A_254 : f32
    %broadcast_in_dim3A_256 = arith.constant 1.000000e+00 : f32
    %broadcast_in_dim3A_257 = vector.broadcast %broadcast_in_dim3A_256 : f32 to vector<16xf32>
    %mul3A_258 = vector.broadcast %max3A_255 : f32 to vector<16xf32>
    %mul3A_259 = arith.mulf %mul3A_258, %broadcast_in_dim3A_257 : vector<16xf32>
    %bitcast3A_260 = vector.bitcast %mul3A_259 : vector<16xf32> to vector<16xi32>
    %shift_right_arithmetic3A_261 = arith.constant 23 : i32
    %shift_right_arithmetic3A_262 = vector.broadcast %shift_right_arithmetic3A_261 : i32 to vector<16xi32>
    %shift_right_arithmetic3A_263 = arith.shrsi %bitcast3A_260, %shift_right_arithmetic3A_262 : vector<16xi32>
    %sub3A_264 = arith.constant 127 : i32
    %sub3A_265 = vector.broadcast %sub3A_264 : i32 to vector<16xi32>
    %sub3A_266 = arith.subi %shift_right_arithmetic3A_263, %sub3A_265 : vector<16xi32>
    %and3A_267 = arith.constant 8388607 : i32
    %and3A_268 = vector.broadcast %and3A_267 : i32 to vector<16xi32>
    %and3A_269 = arith.andi %bitcast3A_260, %and3A_268 : vector<16xi32>
    %or3A_270 = arith.constant 1065353216 : i32
    %or3A_271 = vector.broadcast %or3A_270 : i32 to vector<16xi32>
    %or3A_272 = arith.ori %and3A_269, %or3A_271 : vector<16xi32>
    %bitcast3A_273 = vector.bitcast %or3A_272 : vector<16xi32> to vector<16xf32>
    %sub3A_274 = arith.constant 1.000000e+00 : f32
    %sub3A_275 = vector.broadcast %sub3A_274 : f32 to vector<16xf32>
    %sub3A_276 = arith.subf %bitcast3A_273, %sub3A_275 : vector<16xf32>
    %add3A_277 = arith.constant 1.000000e+00 : f32
    %add3A_278 = vector.broadcast %add3A_277 : f32 to vector<16xf32>
    %add3A_279 = arith.addf %bitcast3A_273, %add3A_278 : vector<16xf32>
    %div3A_280 = arith.divf %sub3A_276, %add3A_279 : vector<16xf32>
    %mul3A_281 = arith.mulf %div3A_280, %div3A_280 : vector<16xf32>
    %mul3A_282 = arith.constant 0.222222224 : f32
    %mul3A_283 = vector.broadcast %mul3A_282 : f32 to vector<16xf32>
    %mul3A_284 = arith.mulf %mul3A_281, %mul3A_283 : vector<16xf32>
    %add3A_285 = arith.constant 0.285714298 : f32
    %add3A_286 = vector.broadcast %add3A_285 : f32 to vector<16xf32>
    %add3A_287 = arith.addf %add3A_286, %mul3A_284 : vector<16xf32>
    %mul3A_288 = arith.mulf %mul3A_281, %add3A_287 : vector<16xf32>
    %add3A_289 = arith.constant 4.000000e-01 : f32
    %add3A_290 = vector.broadcast %add3A_289 : f32 to vector<16xf32>
    %add3A_291 = arith.addf %add3A_290, %mul3A_288 : vector<16xf32>
    %mul3A_292 = arith.mulf %mul3A_281, %add3A_291 : vector<16xf32>
    %add3A_293 = arith.constant 0.666666686 : f32
    %add3A_294 = vector.broadcast %add3A_293 : f32 to vector<16xf32>
    %add3A_295 = arith.addf %add3A_294, %mul3A_292 : vector<16xf32>
    %mul3A_296 = arith.mulf %mul3A_281, %add3A_295 : vector<16xf32>
    %add3A_297 = arith.constant 2.000000e+00 : f32
    %add3A_298 = vector.broadcast %add3A_297 : f32 to vector<16xf32>
    %add3A_299 = arith.addf %add3A_298, %mul3A_296 : vector<16xf32>
    %convert_element_type3A_300 = arith.sitofp %sub3A_266 : vector<16xi32> to vector<16xf32>
    %mul3A_301 = arith.constant 0.693147182 : f32
    %mul3A_302 = vector.broadcast %mul3A_301 : f32 to vector<16xf32>
    %mul3A_303 = arith.mulf %convert_element_type3A_300, %mul3A_302 : vector<16xf32>
    %mul3A_304 = arith.mulf %div3A_280, %add3A_299 : vector<16xf32>
    %add3A_305 = arith.addf %mul3A_303, %mul3A_304 : vector<16xf32>
    %swap3A_306 = arith.constant 0 : index
    %swap3A_307 = tpu.vector_load %arg8[%swap3A_306] {strides = array<i32>} : memref<32xi32, #tpu.memory_space<vmem>>, vector<16xi32>,
    tpu.vector_store %arg8[%swap3A_306], %broadcast_in_dim3A_3 {strides = array<i32>} : memref<32xi32, #tpu.memory_space<vmem>>, vector<16xi32>,
    %swap3A_308 = arith.constant 16 : index
    %swap3A_309 = tpu.vector_load %arg8[%swap3A_308] {strides = array<i32>} : memref<32xi32, #tpu.memory_space<vmem>>, vector<16xi32>,
    tpu.vector_store %arg8[%swap3A_308], %broadcast_in_dim3A_3 {strides = array<i32>} : memref<32xi32, #tpu.memory_space<vmem>>, vector<16xi32>,
    %broadcast_in_dim3A_310 = arith.constant 0.000000e+00 : f32
    %broadcast_in_dim3A_311 = vector.broadcast %broadcast_in_dim3A_310 : f32 to vector<16xf32>
    %scan3A_312 = arith.constant 0 : i32
    %scan3A_313 = arith.constant 64 : i32
    %scan3A_314 = arith.addi %scan3A_312, %scan3A_313 : i32
    %scan3A_315 = arith.constant 1 : i32
    %scan3A_316 = scf.for %scan3A_991 = %scan3A_312 to %scan3A_314 step %scan3A_315 iter_args(%scan3A_992 = %broadcast_in_dim3A_311) -> (vector<16xf32>)  : i32 {
      %mul3A_993 = arith.constant 4 : i32
      %mul3A_994 = arith.muli %scan3A_991, %mul3A_993 : i32
      %add3A_995 = arith.constant 0 : i32
      %add3A_996 = arith.addi %mul3A_994, %add3A_995 : i32
      %mul3A_997 = arith.constant 16 : i32
      %mul3A_998 = arith.muli %add3A_996, %mul3A_997 : i32
      %get3A_999 = arith.constant 1 : i32
      %get3A_1000 = arith.index_cast %get3A_999 : i32 to index
      %get3A_1001 = arith.index_cast %mul3A_998 : i32 to index
      %get3A_1002 = tpu.vector_load %arg5[%get3A_1000, %get3A_1001] {strides = array<i32>} : memref<4x4096xf32, #tpu.memory_space<vmem>>, vector<16xf32>,
      %get3A_1003 = arith.constant 1 : i32
      %get3A_1004 = arith.index_cast %get3A_1003 : i32 to index
      %get3A_1005 = arith.index_cast %mul3A_998 : i32 to index
      %get3A_1006 = tpu.vector_load %arg6[%get3A_1004, %get3A_1005] {strides = array<i32>} : memref<4x4096xi32, #tpu.memory_space<vmem>>, vector<16xi32>,
      %eq3A_1007 = arith.constant 1 : i32
      %eq3A_1008 = vector.broadcast %eq3A_1007 : i32 to vector<16xi32>
      %eq3A_1009 = arith.cmpi eq, %get3A_1006, %eq3A_1008 : vector<16xi32>
      %abs3A = math.absf %get3A_1002 : vector<16xf32>
      %neg3A = arith.constant 0.000000e+00 : f32
      %neg3A_1010 = vector.broadcast %neg3A : f32 to vector<16xf32>
      %neg3A_1011 = arith.subf %neg3A_1010, %abs3A : vector<16xf32>
      %exp3A = math.exp %neg3A_1011 : vector<16xf32>
      %neg3A_1012 = arith.constant 0.000000e+00 : f32
      %neg3A_1013 = vector.broadcast %neg3A_1012 : f32 to vector<16xf32>
      %neg3A_1014 = arith.subf %neg3A_1013, %get3A_1002 : vector<16xf32>
      %select_n3A_1015 = arith.select %eq3A_1009, %neg3A_1014, %get3A_1002 : vector<16xi1>, vector<16xf32>
      %max3A_1016 = arith.constant 0.000000e+00 : f32
      %max3A_1017 = vector.broadcast %max3A_1016 : f32 to vector<16xf32>
      %max3A_1018 = arith.maximumf %select_n3A_1015, %max3A_1017 : vector<16xf32>
      %mul3A_1019 = arith.mulf %exp3A, %exp3A : vector<16xf32>
      %mul3A_1020 = arith.constant 0.995426654 : f32
      %mul3A_1021 = vector.broadcast %mul3A_1020 : f32 to vector<16xf32>
      %mul3A_1022 = arith.mulf %mul3A_1021, %exp3A : vector<16xf32>
      %add3A_1023 = arith.constant 1.41580167E-4 : f32
      %add3A_1024 = vector.broadcast %add3A_1023 : f32 to vector<16xf32>
      %add3A_1025 = arith.addf %add3A_1024, %mul3A_1022 : vector<16xf32>
      %mul3A_1026 = arith.constant 0.216408581 : f32
      %mul3A_1027 = vector.broadcast %mul3A_1026 : f32 to vector<16xf32>
      %mul3A_1028 = arith.mulf %mul3A_1027, %exp3A : vector<16xf32>
      %add3A_1029 = arith.constant -0.464070708 : f32
      %add3A_1030 = vector.broadcast %add3A_1029 : f32 to vector<16xf32>
      %add3A_1031 = arith.addf %add3A_1030, %mul3A_1028 : vector<16xf32>
      %mul3A_1032 = arith.constant -0.0548623092 : f32
      %mul3A_1033 = vector.broadcast %mul3A_1032 : f32 to vector<16xf32>
      %mul3A_1034 = arith.mulf %mul3A_1033, %mul3A_1019 : vector<16xf32>
      %add3A_1035 = arith.addf %add3A_1031, %mul3A_1034 : vector<16xf32>
      %mul3A_1036 = arith.mulf %mul3A_1019, %add3A_1035 : vector<16xf32>
      %add3A_1037 = arith.addf %add3A_1025, %mul3A_1036 : vector<16xf32>
      %add3A_1038 = arith.addf %max3A_1018, %add3A_1037 : vector<16xf32>
      %bitcast3A_1039 = vector.bitcast %add3A_1038 : vector<16xf32> to vector<16xi32>
      %swap3A_1040 = arith.index_cast %mul3A_998 : i32 to index
      %swap3A_1041 = tpu.vector_load %arg7[%swap3A_1040] {strides = array<i32>} : memref<4096xi32, #tpu.memory_space<vmem>>, vector<16xi32>,
      tpu.vector_store %arg7[%swap3A_1040], %bitcast3A_1039 {strides = array<i32>} : memref<4096xi32, #tpu.memory_space<vmem>>, vector<16xi32>,
      %shift_right_arithmetic3A_1042 = arith.constant 27 : i32
      %shift_right_arithmetic3A_1043 = vector.broadcast %shift_right_arithmetic3A_1042 : i32 to vector<16xi32>
      %shift_right_arithmetic3A_1044 = arith.shrsi %bitcast3A_1039, %shift_right_arithmetic3A_1043 : vector<16xi32>
      %broadcast_in_dim3A_1045 = arith.constant true
      %broadcast_in_dim3A_1046 = vector.broadcast %broadcast_in_dim3A_1045 : i1 to vector<16xi1>
      %unique3A, %unique3A_1047 = tpu.scan_count mask(%broadcast_in_dim3A_1046 : vector<16xi1>) value(%shift_right_arithmetic3A_1044 : vector<16xi32>) : vector<16xi1>, vector<16xi32>
      tpu.vector_store_idx %arg8[%shift_right_arithmetic3A_1044], %unique3A_1047 masked %unique3A {add = true} : memref<32xi32, #tpu.memory_space<vmem>>[vector<16xi32>], vector<16xi32>, vector<16xi1>
      %sub3A_1048 = arith.subf %add3A_305, %get3A_1002 : vector<16xf32>
      %jit3A_1049 = arith.constant -8.000000e+01 : f32
      %jit3A_1050 = arith.constant 8.000000e+01 : f32
      %max3A_1051 = vector.broadcast %jit3A_1049 : f32 to vector<16xf32>
      %max3A_1052 = arith.maximumf %max3A_1051, %sub3A_1048 : vector<16xf32>
      %min3A = vector.broadcast %jit3A_1050 : f32 to vector<16xf32>
      %min3A_1053 = arith.minimumf %min3A, %max3A_1052 : vector<16xf32>
      %abs3A_1054 = math.absf %min3A_1053 : vector<16xf32>
      %neg3A_1055 = arith.constant 0.000000e+00 : f32
      %neg3A_1056 = vector.broadcast %neg3A_1055 : f32 to vector<16xf32>
      %neg3A_1057 = arith.subf %neg3A_1056, %abs3A_1054 : vector<16xf32>
      %exp3A_1058 = math.exp %neg3A_1057 : vector<16xf32>
      %max3A_1059 = arith.constant 0.000000e+00 : f32
      %max3A_1060 = vector.broadcast %max3A_1059 : f32 to vector<16xf32>
      %max3A_1061 = arith.maximumf %min3A_1053, %max3A_1060 : vector<16xf32>
      %mul3A_1062 = arith.mulf %exp3A_1058, %exp3A_1058 : vector<16xf32>
      %mul3A_1063 = arith.constant 0.995426654 : f32
      %mul3A_1064 = vector.broadcast %mul3A_1063 : f32 to vector<16xf32>
      %mul3A_1065 = arith.mulf %mul3A_1064, %exp3A_1058 : vector<16xf32>
      %add3A_1066 = arith.constant 1.41580167E-4 : f32
      %add3A_1067 = vector.broadcast %add3A_1066 : f32 to vector<16xf32>
      %add3A_1068 = arith.addf %add3A_1067, %mul3A_1065 : vector<16xf32>
      %mul3A_1069 = arith.constant 0.216408581 : f32
      %mul3A_1070 = vector.broadcast %mul3A_1069 : f32 to vector<16xf32>
      %mul3A_1071 = arith.mulf %mul3A_1070, %exp3A_1058 : vector<16xf32>
      %add3A_1072 = arith.constant -0.464070708 : f32
      %add3A_1073 = vector.broadcast %add3A_1072 : f32 to vector<16xf32>
      %add3A_1074 = arith.addf %add3A_1073, %mul3A_1071 : vector<16xf32>
      %mul3A_1075 = arith.constant -0.0548623092 : f32
      %mul3A_1076 = vector.broadcast %mul3A_1075 : f32 to vector<16xf32>
      %mul3A_1077 = arith.mulf %mul3A_1076, %mul3A_1062 : vector<16xf32>
      %add3A_1078 = arith.addf %add3A_1074, %mul3A_1077 : vector<16xf32>
      %mul3A_1079 = arith.mulf %mul3A_1062, %add3A_1078 : vector<16xf32>
      %add3A_1080 = arith.addf %add3A_1068, %mul3A_1079 : vector<16xf32>
      %add3A_1081 = arith.addf %max3A_1061, %add3A_1080 : vector<16xf32>
      %jit3A_1082 = arith.constant 0.000000e+00 : f32
      %broadcast_in_dim3A_1083 = vector.broadcast %jit3A_1082 : f32 to vector<16xf32>
      %select_n3A_1084 = arith.select %eq3A_1009, %add3A_1081, %broadcast_in_dim3A_1083 : vector<16xi1>, vector<16xf32>
      %add3A_1085 = arith.addf %scan3A_992, %select_n3A_1084 : vector<16xf32>
      %mul3A_1086 = arith.constant 4 : i32
      %mul3A_1087 = arith.muli %scan3A_991, %mul3A_1086 : i32
      %add3A_1088 = arith.constant 1 : i32
      %add3A_1089 = arith.addi %mul3A_1087, %add3A_1088 : i32
      %mul3A_1090 = arith.constant 16 : i32
      %mul3A_1091 = arith.muli %add3A_1089, %mul3A_1090 : i32
      %get3A_1092 = arith.constant 1 : i32
      %get3A_1093 = arith.index_cast %get3A_1092 : i32 to index
      %get3A_1094 = arith.index_cast %mul3A_1091 : i32 to index
      %get3A_1095 = tpu.vector_load %arg5[%get3A_1093, %get3A_1094] {strides = array<i32>} : memref<4x4096xf32, #tpu.memory_space<vmem>>, vector<16xf32>,
      %get3A_1096 = arith.constant 1 : i32
      %get3A_1097 = arith.index_cast %get3A_1096 : i32 to index
      %get3A_1098 = arith.index_cast %mul3A_1091 : i32 to index
      %get3A_1099 = tpu.vector_load %arg6[%get3A_1097, %get3A_1098] {strides = array<i32>} : memref<4x4096xi32, #tpu.memory_space<vmem>>, vector<16xi32>,
      %eq3A_1100 = arith.constant 1 : i32
      %eq3A_1101 = vector.broadcast %eq3A_1100 : i32 to vector<16xi32>
      %eq3A_1102 = arith.cmpi eq, %get3A_1099, %eq3A_1101 : vector<16xi32>
      %abs3A_1103 = math.absf %get3A_1095 : vector<16xf32>
      %neg3A_1104 = arith.constant 0.000000e+00 : f32
      %neg3A_1105 = vector.broadcast %neg3A_1104 : f32 to vector<16xf32>
      %neg3A_1106 = arith.subf %neg3A_1105, %abs3A_1103 : vector<16xf32>
      %exp3A_1107 = math.exp %neg3A_1106 : vector<16xf32>
      %neg3A_1108 = arith.constant 0.000000e+00 : f32
      %neg3A_1109 = vector.broadcast %neg3A_1108 : f32 to vector<16xf32>
      %neg3A_1110 = arith.subf %neg3A_1109, %get3A_1095 : vector<16xf32>
      %select_n3A_1111 = arith.select %eq3A_1102, %neg3A_1110, %get3A_1095 : vector<16xi1>, vector<16xf32>
      %max3A_1112 = arith.constant 0.000000e+00 : f32
      %max3A_1113 = vector.broadcast %max3A_1112 : f32 to vector<16xf32>
      %max3A_1114 = arith.maximumf %select_n3A_1111, %max3A_1113 : vector<16xf32>
      %mul3A_1115 = arith.mulf %exp3A_1107, %exp3A_1107 : vector<16xf32>
      %mul3A_1116 = arith.constant 0.995426654 : f32
      %mul3A_1117 = vector.broadcast %mul3A_1116 : f32 to vector<16xf32>
      %mul3A_1118 = arith.mulf %mul3A_1117, %exp3A_1107 : vector<16xf32>
      %add3A_1119 = arith.constant 1.41580167E-4 : f32
      %add3A_1120 = vector.broadcast %add3A_1119 : f32 to vector<16xf32>
      %add3A_1121 = arith.addf %add3A_1120, %mul3A_1118 : vector<16xf32>
      %mul3A_1122 = arith.constant 0.216408581 : f32
      %mul3A_1123 = vector.broadcast %mul3A_1122 : f32 to vector<16xf32>
      %mul3A_1124 = arith.mulf %mul3A_1123, %exp3A_1107 : vector<16xf32>
      %add3A_1125 = arith.constant -0.464070708 : f32
      %add3A_1126 = vector.broadcast %add3A_1125 : f32 to vector<16xf32>
      %add3A_1127 = arith.addf %add3A_1126, %mul3A_1124 : vector<16xf32>
      %mul3A_1128 = arith.constant -0.0548623092 : f32
      %mul3A_1129 = vector.broadcast %mul3A_1128 : f32 to vector<16xf32>
      %mul3A_1130 = arith.mulf %mul3A_1129, %mul3A_1115 : vector<16xf32>
      %add3A_1131 = arith.addf %add3A_1127, %mul3A_1130 : vector<16xf32>
      %mul3A_1132 = arith.mulf %mul3A_1115, %add3A_1131 : vector<16xf32>
      %add3A_1133 = arith.addf %add3A_1121, %mul3A_1132 : vector<16xf32>
      %add3A_1134 = arith.addf %max3A_1114, %add3A_1133 : vector<16xf32>
      %bitcast3A_1135 = vector.bitcast %add3A_1134 : vector<16xf32> to vector<16xi32>
      %swap3A_1136 = arith.index_cast %mul3A_1091 : i32 to index
      %swap3A_1137 = tpu.vector_load %arg7[%swap3A_1136] {strides = array<i32>} : memref<4096xi32, #tpu.memory_space<vmem>>, vector<16xi32>,
      tpu.vector_store %arg7[%swap3A_1136], %bitcast3A_1135 {strides = array<i32>} : memref<4096xi32, #tpu.memory_space<vmem>>, vector<16xi32>,
      %shift_right_arithmetic3A_1138 = arith.constant 27 : i32
      %shift_right_arithmetic3A_1139 = vector.broadcast %shift_right_arithmetic3A_1138 : i32 to vector<16xi32>
      %shift_right_arithmetic3A_1140 = arith.shrsi %bitcast3A_1135, %shift_right_arithmetic3A_1139 : vector<16xi32>
      %broadcast_in_dim3A_1141 = arith.constant true
      %broadcast_in_dim3A_1142 = vector.broadcast %broadcast_in_dim3A_1141 : i1 to vector<16xi1>
      %unique3A_1143, %unique3A_1144 = tpu.scan_count mask(%broadcast_in_dim3A_1142 : vector<16xi1>) value(%shift_right_arithmetic3A_1140 : vector<16xi32>) : vector<16xi1>, vector<16xi32>
      tpu.vector_store_idx %arg8[%shift_right_arithmetic3A_1140], %unique3A_1144 masked %unique3A_1143 {add = true} : memref<32xi32, #tpu.memory_space<vmem>>[vector<16xi32>], vector<16xi32>, vector<16xi1>
      %sub3A_1145 = arith.subf %add3A_305, %get3A_1095 : vector<16xf32>
      %jit3A_1146 = arith.constant -8.000000e+01 : f32
      %jit3A_1147 = arith.constant 8.000000e+01 : f32
      %max3A_1148 = vector.broadcast %jit3A_1146 : f32 to vector<16xf32>
      %max3A_1149 = arith.maximumf %max3A_1148, %sub3A_1145 : vector<16xf32>
      %min3A_1150 = vector.broadcast %jit3A_1147 : f32 to vector<16xf32>
      %min3A_1151 = arith.minimumf %min3A_1150, %max3A_1149 : vector<16xf32>
      %abs3A_1152 = math.absf %min3A_1151 : vector<16xf32>
      %neg3A_1153 = arith.constant 0.000000e+00 : f32
      %neg3A_1154 = vector.broadcast %neg3A_1153 : f32 to vector<16xf32>
      %neg3A_1155 = arith.subf %neg3A_1154, %abs3A_1152 : vector<16xf32>
      %exp3A_1156 = math.exp %neg3A_1155 : vector<16xf32>
      %max3A_1157 = arith.constant 0.000000e+00 : f32
      %max3A_1158 = vector.broadcast %max3A_1157 : f32 to vector<16xf32>
      %max3A_1159 = arith.maximumf %min3A_1151, %max3A_1158 : vector<16xf32>
      %mul3A_1160 = arith.mulf %exp3A_1156, %exp3A_1156 : vector<16xf32>
      %mul3A_1161 = arith.constant 0.995426654 : f32
      %mul3A_1162 = vector.broadcast %mul3A_1161 : f32 to vector<16xf32>
      %mul3A_1163 = arith.mulf %mul3A_1162, %exp3A_1156 : vector<16xf32>
      %add3A_1164 = arith.constant 1.41580167E-4 : f32
      %add3A_1165 = vector.broadcast %add3A_1164 : f32 to vector<16xf32>
      %add3A_1166 = arith.addf %add3A_1165, %mul3A_1163 : vector<16xf32>
      %mul3A_1167 = arith.constant 0.216408581 : f32
      %mul3A_1168 = vector.broadcast %mul3A_1167 : f32 to vector<16xf32>
      %mul3A_1169 = arith.mulf %mul3A_1168, %exp3A_1156 : vector<16xf32>
      %add3A_1170 = arith.constant -0.464070708 : f32
      %add3A_1171 = vector.broadcast %add3A_1170 : f32 to vector<16xf32>
      %add3A_1172 = arith.addf %add3A_1171, %mul3A_1169 : vector<16xf32>
      %mul3A_1173 = arith.constant -0.0548623092 : f32
      %mul3A_1174 = vector.broadcast %mul3A_1173 : f32 to vector<16xf32>
      %mul3A_1175 = arith.mulf %mul3A_1174, %mul3A_1160 : vector<16xf32>
      %add3A_1176 = arith.addf %add3A_1172, %mul3A_1175 : vector<16xf32>
      %mul3A_1177 = arith.mulf %mul3A_1160, %add3A_1176 : vector<16xf32>
      %add3A_1178 = arith.addf %add3A_1166, %mul3A_1177 : vector<16xf32>
      %add3A_1179 = arith.addf %max3A_1159, %add3A_1178 : vector<16xf32>
      %jit3A_1180 = arith.constant 0.000000e+00 : f32
      %broadcast_in_dim3A_1181 = vector.broadcast %jit3A_1180 : f32 to vector<16xf32>
      %select_n3A_1182 = arith.select %eq3A_1102, %add3A_1179, %broadcast_in_dim3A_1181 : vector<16xi1>, vector<16xf32>
      %add3A_1183 = arith.addf %add3A_1085, %select_n3A_1182 : vector<16xf32>
      %mul3A_1184 = arith.constant 4 : i32
      %mul3A_1185 = arith.muli %scan3A_991, %mul3A_1184 : i32
      %add3A_1186 = arith.constant 2 : i32
      %add3A_1187 = arith.addi %mul3A_1185, %add3A_1186 : i32
      %mul3A_1188 = arith.constant 16 : i32
      %mul3A_1189 = arith.muli %add3A_1187, %mul3A_1188 : i32
      %get3A_1190 = arith.constant 1 : i32
      %get3A_1191 = arith.index_cast %get3A_1190 : i32 to index
      %get3A_1192 = arith.index_cast %mul3A_1189 : i32 to index
      %get3A_1193 = tpu.vector_load %arg5[%get3A_1191, %get3A_1192] {strides = array<i32>} : memref<4x4096xf32, #tpu.memory_space<vmem>>, vector<16xf32>,
      %get3A_1194 = arith.constant 1 : i32
      %get3A_1195 = arith.index_cast %get3A_1194 : i32 to index
      %get3A_1196 = arith.index_cast %mul3A_1189 : i32 to index
      %get3A_1197 = tpu.vector_load %arg6[%get3A_1195, %get3A_1196] {strides = array<i32>} : memref<4x4096xi32, #tpu.memory_space<vmem>>, vector<16xi32>,
      %eq3A_1198 = arith.constant 1 : i32
      %eq3A_1199 = vector.broadcast %eq3A_1198 : i32 to vector<16xi32>
      %eq3A_1200 = arith.cmpi eq, %get3A_1197, %eq3A_1199 : vector<16xi32>
      %abs3A_1201 = math.absf %get3A_1193 : vector<16xf32>
      %neg3A_1202 = arith.constant 0.000000e+00 : f32
      %neg3A_1203 = vector.broadcast %neg3A_1202 : f32 to vector<16xf32>
      %neg3A_1204 = arith.subf %neg3A_1203, %abs3A_1201 : vector<16xf32>
      %exp3A_1205 = math.exp %neg3A_1204 : vector<16xf32>
      %neg3A_1206 = arith.constant 0.000000e+00 : f32
      %neg3A_1207 = vector.broadcast %neg3A_1206 : f32 to vector<16xf32>
      %neg3A_1208 = arith.subf %neg3A_1207, %get3A_1193 : vector<16xf32>
      %select_n3A_1209 = arith.select %eq3A_1200, %neg3A_1208, %get3A_1193 : vector<16xi1>, vector<16xf32>
      %max3A_1210 = arith.constant 0.000000e+00 : f32
      %max3A_1211 = vector.broadcast %max3A_1210 : f32 to vector<16xf32>
      %max3A_1212 = arith.maximumf %select_n3A_1209, %max3A_1211 : vector<16xf32>
      %mul3A_1213 = arith.mulf %exp3A_1205, %exp3A_1205 : vector<16xf32>
      %mul3A_1214 = arith.constant 0.995426654 : f32
      %mul3A_1215 = vector.broadcast %mul3A_1214 : f32 to vector<16xf32>
      %mul3A_1216 = arith.mulf %mul3A_1215, %exp3A_1205 : vector<16xf32>
      %add3A_1217 = arith.constant 1.41580167E-4 : f32
      %add3A_1218 = vector.broadcast %add3A_1217 : f32 to vector<16xf32>
      %add3A_1219 = arith.addf %add3A_1218, %mul3A_1216 : vector<16xf32>
      %mul3A_1220 = arith.constant 0.216408581 : f32
      %mul3A_1221 = vector.broadcast %mul3A_1220 : f32 to vector<16xf32>
      %mul3A_1222 = arith.mulf %mul3A_1221, %exp3A_1205 : vector<16xf32>
      %add3A_1223 = arith.constant -0.464070708 : f32
      %add3A_1224 = vector.broadcast %add3A_1223 : f32 to vector<16xf32>
      %add3A_1225 = arith.addf %add3A_1224, %mul3A_1222 : vector<16xf32>
      %mul3A_1226 = arith.constant -0.0548623092 : f32
      %mul3A_1227 = vector.broadcast %mul3A_1226 : f32 to vector<16xf32>
      %mul3A_1228 = arith.mulf %mul3A_1227, %mul3A_1213 : vector<16xf32>
      %add3A_1229 = arith.addf %add3A_1225, %mul3A_1228 : vector<16xf32>
      %mul3A_1230 = arith.mulf %mul3A_1213, %add3A_1229 : vector<16xf32>
      %add3A_1231 = arith.addf %add3A_1219, %mul3A_1230 : vector<16xf32>
      %add3A_1232 = arith.addf %max3A_1212, %add3A_1231 : vector<16xf32>
      %bitcast3A_1233 = vector.bitcast %add3A_1232 : vector<16xf32> to vector<16xi32>
      %swap3A_1234 = arith.index_cast %mul3A_1189 : i32 to index
      %swap3A_1235 = tpu.vector_load %arg7[%swap3A_1234] {strides = array<i32>} : memref<4096xi32, #tpu.memory_space<vmem>>, vector<16xi32>,
      tpu.vector_store %arg7[%swap3A_1234], %bitcast3A_1233 {strides = array<i32>} : memref<4096xi32, #tpu.memory_space<vmem>>, vector<16xi32>,
      %shift_right_arithmetic3A_1236 = arith.constant 27 : i32
      %shift_right_arithmetic3A_1237 = vector.broadcast %shift_right_arithmetic3A_1236 : i32 to vector<16xi32>
      %shift_right_arithmetic3A_1238 = arith.shrsi %bitcast3A_1233, %shift_right_arithmetic3A_1237 : vector<16xi32>
      %broadcast_in_dim3A_1239 = arith.constant true
      %broadcast_in_dim3A_1240 = vector.broadcast %broadcast_in_dim3A_1239 : i1 to vector<16xi1>
      %unique3A_1241, %unique3A_1242 = tpu.scan_count mask(%broadcast_in_dim3A_1240 : vector<16xi1>) value(%shift_right_arithmetic3A_1238 : vector<16xi32>) : vector<16xi1>, vector<16xi32>
      tpu.vector_store_idx %arg8[%shift_right_arithmetic3A_1238], %unique3A_1242 masked %unique3A_1241 {add = true} : memref<32xi32, #tpu.memory_space<vmem>>[vector<16xi32>], vector<16xi32>, vector<16xi1>
      %sub3A_1243 = arith.subf %add3A_305, %get3A_1193 : vector<16xf32>
      %jit3A_1244 = arith.constant -8.000000e+01 : f32
      %jit3A_1245 = arith.constant 8.000000e+01 : f32
      %max3A_1246 = vector.broadcast %jit3A_1244 : f32 to vector<16xf32>
      %max3A_1247 = arith.maximumf %max3A_1246, %sub3A_1243 : vector<16xf32>
      %min3A_1248 = vector.broadcast %jit3A_1245 : f32 to vector<16xf32>
      %min3A_1249 = arith.minimumf %min3A_1248, %max3A_1247 : vector<16xf32>
      %abs3A_1250 = math.absf %min3A_1249 : vector<16xf32>
      %neg3A_1251 = arith.constant 0.000000e+00 : f32
      %neg3A_1252 = vector.broadcast %neg3A_1251 : f32 to vector<16xf32>
      %neg3A_1253 = arith.subf %neg3A_1252, %abs3A_1250 : vector<16xf32>
      %exp3A_1254 = math.exp %neg3A_1253 : vector<16xf32>
      %max3A_1255 = arith.constant 0.000000e+00 : f32
      %max3A_1256 = vector.broadcast %max3A_1255 : f32 to vector<16xf32>
      %max3A_1257 = arith.maximumf %min3A_1249, %max3A_1256 : vector<16xf32>
      %mul3A_1258 = arith.mulf %exp3A_1254, %exp3A_1254 : vector<16xf32>
      %mul3A_1259 = arith.constant 0.995426654 : f32
      %mul3A_1260 = vector.broadcast %mul3A_1259 : f32 to vector<16xf32>
      %mul3A_1261 = arith.mulf %mul3A_1260, %exp3A_1254 : vector<16xf32>
      %add3A_1262 = arith.constant 1.41580167E-4 : f32
      %add3A_1263 = vector.broadcast %add3A_1262 : f32 to vector<16xf32>
      %add3A_1264 = arith.addf %add3A_1263, %mul3A_1261 : vector<16xf32>
      %mul3A_1265 = arith.constant 0.216408581 : f32
      %mul3A_1266 = vector.broadcast %mul3A_1265 : f32 to vector<16xf32>
      %mul3A_1267 = arith.mulf %mul3A_1266, %exp3A_1254 : vector<16xf32>
      %add3A_1268 = arith.constant -0.464070708 : f32
      %add3A_1269 = vector.broadcast %add3A_1268 : f32 to vector<16xf32>
      %add3A_1270 = arith.addf %add3A_1269, %mul3A_1267 : vector<16xf32>
      %mul3A_1271 = arith.constant -0.0548623092 : f32
      %mul3A_1272 = vector.broadcast %mul3A_1271 : f32 to vector<16xf32>
      %mul3A_1273 = arith.mulf %mul3A_1272, %mul3A_1258 : vector<16xf32>
      %add3A_1274 = arith.addf %add3A_1270, %mul3A_1273 : vector<16xf32>
      %mul3A_1275 = arith.mulf %mul3A_1258, %add3A_1274 : vector<16xf32>
      %add3A_1276 = arith.addf %add3A_1264, %mul3A_1275 : vector<16xf32>
      %add3A_1277 = arith.addf %max3A_1257, %add3A_1276 : vector<16xf32>
      %jit3A_1278 = arith.constant 0.000000e+00 : f32
      %broadcast_in_dim3A_1279 = vector.broadcast %jit3A_1278 : f32 to vector<16xf32>
      %select_n3A_1280 = arith.select %eq3A_1200, %add3A_1277, %broadcast_in_dim3A_1279 : vector<16xi1>, vector<16xf32>
      %add3A_1281 = arith.addf %add3A_1183, %select_n3A_1280 : vector<16xf32>
      %mul3A_1282 = arith.constant 4 : i32
      %mul3A_1283 = arith.muli %scan3A_991, %mul3A_1282 : i32
      %add3A_1284 = arith.constant 3 : i32
      %add3A_1285 = arith.addi %mul3A_1283, %add3A_1284 : i32
      %mul3A_1286 = arith.constant 16 : i32
      %mul3A_1287 = arith.muli %add3A_1285, %mul3A_1286 : i32
      %get3A_1288 = arith.constant 1 : i32
      %get3A_1289 = arith.index_cast %get3A_1288 : i32 to index
      %get3A_1290 = arith.index_cast %mul3A_1287 : i32 to index
      %get3A_1291 = tpu.vector_load %arg5[%get3A_1289, %get3A_1290] {strides = array<i32>} : memref<4x4096xf32, #tpu.memory_space<vmem>>, vector<16xf32>,
      %get3A_1292 = arith.constant 1 : i32
      %get3A_1293 = arith.index_cast %get3A_1292 : i32 to index
      %get3A_1294 = arith.index_cast %mul3A_1287 : i32 to index
      %get3A_1295 = tpu.vector_load %arg6[%get3A_1293, %get3A_1294] {strides = array<i32>} : memref<4x4096xi32, #tpu.memory_space<vmem>>, vector<16xi32>,
      %eq3A_1296 = arith.constant 1 : i32
      %eq3A_1297 = vector.broadcast %eq3A_1296 : i32 to vector<16xi32>
      %eq3A_1298 = arith.cmpi eq, %get3A_1295, %eq3A_1297 : vector<16xi32>
      %abs3A_1299 = math.absf %get3A_1291 : vector<16xf32>
      %neg3A_1300 = arith.constant 0.000000e+00 : f32
      %neg3A_1301 = vector.broadcast %neg3A_1300 : f32 to vector<16xf32>
      %neg3A_1302 = arith.subf %neg3A_1301, %abs3A_1299 : vector<16xf32>
      %exp3A_1303 = math.exp %neg3A_1302 : vector<16xf32>
      %neg3A_1304 = arith.constant 0.000000e+00 : f32
      %neg3A_1305 = vector.broadcast %neg3A_1304 : f32 to vector<16xf32>
      %neg3A_1306 = arith.subf %neg3A_1305, %get3A_1291 : vector<16xf32>
      %select_n3A_1307 = arith.select %eq3A_1298, %neg3A_1306, %get3A_1291 : vector<16xi1>, vector<16xf32>
      %max3A_1308 = arith.constant 0.000000e+00 : f32
      %max3A_1309 = vector.broadcast %max3A_1308 : f32 to vector<16xf32>
      %max3A_1310 = arith.maximumf %select_n3A_1307, %max3A_1309 : vector<16xf32>
      %mul3A_1311 = arith.mulf %exp3A_1303, %exp3A_1303 : vector<16xf32>
      %mul3A_1312 = arith.constant 0.995426654 : f32
      %mul3A_1313 = vector.broadcast %mul3A_1312 : f32 to vector<16xf32>
      %mul3A_1314 = arith.mulf %mul3A_1313, %exp3A_1303 : vector<16xf32>
      %add3A_1315 = arith.constant 1.41580167E-4 : f32
      %add3A_1316 = vector.broadcast %add3A_1315 : f32 to vector<16xf32>
      %add3A_1317 = arith.addf %add3A_1316, %mul3A_1314 : vector<16xf32>
      %mul3A_1318 = arith.constant 0.216408581 : f32
      %mul3A_1319 = vector.broadcast %mul3A_1318 : f32 to vector<16xf32>
      %mul3A_1320 = arith.mulf %mul3A_1319, %exp3A_1303 : vector<16xf32>
      %add3A_1321 = arith.constant -0.464070708 : f32
      %add3A_1322 = vector.broadcast %add3A_1321 : f32 to vector<16xf32>
      %add3A_1323 = arith.addf %add3A_1322, %mul3A_1320 : vector<16xf32>
      %mul3A_1324 = arith.constant -0.0548623092 : f32
      %mul3A_1325 = vector.broadcast %mul3A_1324 : f32 to vector<16xf32>
      %mul3A_1326 = arith.mulf %mul3A_1325, %mul3A_1311 : vector<16xf32>
      %add3A_1327 = arith.addf %add3A_1323, %mul3A_1326 : vector<16xf32>
      %mul3A_1328 = arith.mulf %mul3A_1311, %add3A_1327 : vector<16xf32>
      %add3A_1329 = arith.addf %add3A_1317, %mul3A_1328 : vector<16xf32>
      %add3A_1330 = arith.addf %max3A_1310, %add3A_1329 : vector<16xf32>
      %bitcast3A_1331 = vector.bitcast %add3A_1330 : vector<16xf32> to vector<16xi32>
      %swap3A_1332 = arith.index_cast %mul3A_1287 : i32 to index
      %swap3A_1333 = tpu.vector_load %arg7[%swap3A_1332] {strides = array<i32>} : memref<4096xi32, #tpu.memory_space<vmem>>, vector<16xi32>,
      tpu.vector_store %arg7[%swap3A_1332], %bitcast3A_1331 {strides = array<i32>} : memref<4096xi32, #tpu.memory_space<vmem>>, vector<16xi32>,
      %shift_right_arithmetic3A_1334 = arith.constant 27 : i32
      %shift_right_arithmetic3A_1335 = vector.broadcast %shift_right_arithmetic3A_1334 : i32 to vector<16xi32>
      %shift_right_arithmetic3A_1336 = arith.shrsi %bitcast3A_1331, %shift_right_arithmetic3A_1335 : vector<16xi32>
      %broadcast_in_dim3A_1337 = arith.constant true
      %broadcast_in_dim3A_1338 = vector.broadcast %broadcast_in_dim3A_1337 : i1 to vector<16xi1>
      %unique3A_1339, %unique3A_1340 = tpu.scan_count mask(%broadcast_in_dim3A_1338 : vector<16xi1>) value(%shift_right_arithmetic3A_1336 : vector<16xi32>) : vector<16xi1>, vector<16xi32>
      tpu.vector_store_idx %arg8[%shift_right_arithmetic3A_1336], %unique3A_1340 masked %unique3A_1339 {add = true} : memref<32xi32, #tpu.memory_space<vmem>>[vector<16xi32>], vector<16xi32>, vector<16xi1>
      %sub3A_1341 = arith.subf %add3A_305, %get3A_1291 : vector<16xf32>
      %jit3A_1342 = arith.constant -8.000000e+01 : f32
      %jit3A_1343 = arith.constant 8.000000e+01 : f32
      %max3A_1344 = vector.broadcast %jit3A_1342 : f32 to vector<16xf32>
      %max3A_1345 = arith.maximumf %max3A_1344, %sub3A_1341 : vector<16xf32>
      %min3A_1346 = vector.broadcast %jit3A_1343 : f32 to vector<16xf32>
      %min3A_1347 = arith.minimumf %min3A_1346, %max3A_1345 : vector<16xf32>
      %abs3A_1348 = math.absf %min3A_1347 : vector<16xf32>
      %neg3A_1349 = arith.constant 0.000000e+00 : f32
      %neg3A_1350 = vector.broadcast %neg3A_1349 : f32 to vector<16xf32>
      %neg3A_1351 = arith.subf %neg3A_1350, %abs3A_1348 : vector<16xf32>
      %exp3A_1352 = math.exp %neg3A_1351 : vector<16xf32>
      %max3A_1353 = arith.constant 0.000000e+00 : f32
      %max3A_1354 = vector.broadcast %max3A_1353 : f32 to vector<16xf32>
      %max3A_1355 = arith.maximumf %min3A_1347, %max3A_1354 : vector<16xf32>
      %mul3A_1356 = arith.mulf %exp3A_1352, %exp3A_1352 : vector<16xf32>
      %mul3A_1357 = arith.constant 0.995426654 : f32
      %mul3A_1358 = vector.broadcast %mul3A_1357 : f32 to vector<16xf32>
      %mul3A_1359 = arith.mulf %mul3A_1358, %exp3A_1352 : vector<16xf32>
      %add3A_1360 = arith.constant 1.41580167E-4 : f32
      %add3A_1361 = vector.broadcast %add3A_1360 : f32 to vector<16xf32>
      %add3A_1362 = arith.addf %add3A_1361, %mul3A_1359 : vector<16xf32>
      %mul3A_1363 = arith.constant 0.216408581 : f32
      %mul3A_1364 = vector.broadcast %mul3A_1363 : f32 to vector<16xf32>
      %mul3A_1365 = arith.mulf %mul3A_1364, %exp3A_1352 : vector<16xf32>
      %add3A_1366 = arith.constant -0.464070708 : f32
      %add3A_1367 = vector.broadcast %add3A_1366 : f32 to vector<16xf32>
      %add3A_1368 = arith.addf %add3A_1367, %mul3A_1365 : vector<16xf32>
      %mul3A_1369 = arith.constant -0.0548623092 : f32
      %mul3A_1370 = vector.broadcast %mul3A_1369 : f32 to vector<16xf32>
      %mul3A_1371 = arith.mulf %mul3A_1370, %mul3A_1356 : vector<16xf32>
      %add3A_1372 = arith.addf %add3A_1368, %mul3A_1371 : vector<16xf32>
      %mul3A_1373 = arith.mulf %mul3A_1356, %add3A_1372 : vector<16xf32>
      %add3A_1374 = arith.addf %add3A_1362, %mul3A_1373 : vector<16xf32>
      %add3A_1375 = arith.addf %max3A_1355, %add3A_1374 : vector<16xf32>
      %jit3A_1376 = arith.constant 0.000000e+00 : f32
      %broadcast_in_dim3A_1377 = vector.broadcast %jit3A_1376 : f32 to vector<16xf32>
      %select_n3A_1378 = arith.select %eq3A_1298, %add3A_1375, %broadcast_in_dim3A_1377 : vector<16xi1>, vector<16xf32>
      %add3A_1379 = arith.addf %add3A_1281, %select_n3A_1378 : vector<16xf32>
      scf.yield %add3A_1379 : vector<16xf32>
    }
    %scan3A_317 = arith.constant 64 : i32
    %reduce_sum3A_318 = arith.constant true
    %reduce_sum3A_319 = vector.broadcast %reduce_sum3A_318 : i1 to vector<16xi1>
    %reduce_sum3A_320 = tpu.scan <sum>, %scan3A_316 masked %reduce_sum3A_319 : vector<16xf32>, vector<16xi1> -> vector<16xf32>
    %reduce_sum3A_321 = vector.extract %reduce_sum3A_320[15] : f32 from vector<16xf32>
    %broadcast_in_dim3A_322 = arith.constant 0 : i32
    %broadcast_in_dim3A_323 = vector.broadcast %broadcast_in_dim3A_322 : i32 to vector<16xi32>
    %get3A_324 = arith.constant 0 : index
    %get3A_325 = tpu.vector_load %arg8[%get3A_324] {strides = array<i32>} : memref<32xi32, #tpu.memory_space<vmem>>, vector<16xi32>,
    %rev3A_326 = arith.constant 15 : i32
    %rev3A_327 = vector.broadcast %rev3A_326 : i32 to vector<16xi32>
    %rev3A_328 = tpu.iota {dimensions = array<i32: 0>} : vector<16xi32>
    %rev3A_329 = arith.subi %rev3A_327, %rev3A_328 : vector<16xi32>
    %rev3A_330 = tpu.dynamic_gather %get3A_325[%rev3A_329] in [0] : vector<16xi32>, vector<16xi32> -> vector<16xi32>
    %broadcast_in_dim3A_331 = arith.constant true
    %broadcast_in_dim3A_332 = vector.broadcast %broadcast_in_dim3A_331 : i1 to vector<16xi1>
    %masked_cumsum3A_333 = tpu.scan <sum>, %rev3A_330 masked %broadcast_in_dim3A_332 : vector<16xi32>, vector<16xi1> -> vector<16xi32>
    %add3A_334 = arith.addi %masked_cumsum3A_333, %broadcast_in_dim3A_323 : vector<16xi32>
    %ge3A_335 = arith.constant 128 : i32
    %ge3A_336 = vector.broadcast %ge3A_335 : i32 to vector<16xi32>
    %ge3A_337 = arith.cmpi sge, %add3A_334, %ge3A_336 : vector<16xi32>
    %all_reduce_ffs3A_338 = tpu.all_reduce %ge3A_337 {dim = 0 : i64, kind = #tpu.reduction_kind<find_first_set>} : vector<16xi1> -> vector<16xi32>
    %sub3A_339 = arith.constant 15 : i32
    %sub3A_340 = vector.broadcast %sub3A_339 : i32 to vector<16xi32>
    %sub3A_341 = arith.subi %sub3A_340, %all_reduce_ffs3A_338 : vector<16xi32>
    %gt3A_342 = arith.cmpi sgt, %iota3A, %sub3A_341 : vector<16xi32>
    %jit3A_343 = arith.constant 0 : i32
    %broadcast_in_dim3A_344 = vector.broadcast %jit3A_343 : i32 to vector<16xi32>
    %select_n3A_345 = arith.select %gt3A_342, %get3A_325, %broadcast_in_dim3A_344 : vector<16xi1>, vector<16xi32>
    %reduce_sum3A_346 = arith.constant true
    %reduce_sum3A_347 = vector.broadcast %reduce_sum3A_346 : i1 to vector<16xi1>
    %reduce_sum3A_348 = tpu.scan <sum>, %select_n3A_345 masked %reduce_sum3A_347 : vector<16xi32>, vector<16xi1> -> vector<16xi32>
    %reduce_sum3A_349 = vector.extract %reduce_sum3A_348[15] : i32 from vector<16xi32>
    %add3A_350 = vector.broadcast %reduce_sum3A_349 : i32 to vector<16xi32>
    %add3A_351 = arith.addi %broadcast_in_dim3A_323, %add3A_350 : vector<16xi32>
    %shift_left3A_352 = arith.constant 27 : i32
    %shift_left3A_353 = vector.broadcast %shift_left3A_352 : i32 to vector<16xi32>
    %shift_left3A_354 = arith.shli %sub3A_341, %shift_left3A_353 : vector<16xi32>
    %swap3A_355 = arith.constant 0 : index
    %swap3A_356 = tpu.vector_load %arg8[%swap3A_355] {strides = array<i32>} : memref<32xi32, #tpu.memory_space<vmem>>, vector<16xi32>,
    tpu.vector_store %arg8[%swap3A_355], %broadcast_in_dim3A_3 {strides = array<i32>} : memref<32xi32, #tpu.memory_space<vmem>>, vector<16xi32>,
    %swap3A_357 = arith.constant 16 : index
    %swap3A_358 = tpu.vector_load %arg8[%swap3A_357] {strides = array<i32>} : memref<32xi32, #tpu.memory_space<vmem>>, vector<16xi32>,
    tpu.vector_store %arg8[%swap3A_357], %broadcast_in_dim3A_3 {strides = array<i32>} : memref<32xi32, #tpu.memory_space<vmem>>, vector<16xi32>,
    %scan3A_359 = arith.constant 0 : i32
    %scan3A_360 = arith.constant 134217728 : i32
    %scan3A_361 = arith.constant 0 : i32
    %scan3A_362 = arith.constant 64 : i32
    %scan3A_363 = arith.addi %scan3A_361, %scan3A_362 : i32
    %scan3A_364 = arith.constant 1 : i32
    scf.for %scan3A_991 = %scan3A_361 to %scan3A_363 step %scan3A_364  : i32 {
      %mul3A_992 = arith.constant 4 : i32
      %mul3A_993 = arith.muli %scan3A_991, %mul3A_992 : i32
      %add3A_994 = arith.constant 0 : i32
      %add3A_995 = arith.addi %mul3A_993, %add3A_994 : i32
      %mul3A_996 = arith.constant 16 : i32
      %mul3A_997 = arith.muli %add3A_995, %mul3A_996 : i32
      %get3A_998 = arith.index_cast %mul3A_997 : i32 to index
      %get3A_999 = tpu.vector_load %arg7[%get3A_998] {strides = array<i32>} : memref<4096xi32, #tpu.memory_space<vmem>>, vector<16xi32>,
      %ge3A_1000 = arith.cmpi sge, %get3A_999, %shift_left3A_354 : vector<16xi32>
      %add3A_1001 = vector.broadcast %scan3A_360 : i32 to vector<16xi32>
      %add3A_1002 = arith.addi %shift_left3A_354, %add3A_1001 : vector<16xi32>
      %lt3A = arith.cmpi slt, %get3A_999, %add3A_1002 : vector<16xi32>
      %and3A_1003 = arith.andi %ge3A_1000, %lt3A : vector<16xi1>
      %shift_right_arithmetic3A_1004 = arith.constant 23 : i32
      %shift_right_arithmetic3A_1005 = vector.broadcast %shift_right_arithmetic3A_1004 : i32 to vector<16xi32>
      %shift_right_arithmetic3A_1006 = arith.shrsi %get3A_999, %shift_right_arithmetic3A_1005 : vector<16xi32>
      %and3A_1007 = arith.constant 15 : i32
      %and3A_1008 = vector.broadcast %and3A_1007 : i32 to vector<16xi32>
      %and3A_1009 = arith.andi %shift_right_arithmetic3A_1006, %and3A_1008 : vector<16xi32>
      %jit3A_1010 = arith.constant 16 : i32
      %broadcast_in_dim3A_1011 = vector.broadcast %jit3A_1010 : i32 to vector<16xi32>
      %select_n3A_1012 = arith.select %and3A_1003, %and3A_1009, %broadcast_in_dim3A_1011 : vector<16xi1>, vector<16xi32>
      %broadcast_in_dim3A_1013 = arith.constant true
      %broadcast_in_dim3A_1014 = vector.broadcast %broadcast_in_dim3A_1013 : i1 to vector<16xi1>
      %unique3A, %unique3A_1015 = tpu.scan_count mask(%broadcast_in_dim3A_1014 : vector<16xi1>) value(%select_n3A_1012 : vector<16xi32>) : vector<16xi1>, vector<16xi32>
      tpu.vector_store_idx %arg8[%select_n3A_1012], %unique3A_1015 masked %unique3A {add = true} : memref<32xi32, #tpu.memory_space<vmem>>[vector<16xi32>], vector<16xi32>, vector<16xi1>
      %mul3A_1016 = arith.constant 4 : i32
      %mul3A_1017 = arith.muli %scan3A_991, %mul3A_1016 : i32
      %add3A_1018 = arith.constant 1 : i32
      %add3A_1019 = arith.addi %mul3A_1017, %add3A_1018 : i32
      %mul3A_1020 = arith.constant 16 : i32
      %mul3A_1021 = arith.muli %add3A_1019, %mul3A_1020 : i32
      %get3A_1022 = arith.index_cast %mul3A_1021 : i32 to index
      %get3A_1023 = tpu.vector_load %arg7[%get3A_1022] {strides = array<i32>} : memref<4096xi32, #tpu.memory_space<vmem>>, vector<16xi32>,
      %ge3A_1024 = arith.cmpi sge, %get3A_1023, %shift_left3A_354 : vector<16xi32>
      %add3A_1025 = vector.broadcast %scan3A_360 : i32 to vector<16xi32>
      %add3A_1026 = arith.addi %shift_left3A_354, %add3A_1025 : vector<16xi32>
      %lt3A_1027 = arith.cmpi slt, %get3A_1023, %add3A_1026 : vector<16xi32>
      %and3A_1028 = arith.andi %ge3A_1024, %lt3A_1027 : vector<16xi1>
      %shift_right_arithmetic3A_1029 = arith.constant 23 : i32
      %shift_right_arithmetic3A_1030 = vector.broadcast %shift_right_arithmetic3A_1029 : i32 to vector<16xi32>
      %shift_right_arithmetic3A_1031 = arith.shrsi %get3A_1023, %shift_right_arithmetic3A_1030 : vector<16xi32>
      %and3A_1032 = arith.constant 15 : i32
      %and3A_1033 = vector.broadcast %and3A_1032 : i32 to vector<16xi32>
      %and3A_1034 = arith.andi %shift_right_arithmetic3A_1031, %and3A_1033 : vector<16xi32>
      %jit3A_1035 = arith.constant 16 : i32
      %broadcast_in_dim3A_1036 = vector.broadcast %jit3A_1035 : i32 to vector<16xi32>
      %select_n3A_1037 = arith.select %and3A_1028, %and3A_1034, %broadcast_in_dim3A_1036 : vector<16xi1>, vector<16xi32>
      %broadcast_in_dim3A_1038 = arith.constant true
      %broadcast_in_dim3A_1039 = vector.broadcast %broadcast_in_dim3A_1038 : i1 to vector<16xi1>
      %unique3A_1040, %unique3A_1041 = tpu.scan_count mask(%broadcast_in_dim3A_1039 : vector<16xi1>) value(%select_n3A_1037 : vector<16xi32>) : vector<16xi1>, vector<16xi32>
      tpu.vector_store_idx %arg8[%select_n3A_1037], %unique3A_1041 masked %unique3A_1040 {add = true} : memref<32xi32, #tpu.memory_space<vmem>>[vector<16xi32>], vector<16xi32>, vector<16xi1>
      %mul3A_1042 = arith.constant 4 : i32
      %mul3A_1043 = arith.muli %scan3A_991, %mul3A_1042 : i32
      %add3A_1044 = arith.constant 2 : i32
      %add3A_1045 = arith.addi %mul3A_1043, %add3A_1044 : i32
      %mul3A_1046 = arith.constant 16 : i32
      %mul3A_1047 = arith.muli %add3A_1045, %mul3A_1046 : i32
      %get3A_1048 = arith.index_cast %mul3A_1047 : i32 to index
      %get3A_1049 = tpu.vector_load %arg7[%get3A_1048] {strides = array<i32>} : memref<4096xi32, #tpu.memory_space<vmem>>, vector<16xi32>,
      %ge3A_1050 = arith.cmpi sge, %get3A_1049, %shift_left3A_354 : vector<16xi32>
      %add3A_1051 = vector.broadcast %scan3A_360 : i32 to vector<16xi32>
      %add3A_1052 = arith.addi %shift_left3A_354, %add3A_1051 : vector<16xi32>
      %lt3A_1053 = arith.cmpi slt, %get3A_1049, %add3A_1052 : vector<16xi32>
      %and3A_1054 = arith.andi %ge3A_1050, %lt3A_1053 : vector<16xi1>
      %shift_right_arithmetic3A_1055 = arith.constant 23 : i32
      %shift_right_arithmetic3A_1056 = vector.broadcast %shift_right_arithmetic3A_1055 : i32 to vector<16xi32>
      %shift_right_arithmetic3A_1057 = arith.shrsi %get3A_1049, %shift_right_arithmetic3A_1056 : vector<16xi32>
      %and3A_1058 = arith.constant 15 : i32
      %and3A_1059 = vector.broadcast %and3A_1058 : i32 to vector<16xi32>
      %and3A_1060 = arith.andi %shift_right_arithmetic3A_1057, %and3A_1059 : vector<16xi32>
      %jit3A_1061 = arith.constant 16 : i32
      %broadcast_in_dim3A_1062 = vector.broadcast %jit3A_1061 : i32 to vector<16xi32>
      %select_n3A_1063 = arith.select %and3A_1054, %and3A_1060, %broadcast_in_dim3A_1062 : vector<16xi1>, vector<16xi32>
      %broadcast_in_dim3A_1064 = arith.constant true
      %broadcast_in_dim3A_1065 = vector.broadcast %broadcast_in_dim3A_1064 : i1 to vector<16xi1>
      %unique3A_1066, %unique3A_1067 = tpu.scan_count mask(%broadcast_in_dim3A_1065 : vector<16xi1>) value(%select_n3A_1063 : vector<16xi32>) : vector<16xi1>, vector<16xi32>
      tpu.vector_store_idx %arg8[%select_n3A_1063], %unique3A_1067 masked %unique3A_1066 {add = true} : memref<32xi32, #tpu.memory_space<vmem>>[vector<16xi32>], vector<16xi32>, vector<16xi1>
      %mul3A_1068 = arith.constant 4 : i32
      %mul3A_1069 = arith.muli %scan3A_991, %mul3A_1068 : i32
      %add3A_1070 = arith.constant 3 : i32
      %add3A_1071 = arith.addi %mul3A_1069, %add3A_1070 : i32
      %mul3A_1072 = arith.constant 16 : i32
      %mul3A_1073 = arith.muli %add3A_1071, %mul3A_1072 : i32
      %get3A_1074 = arith.index_cast %mul3A_1073 : i32 to index
      %get3A_1075 = tpu.vector_load %arg7[%get3A_1074] {strides = array<i32>} : memref<4096xi32, #tpu.memory_space<vmem>>, vector<16xi32>,
      %ge3A_1076 = arith.cmpi sge, %get3A_1075, %shift_left3A_354 : vector<16xi32>
      %add3A_1077 = vector.broadcast %scan3A_360 : i32 to vector<16xi32>
      %add3A_1078 = arith.addi %shift_left3A_354, %add3A_1077 : vector<16xi32>
      %lt3A_1079 = arith.cmpi slt, %get3A_1075, %add3A_1078 : vector<16xi32>
      %and3A_1080 = arith.andi %ge3A_1076, %lt3A_1079 : vector<16xi1>
      %shift_right_arithmetic3A_1081 = arith.constant 23 : i32
      %shift_right_arithmetic3A_1082 = vector.broadcast %shift_right_arithmetic3A_1081 : i32 to vector<16xi32>
      %shift_right_arithmetic3A_1083 = arith.shrsi %get3A_1075, %shift_right_arithmetic3A_1082 : vector<16xi32>
      %and3A_1084 = arith.constant 15 : i32
      %and3A_1085 = vector.broadcast %and3A_1084 : i32 to vector<16xi32>
      %and3A_1086 = arith.andi %shift_right_arithmetic3A_1083, %and3A_1085 : vector<16xi32>
      %jit3A_1087 = arith.constant 16 : i32
      %broadcast_in_dim3A_1088 = vector.broadcast %jit3A_1087 : i32 to vector<16xi32>
      %select_n3A_1089 = arith.select %and3A_1080, %and3A_1086, %broadcast_in_dim3A_1088 : vector<16xi1>, vector<16xi32>
      %broadcast_in_dim3A_1090 = arith.constant true
      %broadcast_in_dim3A_1091 = vector.broadcast %broadcast_in_dim3A_1090 : i1 to vector<16xi1>
      %unique3A_1092, %unique3A_1093 = tpu.scan_count mask(%broadcast_in_dim3A_1091 : vector<16xi1>) value(%select_n3A_1089 : vector<16xi32>) : vector<16xi1>, vector<16xi32>
      tpu.vector_store_idx %arg8[%select_n3A_1089], %unique3A_1093 masked %unique3A_1092 {add = true} : memref<32xi32, #tpu.memory_space<vmem>>[vector<16xi32>], vector<16xi32>, vector<16xi1>
    }
    %scan3A_365 = arith.constant 64 : i32
    %get3A_366 = arith.constant 0 : index
    %get3A_367 = tpu.vector_load %arg8[%get3A_366] {strides = array<i32>} : memref<32xi32, #tpu.memory_space<vmem>>, vector<16xi32>,
    %rev3A_368 = arith.constant 15 : i32
    %rev3A_369 = vector.broadcast %rev3A_368 : i32 to vector<16xi32>
    %rev3A_370 = tpu.iota {dimensions = array<i32: 0>} : vector<16xi32>
    %rev3A_371 = arith.subi %rev3A_369, %rev3A_370 : vector<16xi32>
    %rev3A_372 = tpu.dynamic_gather %get3A_367[%rev3A_371] in [0] : vector<16xi32>, vector<16xi32> -> vector<16xi32>
    %broadcast_in_dim3A_373 = arith.constant true
    %broadcast_in_dim3A_374 = vector.broadcast %broadcast_in_dim3A_373 : i1 to vector<16xi1>
    %masked_cumsum3A_375 = tpu.scan <sum>, %rev3A_372 masked %broadcast_in_dim3A_374 : vector<16xi32>, vector<16xi1> -> vector<16xi32>
    %add3A_376 = arith.addi %masked_cumsum3A_375, %add3A_351 : vector<16xi32>
    %ge3A_377 = arith.constant 128 : i32
    %ge3A_378 = vector.broadcast %ge3A_377 : i32 to vector<16xi32>
    %ge3A_379 = arith.cmpi sge, %add3A_376, %ge3A_378 : vector<16xi32>
    %all_reduce_ffs3A_380 = tpu.all_reduce %ge3A_379 {dim = 0 : i64, kind = #tpu.reduction_kind<find_first_set>} : vector<16xi1> -> vector<16xi32>
    %sub3A_381 = arith.constant 15 : i32
    %sub3A_382 = vector.broadcast %sub3A_381 : i32 to vector<16xi32>
    %sub3A_383 = arith.subi %sub3A_382, %all_reduce_ffs3A_380 : vector<16xi32>
    %gt3A_384 = arith.cmpi sgt, %iota3A, %sub3A_383 : vector<16xi32>
    %jit3A_385 = arith.constant 0 : i32
    %broadcast_in_dim3A_386 = vector.broadcast %jit3A_385 : i32 to vector<16xi32>
    %select_n3A_387 = arith.select %gt3A_384, %get3A_367, %broadcast_in_dim3A_386 : vector<16xi1>, vector<16xi32>
    %reduce_sum3A_388 = arith.constant true
    %reduce_sum3A_389 = vector.broadcast %reduce_sum3A_388 : i1 to vector<16xi1>
    %reduce_sum3A_390 = tpu.scan <sum>, %select_n3A_387 masked %reduce_sum3A_389 : vector<16xi32>, vector<16xi1> -> vector<16xi32>
    %reduce_sum3A_391 = vector.extract %reduce_sum3A_390[15] : i32 from vector<16xi32>
    %add3A_392 = vector.broadcast %reduce_sum3A_391 : i32 to vector<16xi32>
    %add3A_393 = arith.addi %add3A_351, %add3A_392 : vector<16xi32>
    %shift_left3A_394 = arith.constant 23 : i32
    %shift_left3A_395 = vector.broadcast %shift_left3A_394 : i32 to vector<16xi32>
    %shift_left3A_396 = arith.shli %sub3A_383, %shift_left3A_395 : vector<16xi32>
    %add3A_397 = arith.addi %shift_left3A_354, %shift_left3A_396 : vector<16xi32>
    %swap3A_398 = arith.constant 0 : index
    %swap3A_399 = tpu.vector_load %arg8[%swap3A_398] {strides = array<i32>} : memref<32xi32, #tpu.memory_space<vmem>>, vector<16xi32>,
    tpu.vector_store %arg8[%swap3A_398], %broadcast_in_dim3A_3 {strides = array<i32>} : memref<32xi32, #tpu.memory_space<vmem>>, vector<16xi32>,
    %swap3A_400 = arith.constant 16 : index
    %swap3A_401 = tpu.vector_load %arg8[%swap3A_400] {strides = array<i32>} : memref<32xi32, #tpu.memory_space<vmem>>, vector<16xi32>,
    tpu.vector_store %arg8[%swap3A_400], %broadcast_in_dim3A_3 {strides = array<i32>} : memref<32xi32, #tpu.memory_space<vmem>>, vector<16xi32>,
    %scan3A_402 = arith.constant 0 : i32
    %scan3A_403 = arith.constant 8388608 : i32
    %scan3A_404 = arith.constant 0 : i32
    %scan3A_405 = arith.constant 64 : i32
    %scan3A_406 = arith.addi %scan3A_404, %scan3A_405 : i32
    %scan3A_407 = arith.constant 1 : i32
    scf.for %scan3A_991 = %scan3A_404 to %scan3A_406 step %scan3A_407  : i32 {
      %mul3A_992 = arith.constant 4 : i32
      %mul3A_993 = arith.muli %scan3A_991, %mul3A_992 : i32
      %add3A_994 = arith.constant 0 : i32
      %add3A_995 = arith.addi %mul3A_993, %add3A_994 : i32
      %mul3A_996 = arith.constant 16 : i32
      %mul3A_997 = arith.muli %add3A_995, %mul3A_996 : i32
      %get3A_998 = arith.index_cast %mul3A_997 : i32 to index
      %get3A_999 = tpu.vector_load %arg7[%get3A_998] {strides = array<i32>} : memref<4096xi32, #tpu.memory_space<vmem>>, vector<16xi32>,
      %ge3A_1000 = arith.cmpi sge, %get3A_999, %add3A_397 : vector<16xi32>
      %add3A_1001 = vector.broadcast %scan3A_403 : i32 to vector<16xi32>
      %add3A_1002 = arith.addi %add3A_397, %add3A_1001 : vector<16xi32>
      %lt3A = arith.cmpi slt, %get3A_999, %add3A_1002 : vector<16xi32>
      %and3A_1003 = arith.andi %ge3A_1000, %lt3A : vector<16xi1>
      %shift_right_arithmetic3A_1004 = arith.constant 19 : i32
      %shift_right_arithmetic3A_1005 = vector.broadcast %shift_right_arithmetic3A_1004 : i32 to vector<16xi32>
      %shift_right_arithmetic3A_1006 = arith.shrsi %get3A_999, %shift_right_arithmetic3A_1005 : vector<16xi32>
      %and3A_1007 = arith.constant 15 : i32
      %and3A_1008 = vector.broadcast %and3A_1007 : i32 to vector<16xi32>
      %and3A_1009 = arith.andi %shift_right_arithmetic3A_1006, %and3A_1008 : vector<16xi32>
      %jit3A_1010 = arith.constant 16 : i32
      %broadcast_in_dim3A_1011 = vector.broadcast %jit3A_1010 : i32 to vector<16xi32>
      %select_n3A_1012 = arith.select %and3A_1003, %and3A_1009, %broadcast_in_dim3A_1011 : vector<16xi1>, vector<16xi32>
      %broadcast_in_dim3A_1013 = arith.constant true
      %broadcast_in_dim3A_1014 = vector.broadcast %broadcast_in_dim3A_1013 : i1 to vector<16xi1>
      %unique3A, %unique3A_1015 = tpu.scan_count mask(%broadcast_in_dim3A_1014 : vector<16xi1>) value(%select_n3A_1012 : vector<16xi32>) : vector<16xi1>, vector<16xi32>
      tpu.vector_store_idx %arg8[%select_n3A_1012], %unique3A_1015 masked %unique3A {add = true} : memref<32xi32, #tpu.memory_space<vmem>>[vector<16xi32>], vector<16xi32>, vector<16xi1>
      %mul3A_1016 = arith.constant 4 : i32
      %mul3A_1017 = arith.muli %scan3A_991, %mul3A_1016 : i32
      %add3A_1018 = arith.constant 1 : i32
      %add3A_1019 = arith.addi %mul3A_1017, %add3A_1018 : i32
      %mul3A_1020 = arith.constant 16 : i32
      %mul3A_1021 = arith.muli %add3A_1019, %mul3A_1020 : i32
      %get3A_1022 = arith.index_cast %mul3A_1021 : i32 to index
      %get3A_1023 = tpu.vector_load %arg7[%get3A_1022] {strides = array<i32>} : memref<4096xi32, #tpu.memory_space<vmem>>, vector<16xi32>,
      %ge3A_1024 = arith.cmpi sge, %get3A_1023, %add3A_397 : vector<16xi32>
      %add3A_1025 = vector.broadcast %scan3A_403 : i32 to vector<16xi32>
      %add3A_1026 = arith.addi %add3A_397, %add3A_1025 : vector<16xi32>
      %lt3A_1027 = arith.cmpi slt, %get3A_1023, %add3A_1026 : vector<16xi32>
      %and3A_1028 = arith.andi %ge3A_1024, %lt3A_1027 : vector<16xi1>
      %shift_right_arithmetic3A_1029 = arith.constant 19 : i32
      %shift_right_arithmetic3A_1030 = vector.broadcast %shift_right_arithmetic3A_1029 : i32 to vector<16xi32>
      %shift_right_arithmetic3A_1031 = arith.shrsi %get3A_1023, %shift_right_arithmetic3A_1030 : vector<16xi32>
      %and3A_1032 = arith.constant 15 : i32
      %and3A_1033 = vector.broadcast %and3A_1032 : i32 to vector<16xi32>
      %and3A_1034 = arith.andi %shift_right_arithmetic3A_1031, %and3A_1033 : vector<16xi32>
      %jit3A_1035 = arith.constant 16 : i32
      %broadcast_in_dim3A_1036 = vector.broadcast %jit3A_1035 : i32 to vector<16xi32>
      %select_n3A_1037 = arith.select %and3A_1028, %and3A_1034, %broadcast_in_dim3A_1036 : vector<16xi1>, vector<16xi32>
      %broadcast_in_dim3A_1038 = arith.constant true
      %broadcast_in_dim3A_1039 = vector.broadcast %broadcast_in_dim3A_1038 : i1 to vector<16xi1>
      %unique3A_1040, %unique3A_1041 = tpu.scan_count mask(%broadcast_in_dim3A_1039 : vector<16xi1>) value(%select_n3A_1037 : vector<16xi32>) : vector<16xi1>, vector<16xi32>
      tpu.vector_store_idx %arg8[%select_n3A_1037], %unique3A_1041 masked %unique3A_1040 {add = true} : memref<32xi32, #tpu.memory_space<vmem>>[vector<16xi32>], vector<16xi32>, vector<16xi1>
      %mul3A_1042 = arith.constant 4 : i32
      %mul3A_1043 = arith.muli %scan3A_991, %mul3A_1042 : i32
      %add3A_1044 = arith.constant 2 : i32
      %add3A_1045 = arith.addi %mul3A_1043, %add3A_1044 : i32
      %mul3A_1046 = arith.constant 16 : i32
      %mul3A_1047 = arith.muli %add3A_1045, %mul3A_1046 : i32
      %get3A_1048 = arith.index_cast %mul3A_1047 : i32 to index
      %get3A_1049 = tpu.vector_load %arg7[%get3A_1048] {strides = array<i32>} : memref<4096xi32, #tpu.memory_space<vmem>>, vector<16xi32>,
      %ge3A_1050 = arith.cmpi sge, %get3A_1049, %add3A_397 : vector<16xi32>
      %add3A_1051 = vector.broadcast %scan3A_403 : i32 to vector<16xi32>
      %add3A_1052 = arith.addi %add3A_397, %add3A_1051 : vector<16xi32>
      %lt3A_1053 = arith.cmpi slt, %get3A_1049, %add3A_1052 : vector<16xi32>
      %and3A_1054 = arith.andi %ge3A_1050, %lt3A_1053 : vector<16xi1>
      %shift_right_arithmetic3A_1055 = arith.constant 19 : i32
      %shift_right_arithmetic3A_1056 = vector.broadcast %shift_right_arithmetic3A_1055 : i32 to vector<16xi32>
      %shift_right_arithmetic3A_1057 = arith.shrsi %get3A_1049, %shift_right_arithmetic3A_1056 : vector<16xi32>
      %and3A_1058 = arith.constant 15 : i32
      %and3A_1059 = vector.broadcast %and3A_1058 : i32 to vector<16xi32>
      %and3A_1060 = arith.andi %shift_right_arithmetic3A_1057, %and3A_1059 : vector<16xi32>
      %jit3A_1061 = arith.constant 16 : i32
      %broadcast_in_dim3A_1062 = vector.broadcast %jit3A_1061 : i32 to vector<16xi32>
      %select_n3A_1063 = arith.select %and3A_1054, %and3A_1060, %broadcast_in_dim3A_1062 : vector<16xi1>, vector<16xi32>
      %broadcast_in_dim3A_1064 = arith.constant true
      %broadcast_in_dim3A_1065 = vector.broadcast %broadcast_in_dim3A_1064 : i1 to vector<16xi1>
      %unique3A_1066, %unique3A_1067 = tpu.scan_count mask(%broadcast_in_dim3A_1065 : vector<16xi1>) value(%select_n3A_1063 : vector<16xi32>) : vector<16xi1>, vector<16xi32>
      tpu.vector_store_idx %arg8[%select_n3A_1063], %unique3A_1067 masked %unique3A_1066 {add = true} : memref<32xi32, #tpu.memory_space<vmem>>[vector<16xi32>], vector<16xi32>, vector<16xi1>
      %mul3A_1068 = arith.constant 4 : i32
      %mul3A_1069 = arith.muli %scan3A_991, %mul3A_1068 : i32
      %add3A_1070 = arith.constant 3 : i32
      %add3A_1071 = arith.addi %mul3A_1069, %add3A_1070 : i32
      %mul3A_1072 = arith.constant 16 : i32
      %mul3A_1073 = arith.muli %add3A_1071, %mul3A_1072 : i32
      %get3A_1074 = arith.index_cast %mul3A_1073 : i32 to index
      %get3A_1075 = tpu.vector_load %arg7[%get3A_1074] {strides = array<i32>} : memref<4096xi32, #tpu.memory_space<vmem>>, vector<16xi32>,
      %ge3A_1076 = arith.cmpi sge, %get3A_1075, %add3A_397 : vector<16xi32>
      %add3A_1077 = vector.broadcast %scan3A_403 : i32 to vector<16xi32>
      %add3A_1078 = arith.addi %add3A_397, %add3A_1077 : vector<16xi32>
      %lt3A_1079 = arith.cmpi slt, %get3A_1075, %add3A_1078 : vector<16xi32>
      %and3A_1080 = arith.andi %ge3A_1076, %lt3A_1079 : vector<16xi1>
      %shift_right_arithmetic3A_1081 = arith.constant 19 : i32
      %shift_right_arithmetic3A_1082 = vector.broadcast %shift_right_arithmetic3A_1081 : i32 to vector<16xi32>
      %shift_right_arithmetic3A_1083 = arith.shrsi %get3A_1075, %shift_right_arithmetic3A_1082 : vector<16xi32>
      %and3A_1084 = arith.constant 15 : i32
      %and3A_1085 = vector.broadcast %and3A_1084 : i32 to vector<16xi32>
      %and3A_1086 = arith.andi %shift_right_arithmetic3A_1083, %and3A_1085 : vector<16xi32>
      %jit3A_1087 = arith.constant 16 : i32
      %broadcast_in_dim3A_1088 = vector.broadcast %jit3A_1087 : i32 to vector<16xi32>
      %select_n3A_1089 = arith.select %and3A_1080, %and3A_1086, %broadcast_in_dim3A_1088 : vector<16xi1>, vector<16xi32>
      %broadcast_in_dim3A_1090 = arith.constant true
      %broadcast_in_dim3A_1091 = vector.broadcast %broadcast_in_dim3A_1090 : i1 to vector<16xi1>
      %unique3A_1092, %unique3A_1093 = tpu.scan_count mask(%broadcast_in_dim3A_1091 : vector<16xi1>) value(%select_n3A_1089 : vector<16xi32>) : vector<16xi1>, vector<16xi32>
      tpu.vector_store_idx %arg8[%select_n3A_1089], %unique3A_1093 masked %unique3A_1092 {add = true} : memref<32xi32, #tpu.memory_space<vmem>>[vector<16xi32>], vector<16xi32>, vector<16xi1>
    }
    %scan3A_408 = arith.constant 64 : i32
    %get3A_409 = arith.constant 0 : index
    %get3A_410 = tpu.vector_load %arg8[%get3A_409] {strides = array<i32>} : memref<32xi32, #tpu.memory_space<vmem>>, vector<16xi32>,
    %rev3A_411 = arith.constant 15 : i32
    %rev3A_412 = vector.broadcast %rev3A_411 : i32 to vector<16xi32>
    %rev3A_413 = tpu.iota {dimensions = array<i32: 0>} : vector<16xi32>
    %rev3A_414 = arith.subi %rev3A_412, %rev3A_413 : vector<16xi32>
    %rev3A_415 = tpu.dynamic_gather %get3A_410[%rev3A_414] in [0] : vector<16xi32>, vector<16xi32> -> vector<16xi32>
    %broadcast_in_dim3A_416 = arith.constant true
    %broadcast_in_dim3A_417 = vector.broadcast %broadcast_in_dim3A_416 : i1 to vector<16xi1>
    %masked_cumsum3A_418 = tpu.scan <sum>, %rev3A_415 masked %broadcast_in_dim3A_417 : vector<16xi32>, vector<16xi1> -> vector<16xi32>
    %add3A_419 = arith.addi %masked_cumsum3A_418, %add3A_393 : vector<16xi32>
    %ge3A_420 = arith.constant 128 : i32
    %ge3A_421 = vector.broadcast %ge3A_420 : i32 to vector<16xi32>
    %ge3A_422 = arith.cmpi sge, %add3A_419, %ge3A_421 : vector<16xi32>
    %all_reduce_ffs3A_423 = tpu.all_reduce %ge3A_422 {dim = 0 : i64, kind = #tpu.reduction_kind<find_first_set>} : vector<16xi1> -> vector<16xi32>
    %sub3A_424 = arith.constant 15 : i32
    %sub3A_425 = vector.broadcast %sub3A_424 : i32 to vector<16xi32>
    %sub3A_426 = arith.subi %sub3A_425, %all_reduce_ffs3A_423 : vector<16xi32>
    %gt3A_427 = arith.cmpi sgt, %iota3A, %sub3A_426 : vector<16xi32>
    %jit3A_428 = arith.constant 0 : i32
    %broadcast_in_dim3A_429 = vector.broadcast %jit3A_428 : i32 to vector<16xi32>
    %select_n3A_430 = arith.select %gt3A_427, %get3A_410, %broadcast_in_dim3A_429 : vector<16xi1>, vector<16xi32>
    %reduce_sum3A_431 = arith.constant true
    %reduce_sum3A_432 = vector.broadcast %reduce_sum3A_431 : i1 to vector<16xi1>
    %reduce_sum3A_433 = tpu.scan <sum>, %select_n3A_430 masked %reduce_sum3A_432 : vector<16xi32>, vector<16xi1> -> vector<16xi32>
    %reduce_sum3A_434 = vector.extract %reduce_sum3A_433[15] : i32 from vector<16xi32>
    %add3A_435 = vector.broadcast %reduce_sum3A_434 : i32 to vector<16xi32>
    %add3A_436 = arith.addi %add3A_393, %add3A_435 : vector<16xi32>
    %shift_left3A_437 = arith.constant 19 : i32
    %shift_left3A_438 = vector.broadcast %shift_left3A_437 : i32 to vector<16xi32>
    %shift_left3A_439 = arith.shli %sub3A_426, %shift_left3A_438 : vector<16xi32>
    %add3A_440 = arith.addi %add3A_397, %shift_left3A_439 : vector<16xi32>
    %add3A_441 = arith.constant 524288 : i32
    %add3A_442 = vector.broadcast %add3A_441 : i32 to vector<16xi32>
    %add3A_443 = arith.addi %add3A_440, %add3A_442 : vector<16xi32>
    %add3A_444 = arith.constant 262144 : i32
    %add3A_445 = vector.broadcast %add3A_444 : i32 to vector<16xi32>
    %add3A_446 = arith.addi %add3A_440, %add3A_445 : vector<16xi32>
    %bitcast3A_447 = vector.bitcast %add3A_446 : vector<16xi32> to vector<16xf32>
    %broadcast_in_dim3A_448 = arith.constant 0.000000e+00 : f32
    %broadcast_in_dim3A_449 = vector.broadcast %broadcast_in_dim3A_448 : f32 to vector<16xf32>
    %broadcast_in_dim3A_450 = arith.constant 0 : i32
    %broadcast_in_dim3A_451 = vector.broadcast %broadcast_in_dim3A_450 : i32 to vector<16xi32>
    %scan3A_452 = arith.constant 0 : i32
    %scan3A_453 = arith.constant 64 : i32
    %scan3A_454 = arith.addi %scan3A_452, %scan3A_453 : i32
    %scan3A_455 = arith.constant 1 : i32
    %scan3A_456:2 = scf.for %scan3A_991 = %scan3A_452 to %scan3A_454 step %scan3A_455 iter_args(%scan3A_992 = %broadcast_in_dim3A_449, %scan3A_993 = %broadcast_in_dim3A_451) -> (vector<16xf32>, vector<16xi32>)  : i32 {
      %mul3A_994 = arith.constant 4 : i32
      %mul3A_995 = arith.muli %scan3A_991, %mul3A_994 : i32
      %add3A_996 = arith.constant 0 : i32
      %add3A_997 = arith.addi %mul3A_995, %add3A_996 : i32
      %mul3A_998 = arith.constant 16 : i32
      %mul3A_999 = arith.muli %add3A_997, %mul3A_998 : i32
      %get3A_1000 = arith.index_cast %mul3A_999 : i32 to index
      %get3A_1001 = tpu.vector_load %arg7[%get3A_1000] {strides = array<i32>} : memref<4096xi32, #tpu.memory_space<vmem>>, vector<16xi32>,
      %bitcast3A_1002 = vector.bitcast %get3A_1001 : vector<16xi32> to vector<16xf32>
      %ge3A_1003 = arith.cmpi sge, %get3A_1001, %add3A_443 : vector<16xi32>
      %jit3A_1004 = arith.constant 0.000000e+00 : f32
      %broadcast_in_dim3A_1005 = vector.broadcast %jit3A_1004 : f32 to vector<16xf32>
      %select_n3A_1006 = arith.select %ge3A_1003, %bitcast3A_1002, %broadcast_in_dim3A_1005 : vector<16xi1>, vector<16xf32>
      %add3A_1007 = arith.addf %scan3A_992, %select_n3A_1006 : vector<16xf32>
      %jit3A_1008 = arith.constant 1 : i32
      %jit3A_1009 = arith.constant 0 : i32
      %broadcast_in_dim3A_1010 = vector.broadcast %jit3A_1008 : i32 to vector<16xi32>
      %broadcast_in_dim3A_1011 = vector.broadcast %jit3A_1009 : i32 to vector<16xi32>
      %select_n3A_1012 = arith.select %ge3A_1003, %broadcast_in_dim3A_1010, %broadcast_in_dim3A_1011 : vector<16xi1>, vector<16xi32>
      %add3A_1013 = arith.addi %scan3A_993, %select_n3A_1012 : vector<16xi32>
      %mul3A_1014 = arith.constant 4 : i32
      %mul3A_1015 = arith.muli %scan3A_991, %mul3A_1014 : i32
      %add3A_1016 = arith.constant 1 : i32
      %add3A_1017 = arith.addi %mul3A_1015, %add3A_1016 : i32
      %mul3A_1018 = arith.constant 16 : i32
      %mul3A_1019 = arith.muli %add3A_1017, %mul3A_1018 : i32
      %get3A_1020 = arith.index_cast %mul3A_1019 : i32 to index
      %get3A_1021 = tpu.vector_load %arg7[%get3A_1020] {strides = array<i32>} : memref<4096xi32, #tpu.memory_space<vmem>>, vector<16xi32>,
      %bitcast3A_1022 = vector.bitcast %get3A_1021 : vector<16xi32> to vector<16xf32>
      %ge3A_1023 = arith.cmpi sge, %get3A_1021, %add3A_443 : vector<16xi32>
      %jit3A_1024 = arith.constant 0.000000e+00 : f32
      %broadcast_in_dim3A_1025 = vector.broadcast %jit3A_1024 : f32 to vector<16xf32>
      %select_n3A_1026 = arith.select %ge3A_1023, %bitcast3A_1022, %broadcast_in_dim3A_1025 : vector<16xi1>, vector<16xf32>
      %add3A_1027 = arith.addf %add3A_1007, %select_n3A_1026 : vector<16xf32>
      %jit3A_1028 = arith.constant 1 : i32
      %jit3A_1029 = arith.constant 0 : i32
      %broadcast_in_dim3A_1030 = vector.broadcast %jit3A_1028 : i32 to vector<16xi32>
      %broadcast_in_dim3A_1031 = vector.broadcast %jit3A_1029 : i32 to vector<16xi32>
      %select_n3A_1032 = arith.select %ge3A_1023, %broadcast_in_dim3A_1030, %broadcast_in_dim3A_1031 : vector<16xi1>, vector<16xi32>
      %add3A_1033 = arith.addi %add3A_1013, %select_n3A_1032 : vector<16xi32>
      %mul3A_1034 = arith.constant 4 : i32
      %mul3A_1035 = arith.muli %scan3A_991, %mul3A_1034 : i32
      %add3A_1036 = arith.constant 2 : i32
      %add3A_1037 = arith.addi %mul3A_1035, %add3A_1036 : i32
      %mul3A_1038 = arith.constant 16 : i32
      %mul3A_1039 = arith.muli %add3A_1037, %mul3A_1038 : i32
      %get3A_1040 = arith.index_cast %mul3A_1039 : i32 to index
      %get3A_1041 = tpu.vector_load %arg7[%get3A_1040] {strides = array<i32>} : memref<4096xi32, #tpu.memory_space<vmem>>, vector<16xi32>,
      %bitcast3A_1042 = vector.bitcast %get3A_1041 : vector<16xi32> to vector<16xf32>
      %ge3A_1043 = arith.cmpi sge, %get3A_1041, %add3A_443 : vector<16xi32>
      %jit3A_1044 = arith.constant 0.000000e+00 : f32
      %broadcast_in_dim3A_1045 = vector.broadcast %jit3A_1044 : f32 to vector<16xf32>
      %select_n3A_1046 = arith.select %ge3A_1043, %bitcast3A_1042, %broadcast_in_dim3A_1045 : vector<16xi1>, vector<16xf32>
      %add3A_1047 = arith.addf %add3A_1027, %select_n3A_1046 : vector<16xf32>
      %jit3A_1048 = arith.constant 1 : i32
      %jit3A_1049 = arith.constant 0 : i32
      %broadcast_in_dim3A_1050 = vector.broadcast %jit3A_1048 : i32 to vector<16xi32>
      %broadcast_in_dim3A_1051 = vector.broadcast %jit3A_1049 : i32 to vector<16xi32>
      %select_n3A_1052 = arith.select %ge3A_1043, %broadcast_in_dim3A_1050, %broadcast_in_dim3A_1051 : vector<16xi1>, vector<16xi32>
      %add3A_1053 = arith.addi %add3A_1033, %select_n3A_1052 : vector<16xi32>
      %mul3A_1054 = arith.constant 4 : i32
      %mul3A_1055 = arith.muli %scan3A_991, %mul3A_1054 : i32
      %add3A_1056 = arith.constant 3 : i32
      %add3A_1057 = arith.addi %mul3A_1055, %add3A_1056 : i32
      %mul3A_1058 = arith.constant 16 : i32
      %mul3A_1059 = arith.muli %add3A_1057, %mul3A_1058 : i32
      %get3A_1060 = arith.index_cast %mul3A_1059 : i32 to index
      %get3A_1061 = tpu.vector_load %arg7[%get3A_1060] {strides = array<i32>} : memref<4096xi32, #tpu.memory_space<vmem>>, vector<16xi32>,
      %bitcast3A_1062 = vector.bitcast %get3A_1061 : vector<16xi32> to vector<16xf32>
      %ge3A_1063 = arith.cmpi sge, %get3A_1061, %add3A_443 : vector<16xi32>
      %jit3A_1064 = arith.constant 0.000000e+00 : f32
      %broadcast_in_dim3A_1065 = vector.broadcast %jit3A_1064 : f32 to vector<16xf32>
      %select_n3A_1066 = arith.select %ge3A_1063, %bitcast3A_1062, %broadcast_in_dim3A_1065 : vector<16xi1>, vector<16xf32>
      %add3A_1067 = arith.addf %add3A_1047, %select_n3A_1066 : vector<16xf32>
      %jit3A_1068 = arith.constant 1 : i32
      %jit3A_1069 = arith.constant 0 : i32
      %broadcast_in_dim3A_1070 = vector.broadcast %jit3A_1068 : i32 to vector<16xi32>
      %broadcast_in_dim3A_1071 = vector.broadcast %jit3A_1069 : i32 to vector<16xi32>
      %select_n3A_1072 = arith.select %ge3A_1063, %broadcast_in_dim3A_1070, %broadcast_in_dim3A_1071 : vector<16xi1>, vector<16xi32>
      %add3A_1073 = arith.addi %add3A_1053, %select_n3A_1072 : vector<16xi32>
      scf.yield %add3A_1067, %add3A_1073 : vector<16xf32>, vector<16xi32>
    }
    %scan3A_457 = arith.constant 64 : i32
    %reduce_sum3A_458 = arith.constant true
    %reduce_sum3A_459 = vector.broadcast %reduce_sum3A_458 : i1 to vector<16xi1>
    %reduce_sum3A_460 = tpu.scan <sum>, %scan3A_456#1 masked %reduce_sum3A_459 : vector<16xi32>, vector<16xi1> -> vector<16xi32>
    %reduce_sum3A_461 = vector.extract %reduce_sum3A_460[15] : i32 from vector<16xi32>
    %reduce_sum3A_462 = arith.constant true
    %reduce_sum3A_463 = vector.broadcast %reduce_sum3A_462 : i1 to vector<16xi1>
    %reduce_sum3A_464 = tpu.scan <sum>, %scan3A_456#0 masked %reduce_sum3A_463 : vector<16xf32>, vector<16xi1> -> vector<16xf32>
    %reduce_sum3A_465 = vector.extract %reduce_sum3A_464[15] : f32 from vector<16xf32>
    %convert_element_type3A_466 = arith.sitofp %reduce_sum3A_461 : i32 to f32
    %sub3A_467 = arith.constant 1.280000e+02 : f32
    %sub3A_468 = arith.subf %sub3A_467, %convert_element_type3A_466 : f32
    %mul3A_469 = vector.broadcast %sub3A_468 : f32 to vector<16xf32>
    %mul3A_470 = arith.mulf %mul3A_469, %bitcast3A_447 : vector<16xf32>
    %add3A_471 = vector.broadcast %reduce_sum3A_465 : f32 to vector<16xf32>
    %add3A_472 = arith.addf %add3A_471, %mul3A_470 : vector<16xf32>
    %eq3A_473 = arith.constant 1 : i32
    %eq3A_474 = vector.broadcast %eq3A_473 : i32 to vector<16xi32>
    %eq3A_475 = arith.cmpi eq, %iota3A, %eq3A_474 : vector<16xi32>
    %select_n3A_476 = arith.select %eq3A_475, %add3A_472, %select_n3A_235 : vector<16xi1>, vector<16xf32>
    %eq3A_477 = arith.constant 5 : i32
    %eq3A_478 = vector.broadcast %eq3A_477 : i32 to vector<16xi32>
    %eq3A_479 = arith.cmpi eq, %iota3A, %eq3A_478 : vector<16xi32>
    %broadcast_in_dim3A_480 = vector.broadcast %reduce_sum3A_321 : f32 to vector<16xf32>
    %select_n3A_481 = arith.select %eq3A_479, %broadcast_in_dim3A_480, %select_n3A_476 : vector<16xi1>, vector<16xf32>
    %eq3A_482 = arith.constant 9 : i32
    %eq3A_483 = vector.broadcast %eq3A_482 : i32 to vector<16xi32>
    %eq3A_484 = arith.cmpi eq, %iota3A, %eq3A_483 : vector<16xi32>
    %broadcast_in_dim3A_485 = vector.broadcast %reduce_sum3A_249 : f32 to vector<16xf32>
    %select_n3A_486 = arith.select %eq3A_484, %broadcast_in_dim3A_485, %select_n3A_481 : vector<16xi1>, vector<16xf32>
    %broadcast_in_dim3A_487 = arith.constant 0.000000e+00 : f32
    %broadcast_in_dim3A_488 = vector.broadcast %broadcast_in_dim3A_487 : f32 to vector<16xf32>
    %broadcast_in_dim3A_489 = arith.constant 0.000000e+00 : f32
    %broadcast_in_dim3A_490 = vector.broadcast %broadcast_in_dim3A_489 : f32 to vector<16xf32>
    %scan3A_491 = arith.constant 0 : i32
    %scan3A_492 = arith.constant 64 : i32
    %scan3A_493 = arith.addi %scan3A_491, %scan3A_492 : i32
    %scan3A_494 = arith.constant 1 : i32
    %scan3A_495:2 = scf.for %scan3A_991 = %scan3A_491 to %scan3A_493 step %scan3A_494 iter_args(%scan3A_992 = %broadcast_in_dim3A_488, %scan3A_993 = %broadcast_in_dim3A_490) -> (vector<16xf32>, vector<16xf32>)  : i32 {
      %mul3A_994 = arith.constant 4 : i32
      %mul3A_995 = arith.muli %scan3A_991, %mul3A_994 : i32
      %add3A_996 = arith.constant 0 : i32
      %add3A_997 = arith.addi %mul3A_995, %add3A_996 : i32
      %mul3A_998 = arith.constant 16 : i32
      %mul3A_999 = arith.muli %add3A_997, %mul3A_998 : i32
      %get3A_1000 = arith.constant 2 : i32
      %get3A_1001 = arith.index_cast %get3A_1000 : i32 to index
      %get3A_1002 = arith.index_cast %mul3A_999 : i32 to index
      %get3A_1003 = tpu.vector_load %arg5[%get3A_1001, %get3A_1002] {strides = array<i32>} : memref<4x4096xf32, #tpu.memory_space<vmem>>, vector<16xf32>,
      %get3A_1004 = arith.constant 2 : i32
      %get3A_1005 = arith.index_cast %get3A_1004 : i32 to index
      %get3A_1006 = arith.index_cast %mul3A_999 : i32 to index
      %get3A_1007 = tpu.vector_load %arg6[%get3A_1005, %get3A_1006] {strides = array<i32>} : memref<4x4096xi32, #tpu.memory_space<vmem>>, vector<16xi32>,
      %eq3A_1008 = arith.constant 1 : i32
      %eq3A_1009 = vector.broadcast %eq3A_1008 : i32 to vector<16xi32>
      %eq3A_1010 = arith.cmpi eq, %get3A_1007, %eq3A_1009 : vector<16xi32>
      %exp3A = math.exp %get3A_1003 : vector<16xf32>
      %jit3A_1011 = arith.constant 0.000000e+00 : f32
      %broadcast_in_dim3A_1012 = vector.broadcast %jit3A_1011 : f32 to vector<16xf32>
      %select_n3A_1013 = arith.select %eq3A_1010, %broadcast_in_dim3A_1012, %exp3A : vector<16xi1>, vector<16xf32>
      %add3A_1014 = arith.addf %scan3A_992, %select_n3A_1013 : vector<16xf32>
      %jit3A_1015 = arith.constant 1.000000e+00 : f32
      %jit3A_1016 = arith.constant 0.000000e+00 : f32
      %broadcast_in_dim3A_1017 = vector.broadcast %jit3A_1015 : f32 to vector<16xf32>
      %broadcast_in_dim3A_1018 = vector.broadcast %jit3A_1016 : f32 to vector<16xf32>
      %select_n3A_1019 = arith.select %eq3A_1010, %broadcast_in_dim3A_1017, %broadcast_in_dim3A_1018 : vector<16xi1>, vector<16xf32>
      %add3A_1020 = arith.addf %scan3A_993, %select_n3A_1019 : vector<16xf32>
      %mul3A_1021 = arith.constant 4 : i32
      %mul3A_1022 = arith.muli %scan3A_991, %mul3A_1021 : i32
      %add3A_1023 = arith.constant 1 : i32
      %add3A_1024 = arith.addi %mul3A_1022, %add3A_1023 : i32
      %mul3A_1025 = arith.constant 16 : i32
      %mul3A_1026 = arith.muli %add3A_1024, %mul3A_1025 : i32
      %get3A_1027 = arith.constant 2 : i32
      %get3A_1028 = arith.index_cast %get3A_1027 : i32 to index
      %get3A_1029 = arith.index_cast %mul3A_1026 : i32 to index
      %get3A_1030 = tpu.vector_load %arg5[%get3A_1028, %get3A_1029] {strides = array<i32>} : memref<4x4096xf32, #tpu.memory_space<vmem>>, vector<16xf32>,
      %get3A_1031 = arith.constant 2 : i32
      %get3A_1032 = arith.index_cast %get3A_1031 : i32 to index
      %get3A_1033 = arith.index_cast %mul3A_1026 : i32 to index
      %get3A_1034 = tpu.vector_load %arg6[%get3A_1032, %get3A_1033] {strides = array<i32>} : memref<4x4096xi32, #tpu.memory_space<vmem>>, vector<16xi32>,
      %eq3A_1035 = arith.constant 1 : i32
      %eq3A_1036 = vector.broadcast %eq3A_1035 : i32 to vector<16xi32>
      %eq3A_1037 = arith.cmpi eq, %get3A_1034, %eq3A_1036 : vector<16xi32>
      %exp3A_1038 = math.exp %get3A_1030 : vector<16xf32>
      %jit3A_1039 = arith.constant 0.000000e+00 : f32
      %broadcast_in_dim3A_1040 = vector.broadcast %jit3A_1039 : f32 to vector<16xf32>
      %select_n3A_1041 = arith.select %eq3A_1037, %broadcast_in_dim3A_1040, %exp3A_1038 : vector<16xi1>, vector<16xf32>
      %add3A_1042 = arith.addf %add3A_1014, %select_n3A_1041 : vector<16xf32>
      %jit3A_1043 = arith.constant 1.000000e+00 : f32
      %jit3A_1044 = arith.constant 0.000000e+00 : f32
      %broadcast_in_dim3A_1045 = vector.broadcast %jit3A_1043 : f32 to vector<16xf32>
      %broadcast_in_dim3A_1046 = vector.broadcast %jit3A_1044 : f32 to vector<16xf32>
      %select_n3A_1047 = arith.select %eq3A_1037, %broadcast_in_dim3A_1045, %broadcast_in_dim3A_1046 : vector<16xi1>, vector<16xf32>
      %add3A_1048 = arith.addf %add3A_1020, %select_n3A_1047 : vector<16xf32>
      %mul3A_1049 = arith.constant 4 : i32
      %mul3A_1050 = arith.muli %scan3A_991, %mul3A_1049 : i32
      %add3A_1051 = arith.constant 2 : i32
      %add3A_1052 = arith.addi %mul3A_1050, %add3A_1051 : i32
      %mul3A_1053 = arith.constant 16 : i32
      %mul3A_1054 = arith.muli %add3A_1052, %mul3A_1053 : i32
      %get3A_1055 = arith.constant 2 : i32
      %get3A_1056 = arith.index_cast %get3A_1055 : i32 to index
      %get3A_1057 = arith.index_cast %mul3A_1054 : i32 to index
      %get3A_1058 = tpu.vector_load %arg5[%get3A_1056, %get3A_1057] {strides = array<i32>} : memref<4x4096xf32, #tpu.memory_space<vmem>>, vector<16xf32>,
      %get3A_1059 = arith.constant 2 : i32
      %get3A_1060 = arith.index_cast %get3A_1059 : i32 to index
      %get3A_1061 = arith.index_cast %mul3A_1054 : i32 to index
      %get3A_1062 = tpu.vector_load %arg6[%get3A_1060, %get3A_1061] {strides = array<i32>} : memref<4x4096xi32, #tpu.memory_space<vmem>>, vector<16xi32>,
      %eq3A_1063 = arith.constant 1 : i32
      %eq3A_1064 = vector.broadcast %eq3A_1063 : i32 to vector<16xi32>
      %eq3A_1065 = arith.cmpi eq, %get3A_1062, %eq3A_1064 : vector<16xi32>
      %exp3A_1066 = math.exp %get3A_1058 : vector<16xf32>
      %jit3A_1067 = arith.constant 0.000000e+00 : f32
      %broadcast_in_dim3A_1068 = vector.broadcast %jit3A_1067 : f32 to vector<16xf32>
      %select_n3A_1069 = arith.select %eq3A_1065, %broadcast_in_dim3A_1068, %exp3A_1066 : vector<16xi1>, vector<16xf32>
      %add3A_1070 = arith.addf %add3A_1042, %select_n3A_1069 : vector<16xf32>
      %jit3A_1071 = arith.constant 1.000000e+00 : f32
      %jit3A_1072 = arith.constant 0.000000e+00 : f32
      %broadcast_in_dim3A_1073 = vector.broadcast %jit3A_1071 : f32 to vector<16xf32>
      %broadcast_in_dim3A_1074 = vector.broadcast %jit3A_1072 : f32 to vector<16xf32>
      %select_n3A_1075 = arith.select %eq3A_1065, %broadcast_in_dim3A_1073, %broadcast_in_dim3A_1074 : vector<16xi1>, vector<16xf32>
      %add3A_1076 = arith.addf %add3A_1048, %select_n3A_1075 : vector<16xf32>
      %mul3A_1077 = arith.constant 4 : i32
      %mul3A_1078 = arith.muli %scan3A_991, %mul3A_1077 : i32
      %add3A_1079 = arith.constant 3 : i32
      %add3A_1080 = arith.addi %mul3A_1078, %add3A_1079 : i32
      %mul3A_1081 = arith.constant 16 : i32
      %mul3A_1082 = arith.muli %add3A_1080, %mul3A_1081 : i32
      %get3A_1083 = arith.constant 2 : i32
      %get3A_1084 = arith.index_cast %get3A_1083 : i32 to index
      %get3A_1085 = arith.index_cast %mul3A_1082 : i32 to index
      %get3A_1086 = tpu.vector_load %arg5[%get3A_1084, %get3A_1085] {strides = array<i32>} : memref<4x4096xf32, #tpu.memory_space<vmem>>, vector<16xf32>,
      %get3A_1087 = arith.constant 2 : i32
      %get3A_1088 = arith.index_cast %get3A_1087 : i32 to index
      %get3A_1089 = arith.index_cast %mul3A_1082 : i32 to index
      %get3A_1090 = tpu.vector_load %arg6[%get3A_1088, %get3A_1089] {strides = array<i32>} : memref<4x4096xi32, #tpu.memory_space<vmem>>, vector<16xi32>,
      %eq3A_1091 = arith.constant 1 : i32
      %eq3A_1092 = vector.broadcast %eq3A_1091 : i32 to vector<16xi32>
      %eq3A_1093 = arith.cmpi eq, %get3A_1090, %eq3A_1092 : vector<16xi32>
      %exp3A_1094 = math.exp %get3A_1086 : vector<16xf32>
      %jit3A_1095 = arith.constant 0.000000e+00 : f32
      %broadcast_in_dim3A_1096 = vector.broadcast %jit3A_1095 : f32 to vector<16xf32>
      %select_n3A_1097 = arith.select %eq3A_1093, %broadcast_in_dim3A_1096, %exp3A_1094 : vector<16xi1>, vector<16xf32>
      %add3A_1098 = arith.addf %add3A_1070, %select_n3A_1097 : vector<16xf32>
      %jit3A_1099 = arith.constant 1.000000e+00 : f32
      %jit3A_1100 = arith.constant 0.000000e+00 : f32
      %broadcast_in_dim3A_1101 = vector.broadcast %jit3A_1099 : f32 to vector<16xf32>
      %broadcast_in_dim3A_1102 = vector.broadcast %jit3A_1100 : f32 to vector<16xf32>
      %select_n3A_1103 = arith.select %eq3A_1093, %broadcast_in_dim3A_1101, %broadcast_in_dim3A_1102 : vector<16xi1>, vector<16xf32>
      %add3A_1104 = arith.addf %add3A_1076, %select_n3A_1103 : vector<16xf32>
      scf.yield %add3A_1098, %add3A_1104 : vector<16xf32>, vector<16xf32>
    }
    %scan3A_496 = arith.constant 64 : i32
    %reduce_sum3A_497 = arith.constant true
    %reduce_sum3A_498 = vector.broadcast %reduce_sum3A_497 : i1 to vector<16xi1>
    %reduce_sum3A_499 = tpu.scan <sum>, %scan3A_495#1 masked %reduce_sum3A_498 : vector<16xf32>, vector<16xi1> -> vector<16xf32>
    %reduce_sum3A_500 = vector.extract %reduce_sum3A_499[15] : f32 from vector<16xf32>
    %reduce_sum3A_501 = arith.constant true
    %reduce_sum3A_502 = vector.broadcast %reduce_sum3A_501 : i1 to vector<16xi1>
    %reduce_sum3A_503 = tpu.scan <sum>, %scan3A_495#0 masked %reduce_sum3A_502 : vector<16xf32>, vector<16xi1> -> vector<16xf32>
    %reduce_sum3A_504 = vector.extract %reduce_sum3A_503[15] : f32 from vector<16xf32>
    %max3A_505 = arith.constant 1.000000e-30 : f32
    %max3A_506 = arith.maximumf %reduce_sum3A_504, %max3A_505 : f32
    %broadcast_in_dim3A_507 = arith.constant 1.000000e+00 : f32
    %broadcast_in_dim3A_508 = vector.broadcast %broadcast_in_dim3A_507 : f32 to vector<16xf32>
    %mul3A_509 = vector.broadcast %max3A_506 : f32 to vector<16xf32>
    %mul3A_510 = arith.mulf %mul3A_509, %broadcast_in_dim3A_508 : vector<16xf32>
    %bitcast3A_511 = vector.bitcast %mul3A_510 : vector<16xf32> to vector<16xi32>
    %shift_right_arithmetic3A_512 = arith.constant 23 : i32
    %shift_right_arithmetic3A_513 = vector.broadcast %shift_right_arithmetic3A_512 : i32 to vector<16xi32>
    %shift_right_arithmetic3A_514 = arith.shrsi %bitcast3A_511, %shift_right_arithmetic3A_513 : vector<16xi32>
    %sub3A_515 = arith.constant 127 : i32
    %sub3A_516 = vector.broadcast %sub3A_515 : i32 to vector<16xi32>
    %sub3A_517 = arith.subi %shift_right_arithmetic3A_514, %sub3A_516 : vector<16xi32>
    %and3A_518 = arith.constant 8388607 : i32
    %and3A_519 = vector.broadcast %and3A_518 : i32 to vector<16xi32>
    %and3A_520 = arith.andi %bitcast3A_511, %and3A_519 : vector<16xi32>
    %or3A_521 = arith.constant 1065353216 : i32
    %or3A_522 = vector.broadcast %or3A_521 : i32 to vector<16xi32>
    %or3A_523 = arith.ori %and3A_520, %or3A_522 : vector<16xi32>
    %bitcast3A_524 = vector.bitcast %or3A_523 : vector<16xi32> to vector<16xf32>
    %sub3A_525 = arith.constant 1.000000e+00 : f32
    %sub3A_526 = vector.broadcast %sub3A_525 : f32 to vector<16xf32>
    %sub3A_527 = arith.subf %bitcast3A_524, %sub3A_526 : vector<16xf32>
    %add3A_528 = arith.constant 1.000000e+00 : f32
    %add3A_529 = vector.broadcast %add3A_528 : f32 to vector<16xf32>
    %add3A_530 = arith.addf %bitcast3A_524, %add3A_529 : vector<16xf32>
    %div3A_531 = arith.divf %sub3A_527, %add3A_530 : vector<16xf32>
    %mul3A_532 = arith.mulf %div3A_531, %div3A_531 : vector<16xf32>
    %mul3A_533 = arith.constant 0.222222224 : f32
    %mul3A_534 = vector.broadcast %mul3A_533 : f32 to vector<16xf32>
    %mul3A_535 = arith.mulf %mul3A_532, %mul3A_534 : vector<16xf32>
    %add3A_536 = arith.constant 0.285714298 : f32
    %add3A_537 = vector.broadcast %add3A_536 : f32 to vector<16xf32>
    %add3A_538 = arith.addf %add3A_537, %mul3A_535 : vector<16xf32>
    %mul3A_539 = arith.mulf %mul3A_532, %add3A_538 : vector<16xf32>
    %add3A_540 = arith.constant 4.000000e-01 : f32
    %add3A_541 = vector.broadcast %add3A_540 : f32 to vector<16xf32>
    %add3A_542 = arith.addf %add3A_541, %mul3A_539 : vector<16xf32>
    %mul3A_543 = arith.mulf %mul3A_532, %add3A_542 : vector<16xf32>
    %add3A_544 = arith.constant 0.666666686 : f32
    %add3A_545 = vector.broadcast %add3A_544 : f32 to vector<16xf32>
    %add3A_546 = arith.addf %add3A_545, %mul3A_543 : vector<16xf32>
    %mul3A_547 = arith.mulf %mul3A_532, %add3A_546 : vector<16xf32>
    %add3A_548 = arith.constant 2.000000e+00 : f32
    %add3A_549 = vector.broadcast %add3A_548 : f32 to vector<16xf32>
    %add3A_550 = arith.addf %add3A_549, %mul3A_547 : vector<16xf32>
    %convert_element_type3A_551 = arith.sitofp %sub3A_517 : vector<16xi32> to vector<16xf32>
    %mul3A_552 = arith.constant 0.693147182 : f32
    %mul3A_553 = vector.broadcast %mul3A_552 : f32 to vector<16xf32>
    %mul3A_554 = arith.mulf %convert_element_type3A_551, %mul3A_553 : vector<16xf32>
    %mul3A_555 = arith.mulf %div3A_531, %add3A_550 : vector<16xf32>
    %add3A_556 = arith.addf %mul3A_554, %mul3A_555 : vector<16xf32>
    %swap3A_557 = arith.constant 0 : index
    %swap3A_558 = tpu.vector_load %arg8[%swap3A_557] {strides = array<i32>} : memref<32xi32, #tpu.memory_space<vmem>>, vector<16xi32>,
    tpu.vector_store %arg8[%swap3A_557], %broadcast_in_dim3A_3 {strides = array<i32>} : memref<32xi32, #tpu.memory_space<vmem>>, vector<16xi32>,
    %swap3A_559 = arith.constant 16 : index
    %swap3A_560 = tpu.vector_load %arg8[%swap3A_559] {strides = array<i32>} : memref<32xi32, #tpu.memory_space<vmem>>, vector<16xi32>,
    tpu.vector_store %arg8[%swap3A_559], %broadcast_in_dim3A_3 {strides = array<i32>} : memref<32xi32, #tpu.memory_space<vmem>>, vector<16xi32>,
    %broadcast_in_dim3A_561 = arith.constant 0.000000e+00 : f32
    %broadcast_in_dim3A_562 = vector.broadcast %broadcast_in_dim3A_561 : f32 to vector<16xf32>
    %scan3A_563 = arith.constant 0 : i32
    %scan3A_564 = arith.constant 64 : i32
    %scan3A_565 = arith.addi %scan3A_563, %scan3A_564 : i32
    %scan3A_566 = arith.constant 1 : i32
    %scan3A_567 = scf.for %scan3A_991 = %scan3A_563 to %scan3A_565 step %scan3A_566 iter_args(%scan3A_992 = %broadcast_in_dim3A_562) -> (vector<16xf32>)  : i32 {
      %mul3A_993 = arith.constant 4 : i32
      %mul3A_994 = arith.muli %scan3A_991, %mul3A_993 : i32
      %add3A_995 = arith.constant 0 : i32
      %add3A_996 = arith.addi %mul3A_994, %add3A_995 : i32
      %mul3A_997 = arith.constant 16 : i32
      %mul3A_998 = arith.muli %add3A_996, %mul3A_997 : i32
      %get3A_999 = arith.constant 2 : i32
      %get3A_1000 = arith.index_cast %get3A_999 : i32 to index
      %get3A_1001 = arith.index_cast %mul3A_998 : i32 to index
      %get3A_1002 = tpu.vector_load %arg5[%get3A_1000, %get3A_1001] {strides = array<i32>} : memref<4x4096xf32, #tpu.memory_space<vmem>>, vector<16xf32>,
      %get3A_1003 = arith.constant 2 : i32
      %get3A_1004 = arith.index_cast %get3A_1003 : i32 to index
      %get3A_1005 = arith.index_cast %mul3A_998 : i32 to index
      %get3A_1006 = tpu.vector_load %arg6[%get3A_1004, %get3A_1005] {strides = array<i32>} : memref<4x4096xi32, #tpu.memory_space<vmem>>, vector<16xi32>,
      %eq3A_1007 = arith.constant 1 : i32
      %eq3A_1008 = vector.broadcast %eq3A_1007 : i32 to vector<16xi32>
      %eq3A_1009 = arith.cmpi eq, %get3A_1006, %eq3A_1008 : vector<16xi32>
      %abs3A = math.absf %get3A_1002 : vector<16xf32>
      %neg3A = arith.constant 0.000000e+00 : f32
      %neg3A_1010 = vector.broadcast %neg3A : f32 to vector<16xf32>
      %neg3A_1011 = arith.subf %neg3A_1010, %abs3A : vector<16xf32>
      %exp3A = math.exp %neg3A_1011 : vector<16xf32>
      %neg3A_1012 = arith.constant 0.000000e+00 : f32
      %neg3A_1013 = vector.broadcast %neg3A_1012 : f32 to vector<16xf32>
      %neg3A_1014 = arith.subf %neg3A_1013, %get3A_1002 : vector<16xf32>
      %select_n3A_1015 = arith.select %eq3A_1009, %neg3A_1014, %get3A_1002 : vector<16xi1>, vector<16xf32>
      %max3A_1016 = arith.constant 0.000000e+00 : f32
      %max3A_1017 = vector.broadcast %max3A_1016 : f32 to vector<16xf32>
      %max3A_1018 = arith.maximumf %select_n3A_1015, %max3A_1017 : vector<16xf32>
      %mul3A_1019 = arith.mulf %exp3A, %exp3A : vector<16xf32>
      %mul3A_1020 = arith.constant 0.995426654 : f32
      %mul3A_1021 = vector.broadcast %mul3A_1020 : f32 to vector<16xf32>
      %mul3A_1022 = arith.mulf %mul3A_1021, %exp3A : vector<16xf32>
      %add3A_1023 = arith.constant 1.41580167E-4 : f32
      %add3A_1024 = vector.broadcast %add3A_1023 : f32 to vector<16xf32>
      %add3A_1025 = arith.addf %add3A_1024, %mul3A_1022 : vector<16xf32>
      %mul3A_1026 = arith.constant 0.216408581 : f32
      %mul3A_1027 = vector.broadcast %mul3A_1026 : f32 to vector<16xf32>
      %mul3A_1028 = arith.mulf %mul3A_1027, %exp3A : vector<16xf32>
      %add3A_1029 = arith.constant -0.464070708 : f32
      %add3A_1030 = vector.broadcast %add3A_1029 : f32 to vector<16xf32>
      %add3A_1031 = arith.addf %add3A_1030, %mul3A_1028 : vector<16xf32>
      %mul3A_1032 = arith.constant -0.0548623092 : f32
      %mul3A_1033 = vector.broadcast %mul3A_1032 : f32 to vector<16xf32>
      %mul3A_1034 = arith.mulf %mul3A_1033, %mul3A_1019 : vector<16xf32>
      %add3A_1035 = arith.addf %add3A_1031, %mul3A_1034 : vector<16xf32>
      %mul3A_1036 = arith.mulf %mul3A_1019, %add3A_1035 : vector<16xf32>
      %add3A_1037 = arith.addf %add3A_1025, %mul3A_1036 : vector<16xf32>
      %add3A_1038 = arith.addf %max3A_1018, %add3A_1037 : vector<16xf32>
      %bitcast3A_1039 = vector.bitcast %add3A_1038 : vector<16xf32> to vector<16xi32>
      %swap3A_1040 = arith.index_cast %mul3A_998 : i32 to index
      %swap3A_1041 = tpu.vector_load %arg7[%swap3A_1040] {strides = array<i32>} : memref<4096xi32, #tpu.memory_space<vmem>>, vector<16xi32>,
      tpu.vector_store %arg7[%swap3A_1040], %bitcast3A_1039 {strides = array<i32>} : memref<4096xi32, #tpu.memory_space<vmem>>, vector<16xi32>,
      %shift_right_arithmetic3A_1042 = arith.constant 27 : i32
      %shift_right_arithmetic3A_1043 = vector.broadcast %shift_right_arithmetic3A_1042 : i32 to vector<16xi32>
      %shift_right_arithmetic3A_1044 = arith.shrsi %bitcast3A_1039, %shift_right_arithmetic3A_1043 : vector<16xi32>
      %broadcast_in_dim3A_1045 = arith.constant true
      %broadcast_in_dim3A_1046 = vector.broadcast %broadcast_in_dim3A_1045 : i1 to vector<16xi1>
      %unique3A, %unique3A_1047 = tpu.scan_count mask(%broadcast_in_dim3A_1046 : vector<16xi1>) value(%shift_right_arithmetic3A_1044 : vector<16xi32>) : vector<16xi1>, vector<16xi32>
      tpu.vector_store_idx %arg8[%shift_right_arithmetic3A_1044], %unique3A_1047 masked %unique3A {add = true} : memref<32xi32, #tpu.memory_space<vmem>>[vector<16xi32>], vector<16xi32>, vector<16xi1>
      %sub3A_1048 = arith.subf %add3A_556, %get3A_1002 : vector<16xf32>
      %jit3A_1049 = arith.constant -8.000000e+01 : f32
      %jit3A_1050 = arith.constant 8.000000e+01 : f32
      %max3A_1051 = vector.broadcast %jit3A_1049 : f32 to vector<16xf32>
      %max3A_1052 = arith.maximumf %max3A_1051, %sub3A_1048 : vector<16xf32>
      %min3A = vector.broadcast %jit3A_1050 : f32 to vector<16xf32>
      %min3A_1053 = arith.minimumf %min3A, %max3A_1052 : vector<16xf32>
      %abs3A_1054 = math.absf %min3A_1053 : vector<16xf32>
      %neg3A_1055 = arith.constant 0.000000e+00 : f32
      %neg3A_1056 = vector.broadcast %neg3A_1055 : f32 to vector<16xf32>
      %neg3A_1057 = arith.subf %neg3A_1056, %abs3A_1054 : vector<16xf32>
      %exp3A_1058 = math.exp %neg3A_1057 : vector<16xf32>
      %max3A_1059 = arith.constant 0.000000e+00 : f32
      %max3A_1060 = vector.broadcast %max3A_1059 : f32 to vector<16xf32>
      %max3A_1061 = arith.maximumf %min3A_1053, %max3A_1060 : vector<16xf32>
      %mul3A_1062 = arith.mulf %exp3A_1058, %exp3A_1058 : vector<16xf32>
      %mul3A_1063 = arith.constant 0.995426654 : f32
      %mul3A_1064 = vector.broadcast %mul3A_1063 : f32 to vector<16xf32>
      %mul3A_1065 = arith.mulf %mul3A_1064, %exp3A_1058 : vector<16xf32>
      %add3A_1066 = arith.constant 1.41580167E-4 : f32
      %add3A_1067 = vector.broadcast %add3A_1066 : f32 to vector<16xf32>
      %add3A_1068 = arith.addf %add3A_1067, %mul3A_1065 : vector<16xf32>
      %mul3A_1069 = arith.constant 0.216408581 : f32
      %mul3A_1070 = vector.broadcast %mul3A_1069 : f32 to vector<16xf32>
      %mul3A_1071 = arith.mulf %mul3A_1070, %exp3A_1058 : vector<16xf32>
      %add3A_1072 = arith.constant -0.464070708 : f32
      %add3A_1073 = vector.broadcast %add3A_1072 : f32 to vector<16xf32>
      %add3A_1074 = arith.addf %add3A_1073, %mul3A_1071 : vector<16xf32>
      %mul3A_1075 = arith.constant -0.0548623092 : f32
      %mul3A_1076 = vector.broadcast %mul3A_1075 : f32 to vector<16xf32>
      %mul3A_1077 = arith.mulf %mul3A_1076, %mul3A_1062 : vector<16xf32>
      %add3A_1078 = arith.addf %add3A_1074, %mul3A_1077 : vector<16xf32>
      %mul3A_1079 = arith.mulf %mul3A_1062, %add3A_1078 : vector<16xf32>
      %add3A_1080 = arith.addf %add3A_1068, %mul3A_1079 : vector<16xf32>
      %add3A_1081 = arith.addf %max3A_1061, %add3A_1080 : vector<16xf32>
      %jit3A_1082 = arith.constant 0.000000e+00 : f32
      %broadcast_in_dim3A_1083 = vector.broadcast %jit3A_1082 : f32 to vector<16xf32>
      %select_n3A_1084 = arith.select %eq3A_1009, %add3A_1081, %broadcast_in_dim3A_1083 : vector<16xi1>, vector<16xf32>
      %add3A_1085 = arith.addf %scan3A_992, %select_n3A_1084 : vector<16xf32>
      %mul3A_1086 = arith.constant 4 : i32
      %mul3A_1087 = arith.muli %scan3A_991, %mul3A_1086 : i32
      %add3A_1088 = arith.constant 1 : i32
      %add3A_1089 = arith.addi %mul3A_1087, %add3A_1088 : i32
      %mul3A_1090 = arith.constant 16 : i32
      %mul3A_1091 = arith.muli %add3A_1089, %mul3A_1090 : i32
      %get3A_1092 = arith.constant 2 : i32
      %get3A_1093 = arith.index_cast %get3A_1092 : i32 to index
      %get3A_1094 = arith.index_cast %mul3A_1091 : i32 to index
      %get3A_1095 = tpu.vector_load %arg5[%get3A_1093, %get3A_1094] {strides = array<i32>} : memref<4x4096xf32, #tpu.memory_space<vmem>>, vector<16xf32>,
      %get3A_1096 = arith.constant 2 : i32
      %get3A_1097 = arith.index_cast %get3A_1096 : i32 to index
      %get3A_1098 = arith.index_cast %mul3A_1091 : i32 to index
      %get3A_1099 = tpu.vector_load %arg6[%get3A_1097, %get3A_1098] {strides = array<i32>} : memref<4x4096xi32, #tpu.memory_space<vmem>>, vector<16xi32>,
      %eq3A_1100 = arith.constant 1 : i32
      %eq3A_1101 = vector.broadcast %eq3A_1100 : i32 to vector<16xi32>
      %eq3A_1102 = arith.cmpi eq, %get3A_1099, %eq3A_1101 : vector<16xi32>
      %abs3A_1103 = math.absf %get3A_1095 : vector<16xf32>
      %neg3A_1104 = arith.constant 0.000000e+00 : f32
      %neg3A_1105 = vector.broadcast %neg3A_1104 : f32 to vector<16xf32>
      %neg3A_1106 = arith.subf %neg3A_1105, %abs3A_1103 : vector<16xf32>
      %exp3A_1107 = math.exp %neg3A_1106 : vector<16xf32>
      %neg3A_1108 = arith.constant 0.000000e+00 : f32
      %neg3A_1109 = vector.broadcast %neg3A_1108 : f32 to vector<16xf32>
      %neg3A_1110 = arith.subf %neg3A_1109, %get3A_1095 : vector<16xf32>
      %select_n3A_1111 = arith.select %eq3A_1102, %neg3A_1110, %get3A_1095 : vector<16xi1>, vector<16xf32>
      %max3A_1112 = arith.constant 0.000000e+00 : f32
      %max3A_1113 = vector.broadcast %max3A_1112 : f32 to vector<16xf32>
      %max3A_1114 = arith.maximumf %select_n3A_1111, %max3A_1113 : vector<16xf32>
      %mul3A_1115 = arith.mulf %exp3A_1107, %exp3A_1107 : vector<16xf32>
      %mul3A_1116 = arith.constant 0.995426654 : f32
      %mul3A_1117 = vector.broadcast %mul3A_1116 : f32 to vector<16xf32>
      %mul3A_1118 = arith.mulf %mul3A_1117, %exp3A_1107 : vector<16xf32>
      %add3A_1119 = arith.constant 1.41580167E-4 : f32
      %add3A_1120 = vector.broadcast %add3A_1119 : f32 to vector<16xf32>
      %add3A_1121 = arith.addf %add3A_1120, %mul3A_1118 : vector<16xf32>
      %mul3A_1122 = arith.constant 0.216408581 : f32
      %mul3A_1123 = vector.broadcast %mul3A_1122 : f32 to vector<16xf32>
      %mul3A_1124 = arith.mulf %mul3A_1123, %exp3A_1107 : vector<16xf32>
      %add3A_1125 = arith.constant -0.464070708 : f32
      %add3A_1126 = vector.broadcast %add3A_1125 : f32 to vector<16xf32>
      %add3A_1127 = arith.addf %add3A_1126, %mul3A_1124 : vector<16xf32>
      %mul3A_1128 = arith.constant -0.0548623092 : f32
      %mul3A_1129 = vector.broadcast %mul3A_1128 : f32 to vector<16xf32>
      %mul3A_1130 = arith.mulf %mul3A_1129, %mul3A_1115 : vector<16xf32>
      %add3A_1131 = arith.addf %add3A_1127, %mul3A_1130 : vector<16xf32>
      %mul3A_1132 = arith.mulf %mul3A_1115, %add3A_1131 : vector<16xf32>
      %add3A_1133 = arith.addf %add3A_1121, %mul3A_1132 : vector<16xf32>
      %add3A_1134 = arith.addf %max3A_1114, %add3A_1133 : vector<16xf32>
      %bitcast3A_1135 = vector.bitcast %add3A_1134 : vector<16xf32> to vector<16xi32>
      %swap3A_1136 = arith.index_cast %mul3A_1091 : i32 to index
      %swap3A_1137 = tpu.vector_load %arg7[%swap3A_1136] {strides = array<i32>} : memref<4096xi32, #tpu.memory_space<vmem>>, vector<16xi32>,
      tpu.vector_store %arg7[%swap3A_1136], %bitcast3A_1135 {strides = array<i32>} : memref<4096xi32, #tpu.memory_space<vmem>>, vector<16xi32>,
      %shift_right_arithmetic3A_1138 = arith.constant 27 : i32
      %shift_right_arithmetic3A_1139 = vector.broadcast %shift_right_arithmetic3A_1138 : i32 to vector<16xi32>
      %shift_right_arithmetic3A_1140 = arith.shrsi %bitcast3A_1135, %shift_right_arithmetic3A_1139 : vector<16xi32>
      %broadcast_in_dim3A_1141 = arith.constant true
      %broadcast_in_dim3A_1142 = vector.broadcast %broadcast_in_dim3A_1141 : i1 to vector<16xi1>
      %unique3A_1143, %unique3A_1144 = tpu.scan_count mask(%broadcast_in_dim3A_1142 : vector<16xi1>) value(%shift_right_arithmetic3A_1140 : vector<16xi32>) : vector<16xi1>, vector<16xi32>
      tpu.vector_store_idx %arg8[%shift_right_arithmetic3A_1140], %unique3A_1144 masked %unique3A_1143 {add = true} : memref<32xi32, #tpu.memory_space<vmem>>[vector<16xi32>], vector<16xi32>, vector<16xi1>
      %sub3A_1145 = arith.subf %add3A_556, %get3A_1095 : vector<16xf32>
      %jit3A_1146 = arith.constant -8.000000e+01 : f32
      %jit3A_1147 = arith.constant 8.000000e+01 : f32
      %max3A_1148 = vector.broadcast %jit3A_1146 : f32 to vector<16xf32>
      %max3A_1149 = arith.maximumf %max3A_1148, %sub3A_1145 : vector<16xf32>
      %min3A_1150 = vector.broadcast %jit3A_1147 : f32 to vector<16xf32>
      %min3A_1151 = arith.minimumf %min3A_1150, %max3A_1149 : vector<16xf32>
      %abs3A_1152 = math.absf %min3A_1151 : vector<16xf32>
      %neg3A_1153 = arith.constant 0.000000e+00 : f32
      %neg3A_1154 = vector.broadcast %neg3A_1153 : f32 to vector<16xf32>
      %neg3A_1155 = arith.subf %neg3A_1154, %abs3A_1152 : vector<16xf32>
      %exp3A_1156 = math.exp %neg3A_1155 : vector<16xf32>
      %max3A_1157 = arith.constant 0.000000e+00 : f32
      %max3A_1158 = vector.broadcast %max3A_1157 : f32 to vector<16xf32>
      %max3A_1159 = arith.maximumf %min3A_1151, %max3A_1158 : vector<16xf32>
      %mul3A_1160 = arith.mulf %exp3A_1156, %exp3A_1156 : vector<16xf32>
      %mul3A_1161 = arith.constant 0.995426654 : f32
      %mul3A_1162 = vector.broadcast %mul3A_1161 : f32 to vector<16xf32>
      %mul3A_1163 = arith.mulf %mul3A_1162, %exp3A_1156 : vector<16xf32>
      %add3A_1164 = arith.constant 1.41580167E-4 : f32
      %add3A_1165 = vector.broadcast %add3A_1164 : f32 to vector<16xf32>
      %add3A_1166 = arith.addf %add3A_1165, %mul3A_1163 : vector<16xf32>
      %mul3A_1167 = arith.constant 0.216408581 : f32
      %mul3A_1168 = vector.broadcast %mul3A_1167 : f32 to vector<16xf32>
      %mul3A_1169 = arith.mulf %mul3A_1168, %exp3A_1156 : vector<16xf32>
      %add3A_1170 = arith.constant -0.464070708 : f32
      %add3A_1171 = vector.broadcast %add3A_1170 : f32 to vector<16xf32>
      %add3A_1172 = arith.addf %add3A_1171, %mul3A_1169 : vector<16xf32>
      %mul3A_1173 = arith.constant -0.0548623092 : f32
      %mul3A_1174 = vector.broadcast %mul3A_1173 : f32 to vector<16xf32>
      %mul3A_1175 = arith.mulf %mul3A_1174, %mul3A_1160 : vector<16xf32>
      %add3A_1176 = arith.addf %add3A_1172, %mul3A_1175 : vector<16xf32>
      %mul3A_1177 = arith.mulf %mul3A_1160, %add3A_1176 : vector<16xf32>
      %add3A_1178 = arith.addf %add3A_1166, %mul3A_1177 : vector<16xf32>
      %add3A_1179 = arith.addf %max3A_1159, %add3A_1178 : vector<16xf32>
      %jit3A_1180 = arith.constant 0.000000e+00 : f32
      %broadcast_in_dim3A_1181 = vector.broadcast %jit3A_1180 : f32 to vector<16xf32>
      %select_n3A_1182 = arith.select %eq3A_1102, %add3A_1179, %broadcast_in_dim3A_1181 : vector<16xi1>, vector<16xf32>
      %add3A_1183 = arith.addf %add3A_1085, %select_n3A_1182 : vector<16xf32>
      %mul3A_1184 = arith.constant 4 : i32
      %mul3A_1185 = arith.muli %scan3A_991, %mul3A_1184 : i32
      %add3A_1186 = arith.constant 2 : i32
      %add3A_1187 = arith.addi %mul3A_1185, %add3A_1186 : i32
      %mul3A_1188 = arith.constant 16 : i32
      %mul3A_1189 = arith.muli %add3A_1187, %mul3A_1188 : i32
      %get3A_1190 = arith.constant 2 : i32
      %get3A_1191 = arith.index_cast %get3A_1190 : i32 to index
      %get3A_1192 = arith.index_cast %mul3A_1189 : i32 to index
      %get3A_1193 = tpu.vector_load %arg5[%get3A_1191, %get3A_1192] {strides = array<i32>} : memref<4x4096xf32, #tpu.memory_space<vmem>>, vector<16xf32>,
      %get3A_1194 = arith.constant 2 : i32
      %get3A_1195 = arith.index_cast %get3A_1194 : i32 to index
      %get3A_1196 = arith.index_cast %mul3A_1189 : i32 to index
      %get3A_1197 = tpu.vector_load %arg6[%get3A_1195, %get3A_1196] {strides = array<i32>} : memref<4x4096xi32, #tpu.memory_space<vmem>>, vector<16xi32>,
      %eq3A_1198 = arith.constant 1 : i32
      %eq3A_1199 = vector.broadcast %eq3A_1198 : i32 to vector<16xi32>
      %eq3A_1200 = arith.cmpi eq, %get3A_1197, %eq3A_1199 : vector<16xi32>
      %abs3A_1201 = math.absf %get3A_1193 : vector<16xf32>
      %neg3A_1202 = arith.constant 0.000000e+00 : f32
      %neg3A_1203 = vector.broadcast %neg3A_1202 : f32 to vector<16xf32>
      %neg3A_1204 = arith.subf %neg3A_1203, %abs3A_1201 : vector<16xf32>
      %exp3A_1205 = math.exp %neg3A_1204 : vector<16xf32>
      %neg3A_1206 = arith.constant 0.000000e+00 : f32
      %neg3A_1207 = vector.broadcast %neg3A_1206 : f32 to vector<16xf32>
      %neg3A_1208 = arith.subf %neg3A_1207, %get3A_1193 : vector<16xf32>
      %select_n3A_1209 = arith.select %eq3A_1200, %neg3A_1208, %get3A_1193 : vector<16xi1>, vector<16xf32>
      %max3A_1210 = arith.constant 0.000000e+00 : f32
      %max3A_1211 = vector.broadcast %max3A_1210 : f32 to vector<16xf32>
      %max3A_1212 = arith.maximumf %select_n3A_1209, %max3A_1211 : vector<16xf32>
      %mul3A_1213 = arith.mulf %exp3A_1205, %exp3A_1205 : vector<16xf32>
      %mul3A_1214 = arith.constant 0.995426654 : f32
      %mul3A_1215 = vector.broadcast %mul3A_1214 : f32 to vector<16xf32>
      %mul3A_1216 = arith.mulf %mul3A_1215, %exp3A_1205 : vector<16xf32>
      %add3A_1217 = arith.constant 1.41580167E-4 : f32
      %add3A_1218 = vector.broadcast %add3A_1217 : f32 to vector<16xf32>
      %add3A_1219 = arith.addf %add3A_1218, %mul3A_1216 : vector<16xf32>
      %mul3A_1220 = arith.constant 0.216408581 : f32
      %mul3A_1221 = vector.broadcast %mul3A_1220 : f32 to vector<16xf32>
      %mul3A_1222 = arith.mulf %mul3A_1221, %exp3A_1205 : vector<16xf32>
      %add3A_1223 = arith.constant -0.464070708 : f32
      %add3A_1224 = vector.broadcast %add3A_1223 : f32 to vector<16xf32>
      %add3A_1225 = arith.addf %add3A_1224, %mul3A_1222 : vector<16xf32>
      %mul3A_1226 = arith.constant -0.0548623092 : f32
      %mul3A_1227 = vector.broadcast %mul3A_1226 : f32 to vector<16xf32>
      %mul3A_1228 = arith.mulf %mul3A_1227, %mul3A_1213 : vector<16xf32>
      %add3A_1229 = arith.addf %add3A_1225, %mul3A_1228 : vector<16xf32>
      %mul3A_1230 = arith.mulf %mul3A_1213, %add3A_1229 : vector<16xf32>
      %add3A_1231 = arith.addf %add3A_1219, %mul3A_1230 : vector<16xf32>
      %add3A_1232 = arith.addf %max3A_1212, %add3A_1231 : vector<16xf32>
      %bitcast3A_1233 = vector.bitcast %add3A_1232 : vector<16xf32> to vector<16xi32>
      %swap3A_1234 = arith.index_cast %mul3A_1189 : i32 to index
      %swap3A_1235 = tpu.vector_load %arg7[%swap3A_1234] {strides = array<i32>} : memref<4096xi32, #tpu.memory_space<vmem>>, vector<16xi32>,
      tpu.vector_store %arg7[%swap3A_1234], %bitcast3A_1233 {strides = array<i32>} : memref<4096xi32, #tpu.memory_space<vmem>>, vector<16xi32>,
      %shift_right_arithmetic3A_1236 = arith.constant 27 : i32
      %shift_right_arithmetic3A_1237 = vector.broadcast %shift_right_arithmetic3A_1236 : i32 to vector<16xi32>
      %shift_right_arithmetic3A_1238 = arith.shrsi %bitcast3A_1233, %shift_right_arithmetic3A_1237 : vector<16xi32>
      %broadcast_in_dim3A_1239 = arith.constant true
      %broadcast_in_dim3A_1240 = vector.broadcast %broadcast_in_dim3A_1239 : i1 to vector<16xi1>
      %unique3A_1241, %unique3A_1242 = tpu.scan_count mask(%broadcast_in_dim3A_1240 : vector<16xi1>) value(%shift_right_arithmetic3A_1238 : vector<16xi32>) : vector<16xi1>, vector<16xi32>
      tpu.vector_store_idx %arg8[%shift_right_arithmetic3A_1238], %unique3A_1242 masked %unique3A_1241 {add = true} : memref<32xi32, #tpu.memory_space<vmem>>[vector<16xi32>], vector<16xi32>, vector<16xi1>
      %sub3A_1243 = arith.subf %add3A_556, %get3A_1193 : vector<16xf32>
      %jit3A_1244 = arith.constant -8.000000e+01 : f32
      %jit3A_1245 = arith.constant 8.000000e+01 : f32
      %max3A_1246 = vector.broadcast %jit3A_1244 : f32 to vector<16xf32>
      %max3A_1247 = arith.maximumf %max3A_1246, %sub3A_1243 : vector<16xf32>
      %min3A_1248 = vector.broadcast %jit3A_1245 : f32 to vector<16xf32>
      %min3A_1249 = arith.minimumf %min3A_1248, %max3A_1247 : vector<16xf32>
      %abs3A_1250 = math.absf %min3A_1249 : vector<16xf32>
      %neg3A_1251 = arith.constant 0.000000e+00 : f32
      %neg3A_1252 = vector.broadcast %neg3A_1251 : f32 to vector<16xf32>
      %neg3A_1253 = arith.subf %neg3A_1252, %abs3A_1250 : vector<16xf32>
      %exp3A_1254 = math.exp %neg3A_1253 : vector<16xf32>
      %max3A_1255 = arith.constant 0.000000e+00 : f32
      %max3A_1256 = vector.broadcast %max3A_1255 : f32 to vector<16xf32>
      %max3A_1257 = arith.maximumf %min3A_1249, %max3A_1256 : vector<16xf32>
      %mul3A_1258 = arith.mulf %exp3A_1254, %exp3A_1254 : vector<16xf32>
      %mul3A_1259 = arith.constant 0.995426654 : f32
      %mul3A_1260 = vector.broadcast %mul3A_1259 : f32 to vector<16xf32>
      %mul3A_1261 = arith.mulf %mul3A_1260, %exp3A_1254 : vector<16xf32>
      %add3A_1262 = arith.constant 1.41580167E-4 : f32
      %add3A_1263 = vector.broadcast %add3A_1262 : f32 to vector<16xf32>
      %add3A_1264 = arith.addf %add3A_1263, %mul3A_1261 : vector<16xf32>
      %mul3A_1265 = arith.constant 0.216408581 : f32
      %mul3A_1266 = vector.broadcast %mul3A_1265 : f32 to vector<16xf32>
      %mul3A_1267 = arith.mulf %mul3A_1266, %exp3A_1254 : vector<16xf32>
      %add3A_1268 = arith.constant -0.464070708 : f32
      %add3A_1269 = vector.broadcast %add3A_1268 : f32 to vector<16xf32>
      %add3A_1270 = arith.addf %add3A_1269, %mul3A_1267 : vector<16xf32>
      %mul3A_1271 = arith.constant -0.0548623092 : f32
      %mul3A_1272 = vector.broadcast %mul3A_1271 : f32 to vector<16xf32>
      %mul3A_1273 = arith.mulf %mul3A_1272, %mul3A_1258 : vector<16xf32>
      %add3A_1274 = arith.addf %add3A_1270, %mul3A_1273 : vector<16xf32>
      %mul3A_1275 = arith.mulf %mul3A_1258, %add3A_1274 : vector<16xf32>
      %add3A_1276 = arith.addf %add3A_1264, %mul3A_1275 : vector<16xf32>
      %add3A_1277 = arith.addf %max3A_1257, %add3A_1276 : vector<16xf32>
      %jit3A_1278 = arith.constant 0.000000e+00 : f32
      %broadcast_in_dim3A_1279 = vector.broadcast %jit3A_1278 : f32 to vector<16xf32>
      %select_n3A_1280 = arith.select %eq3A_1200, %add3A_1277, %broadcast_in_dim3A_1279 : vector<16xi1>, vector<16xf32>
      %add3A_1281 = arith.addf %add3A_1183, %select_n3A_1280 : vector<16xf32>
      %mul3A_1282 = arith.constant 4 : i32
      %mul3A_1283 = arith.muli %scan3A_991, %mul3A_1282 : i32
      %add3A_1284 = arith.constant 3 : i32
      %add3A_1285 = arith.addi %mul3A_1283, %add3A_1284 : i32
      %mul3A_1286 = arith.constant 16 : i32
      %mul3A_1287 = arith.muli %add3A_1285, %mul3A_1286 : i32
      %get3A_1288 = arith.constant 2 : i32
      %get3A_1289 = arith.index_cast %get3A_1288 : i32 to index
      %get3A_1290 = arith.index_cast %mul3A_1287 : i32 to index
      %get3A_1291 = tpu.vector_load %arg5[%get3A_1289, %get3A_1290] {strides = array<i32>} : memref<4x4096xf32, #tpu.memory_space<vmem>>, vector<16xf32>,
      %get3A_1292 = arith.constant 2 : i32
      %get3A_1293 = arith.index_cast %get3A_1292 : i32 to index
      %get3A_1294 = arith.index_cast %mul3A_1287 : i32 to index
      %get3A_1295 = tpu.vector_load %arg6[%get3A_1293, %get3A_1294] {strides = array<i32>} : memref<4x4096xi32, #tpu.memory_space<vmem>>, vector<16xi32>,
      %eq3A_1296 = arith.constant 1 : i32
      %eq3A_1297 = vector.broadcast %eq3A_1296 : i32 to vector<16xi32>
      %eq3A_1298 = arith.cmpi eq, %get3A_1295, %eq3A_1297 : vector<16xi32>
      %abs3A_1299 = math.absf %get3A_1291 : vector<16xf32>
      %neg3A_1300 = arith.constant 0.000000e+00 : f32
      %neg3A_1301 = vector.broadcast %neg3A_1300 : f32 to vector<16xf32>
      %neg3A_1302 = arith.subf %neg3A_1301, %abs3A_1299 : vector<16xf32>
      %exp3A_1303 = math.exp %neg3A_1302 : vector<16xf32>
      %neg3A_1304 = arith.constant 0.000000e+00 : f32
      %neg3A_1305 = vector.broadcast %neg3A_1304 : f32 to vector<16xf32>
      %neg3A_1306 = arith.subf %neg3A_1305, %get3A_1291 : vector<16xf32>
      %select_n3A_1307 = arith.select %eq3A_1298, %neg3A_1306, %get3A_1291 : vector<16xi1>, vector<16xf32>
      %max3A_1308 = arith.constant 0.000000e+00 : f32
      %max3A_1309 = vector.broadcast %max3A_1308 : f32 to vector<16xf32>
      %max3A_1310 = arith.maximumf %select_n3A_1307, %max3A_1309 : vector<16xf32>
      %mul3A_1311 = arith.mulf %exp3A_1303, %exp3A_1303 : vector<16xf32>
      %mul3A_1312 = arith.constant 0.995426654 : f32
      %mul3A_1313 = vector.broadcast %mul3A_1312 : f32 to vector<16xf32>
      %mul3A_1314 = arith.mulf %mul3A_1313, %exp3A_1303 : vector<16xf32>
      %add3A_1315 = arith.constant 1.41580167E-4 : f32
      %add3A_1316 = vector.broadcast %add3A_1315 : f32 to vector<16xf32>
      %add3A_1317 = arith.addf %add3A_1316, %mul3A_1314 : vector<16xf32>
      %mul3A_1318 = arith.constant 0.216408581 : f32
      %mul3A_1319 = vector.broadcast %mul3A_1318 : f32 to vector<16xf32>
      %mul3A_1320 = arith.mulf %mul3A_1319, %exp3A_1303 : vector<16xf32>
      %add3A_1321 = arith.constant -0.464070708 : f32
      %add3A_1322 = vector.broadcast %add3A_1321 : f32 to vector<16xf32>
      %add3A_1323 = arith.addf %add3A_1322, %mul3A_1320 : vector<16xf32>
      %mul3A_1324 = arith.constant -0.0548623092 : f32
      %mul3A_1325 = vector.broadcast %mul3A_1324 : f32 to vector<16xf32>
      %mul3A_1326 = arith.mulf %mul3A_1325, %mul3A_1311 : vector<16xf32>
      %add3A_1327 = arith.addf %add3A_1323, %mul3A_1326 : vector<16xf32>
      %mul3A_1328 = arith.mulf %mul3A_1311, %add3A_1327 : vector<16xf32>
      %add3A_1329 = arith.addf %add3A_1317, %mul3A_1328 : vector<16xf32>
      %add3A_1330 = arith.addf %max3A_1310, %add3A_1329 : vector<16xf32>
      %bitcast3A_1331 = vector.bitcast %add3A_1330 : vector<16xf32> to vector<16xi32>
      %swap3A_1332 = arith.index_cast %mul3A_1287 : i32 to index
      %swap3A_1333 = tpu.vector_load %arg7[%swap3A_1332] {strides = array<i32>} : memref<4096xi32, #tpu.memory_space<vmem>>, vector<16xi32>,
      tpu.vector_store %arg7[%swap3A_1332], %bitcast3A_1331 {strides = array<i32>} : memref<4096xi32, #tpu.memory_space<vmem>>, vector<16xi32>,
      %shift_right_arithmetic3A_1334 = arith.constant 27 : i32
      %shift_right_arithmetic3A_1335 = vector.broadcast %shift_right_arithmetic3A_1334 : i32 to vector<16xi32>
      %shift_right_arithmetic3A_1336 = arith.shrsi %bitcast3A_1331, %shift_right_arithmetic3A_1335 : vector<16xi32>
      %broadcast_in_dim3A_1337 = arith.constant true
      %broadcast_in_dim3A_1338 = vector.broadcast %broadcast_in_dim3A_1337 : i1 to vector<16xi1>
      %unique3A_1339, %unique3A_1340 = tpu.scan_count mask(%broadcast_in_dim3A_1338 : vector<16xi1>) value(%shift_right_arithmetic3A_1336 : vector<16xi32>) : vector<16xi1>, vector<16xi32>
      tpu.vector_store_idx %arg8[%shift_right_arithmetic3A_1336], %unique3A_1340 masked %unique3A_1339 {add = true} : memref<32xi32, #tpu.memory_space<vmem>>[vector<16xi32>], vector<16xi32>, vector<16xi1>
      %sub3A_1341 = arith.subf %add3A_556, %get3A_1291 : vector<16xf32>
      %jit3A_1342 = arith.constant -8.000000e+01 : f32
      %jit3A_1343 = arith.constant 8.000000e+01 : f32
      %max3A_1344 = vector.broadcast %jit3A_1342 : f32 to vector<16xf32>
      %max3A_1345 = arith.maximumf %max3A_1344, %sub3A_1341 : vector<16xf32>
      %min3A_1346 = vector.broadcast %jit3A_1343 : f32 to vector<16xf32>
      %min3A_1347 = arith.minimumf %min3A_1346, %max3A_1345 : vector<16xf32>
      %abs3A_1348 = math.absf %min3A_1347 : vector<16xf32>
      %neg3A_1349 = arith.constant 0.000000e+00 : f32
      %neg3A_1350 = vector.broadcast %neg3A_1349 : f32 to vector<16xf32>
      %neg3A_1351 = arith.subf %neg3A_1350, %abs3A_1348 : vector<16xf32>
      %exp3A_1352 = math.exp %neg3A_1351 : vector<16xf32>
      %max3A_1353 = arith.constant 0.000000e+00 : f32
      %max3A_1354 = vector.broadcast %max3A_1353 : f32 to vector<16xf32>
      %max3A_1355 = arith.maximumf %min3A_1347, %max3A_1354 : vector<16xf32>
      %mul3A_1356 = arith.mulf %exp3A_1352, %exp3A_1352 : vector<16xf32>
      %mul3A_1357 = arith.constant 0.995426654 : f32
      %mul3A_1358 = vector.broadcast %mul3A_1357 : f32 to vector<16xf32>
      %mul3A_1359 = arith.mulf %mul3A_1358, %exp3A_1352 : vector<16xf32>
      %add3A_1360 = arith.constant 1.41580167E-4 : f32
      %add3A_1361 = vector.broadcast %add3A_1360 : f32 to vector<16xf32>
      %add3A_1362 = arith.addf %add3A_1361, %mul3A_1359 : vector<16xf32>
      %mul3A_1363 = arith.constant 0.216408581 : f32
      %mul3A_1364 = vector.broadcast %mul3A_1363 : f32 to vector<16xf32>
      %mul3A_1365 = arith.mulf %mul3A_1364, %exp3A_1352 : vector<16xf32>
      %add3A_1366 = arith.constant -0.464070708 : f32
      %add3A_1367 = vector.broadcast %add3A_1366 : f32 to vector<16xf32>
      %add3A_1368 = arith.addf %add3A_1367, %mul3A_1365 : vector<16xf32>
      %mul3A_1369 = arith.constant -0.0548623092 : f32
      %mul3A_1370 = vector.broadcast %mul3A_1369 : f32 to vector<16xf32>
      %mul3A_1371 = arith.mulf %mul3A_1370, %mul3A_1356 : vector<16xf32>
      %add3A_1372 = arith.addf %add3A_1368, %mul3A_1371 : vector<16xf32>
      %mul3A_1373 = arith.mulf %mul3A_1356, %add3A_1372 : vector<16xf32>
      %add3A_1374 = arith.addf %add3A_1362, %mul3A_1373 : vector<16xf32>
      %add3A_1375 = arith.addf %max3A_1355, %add3A_1374 : vector<16xf32>
      %jit3A_1376 = arith.constant 0.000000e+00 : f32
      %broadcast_in_dim3A_1377 = vector.broadcast %jit3A_1376 : f32 to vector<16xf32>
      %select_n3A_1378 = arith.select %eq3A_1298, %add3A_1375, %broadcast_in_dim3A_1377 : vector<16xi1>, vector<16xf32>
      %add3A_1379 = arith.addf %add3A_1281, %select_n3A_1378 : vector<16xf32>
      scf.yield %add3A_1379 : vector<16xf32>
    }
    %scan3A_568 = arith.constant 64 : i32
    %reduce_sum3A_569 = arith.constant true
    %reduce_sum3A_570 = vector.broadcast %reduce_sum3A_569 : i1 to vector<16xi1>
    %reduce_sum3A_571 = tpu.scan <sum>, %scan3A_567 masked %reduce_sum3A_570 : vector<16xf32>, vector<16xi1> -> vector<16xf32>
    %reduce_sum3A_572 = vector.extract %reduce_sum3A_571[15] : f32 from vector<16xf32>
    %broadcast_in_dim3A_573 = arith.constant 0 : i32
    %broadcast_in_dim3A_574 = vector.broadcast %broadcast_in_dim3A_573 : i32 to vector<16xi32>
    %get3A_575 = arith.constant 0 : index
    %get3A_576 = tpu.vector_load %arg8[%get3A_575] {strides = array<i32>} : memref<32xi32, #tpu.memory_space<vmem>>, vector<16xi32>,
    %rev3A_577 = arith.constant 15 : i32
    %rev3A_578 = vector.broadcast %rev3A_577 : i32 to vector<16xi32>
    %rev3A_579 = tpu.iota {dimensions = array<i32: 0>} : vector<16xi32>
    %rev3A_580 = arith.subi %rev3A_578, %rev3A_579 : vector<16xi32>
    %rev3A_581 = tpu.dynamic_gather %get3A_576[%rev3A_580] in [0] : vector<16xi32>, vector<16xi32> -> vector<16xi32>
    %broadcast_in_dim3A_582 = arith.constant true
    %broadcast_in_dim3A_583 = vector.broadcast %broadcast_in_dim3A_582 : i1 to vector<16xi1>
    %masked_cumsum3A_584 = tpu.scan <sum>, %rev3A_581 masked %broadcast_in_dim3A_583 : vector<16xi32>, vector<16xi1> -> vector<16xi32>
    %add3A_585 = arith.addi %masked_cumsum3A_584, %broadcast_in_dim3A_574 : vector<16xi32>
    %ge3A_586 = arith.constant 128 : i32
    %ge3A_587 = vector.broadcast %ge3A_586 : i32 to vector<16xi32>
    %ge3A_588 = arith.cmpi sge, %add3A_585, %ge3A_587 : vector<16xi32>
    %all_reduce_ffs3A_589 = tpu.all_reduce %ge3A_588 {dim = 0 : i64, kind = #tpu.reduction_kind<find_first_set>} : vector<16xi1> -> vector<16xi32>
    %sub3A_590 = arith.constant 15 : i32
    %sub3A_591 = vector.broadcast %sub3A_590 : i32 to vector<16xi32>
    %sub3A_592 = arith.subi %sub3A_591, %all_reduce_ffs3A_589 : vector<16xi32>
    %gt3A_593 = arith.cmpi sgt, %iota3A, %sub3A_592 : vector<16xi32>
    %jit3A_594 = arith.constant 0 : i32
    %broadcast_in_dim3A_595 = vector.broadcast %jit3A_594 : i32 to vector<16xi32>
    %select_n3A_596 = arith.select %gt3A_593, %get3A_576, %broadcast_in_dim3A_595 : vector<16xi1>, vector<16xi32>
    %reduce_sum3A_597 = arith.constant true
    %reduce_sum3A_598 = vector.broadcast %reduce_sum3A_597 : i1 to vector<16xi1>
    %reduce_sum3A_599 = tpu.scan <sum>, %select_n3A_596 masked %reduce_sum3A_598 : vector<16xi32>, vector<16xi1> -> vector<16xi32>
    %reduce_sum3A_600 = vector.extract %reduce_sum3A_599[15] : i32 from vector<16xi32>
    %add3A_601 = vector.broadcast %reduce_sum3A_600 : i32 to vector<16xi32>
    %add3A_602 = arith.addi %broadcast_in_dim3A_574, %add3A_601 : vector<16xi32>
    %shift_left3A_603 = arith.constant 27 : i32
    %shift_left3A_604 = vector.broadcast %shift_left3A_603 : i32 to vector<16xi32>
    %shift_left3A_605 = arith.shli %sub3A_592, %shift_left3A_604 : vector<16xi32>
    %swap3A_606 = arith.constant 0 : index
    %swap3A_607 = tpu.vector_load %arg8[%swap3A_606] {strides = array<i32>} : memref<32xi32, #tpu.memory_space<vmem>>, vector<16xi32>,
    tpu.vector_store %arg8[%swap3A_606], %broadcast_in_dim3A_3 {strides = array<i32>} : memref<32xi32, #tpu.memory_space<vmem>>, vector<16xi32>,
    %swap3A_608 = arith.constant 16 : index
    %swap3A_609 = tpu.vector_load %arg8[%swap3A_608] {strides = array<i32>} : memref<32xi32, #tpu.memory_space<vmem>>, vector<16xi32>,
    tpu.vector_store %arg8[%swap3A_608], %broadcast_in_dim3A_3 {strides = array<i32>} : memref<32xi32, #tpu.memory_space<vmem>>, vector<16xi32>,
    %scan3A_610 = arith.constant 0 : i32
    %scan3A_611 = arith.constant 134217728 : i32
    %scan3A_612 = arith.constant 0 : i32
    %scan3A_613 = arith.constant 64 : i32
    %scan3A_614 = arith.addi %scan3A_612, %scan3A_613 : i32
    %scan3A_615 = arith.constant 1 : i32
    scf.for %scan3A_991 = %scan3A_612 to %scan3A_614 step %scan3A_615  : i32 {
      %mul3A_992 = arith.constant 4 : i32
      %mul3A_993 = arith.muli %scan3A_991, %mul3A_992 : i32
      %add3A_994 = arith.constant 0 : i32
      %add3A_995 = arith.addi %mul3A_993, %add3A_994 : i32
      %mul3A_996 = arith.constant 16 : i32
      %mul3A_997 = arith.muli %add3A_995, %mul3A_996 : i32
      %get3A_998 = arith.index_cast %mul3A_997 : i32 to index
      %get3A_999 = tpu.vector_load %arg7[%get3A_998] {strides = array<i32>} : memref<4096xi32, #tpu.memory_space<vmem>>, vector<16xi32>,
      %ge3A_1000 = arith.cmpi sge, %get3A_999, %shift_left3A_605 : vector<16xi32>
      %add3A_1001 = vector.broadcast %scan3A_611 : i32 to vector<16xi32>
      %add3A_1002 = arith.addi %shift_left3A_605, %add3A_1001 : vector<16xi32>
      %lt3A = arith.cmpi slt, %get3A_999, %add3A_1002 : vector<16xi32>
      %and3A_1003 = arith.andi %ge3A_1000, %lt3A : vector<16xi1>
      %shift_right_arithmetic3A_1004 = arith.constant 23 : i32
      %shift_right_arithmetic3A_1005 = vector.broadcast %shift_right_arithmetic3A_1004 : i32 to vector<16xi32>
      %shift_right_arithmetic3A_1006 = arith.shrsi %get3A_999, %shift_right_arithmetic3A_1005 : vector<16xi32>
      %and3A_1007 = arith.constant 15 : i32
      %and3A_1008 = vector.broadcast %and3A_1007 : i32 to vector<16xi32>
      %and3A_1009 = arith.andi %shift_right_arithmetic3A_1006, %and3A_1008 : vector<16xi32>
      %jit3A_1010 = arith.constant 16 : i32
      %broadcast_in_dim3A_1011 = vector.broadcast %jit3A_1010 : i32 to vector<16xi32>
      %select_n3A_1012 = arith.select %and3A_1003, %and3A_1009, %broadcast_in_dim3A_1011 : vector<16xi1>, vector<16xi32>
      %broadcast_in_dim3A_1013 = arith.constant true
      %broadcast_in_dim3A_1014 = vector.broadcast %broadcast_in_dim3A_1013 : i1 to vector<16xi1>
      %unique3A, %unique3A_1015 = tpu.scan_count mask(%broadcast_in_dim3A_1014 : vector<16xi1>) value(%select_n3A_1012 : vector<16xi32>) : vector<16xi1>, vector<16xi32>
      tpu.vector_store_idx %arg8[%select_n3A_1012], %unique3A_1015 masked %unique3A {add = true} : memref<32xi32, #tpu.memory_space<vmem>>[vector<16xi32>], vector<16xi32>, vector<16xi1>
      %mul3A_1016 = arith.constant 4 : i32
      %mul3A_1017 = arith.muli %scan3A_991, %mul3A_1016 : i32
      %add3A_1018 = arith.constant 1 : i32
      %add3A_1019 = arith.addi %mul3A_1017, %add3A_1018 : i32
      %mul3A_1020 = arith.constant 16 : i32
      %mul3A_1021 = arith.muli %add3A_1019, %mul3A_1020 : i32
      %get3A_1022 = arith.index_cast %mul3A_1021 : i32 to index
      %get3A_1023 = tpu.vector_load %arg7[%get3A_1022] {strides = array<i32>} : memref<4096xi32, #tpu.memory_space<vmem>>, vector<16xi32>,
      %ge3A_1024 = arith.cmpi sge, %get3A_1023, %shift_left3A_605 : vector<16xi32>
      %add3A_1025 = vector.broadcast %scan3A_611 : i32 to vector<16xi32>
      %add3A_1026 = arith.addi %shift_left3A_605, %add3A_1025 : vector<16xi32>
      %lt3A_1027 = arith.cmpi slt, %get3A_1023, %add3A_1026 : vector<16xi32>
      %and3A_1028 = arith.andi %ge3A_1024, %lt3A_1027 : vector<16xi1>
      %shift_right_arithmetic3A_1029 = arith.constant 23 : i32
      %shift_right_arithmetic3A_1030 = vector.broadcast %shift_right_arithmetic3A_1029 : i32 to vector<16xi32>
      %shift_right_arithmetic3A_1031 = arith.shrsi %get3A_1023, %shift_right_arithmetic3A_1030 : vector<16xi32>
      %and3A_1032 = arith.constant 15 : i32
      %and3A_1033 = vector.broadcast %and3A_1032 : i32 to vector<16xi32>
      %and3A_1034 = arith.andi %shift_right_arithmetic3A_1031, %and3A_1033 : vector<16xi32>
      %jit3A_1035 = arith.constant 16 : i32
      %broadcast_in_dim3A_1036 = vector.broadcast %jit3A_1035 : i32 to vector<16xi32>
      %select_n3A_1037 = arith.select %and3A_1028, %and3A_1034, %broadcast_in_dim3A_1036 : vector<16xi1>, vector<16xi32>
      %broadcast_in_dim3A_1038 = arith.constant true
      %broadcast_in_dim3A_1039 = vector.broadcast %broadcast_in_dim3A_1038 : i1 to vector<16xi1>
      %unique3A_1040, %unique3A_1041 = tpu.scan_count mask(%broadcast_in_dim3A_1039 : vector<16xi1>) value(%select_n3A_1037 : vector<16xi32>) : vector<16xi1>, vector<16xi32>
      tpu.vector_store_idx %arg8[%select_n3A_1037], %unique3A_1041 masked %unique3A_1040 {add = true} : memref<32xi32, #tpu.memory_space<vmem>>[vector<16xi32>], vector<16xi32>, vector<16xi1>
      %mul3A_1042 = arith.constant 4 : i32
      %mul3A_1043 = arith.muli %scan3A_991, %mul3A_1042 : i32
      %add3A_1044 = arith.constant 2 : i32
      %add3A_1045 = arith.addi %mul3A_1043, %add3A_1044 : i32
      %mul3A_1046 = arith.constant 16 : i32
      %mul3A_1047 = arith.muli %add3A_1045, %mul3A_1046 : i32
      %get3A_1048 = arith.index_cast %mul3A_1047 : i32 to index
      %get3A_1049 = tpu.vector_load %arg7[%get3A_1048] {strides = array<i32>} : memref<4096xi32, #tpu.memory_space<vmem>>, vector<16xi32>,
      %ge3A_1050 = arith.cmpi sge, %get3A_1049, %shift_left3A_605 : vector<16xi32>
      %add3A_1051 = vector.broadcast %scan3A_611 : i32 to vector<16xi32>
      %add3A_1052 = arith.addi %shift_left3A_605, %add3A_1051 : vector<16xi32>
      %lt3A_1053 = arith.cmpi slt, %get3A_1049, %add3A_1052 : vector<16xi32>
      %and3A_1054 = arith.andi %ge3A_1050, %lt3A_1053 : vector<16xi1>
      %shift_right_arithmetic3A_1055 = arith.constant 23 : i32
      %shift_right_arithmetic3A_1056 = vector.broadcast %shift_right_arithmetic3A_1055 : i32 to vector<16xi32>
      %shift_right_arithmetic3A_1057 = arith.shrsi %get3A_1049, %shift_right_arithmetic3A_1056 : vector<16xi32>
      %and3A_1058 = arith.constant 15 : i32
      %and3A_1059 = vector.broadcast %and3A_1058 : i32 to vector<16xi32>
      %and3A_1060 = arith.andi %shift_right_arithmetic3A_1057, %and3A_1059 : vector<16xi32>
      %jit3A_1061 = arith.constant 16 : i32
      %broadcast_in_dim3A_1062 = vector.broadcast %jit3A_1061 : i32 to vector<16xi32>
      %select_n3A_1063 = arith.select %and3A_1054, %and3A_1060, %broadcast_in_dim3A_1062 : vector<16xi1>, vector<16xi32>
      %broadcast_in_dim3A_1064 = arith.constant true
      %broadcast_in_dim3A_1065 = vector.broadcast %broadcast_in_dim3A_1064 : i1 to vector<16xi1>
      %unique3A_1066, %unique3A_1067 = tpu.scan_count mask(%broadcast_in_dim3A_1065 : vector<16xi1>) value(%select_n3A_1063 : vector<16xi32>) : vector<16xi1>, vector<16xi32>
      tpu.vector_store_idx %arg8[%select_n3A_1063], %unique3A_1067 masked %unique3A_1066 {add = true} : memref<32xi32, #tpu.memory_space<vmem>>[vector<16xi32>], vector<16xi32>, vector<16xi1>
      %mul3A_1068 = arith.constant 4 : i32
      %mul3A_1069 = arith.muli %scan3A_991, %mul3A_1068 : i32
      %add3A_1070 = arith.constant 3 : i32
      %add3A_1071 = arith.addi %mul3A_1069, %add3A_1070 : i32
      %mul3A_1072 = arith.constant 16 : i32
      %mul3A_1073 = arith.muli %add3A_1071, %mul3A_1072 : i32
      %get3A_1074 = arith.index_cast %mul3A_1073 : i32 to index
      %get3A_1075 = tpu.vector_load %arg7[%get3A_1074] {strides = array<i32>} : memref<4096xi32, #tpu.memory_space<vmem>>, vector<16xi32>,
      %ge3A_1076 = arith.cmpi sge, %get3A_1075, %shift_left3A_605 : vector<16xi32>
      %add3A_1077 = vector.broadcast %scan3A_611 : i32 to vector<16xi32>
      %add3A_1078 = arith.addi %shift_left3A_605, %add3A_1077 : vector<16xi32>
      %lt3A_1079 = arith.cmpi slt, %get3A_1075, %add3A_1078 : vector<16xi32>
      %and3A_1080 = arith.andi %ge3A_1076, %lt3A_1079 : vector<16xi1>
      %shift_right_arithmetic3A_1081 = arith.constant 23 : i32
      %shift_right_arithmetic3A_1082 = vector.broadcast %shift_right_arithmetic3A_1081 : i32 to vector<16xi32>
      %shift_right_arithmetic3A_1083 = arith.shrsi %get3A_1075, %shift_right_arithmetic3A_1082 : vector<16xi32>
      %and3A_1084 = arith.constant 15 : i32
      %and3A_1085 = vector.broadcast %and3A_1084 : i32 to vector<16xi32>
      %and3A_1086 = arith.andi %shift_right_arithmetic3A_1083, %and3A_1085 : vector<16xi32>
      %jit3A_1087 = arith.constant 16 : i32
      %broadcast_in_dim3A_1088 = vector.broadcast %jit3A_1087 : i32 to vector<16xi32>
      %select_n3A_1089 = arith.select %and3A_1080, %and3A_1086, %broadcast_in_dim3A_1088 : vector<16xi1>, vector<16xi32>
      %broadcast_in_dim3A_1090 = arith.constant true
      %broadcast_in_dim3A_1091 = vector.broadcast %broadcast_in_dim3A_1090 : i1 to vector<16xi1>
      %unique3A_1092, %unique3A_1093 = tpu.scan_count mask(%broadcast_in_dim3A_1091 : vector<16xi1>) value(%select_n3A_1089 : vector<16xi32>) : vector<16xi1>, vector<16xi32>
      tpu.vector_store_idx %arg8[%select_n3A_1089], %unique3A_1093 masked %unique3A_1092 {add = true} : memref<32xi32, #tpu.memory_space<vmem>>[vector<16xi32>], vector<16xi32>, vector<16xi1>
    }
    %scan3A_616 = arith.constant 64 : i32
    %get3A_617 = arith.constant 0 : index
    %get3A_618 = tpu.vector_load %arg8[%get3A_617] {strides = array<i32>} : memref<32xi32, #tpu.memory_space<vmem>>, vector<16xi32>,
    %rev3A_619 = arith.constant 15 : i32
    %rev3A_620 = vector.broadcast %rev3A_619 : i32 to vector<16xi32>
    %rev3A_621 = tpu.iota {dimensions = array<i32: 0>} : vector<16xi32>
    %rev3A_622 = arith.subi %rev3A_620, %rev3A_621 : vector<16xi32>
    %rev3A_623 = tpu.dynamic_gather %get3A_618[%rev3A_622] in [0] : vector<16xi32>, vector<16xi32> -> vector<16xi32>
    %broadcast_in_dim3A_624 = arith.constant true
    %broadcast_in_dim3A_625 = vector.broadcast %broadcast_in_dim3A_624 : i1 to vector<16xi1>
    %masked_cumsum3A_626 = tpu.scan <sum>, %rev3A_623 masked %broadcast_in_dim3A_625 : vector<16xi32>, vector<16xi1> -> vector<16xi32>
    %add3A_627 = arith.addi %masked_cumsum3A_626, %add3A_602 : vector<16xi32>
    %ge3A_628 = arith.constant 128 : i32
    %ge3A_629 = vector.broadcast %ge3A_628 : i32 to vector<16xi32>
    %ge3A_630 = arith.cmpi sge, %add3A_627, %ge3A_629 : vector<16xi32>
    %all_reduce_ffs3A_631 = tpu.all_reduce %ge3A_630 {dim = 0 : i64, kind = #tpu.reduction_kind<find_first_set>} : vector<16xi1> -> vector<16xi32>
    %sub3A_632 = arith.constant 15 : i32
    %sub3A_633 = vector.broadcast %sub3A_632 : i32 to vector<16xi32>
    %sub3A_634 = arith.subi %sub3A_633, %all_reduce_ffs3A_631 : vector<16xi32>
    %gt3A_635 = arith.cmpi sgt, %iota3A, %sub3A_634 : vector<16xi32>
    %jit3A_636 = arith.constant 0 : i32
    %broadcast_in_dim3A_637 = vector.broadcast %jit3A_636 : i32 to vector<16xi32>
    %select_n3A_638 = arith.select %gt3A_635, %get3A_618, %broadcast_in_dim3A_637 : vector<16xi1>, vector<16xi32>
    %reduce_sum3A_639 = arith.constant true
    %reduce_sum3A_640 = vector.broadcast %reduce_sum3A_639 : i1 to vector<16xi1>
    %reduce_sum3A_641 = tpu.scan <sum>, %select_n3A_638 masked %reduce_sum3A_640 : vector<16xi32>, vector<16xi1> -> vector<16xi32>
    %reduce_sum3A_642 = vector.extract %reduce_sum3A_641[15] : i32 from vector<16xi32>
    %add3A_643 = vector.broadcast %reduce_sum3A_642 : i32 to vector<16xi32>
    %add3A_644 = arith.addi %add3A_602, %add3A_643 : vector<16xi32>
    %shift_left3A_645 = arith.constant 23 : i32
    %shift_left3A_646 = vector.broadcast %shift_left3A_645 : i32 to vector<16xi32>
    %shift_left3A_647 = arith.shli %sub3A_634, %shift_left3A_646 : vector<16xi32>
    %add3A_648 = arith.addi %shift_left3A_605, %shift_left3A_647 : vector<16xi32>
    %swap3A_649 = arith.constant 0 : index
    %swap3A_650 = tpu.vector_load %arg8[%swap3A_649] {strides = array<i32>} : memref<32xi32, #tpu.memory_space<vmem>>, vector<16xi32>,
    tpu.vector_store %arg8[%swap3A_649], %broadcast_in_dim3A_3 {strides = array<i32>} : memref<32xi32, #tpu.memory_space<vmem>>, vector<16xi32>,
    %swap3A_651 = arith.constant 16 : index
    %swap3A_652 = tpu.vector_load %arg8[%swap3A_651] {strides = array<i32>} : memref<32xi32, #tpu.memory_space<vmem>>, vector<16xi32>,
    tpu.vector_store %arg8[%swap3A_651], %broadcast_in_dim3A_3 {strides = array<i32>} : memref<32xi32, #tpu.memory_space<vmem>>, vector<16xi32>,
    %scan3A_653 = arith.constant 0 : i32
    %scan3A_654 = arith.constant 8388608 : i32
    %scan3A_655 = arith.constant 0 : i32
    %scan3A_656 = arith.constant 64 : i32
    %scan3A_657 = arith.addi %scan3A_655, %scan3A_656 : i32
    %scan3A_658 = arith.constant 1 : i32
    scf.for %scan3A_991 = %scan3A_655 to %scan3A_657 step %scan3A_658  : i32 {
      %mul3A_992 = arith.constant 4 : i32
      %mul3A_993 = arith.muli %scan3A_991, %mul3A_992 : i32
      %add3A_994 = arith.constant 0 : i32
      %add3A_995 = arith.addi %mul3A_993, %add3A_994 : i32
      %mul3A_996 = arith.constant 16 : i32
      %mul3A_997 = arith.muli %add3A_995, %mul3A_996 : i32
      %get3A_998 = arith.index_cast %mul3A_997 : i32 to index
      %get3A_999 = tpu.vector_load %arg7[%get3A_998] {strides = array<i32>} : memref<4096xi32, #tpu.memory_space<vmem>>, vector<16xi32>,
      %ge3A_1000 = arith.cmpi sge, %get3A_999, %add3A_648 : vector<16xi32>
      %add3A_1001 = vector.broadcast %scan3A_654 : i32 to vector<16xi32>
      %add3A_1002 = arith.addi %add3A_648, %add3A_1001 : vector<16xi32>
      %lt3A = arith.cmpi slt, %get3A_999, %add3A_1002 : vector<16xi32>
      %and3A_1003 = arith.andi %ge3A_1000, %lt3A : vector<16xi1>
      %shift_right_arithmetic3A_1004 = arith.constant 19 : i32
      %shift_right_arithmetic3A_1005 = vector.broadcast %shift_right_arithmetic3A_1004 : i32 to vector<16xi32>
      %shift_right_arithmetic3A_1006 = arith.shrsi %get3A_999, %shift_right_arithmetic3A_1005 : vector<16xi32>
      %and3A_1007 = arith.constant 15 : i32
      %and3A_1008 = vector.broadcast %and3A_1007 : i32 to vector<16xi32>
      %and3A_1009 = arith.andi %shift_right_arithmetic3A_1006, %and3A_1008 : vector<16xi32>
      %jit3A_1010 = arith.constant 16 : i32
      %broadcast_in_dim3A_1011 = vector.broadcast %jit3A_1010 : i32 to vector<16xi32>
      %select_n3A_1012 = arith.select %and3A_1003, %and3A_1009, %broadcast_in_dim3A_1011 : vector<16xi1>, vector<16xi32>
      %broadcast_in_dim3A_1013 = arith.constant true
      %broadcast_in_dim3A_1014 = vector.broadcast %broadcast_in_dim3A_1013 : i1 to vector<16xi1>
      %unique3A, %unique3A_1015 = tpu.scan_count mask(%broadcast_in_dim3A_1014 : vector<16xi1>) value(%select_n3A_1012 : vector<16xi32>) : vector<16xi1>, vector<16xi32>
      tpu.vector_store_idx %arg8[%select_n3A_1012], %unique3A_1015 masked %unique3A {add = true} : memref<32xi32, #tpu.memory_space<vmem>>[vector<16xi32>], vector<16xi32>, vector<16xi1>
      %mul3A_1016 = arith.constant 4 : i32
      %mul3A_1017 = arith.muli %scan3A_991, %mul3A_1016 : i32
      %add3A_1018 = arith.constant 1 : i32
      %add3A_1019 = arith.addi %mul3A_1017, %add3A_1018 : i32
      %mul3A_1020 = arith.constant 16 : i32
      %mul3A_1021 = arith.muli %add3A_1019, %mul3A_1020 : i32
      %get3A_1022 = arith.index_cast %mul3A_1021 : i32 to index
      %get3A_1023 = tpu.vector_load %arg7[%get3A_1022] {strides = array<i32>} : memref<4096xi32, #tpu.memory_space<vmem>>, vector<16xi32>,
      %ge3A_1024 = arith.cmpi sge, %get3A_1023, %add3A_648 : vector<16xi32>
      %add3A_1025 = vector.broadcast %scan3A_654 : i32 to vector<16xi32>
      %add3A_1026 = arith.addi %add3A_648, %add3A_1025 : vector<16xi32>
      %lt3A_1027 = arith.cmpi slt, %get3A_1023, %add3A_1026 : vector<16xi32>
      %and3A_1028 = arith.andi %ge3A_1024, %lt3A_1027 : vector<16xi1>
      %shift_right_arithmetic3A_1029 = arith.constant 19 : i32
      %shift_right_arithmetic3A_1030 = vector.broadcast %shift_right_arithmetic3A_1029 : i32 to vector<16xi32>
      %shift_right_arithmetic3A_1031 = arith.shrsi %get3A_1023, %shift_right_arithmetic3A_1030 : vector<16xi32>
      %and3A_1032 = arith.constant 15 : i32
      %and3A_1033 = vector.broadcast %and3A_1032 : i32 to vector<16xi32>
      %and3A_1034 = arith.andi %shift_right_arithmetic3A_1031, %and3A_1033 : vector<16xi32>
      %jit3A_1035 = arith.constant 16 : i32
      %broadcast_in_dim3A_1036 = vector.broadcast %jit3A_1035 : i32 to vector<16xi32>
      %select_n3A_1037 = arith.select %and3A_1028, %and3A_1034, %broadcast_in_dim3A_1036 : vector<16xi1>, vector<16xi32>
      %broadcast_in_dim3A_1038 = arith.constant true
      %broadcast_in_dim3A_1039 = vector.broadcast %broadcast_in_dim3A_1038 : i1 to vector<16xi1>
      %unique3A_1040, %unique3A_1041 = tpu.scan_count mask(%broadcast_in_dim3A_1039 : vector<16xi1>) value(%select_n3A_1037 : vector<16xi32>) : vector<16xi1>, vector<16xi32>
      tpu.vector_store_idx %arg8[%select_n3A_1037], %unique3A_1041 masked %unique3A_1040 {add = true} : memref<32xi32, #tpu.memory_space<vmem>>[vector<16xi32>], vector<16xi32>, vector<16xi1>
      %mul3A_1042 = arith.constant 4 : i32
      %mul3A_1043 = arith.muli %scan3A_991, %mul3A_1042 : i32
      %add3A_1044 = arith.constant 2 : i32
      %add3A_1045 = arith.addi %mul3A_1043, %add3A_1044 : i32
      %mul3A_1046 = arith.constant 16 : i32
      %mul3A_1047 = arith.muli %add3A_1045, %mul3A_1046 : i32
      %get3A_1048 = arith.index_cast %mul3A_1047 : i32 to index
      %get3A_1049 = tpu.vector_load %arg7[%get3A_1048] {strides = array<i32>} : memref<4096xi32, #tpu.memory_space<vmem>>, vector<16xi32>,
      %ge3A_1050 = arith.cmpi sge, %get3A_1049, %add3A_648 : vector<16xi32>
      %add3A_1051 = vector.broadcast %scan3A_654 : i32 to vector<16xi32>
      %add3A_1052 = arith.addi %add3A_648, %add3A_1051 : vector<16xi32>
      %lt3A_1053 = arith.cmpi slt, %get3A_1049, %add3A_1052 : vector<16xi32>
      %and3A_1054 = arith.andi %ge3A_1050, %lt3A_1053 : vector<16xi1>
      %shift_right_arithmetic3A_1055 = arith.constant 19 : i32
      %shift_right_arithmetic3A_1056 = vector.broadcast %shift_right_arithmetic3A_1055 : i32 to vector<16xi32>
      %shift_right_arithmetic3A_1057 = arith.shrsi %get3A_1049, %shift_right_arithmetic3A_1056 : vector<16xi32>
      %and3A_1058 = arith.constant 15 : i32
      %and3A_1059 = vector.broadcast %and3A_1058 : i32 to vector<16xi32>
      %and3A_1060 = arith.andi %shift_right_arithmetic3A_1057, %and3A_1059 : vector<16xi32>
      %jit3A_1061 = arith.constant 16 : i32
      %broadcast_in_dim3A_1062 = vector.broadcast %jit3A_1061 : i32 to vector<16xi32>
      %select_n3A_1063 = arith.select %and3A_1054, %and3A_1060, %broadcast_in_dim3A_1062 : vector<16xi1>, vector<16xi32>
      %broadcast_in_dim3A_1064 = arith.constant true
      %broadcast_in_dim3A_1065 = vector.broadcast %broadcast_in_dim3A_1064 : i1 to vector<16xi1>
      %unique3A_1066, %unique3A_1067 = tpu.scan_count mask(%broadcast_in_dim3A_1065 : vector<16xi1>) value(%select_n3A_1063 : vector<16xi32>) : vector<16xi1>, vector<16xi32>
      tpu.vector_store_idx %arg8[%select_n3A_1063], %unique3A_1067 masked %unique3A_1066 {add = true} : memref<32xi32, #tpu.memory_space<vmem>>[vector<16xi32>], vector<16xi32>, vector<16xi1>
      %mul3A_1068 = arith.constant 4 : i32
      %mul3A_1069 = arith.muli %scan3A_991, %mul3A_1068 : i32
      %add3A_1070 = arith.constant 3 : i32
      %add3A_1071 = arith.addi %mul3A_1069, %add3A_1070 : i32
      %mul3A_1072 = arith.constant 16 : i32
      %mul3A_1073 = arith.muli %add3A_1071, %mul3A_1072 : i32
      %get3A_1074 = arith.index_cast %mul3A_1073 : i32 to index
      %get3A_1075 = tpu.vector_load %arg7[%get3A_1074] {strides = array<i32>} : memref<4096xi32, #tpu.memory_space<vmem>>, vector<16xi32>,
      %ge3A_1076 = arith.cmpi sge, %get3A_1075, %add3A_648 : vector<16xi32>
      %add3A_1077 = vector.broadcast %scan3A_654 : i32 to vector<16xi32>
      %add3A_1078 = arith.addi %add3A_648, %add3A_1077 : vector<16xi32>
      %lt3A_1079 = arith.cmpi slt, %get3A_1075, %add3A_1078 : vector<16xi32>
      %and3A_1080 = arith.andi %ge3A_1076, %lt3A_1079 : vector<16xi1>
      %shift_right_arithmetic3A_1081 = arith.constant 19 : i32
      %shift_right_arithmetic3A_1082 = vector.broadcast %shift_right_arithmetic3A_1081 : i32 to vector<16xi32>
      %shift_right_arithmetic3A_1083 = arith.shrsi %get3A_1075, %shift_right_arithmetic3A_1082 : vector<16xi32>
      %and3A_1084 = arith.constant 15 : i32
      %and3A_1085 = vector.broadcast %and3A_1084 : i32 to vector<16xi32>
      %and3A_1086 = arith.andi %shift_right_arithmetic3A_1083, %and3A_1085 : vector<16xi32>
      %jit3A_1087 = arith.constant 16 : i32
      %broadcast_in_dim3A_1088 = vector.broadcast %jit3A_1087 : i32 to vector<16xi32>
      %select_n3A_1089 = arith.select %and3A_1080, %and3A_1086, %broadcast_in_dim3A_1088 : vector<16xi1>, vector<16xi32>
      %broadcast_in_dim3A_1090 = arith.constant true
      %broadcast_in_dim3A_1091 = vector.broadcast %broadcast_in_dim3A_1090 : i1 to vector<16xi1>
      %unique3A_1092, %unique3A_1093 = tpu.scan_count mask(%broadcast_in_dim3A_1091 : vector<16xi1>) value(%select_n3A_1089 : vector<16xi32>) : vector<16xi1>, vector<16xi32>
      tpu.vector_store_idx %arg8[%select_n3A_1089], %unique3A_1093 masked %unique3A_1092 {add = true} : memref<32xi32, #tpu.memory_space<vmem>>[vector<16xi32>], vector<16xi32>, vector<16xi1>
    }
    %scan3A_659 = arith.constant 64 : i32
    %get3A_660 = arith.constant 0 : index
    %get3A_661 = tpu.vector_load %arg8[%get3A_660] {strides = array<i32>} : memref<32xi32, #tpu.memory_space<vmem>>, vector<16xi32>,
    %rev3A_662 = arith.constant 15 : i32
    %rev3A_663 = vector.broadcast %rev3A_662 : i32 to vector<16xi32>
    %rev3A_664 = tpu.iota {dimensions = array<i32: 0>} : vector<16xi32>
    %rev3A_665 = arith.subi %rev3A_663, %rev3A_664 : vector<16xi32>
    %rev3A_666 = tpu.dynamic_gather %get3A_661[%rev3A_665] in [0] : vector<16xi32>, vector<16xi32> -> vector<16xi32>
    %broadcast_in_dim3A_667 = arith.constant true
    %broadcast_in_dim3A_668 = vector.broadcast %broadcast_in_dim3A_667 : i1 to vector<16xi1>
    %masked_cumsum3A_669 = tpu.scan <sum>, %rev3A_666 masked %broadcast_in_dim3A_668 : vector<16xi32>, vector<16xi1> -> vector<16xi32>
    %add3A_670 = arith.addi %masked_cumsum3A_669, %add3A_644 : vector<16xi32>
    %ge3A_671 = arith.constant 128 : i32
    %ge3A_672 = vector.broadcast %ge3A_671 : i32 to vector<16xi32>
    %ge3A_673 = arith.cmpi sge, %add3A_670, %ge3A_672 : vector<16xi32>
    %all_reduce_ffs3A_674 = tpu.all_reduce %ge3A_673 {dim = 0 : i64, kind = #tpu.reduction_kind<find_first_set>} : vector<16xi1> -> vector<16xi32>
    %sub3A_675 = arith.constant 15 : i32
    %sub3A_676 = vector.broadcast %sub3A_675 : i32 to vector<16xi32>
    %sub3A_677 = arith.subi %sub3A_676, %all_reduce_ffs3A_674 : vector<16xi32>
    %gt3A_678 = arith.cmpi sgt, %iota3A, %sub3A_677 : vector<16xi32>
    %jit3A_679 = arith.constant 0 : i32
    %broadcast_in_dim3A_680 = vector.broadcast %jit3A_679 : i32 to vector<16xi32>
    %select_n3A_681 = arith.select %gt3A_678, %get3A_661, %broadcast_in_dim3A_680 : vector<16xi1>, vector<16xi32>
    %reduce_sum3A_682 = arith.constant true
    %reduce_sum3A_683 = vector.broadcast %reduce_sum3A_682 : i1 to vector<16xi1>
    %reduce_sum3A_684 = tpu.scan <sum>, %select_n3A_681 masked %reduce_sum3A_683 : vector<16xi32>, vector<16xi1> -> vector<16xi32>
    %reduce_sum3A_685 = vector.extract %reduce_sum3A_684[15] : i32 from vector<16xi32>
    %add3A_686 = vector.broadcast %reduce_sum3A_685 : i32 to vector<16xi32>
    %add3A_687 = arith.addi %add3A_644, %add3A_686 : vector<16xi32>
    %shift_left3A_688 = arith.constant 19 : i32
    %shift_left3A_689 = vector.broadcast %shift_left3A_688 : i32 to vector<16xi32>
    %shift_left3A_690 = arith.shli %sub3A_677, %shift_left3A_689 : vector<16xi32>
    %add3A_691 = arith.addi %add3A_648, %shift_left3A_690 : vector<16xi32>
    %add3A_692 = arith.constant 524288 : i32
    %add3A_693 = vector.broadcast %add3A_692 : i32 to vector<16xi32>
    %add3A_694 = arith.addi %add3A_691, %add3A_693 : vector<16xi32>
    %add3A_695 = arith.constant 262144 : i32
    %add3A_696 = vector.broadcast %add3A_695 : i32 to vector<16xi32>
    %add3A_697 = arith.addi %add3A_691, %add3A_696 : vector<16xi32>
    %bitcast3A_698 = vector.bitcast %add3A_697 : vector<16xi32> to vector<16xf32>
    %broadcast_in_dim3A_699 = arith.constant 0.000000e+00 : f32
    %broadcast_in_dim3A_700 = vector.broadcast %broadcast_in_dim3A_699 : f32 to vector<16xf32>
    %broadcast_in_dim3A_701 = arith.constant 0 : i32
    %broadcast_in_dim3A_702 = vector.broadcast %broadcast_in_dim3A_701 : i32 to vector<16xi32>
    %scan3A_703 = arith.constant 0 : i32
    %scan3A_704 = arith.constant 64 : i32
    %scan3A_705 = arith.addi %scan3A_703, %scan3A_704 : i32
    %scan3A_706 = arith.constant 1 : i32
    %scan3A_707:2 = scf.for %scan3A_991 = %scan3A_703 to %scan3A_705 step %scan3A_706 iter_args(%scan3A_992 = %broadcast_in_dim3A_700, %scan3A_993 = %broadcast_in_dim3A_702) -> (vector<16xf32>, vector<16xi32>)  : i32 {
      %mul3A_994 = arith.constant 4 : i32
      %mul3A_995 = arith.muli %scan3A_991, %mul3A_994 : i32
      %add3A_996 = arith.constant 0 : i32
      %add3A_997 = arith.addi %mul3A_995, %add3A_996 : i32
      %mul3A_998 = arith.constant 16 : i32
      %mul3A_999 = arith.muli %add3A_997, %mul3A_998 : i32
      %get3A_1000 = arith.index_cast %mul3A_999 : i32 to index
      %get3A_1001 = tpu.vector_load %arg7[%get3A_1000] {strides = array<i32>} : memref<4096xi32, #tpu.memory_space<vmem>>, vector<16xi32>,
      %bitcast3A_1002 = vector.bitcast %get3A_1001 : vector<16xi32> to vector<16xf32>
      %ge3A_1003 = arith.cmpi sge, %get3A_1001, %add3A_694 : vector<16xi32>
      %jit3A_1004 = arith.constant 0.000000e+00 : f32
      %broadcast_in_dim3A_1005 = vector.broadcast %jit3A_1004 : f32 to vector<16xf32>
      %select_n3A_1006 = arith.select %ge3A_1003, %bitcast3A_1002, %broadcast_in_dim3A_1005 : vector<16xi1>, vector<16xf32>
      %add3A_1007 = arith.addf %scan3A_992, %select_n3A_1006 : vector<16xf32>
      %jit3A_1008 = arith.constant 1 : i32
      %jit3A_1009 = arith.constant 0 : i32
      %broadcast_in_dim3A_1010 = vector.broadcast %jit3A_1008 : i32 to vector<16xi32>
      %broadcast_in_dim3A_1011 = vector.broadcast %jit3A_1009 : i32 to vector<16xi32>
      %select_n3A_1012 = arith.select %ge3A_1003, %broadcast_in_dim3A_1010, %broadcast_in_dim3A_1011 : vector<16xi1>, vector<16xi32>
      %add3A_1013 = arith.addi %scan3A_993, %select_n3A_1012 : vector<16xi32>
      %mul3A_1014 = arith.constant 4 : i32
      %mul3A_1015 = arith.muli %scan3A_991, %mul3A_1014 : i32
      %add3A_1016 = arith.constant 1 : i32
      %add3A_1017 = arith.addi %mul3A_1015, %add3A_1016 : i32
      %mul3A_1018 = arith.constant 16 : i32
      %mul3A_1019 = arith.muli %add3A_1017, %mul3A_1018 : i32
      %get3A_1020 = arith.index_cast %mul3A_1019 : i32 to index
      %get3A_1021 = tpu.vector_load %arg7[%get3A_1020] {strides = array<i32>} : memref<4096xi32, #tpu.memory_space<vmem>>, vector<16xi32>,
      %bitcast3A_1022 = vector.bitcast %get3A_1021 : vector<16xi32> to vector<16xf32>
      %ge3A_1023 = arith.cmpi sge, %get3A_1021, %add3A_694 : vector<16xi32>
      %jit3A_1024 = arith.constant 0.000000e+00 : f32
      %broadcast_in_dim3A_1025 = vector.broadcast %jit3A_1024 : f32 to vector<16xf32>
      %select_n3A_1026 = arith.select %ge3A_1023, %bitcast3A_1022, %broadcast_in_dim3A_1025 : vector<16xi1>, vector<16xf32>
      %add3A_1027 = arith.addf %add3A_1007, %select_n3A_1026 : vector<16xf32>
      %jit3A_1028 = arith.constant 1 : i32
      %jit3A_1029 = arith.constant 0 : i32
      %broadcast_in_dim3A_1030 = vector.broadcast %jit3A_1028 : i32 to vector<16xi32>
      %broadcast_in_dim3A_1031 = vector.broadcast %jit3A_1029 : i32 to vector<16xi32>
      %select_n3A_1032 = arith.select %ge3A_1023, %broadcast_in_dim3A_1030, %broadcast_in_dim3A_1031 : vector<16xi1>, vector<16xi32>
      %add3A_1033 = arith.addi %add3A_1013, %select_n3A_1032 : vector<16xi32>
      %mul3A_1034 = arith.constant 4 : i32
      %mul3A_1035 = arith.muli %scan3A_991, %mul3A_1034 : i32
      %add3A_1036 = arith.constant 2 : i32
      %add3A_1037 = arith.addi %mul3A_1035, %add3A_1036 : i32
      %mul3A_1038 = arith.constant 16 : i32
      %mul3A_1039 = arith.muli %add3A_1037, %mul3A_1038 : i32
      %get3A_1040 = arith.index_cast %mul3A_1039 : i32 to index
      %get3A_1041 = tpu.vector_load %arg7[%get3A_1040] {strides = array<i32>} : memref<4096xi32, #tpu.memory_space<vmem>>, vector<16xi32>,
      %bitcast3A_1042 = vector.bitcast %get3A_1041 : vector<16xi32> to vector<16xf32>
      %ge3A_1043 = arith.cmpi sge, %get3A_1041, %add3A_694 : vector<16xi32>
      %jit3A_1044 = arith.constant 0.000000e+00 : f32
      %broadcast_in_dim3A_1045 = vector.broadcast %jit3A_1044 : f32 to vector<16xf32>
      %select_n3A_1046 = arith.select %ge3A_1043, %bitcast3A_1042, %broadcast_in_dim3A_1045 : vector<16xi1>, vector<16xf32>
      %add3A_1047 = arith.addf %add3A_1027, %select_n3A_1046 : vector<16xf32>
      %jit3A_1048 = arith.constant 1 : i32
      %jit3A_1049 = arith.constant 0 : i32
      %broadcast_in_dim3A_1050 = vector.broadcast %jit3A_1048 : i32 to vector<16xi32>
      %broadcast_in_dim3A_1051 = vector.broadcast %jit3A_1049 : i32 to vector<16xi32>
      %select_n3A_1052 = arith.select %ge3A_1043, %broadcast_in_dim3A_1050, %broadcast_in_dim3A_1051 : vector<16xi1>, vector<16xi32>
      %add3A_1053 = arith.addi %add3A_1033, %select_n3A_1052 : vector<16xi32>
      %mul3A_1054 = arith.constant 4 : i32
      %mul3A_1055 = arith.muli %scan3A_991, %mul3A_1054 : i32
      %add3A_1056 = arith.constant 3 : i32
      %add3A_1057 = arith.addi %mul3A_1055, %add3A_1056 : i32
      %mul3A_1058 = arith.constant 16 : i32
      %mul3A_1059 = arith.muli %add3A_1057, %mul3A_1058 : i32
      %get3A_1060 = arith.index_cast %mul3A_1059 : i32 to index
      %get3A_1061 = tpu.vector_load %arg7[%get3A_1060] {strides = array<i32>} : memref<4096xi32, #tpu.memory_space<vmem>>, vector<16xi32>,
      %bitcast3A_1062 = vector.bitcast %get3A_1061 : vector<16xi32> to vector<16xf32>
      %ge3A_1063 = arith.cmpi sge, %get3A_1061, %add3A_694 : vector<16xi32>
      %jit3A_1064 = arith.constant 0.000000e+00 : f32
      %broadcast_in_dim3A_1065 = vector.broadcast %jit3A_1064 : f32 to vector<16xf32>
      %select_n3A_1066 = arith.select %ge3A_1063, %bitcast3A_1062, %broadcast_in_dim3A_1065 : vector<16xi1>, vector<16xf32>
      %add3A_1067 = arith.addf %add3A_1047, %select_n3A_1066 : vector<16xf32>
      %jit3A_1068 = arith.constant 1 : i32
      %jit3A_1069 = arith.constant 0 : i32
      %broadcast_in_dim3A_1070 = vector.broadcast %jit3A_1068 : i32 to vector<16xi32>
      %broadcast_in_dim3A_1071 = vector.broadcast %jit3A_1069 : i32 to vector<16xi32>
      %select_n3A_1072 = arith.select %ge3A_1063, %broadcast_in_dim3A_1070, %broadcast_in_dim3A_1071 : vector<16xi1>, vector<16xi32>
      %add3A_1073 = arith.addi %add3A_1053, %select_n3A_1072 : vector<16xi32>
      scf.yield %add3A_1067, %add3A_1073 : vector<16xf32>, vector<16xi32>
    }
    %scan3A_708 = arith.constant 64 : i32
    %reduce_sum3A_709 = arith.constant true
    %reduce_sum3A_710 = vector.broadcast %reduce_sum3A_709 : i1 to vector<16xi1>
    %reduce_sum3A_711 = tpu.scan <sum>, %scan3A_707#1 masked %reduce_sum3A_710 : vector<16xi32>, vector<16xi1> -> vector<16xi32>
    %reduce_sum3A_712 = vector.extract %reduce_sum3A_711[15] : i32 from vector<16xi32>
    %reduce_sum3A_713 = arith.constant true
    %reduce_sum3A_714 = vector.broadcast %reduce_sum3A_713 : i1 to vector<16xi1>
    %reduce_sum3A_715 = tpu.scan <sum>, %scan3A_707#0 masked %reduce_sum3A_714 : vector<16xf32>, vector<16xi1> -> vector<16xf32>
    %reduce_sum3A_716 = vector.extract %reduce_sum3A_715[15] : f32 from vector<16xf32>
    %convert_element_type3A_717 = arith.sitofp %reduce_sum3A_712 : i32 to f32
    %sub3A_718 = arith.constant 1.280000e+02 : f32
    %sub3A_719 = arith.subf %sub3A_718, %convert_element_type3A_717 : f32
    %mul3A_720 = vector.broadcast %sub3A_719 : f32 to vector<16xf32>
    %mul3A_721 = arith.mulf %mul3A_720, %bitcast3A_698 : vector<16xf32>
    %add3A_722 = vector.broadcast %reduce_sum3A_716 : f32 to vector<16xf32>
    %add3A_723 = arith.addf %add3A_722, %mul3A_721 : vector<16xf32>
    %eq3A_724 = arith.constant 2 : i32
    %eq3A_725 = vector.broadcast %eq3A_724 : i32 to vector<16xi32>
    %eq3A_726 = arith.cmpi eq, %iota3A, %eq3A_725 : vector<16xi32>
    %select_n3A_727 = arith.select %eq3A_726, %add3A_723, %select_n3A_486 : vector<16xi1>, vector<16xf32>
    %eq3A_728 = arith.constant 6 : i32
    %eq3A_729 = vector.broadcast %eq3A_728 : i32 to vector<16xi32>
    %eq3A_730 = arith.cmpi eq, %iota3A, %eq3A_729 : vector<16xi32>
    %broadcast_in_dim3A_731 = vector.broadcast %reduce_sum3A_572 : f32 to vector<16xf32>
    %select_n3A_732 = arith.select %eq3A_730, %broadcast_in_dim3A_731, %select_n3A_727 : vector<16xi1>, vector<16xf32>
    %eq3A_733 = arith.constant 10 : i32
    %eq3A_734 = vector.broadcast %eq3A_733 : i32 to vector<16xi32>
    %eq3A_735 = arith.cmpi eq, %iota3A, %eq3A_734 : vector<16xi32>
    %broadcast_in_dim3A_736 = vector.broadcast %reduce_sum3A_500 : f32 to vector<16xf32>
    %select_n3A_737 = arith.select %eq3A_735, %broadcast_in_dim3A_736, %select_n3A_732 : vector<16xi1>, vector<16xf32>
    %broadcast_in_dim3A_738 = arith.constant 0.000000e+00 : f32
    %broadcast_in_dim3A_739 = vector.broadcast %broadcast_in_dim3A_738 : f32 to vector<16xf32>
    %broadcast_in_dim3A_740 = arith.constant 0.000000e+00 : f32
    %broadcast_in_dim3A_741 = vector.broadcast %broadcast_in_dim3A_740 : f32 to vector<16xf32>
    %scan3A_742 = arith.constant 0 : i32
    %scan3A_743 = arith.constant 64 : i32
    %scan3A_744 = arith.addi %scan3A_742, %scan3A_743 : i32
    %scan3A_745 = arith.constant 1 : i32
    %scan3A_746:2 = scf.for %scan3A_991 = %scan3A_742 to %scan3A_744 step %scan3A_745 iter_args(%scan3A_992 = %broadcast_in_dim3A_739, %scan3A_993 = %broadcast_in_dim3A_741) -> (vector<16xf32>, vector<16xf32>)  : i32 {
      %mul3A_994 = arith.constant 4 : i32
      %mul3A_995 = arith.muli %scan3A_991, %mul3A_994 : i32
      %add3A_996 = arith.constant 0 : i32
      %add3A_997 = arith.addi %mul3A_995, %add3A_996 : i32
      %mul3A_998 = arith.constant 16 : i32
      %mul3A_999 = arith.muli %add3A_997, %mul3A_998 : i32
      %get3A_1000 = arith.constant 3 : i32
      %get3A_1001 = arith.index_cast %get3A_1000 : i32 to index
      %get3A_1002 = arith.index_cast %mul3A_999 : i32 to index
      %get3A_1003 = tpu.vector_load %arg5[%get3A_1001, %get3A_1002] {strides = array<i32>} : memref<4x4096xf32, #tpu.memory_space<vmem>>, vector<16xf32>,
      %get3A_1004 = arith.constant 3 : i32
      %get3A_1005 = arith.index_cast %get3A_1004 : i32 to index
      %get3A_1006 = arith.index_cast %mul3A_999 : i32 to index
      %get3A_1007 = tpu.vector_load %arg6[%get3A_1005, %get3A_1006] {strides = array<i32>} : memref<4x4096xi32, #tpu.memory_space<vmem>>, vector<16xi32>,
      %eq3A_1008 = arith.constant 1 : i32
      %eq3A_1009 = vector.broadcast %eq3A_1008 : i32 to vector<16xi32>
      %eq3A_1010 = arith.cmpi eq, %get3A_1007, %eq3A_1009 : vector<16xi32>
      %exp3A = math.exp %get3A_1003 : vector<16xf32>
      %jit3A_1011 = arith.constant 0.000000e+00 : f32
      %broadcast_in_dim3A_1012 = vector.broadcast %jit3A_1011 : f32 to vector<16xf32>
      %select_n3A_1013 = arith.select %eq3A_1010, %broadcast_in_dim3A_1012, %exp3A : vector<16xi1>, vector<16xf32>
      %add3A_1014 = arith.addf %scan3A_992, %select_n3A_1013 : vector<16xf32>
      %jit3A_1015 = arith.constant 1.000000e+00 : f32
      %jit3A_1016 = arith.constant 0.000000e+00 : f32
      %broadcast_in_dim3A_1017 = vector.broadcast %jit3A_1015 : f32 to vector<16xf32>
      %broadcast_in_dim3A_1018 = vector.broadcast %jit3A_1016 : f32 to vector<16xf32>
      %select_n3A_1019 = arith.select %eq3A_1010, %broadcast_in_dim3A_1017, %broadcast_in_dim3A_1018 : vector<16xi1>, vector<16xf32>
      %add3A_1020 = arith.addf %scan3A_993, %select_n3A_1019 : vector<16xf32>
      %mul3A_1021 = arith.constant 4 : i32
      %mul3A_1022 = arith.muli %scan3A_991, %mul3A_1021 : i32
      %add3A_1023 = arith.constant 1 : i32
      %add3A_1024 = arith.addi %mul3A_1022, %add3A_1023 : i32
      %mul3A_1025 = arith.constant 16 : i32
      %mul3A_1026 = arith.muli %add3A_1024, %mul3A_1025 : i32
      %get3A_1027 = arith.constant 3 : i32
      %get3A_1028 = arith.index_cast %get3A_1027 : i32 to index
      %get3A_1029 = arith.index_cast %mul3A_1026 : i32 to index
      %get3A_1030 = tpu.vector_load %arg5[%get3A_1028, %get3A_1029] {strides = array<i32>} : memref<4x4096xf32, #tpu.memory_space<vmem>>, vector<16xf32>,
      %get3A_1031 = arith.constant 3 : i32
      %get3A_1032 = arith.index_cast %get3A_1031 : i32 to index
      %get3A_1033 = arith.index_cast %mul3A_1026 : i32 to index
      %get3A_1034 = tpu.vector_load %arg6[%get3A_1032, %get3A_1033] {strides = array<i32>} : memref<4x4096xi32, #tpu.memory_space<vmem>>, vector<16xi32>,
      %eq3A_1035 = arith.constant 1 : i32
      %eq3A_1036 = vector.broadcast %eq3A_1035 : i32 to vector<16xi32>
      %eq3A_1037 = arith.cmpi eq, %get3A_1034, %eq3A_1036 : vector<16xi32>
      %exp3A_1038 = math.exp %get3A_1030 : vector<16xf32>
      %jit3A_1039 = arith.constant 0.000000e+00 : f32
      %broadcast_in_dim3A_1040 = vector.broadcast %jit3A_1039 : f32 to vector<16xf32>
      %select_n3A_1041 = arith.select %eq3A_1037, %broadcast_in_dim3A_1040, %exp3A_1038 : vector<16xi1>, vector<16xf32>
      %add3A_1042 = arith.addf %add3A_1014, %select_n3A_1041 : vector<16xf32>
      %jit3A_1043 = arith.constant 1.000000e+00 : f32
      %jit3A_1044 = arith.constant 0.000000e+00 : f32
      %broadcast_in_dim3A_1045 = vector.broadcast %jit3A_1043 : f32 to vector<16xf32>
      %broadcast_in_dim3A_1046 = vector.broadcast %jit3A_1044 : f32 to vector<16xf32>
      %select_n3A_1047 = arith.select %eq3A_1037, %broadcast_in_dim3A_1045, %broadcast_in_dim3A_1046 : vector<16xi1>, vector<16xf32>
      %add3A_1048 = arith.addf %add3A_1020, %select_n3A_1047 : vector<16xf32>
      %mul3A_1049 = arith.constant 4 : i32
      %mul3A_1050 = arith.muli %scan3A_991, %mul3A_1049 : i32
      %add3A_1051 = arith.constant 2 : i32
      %add3A_1052 = arith.addi %mul3A_1050, %add3A_1051 : i32
      %mul3A_1053 = arith.constant 16 : i32
      %mul3A_1054 = arith.muli %add3A_1052, %mul3A_1053 : i32
      %get3A_1055 = arith.constant 3 : i32
      %get3A_1056 = arith.index_cast %get3A_1055 : i32 to index
      %get3A_1057 = arith.index_cast %mul3A_1054 : i32 to index
      %get3A_1058 = tpu.vector_load %arg5[%get3A_1056, %get3A_1057] {strides = array<i32>} : memref<4x4096xf32, #tpu.memory_space<vmem>>, vector<16xf32>,
      %get3A_1059 = arith.constant 3 : i32
      %get3A_1060 = arith.index_cast %get3A_1059 : i32 to index
      %get3A_1061 = arith.index_cast %mul3A_1054 : i32 to index
      %get3A_1062 = tpu.vector_load %arg6[%get3A_1060, %get3A_1061] {strides = array<i32>} : memref<4x4096xi32, #tpu.memory_space<vmem>>, vector<16xi32>,
      %eq3A_1063 = arith.constant 1 : i32
      %eq3A_1064 = vector.broadcast %eq3A_1063 : i32 to vector<16xi32>
      %eq3A_1065 = arith.cmpi eq, %get3A_1062, %eq3A_1064 : vector<16xi32>
      %exp3A_1066 = math.exp %get3A_1058 : vector<16xf32>
      %jit3A_1067 = arith.constant 0.000000e+00 : f32
      %broadcast_in_dim3A_1068 = vector.broadcast %jit3A_1067 : f32 to vector<16xf32>
      %select_n3A_1069 = arith.select %eq3A_1065, %broadcast_in_dim3A_1068, %exp3A_1066 : vector<16xi1>, vector<16xf32>
      %add3A_1070 = arith.addf %add3A_1042, %select_n3A_1069 : vector<16xf32>
      %jit3A_1071 = arith.constant 1.000000e+00 : f32
      %jit3A_1072 = arith.constant 0.000000e+00 : f32
      %broadcast_in_dim3A_1073 = vector.broadcast %jit3A_1071 : f32 to vector<16xf32>
      %broadcast_in_dim3A_1074 = vector.broadcast %jit3A_1072 : f32 to vector<16xf32>
      %select_n3A_1075 = arith.select %eq3A_1065, %broadcast_in_dim3A_1073, %broadcast_in_dim3A_1074 : vector<16xi1>, vector<16xf32>
      %add3A_1076 = arith.addf %add3A_1048, %select_n3A_1075 : vector<16xf32>
      %mul3A_1077 = arith.constant 4 : i32
      %mul3A_1078 = arith.muli %scan3A_991, %mul3A_1077 : i32
      %add3A_1079 = arith.constant 3 : i32
      %add3A_1080 = arith.addi %mul3A_1078, %add3A_1079 : i32
      %mul3A_1081 = arith.constant 16 : i32
      %mul3A_1082 = arith.muli %add3A_1080, %mul3A_1081 : i32
      %get3A_1083 = arith.constant 3 : i32
      %get3A_1084 = arith.index_cast %get3A_1083 : i32 to index
      %get3A_1085 = arith.index_cast %mul3A_1082 : i32 to index
      %get3A_1086 = tpu.vector_load %arg5[%get3A_1084, %get3A_1085] {strides = array<i32>} : memref<4x4096xf32, #tpu.memory_space<vmem>>, vector<16xf32>,
      %get3A_1087 = arith.constant 3 : i32
      %get3A_1088 = arith.index_cast %get3A_1087 : i32 to index
      %get3A_1089 = arith.index_cast %mul3A_1082 : i32 to index
      %get3A_1090 = tpu.vector_load %arg6[%get3A_1088, %get3A_1089] {strides = array<i32>} : memref<4x4096xi32, #tpu.memory_space<vmem>>, vector<16xi32>,
      %eq3A_1091 = arith.constant 1 : i32
      %eq3A_1092 = vector.broadcast %eq3A_1091 : i32 to vector<16xi32>
      %eq3A_1093 = arith.cmpi eq, %get3A_1090, %eq3A_1092 : vector<16xi32>
      %exp3A_1094 = math.exp %get3A_1086 : vector<16xf32>
      %jit3A_1095 = arith.constant 0.000000e+00 : f32
      %broadcast_in_dim3A_1096 = vector.broadcast %jit3A_1095 : f32 to vector<16xf32>
      %select_n3A_1097 = arith.select %eq3A_1093, %broadcast_in_dim3A_1096, %exp3A_1094 : vector<16xi1>, vector<16xf32>
      %add3A_1098 = arith.addf %add3A_1070, %select_n3A_1097 : vector<16xf32>
      %jit3A_1099 = arith.constant 1.000000e+00 : f32
      %jit3A_1100 = arith.constant 0.000000e+00 : f32
      %broadcast_in_dim3A_1101 = vector.broadcast %jit3A_1099 : f32 to vector<16xf32>
      %broadcast_in_dim3A_1102 = vector.broadcast %jit3A_1100 : f32 to vector<16xf32>
      %select_n3A_1103 = arith.select %eq3A_1093, %broadcast_in_dim3A_1101, %broadcast_in_dim3A_1102 : vector<16xi1>, vector<16xf32>
      %add3A_1104 = arith.addf %add3A_1076, %select_n3A_1103 : vector<16xf32>
      scf.yield %add3A_1098, %add3A_1104 : vector<16xf32>, vector<16xf32>
    }
    %scan3A_747 = arith.constant 64 : i32
    %reduce_sum3A_748 = arith.constant true
    %reduce_sum3A_749 = vector.broadcast %reduce_sum3A_748 : i1 to vector<16xi1>
    %reduce_sum3A_750 = tpu.scan <sum>, %scan3A_746#1 masked %reduce_sum3A_749 : vector<16xf32>, vector<16xi1> -> vector<16xf32>
    %reduce_sum3A_751 = vector.extract %reduce_sum3A_750[15] : f32 from vector<16xf32>
    %reduce_sum3A_752 = arith.constant true
    %reduce_sum3A_753 = vector.broadcast %reduce_sum3A_752 : i1 to vector<16xi1>
    %reduce_sum3A_754 = tpu.scan <sum>, %scan3A_746#0 masked %reduce_sum3A_753 : vector<16xf32>, vector<16xi1> -> vector<16xf32>
    %reduce_sum3A_755 = vector.extract %reduce_sum3A_754[15] : f32 from vector<16xf32>
    %max3A_756 = arith.constant 1.000000e-30 : f32
    %max3A_757 = arith.maximumf %reduce_sum3A_755, %max3A_756 : f32
    %broadcast_in_dim3A_758 = arith.constant 1.000000e+00 : f32
    %broadcast_in_dim3A_759 = vector.broadcast %broadcast_in_dim3A_758 : f32 to vector<16xf32>
    %mul3A_760 = vector.broadcast %max3A_757 : f32 to vector<16xf32>
    %mul3A_761 = arith.mulf %mul3A_760, %broadcast_in_dim3A_759 : vector<16xf32>
    %bitcast3A_762 = vector.bitcast %mul3A_761 : vector<16xf32> to vector<16xi32>
    %shift_right_arithmetic3A_763 = arith.constant 23 : i32
    %shift_right_arithmetic3A_764 = vector.broadcast %shift_right_arithmetic3A_763 : i32 to vector<16xi32>
    %shift_right_arithmetic3A_765 = arith.shrsi %bitcast3A_762, %shift_right_arithmetic3A_764 : vector<16xi32>
    %sub3A_766 = arith.constant 127 : i32
    %sub3A_767 = vector.broadcast %sub3A_766 : i32 to vector<16xi32>
    %sub3A_768 = arith.subi %shift_right_arithmetic3A_765, %sub3A_767 : vector<16xi32>
    %and3A_769 = arith.constant 8388607 : i32
    %and3A_770 = vector.broadcast %and3A_769 : i32 to vector<16xi32>
    %and3A_771 = arith.andi %bitcast3A_762, %and3A_770 : vector<16xi32>
    %or3A_772 = arith.constant 1065353216 : i32
    %or3A_773 = vector.broadcast %or3A_772 : i32 to vector<16xi32>
    %or3A_774 = arith.ori %and3A_771, %or3A_773 : vector<16xi32>
    %bitcast3A_775 = vector.bitcast %or3A_774 : vector<16xi32> to vector<16xf32>
    %sub3A_776 = arith.constant 1.000000e+00 : f32
    %sub3A_777 = vector.broadcast %sub3A_776 : f32 to vector<16xf32>
    %sub3A_778 = arith.subf %bitcast3A_775, %sub3A_777 : vector<16xf32>
    %add3A_779 = arith.constant 1.000000e+00 : f32
    %add3A_780 = vector.broadcast %add3A_779 : f32 to vector<16xf32>
    %add3A_781 = arith.addf %bitcast3A_775, %add3A_780 : vector<16xf32>
    %div3A_782 = arith.divf %sub3A_778, %add3A_781 : vector<16xf32>
    %mul3A_783 = arith.mulf %div3A_782, %div3A_782 : vector<16xf32>
    %mul3A_784 = arith.constant 0.222222224 : f32
    %mul3A_785 = vector.broadcast %mul3A_784 : f32 to vector<16xf32>
    %mul3A_786 = arith.mulf %mul3A_783, %mul3A_785 : vector<16xf32>
    %add3A_787 = arith.constant 0.285714298 : f32
    %add3A_788 = vector.broadcast %add3A_787 : f32 to vector<16xf32>
    %add3A_789 = arith.addf %add3A_788, %mul3A_786 : vector<16xf32>
    %mul3A_790 = arith.mulf %mul3A_783, %add3A_789 : vector<16xf32>
    %add3A_791 = arith.constant 4.000000e-01 : f32
    %add3A_792 = vector.broadcast %add3A_791 : f32 to vector<16xf32>
    %add3A_793 = arith.addf %add3A_792, %mul3A_790 : vector<16xf32>
    %mul3A_794 = arith.mulf %mul3A_783, %add3A_793 : vector<16xf32>
    %add3A_795 = arith.constant 0.666666686 : f32
    %add3A_796 = vector.broadcast %add3A_795 : f32 to vector<16xf32>
    %add3A_797 = arith.addf %add3A_796, %mul3A_794 : vector<16xf32>
    %mul3A_798 = arith.mulf %mul3A_783, %add3A_797 : vector<16xf32>
    %add3A_799 = arith.constant 2.000000e+00 : f32
    %add3A_800 = vector.broadcast %add3A_799 : f32 to vector<16xf32>
    %add3A_801 = arith.addf %add3A_800, %mul3A_798 : vector<16xf32>
    %convert_element_type3A_802 = arith.sitofp %sub3A_768 : vector<16xi32> to vector<16xf32>
    %mul3A_803 = arith.constant 0.693147182 : f32
    %mul3A_804 = vector.broadcast %mul3A_803 : f32 to vector<16xf32>
    %mul3A_805 = arith.mulf %convert_element_type3A_802, %mul3A_804 : vector<16xf32>
    %mul3A_806 = arith.mulf %div3A_782, %add3A_801 : vector<16xf32>
    %add3A_807 = arith.addf %mul3A_805, %mul3A_806 : vector<16xf32>
    %swap3A_808 = arith.constant 0 : index
    %swap3A_809 = tpu.vector_load %arg8[%swap3A_808] {strides = array<i32>} : memref<32xi32, #tpu.memory_space<vmem>>, vector<16xi32>,
    tpu.vector_store %arg8[%swap3A_808], %broadcast_in_dim3A_3 {strides = array<i32>} : memref<32xi32, #tpu.memory_space<vmem>>, vector<16xi32>,
    %swap3A_810 = arith.constant 16 : index
    %swap3A_811 = tpu.vector_load %arg8[%swap3A_810] {strides = array<i32>} : memref<32xi32, #tpu.memory_space<vmem>>, vector<16xi32>,
    tpu.vector_store %arg8[%swap3A_810], %broadcast_in_dim3A_3 {strides = array<i32>} : memref<32xi32, #tpu.memory_space<vmem>>, vector<16xi32>,
    %broadcast_in_dim3A_812 = arith.constant 0.000000e+00 : f32
    %broadcast_in_dim3A_813 = vector.broadcast %broadcast_in_dim3A_812 : f32 to vector<16xf32>
    %scan3A_814 = arith.constant 0 : i32
    %scan3A_815 = arith.constant 64 : i32
    %scan3A_816 = arith.addi %scan3A_814, %scan3A_815 : i32
    %scan3A_817 = arith.constant 1 : i32
    %scan3A_818 = scf.for %scan3A_991 = %scan3A_814 to %scan3A_816 step %scan3A_817 iter_args(%scan3A_992 = %broadcast_in_dim3A_813) -> (vector<16xf32>)  : i32 {
      %mul3A_993 = arith.constant 4 : i32
      %mul3A_994 = arith.muli %scan3A_991, %mul3A_993 : i32
      %add3A_995 = arith.constant 0 : i32
      %add3A_996 = arith.addi %mul3A_994, %add3A_995 : i32
      %mul3A_997 = arith.constant 16 : i32
      %mul3A_998 = arith.muli %add3A_996, %mul3A_997 : i32
      %get3A_999 = arith.constant 3 : i32
      %get3A_1000 = arith.index_cast %get3A_999 : i32 to index
      %get3A_1001 = arith.index_cast %mul3A_998 : i32 to index
      %get3A_1002 = tpu.vector_load %arg5[%get3A_1000, %get3A_1001] {strides = array<i32>} : memref<4x4096xf32, #tpu.memory_space<vmem>>, vector<16xf32>,
      %get3A_1003 = arith.constant 3 : i32
      %get3A_1004 = arith.index_cast %get3A_1003 : i32 to index
      %get3A_1005 = arith.index_cast %mul3A_998 : i32 to index
      %get3A_1006 = tpu.vector_load %arg6[%get3A_1004, %get3A_1005] {strides = array<i32>} : memref<4x4096xi32, #tpu.memory_space<vmem>>, vector<16xi32>,
      %eq3A_1007 = arith.constant 1 : i32
      %eq3A_1008 = vector.broadcast %eq3A_1007 : i32 to vector<16xi32>
      %eq3A_1009 = arith.cmpi eq, %get3A_1006, %eq3A_1008 : vector<16xi32>
      %abs3A = math.absf %get3A_1002 : vector<16xf32>
      %neg3A = arith.constant 0.000000e+00 : f32
      %neg3A_1010 = vector.broadcast %neg3A : f32 to vector<16xf32>
      %neg3A_1011 = arith.subf %neg3A_1010, %abs3A : vector<16xf32>
      %exp3A = math.exp %neg3A_1011 : vector<16xf32>
      %neg3A_1012 = arith.constant 0.000000e+00 : f32
      %neg3A_1013 = vector.broadcast %neg3A_1012 : f32 to vector<16xf32>
      %neg3A_1014 = arith.subf %neg3A_1013, %get3A_1002 : vector<16xf32>
      %select_n3A_1015 = arith.select %eq3A_1009, %neg3A_1014, %get3A_1002 : vector<16xi1>, vector<16xf32>
      %max3A_1016 = arith.constant 0.000000e+00 : f32
      %max3A_1017 = vector.broadcast %max3A_1016 : f32 to vector<16xf32>
      %max3A_1018 = arith.maximumf %select_n3A_1015, %max3A_1017 : vector<16xf32>
      %mul3A_1019 = arith.mulf %exp3A, %exp3A : vector<16xf32>
      %mul3A_1020 = arith.constant 0.995426654 : f32
      %mul3A_1021 = vector.broadcast %mul3A_1020 : f32 to vector<16xf32>
      %mul3A_1022 = arith.mulf %mul3A_1021, %exp3A : vector<16xf32>
      %add3A_1023 = arith.constant 1.41580167E-4 : f32
      %add3A_1024 = vector.broadcast %add3A_1023 : f32 to vector<16xf32>
      %add3A_1025 = arith.addf %add3A_1024, %mul3A_1022 : vector<16xf32>
      %mul3A_1026 = arith.constant 0.216408581 : f32
      %mul3A_1027 = vector.broadcast %mul3A_1026 : f32 to vector<16xf32>
      %mul3A_1028 = arith.mulf %mul3A_1027, %exp3A : vector<16xf32>
      %add3A_1029 = arith.constant -0.464070708 : f32
      %add3A_1030 = vector.broadcast %add3A_1029 : f32 to vector<16xf32>
      %add3A_1031 = arith.addf %add3A_1030, %mul3A_1028 : vector<16xf32>
      %mul3A_1032 = arith.constant -0.0548623092 : f32
      %mul3A_1033 = vector.broadcast %mul3A_1032 : f32 to vector<16xf32>
      %mul3A_1034 = arith.mulf %mul3A_1033, %mul3A_1019 : vector<16xf32>
      %add3A_1035 = arith.addf %add3A_1031, %mul3A_1034 : vector<16xf32>
      %mul3A_1036 = arith.mulf %mul3A_1019, %add3A_1035 : vector<16xf32>
      %add3A_1037 = arith.addf %add3A_1025, %mul3A_1036 : vector<16xf32>
      %add3A_1038 = arith.addf %max3A_1018, %add3A_1037 : vector<16xf32>
      %bitcast3A_1039 = vector.bitcast %add3A_1038 : vector<16xf32> to vector<16xi32>
      %swap3A_1040 = arith.index_cast %mul3A_998 : i32 to index
      %swap3A_1041 = tpu.vector_load %arg7[%swap3A_1040] {strides = array<i32>} : memref<4096xi32, #tpu.memory_space<vmem>>, vector<16xi32>,
      tpu.vector_store %arg7[%swap3A_1040], %bitcast3A_1039 {strides = array<i32>} : memref<4096xi32, #tpu.memory_space<vmem>>, vector<16xi32>,
      %shift_right_arithmetic3A_1042 = arith.constant 27 : i32
      %shift_right_arithmetic3A_1043 = vector.broadcast %shift_right_arithmetic3A_1042 : i32 to vector<16xi32>
      %shift_right_arithmetic3A_1044 = arith.shrsi %bitcast3A_1039, %shift_right_arithmetic3A_1043 : vector<16xi32>
      %broadcast_in_dim3A_1045 = arith.constant true
      %broadcast_in_dim3A_1046 = vector.broadcast %broadcast_in_dim3A_1045 : i1 to vector<16xi1>
      %unique3A, %unique3A_1047 = tpu.scan_count mask(%broadcast_in_dim3A_1046 : vector<16xi1>) value(%shift_right_arithmetic3A_1044 : vector<16xi32>) : vector<16xi1>, vector<16xi32>
      tpu.vector_store_idx %arg8[%shift_right_arithmetic3A_1044], %unique3A_1047 masked %unique3A {add = true} : memref<32xi32, #tpu.memory_space<vmem>>[vector<16xi32>], vector<16xi32>, vector<16xi1>
      %sub3A_1048 = arith.subf %add3A_807, %get3A_1002 : vector<16xf32>
      %jit3A_1049 = arith.constant -8.000000e+01 : f32
      %jit3A_1050 = arith.constant 8.000000e+01 : f32
      %max3A_1051 = vector.broadcast %jit3A_1049 : f32 to vector<16xf32>
      %max3A_1052 = arith.maximumf %max3A_1051, %sub3A_1048 : vector<16xf32>
      %min3A = vector.broadcast %jit3A_1050 : f32 to vector<16xf32>
      %min3A_1053 = arith.minimumf %min3A, %max3A_1052 : vector<16xf32>
      %abs3A_1054 = math.absf %min3A_1053 : vector<16xf32>
      %neg3A_1055 = arith.constant 0.000000e+00 : f32
      %neg3A_1056 = vector.broadcast %neg3A_1055 : f32 to vector<16xf32>
      %neg3A_1057 = arith.subf %neg3A_1056, %abs3A_1054 : vector<16xf32>
      %exp3A_1058 = math.exp %neg3A_1057 : vector<16xf32>
      %max3A_1059 = arith.constant 0.000000e+00 : f32
      %max3A_1060 = vector.broadcast %max3A_1059 : f32 to vector<16xf32>
      %max3A_1061 = arith.maximumf %min3A_1053, %max3A_1060 : vector<16xf32>
      %mul3A_1062 = arith.mulf %exp3A_1058, %exp3A_1058 : vector<16xf32>
      %mul3A_1063 = arith.constant 0.995426654 : f32
      %mul3A_1064 = vector.broadcast %mul3A_1063 : f32 to vector<16xf32>
      %mul3A_1065 = arith.mulf %mul3A_1064, %exp3A_1058 : vector<16xf32>
      %add3A_1066 = arith.constant 1.41580167E-4 : f32
      %add3A_1067 = vector.broadcast %add3A_1066 : f32 to vector<16xf32>
      %add3A_1068 = arith.addf %add3A_1067, %mul3A_1065 : vector<16xf32>
      %mul3A_1069 = arith.constant 0.216408581 : f32
      %mul3A_1070 = vector.broadcast %mul3A_1069 : f32 to vector<16xf32>
      %mul3A_1071 = arith.mulf %mul3A_1070, %exp3A_1058 : vector<16xf32>
      %add3A_1072 = arith.constant -0.464070708 : f32
      %add3A_1073 = vector.broadcast %add3A_1072 : f32 to vector<16xf32>
      %add3A_1074 = arith.addf %add3A_1073, %mul3A_1071 : vector<16xf32>
      %mul3A_1075 = arith.constant -0.0548623092 : f32
      %mul3A_1076 = vector.broadcast %mul3A_1075 : f32 to vector<16xf32>
      %mul3A_1077 = arith.mulf %mul3A_1076, %mul3A_1062 : vector<16xf32>
      %add3A_1078 = arith.addf %add3A_1074, %mul3A_1077 : vector<16xf32>
      %mul3A_1079 = arith.mulf %mul3A_1062, %add3A_1078 : vector<16xf32>
      %add3A_1080 = arith.addf %add3A_1068, %mul3A_1079 : vector<16xf32>
      %add3A_1081 = arith.addf %max3A_1061, %add3A_1080 : vector<16xf32>
      %jit3A_1082 = arith.constant 0.000000e+00 : f32
      %broadcast_in_dim3A_1083 = vector.broadcast %jit3A_1082 : f32 to vector<16xf32>
      %select_n3A_1084 = arith.select %eq3A_1009, %add3A_1081, %broadcast_in_dim3A_1083 : vector<16xi1>, vector<16xf32>
      %add3A_1085 = arith.addf %scan3A_992, %select_n3A_1084 : vector<16xf32>
      %mul3A_1086 = arith.constant 4 : i32
      %mul3A_1087 = arith.muli %scan3A_991, %mul3A_1086 : i32
      %add3A_1088 = arith.constant 1 : i32
      %add3A_1089 = arith.addi %mul3A_1087, %add3A_1088 : i32
      %mul3A_1090 = arith.constant 16 : i32
      %mul3A_1091 = arith.muli %add3A_1089, %mul3A_1090 : i32
      %get3A_1092 = arith.constant 3 : i32
      %get3A_1093 = arith.index_cast %get3A_1092 : i32 to index
      %get3A_1094 = arith.index_cast %mul3A_1091 : i32 to index
      %get3A_1095 = tpu.vector_load %arg5[%get3A_1093, %get3A_1094] {strides = array<i32>} : memref<4x4096xf32, #tpu.memory_space<vmem>>, vector<16xf32>,
      %get3A_1096 = arith.constant 3 : i32
      %get3A_1097 = arith.index_cast %get3A_1096 : i32 to index
      %get3A_1098 = arith.index_cast %mul3A_1091 : i32 to index
      %get3A_1099 = tpu.vector_load %arg6[%get3A_1097, %get3A_1098] {strides = array<i32>} : memref<4x4096xi32, #tpu.memory_space<vmem>>, vector<16xi32>,
      %eq3A_1100 = arith.constant 1 : i32
      %eq3A_1101 = vector.broadcast %eq3A_1100 : i32 to vector<16xi32>
      %eq3A_1102 = arith.cmpi eq, %get3A_1099, %eq3A_1101 : vector<16xi32>
      %abs3A_1103 = math.absf %get3A_1095 : vector<16xf32>
      %neg3A_1104 = arith.constant 0.000000e+00 : f32
      %neg3A_1105 = vector.broadcast %neg3A_1104 : f32 to vector<16xf32>
      %neg3A_1106 = arith.subf %neg3A_1105, %abs3A_1103 : vector<16xf32>
      %exp3A_1107 = math.exp %neg3A_1106 : vector<16xf32>
      %neg3A_1108 = arith.constant 0.000000e+00 : f32
      %neg3A_1109 = vector.broadcast %neg3A_1108 : f32 to vector<16xf32>
      %neg3A_1110 = arith.subf %neg3A_1109, %get3A_1095 : vector<16xf32>
      %select_n3A_1111 = arith.select %eq3A_1102, %neg3A_1110, %get3A_1095 : vector<16xi1>, vector<16xf32>
      %max3A_1112 = arith.constant 0.000000e+00 : f32
      %max3A_1113 = vector.broadcast %max3A_1112 : f32 to vector<16xf32>
      %max3A_1114 = arith.maximumf %select_n3A_1111, %max3A_1113 : vector<16xf32>
      %mul3A_1115 = arith.mulf %exp3A_1107, %exp3A_1107 : vector<16xf32>
      %mul3A_1116 = arith.constant 0.995426654 : f32
      %mul3A_1117 = vector.broadcast %mul3A_1116 : f32 to vector<16xf32>
      %mul3A_1118 = arith.mulf %mul3A_1117, %exp3A_1107 : vector<16xf32>
      %add3A_1119 = arith.constant 1.41580167E-4 : f32
      %add3A_1120 = vector.broadcast %add3A_1119 : f32 to vector<16xf32>
      %add3A_1121 = arith.addf %add3A_1120, %mul3A_1118 : vector<16xf32>
      %mul3A_1122 = arith.constant 0.216408581 : f32
      %mul3A_1123 = vector.broadcast %mul3A_1122 : f32 to vector<16xf32>
      %mul3A_1124 = arith.mulf %mul3A_1123, %exp3A_1107 : vector<16xf32>
      %add3A_1125 = arith.constant -0.464070708 : f32
      %add3A_1126 = vector.broadcast %add3A_1125 : f32 to vector<16xf32>
      %add3A_1127 = arith.addf %add3A_1126, %mul3A_1124 : vector<16xf32>
      %mul3A_1128 = arith.constant -0.0548623092 : f32
      %mul3A_1129 = vector.broadcast %mul3A_1128 : f32 to vector<16xf32>
      %mul3A_1130 = arith.mulf %mul3A_1129, %mul3A_1115 : vector<16xf32>
      %add3A_1131 = arith.addf %add3A_1127, %mul3A_1130 : vector<16xf32>
      %mul3A_1132 = arith.mulf %mul3A_1115, %add3A_1131 : vector<16xf32>
      %add3A_1133 = arith.addf %add3A_1121, %mul3A_1132 : vector<16xf32>
      %add3A_1134 = arith.addf %max3A_1114, %add3A_1133 : vector<16xf32>
      %bitcast3A_1135 = vector.bitcast %add3A_1134 : vector<16xf32> to vector<16xi32>
      %swap3A_1136 = arith.index_cast %mul3A_1091 : i32 to index
      %swap3A_1137 = tpu.vector_load %arg7[%swap3A_1136] {strides = array<i32>} : memref<4096xi32, #tpu.memory_space<vmem>>, vector<16xi32>,
      tpu.vector_store %arg7[%swap3A_1136], %bitcast3A_1135 {strides = array<i32>} : memref<4096xi32, #tpu.memory_space<vmem>>, vector<16xi32>,
      %shift_right_arithmetic3A_1138 = arith.constant 27 : i32
      %shift_right_arithmetic3A_1139 = vector.broadcast %shift_right_arithmetic3A_1138 : i32 to vector<16xi32>
      %shift_right_arithmetic3A_1140 = arith.shrsi %bitcast3A_1135, %shift_right_arithmetic3A_1139 : vector<16xi32>
      %broadcast_in_dim3A_1141 = arith.constant true
      %broadcast_in_dim3A_1142 = vector.broadcast %broadcast_in_dim3A_1141 : i1 to vector<16xi1>
      %unique3A_1143, %unique3A_1144 = tpu.scan_count mask(%broadcast_in_dim3A_1142 : vector<16xi1>) value(%shift_right_arithmetic3A_1140 : vector<16xi32>) : vector<16xi1>, vector<16xi32>
      tpu.vector_store_idx %arg8[%shift_right_arithmetic3A_1140], %unique3A_1144 masked %unique3A_1143 {add = true} : memref<32xi32, #tpu.memory_space<vmem>>[vector<16xi32>], vector<16xi32>, vector<16xi1>
      %sub3A_1145 = arith.subf %add3A_807, %get3A_1095 : vector<16xf32>
      %jit3A_1146 = arith.constant -8.000000e+01 : f32
      %jit3A_1147 = arith.constant 8.000000e+01 : f32
      %max3A_1148 = vector.broadcast %jit3A_1146 : f32 to vector<16xf32>
      %max3A_1149 = arith.maximumf %max3A_1148, %sub3A_1145 : vector<16xf32>
      %min3A_1150 = vector.broadcast %jit3A_1147 : f32 to vector<16xf32>
      %min3A_1151 = arith.minimumf %min3A_1150, %max3A_1149 : vector<16xf32>
      %abs3A_1152 = math.absf %min3A_1151 : vector<16xf32>
      %neg3A_1153 = arith.constant 0.000000e+00 : f32
      %neg3A_1154 = vector.broadcast %neg3A_1153 : f32 to vector<16xf32>
      %neg3A_1155 = arith.subf %neg3A_1154, %abs3A_1152 : vector<16xf32>
      %exp3A_1156 = math.exp %neg3A_1155 : vector<16xf32>
      %max3A_1157 = arith.constant 0.000000e+00 : f32
      %max3A_1158 = vector.broadcast %max3A_1157 : f32 to vector<16xf32>
      %max3A_1159 = arith.maximumf %min3A_1151, %max3A_1158 : vector<16xf32>
      %mul3A_1160 = arith.mulf %exp3A_1156, %exp3A_1156 : vector<16xf32>
      %mul3A_1161 = arith.constant 0.995426654 : f32
      %mul3A_1162 = vector.broadcast %mul3A_1161 : f32 to vector<16xf32>
      %mul3A_1163 = arith.mulf %mul3A_1162, %exp3A_1156 : vector<16xf32>
      %add3A_1164 = arith.constant 1.41580167E-4 : f32
      %add3A_1165 = vector.broadcast %add3A_1164 : f32 to vector<16xf32>
      %add3A_1166 = arith.addf %add3A_1165, %mul3A_1163 : vector<16xf32>
      %mul3A_1167 = arith.constant 0.216408581 : f32
      %mul3A_1168 = vector.broadcast %mul3A_1167 : f32 to vector<16xf32>
      %mul3A_1169 = arith.mulf %mul3A_1168, %exp3A_1156 : vector<16xf32>
      %add3A_1170 = arith.constant -0.464070708 : f32
      %add3A_1171 = vector.broadcast %add3A_1170 : f32 to vector<16xf32>
      %add3A_1172 = arith.addf %add3A_1171, %mul3A_1169 : vector<16xf32>
      %mul3A_1173 = arith.constant -0.0548623092 : f32
      %mul3A_1174 = vector.broadcast %mul3A_1173 : f32 to vector<16xf32>
      %mul3A_1175 = arith.mulf %mul3A_1174, %mul3A_1160 : vector<16xf32>
      %add3A_1176 = arith.addf %add3A_1172, %mul3A_1175 : vector<16xf32>
      %mul3A_1177 = arith.mulf %mul3A_1160, %add3A_1176 : vector<16xf32>
      %add3A_1178 = arith.addf %add3A_1166, %mul3A_1177 : vector<16xf32>
      %add3A_1179 = arith.addf %max3A_1159, %add3A_1178 : vector<16xf32>
      %jit3A_1180 = arith.constant 0.000000e+00 : f32
      %broadcast_in_dim3A_1181 = vector.broadcast %jit3A_1180 : f32 to vector<16xf32>
      %select_n3A_1182 = arith.select %eq3A_1102, %add3A_1179, %broadcast_in_dim3A_1181 : vector<16xi1>, vector<16xf32>
      %add3A_1183 = arith.addf %add3A_1085, %select_n3A_1182 : vector<16xf32>
      %mul3A_1184 = arith.constant 4 : i32
      %mul3A_1185 = arith.muli %scan3A_991, %mul3A_1184 : i32
      %add3A_1186 = arith.constant 2 : i32
      %add3A_1187 = arith.addi %mul3A_1185, %add3A_1186 : i32
      %mul3A_1188 = arith.constant 16 : i32
      %mul3A_1189 = arith.muli %add3A_1187, %mul3A_1188 : i32
      %get3A_1190 = arith.constant 3 : i32
      %get3A_1191 = arith.index_cast %get3A_1190 : i32 to index
      %get3A_1192 = arith.index_cast %mul3A_1189 : i32 to index
      %get3A_1193 = tpu.vector_load %arg5[%get3A_1191, %get3A_1192] {strides = array<i32>} : memref<4x4096xf32, #tpu.memory_space<vmem>>, vector<16xf32>,
      %get3A_1194 = arith.constant 3 : i32
      %get3A_1195 = arith.index_cast %get3A_1194 : i32 to index
      %get3A_1196 = arith.index_cast %mul3A_1189 : i32 to index
      %get3A_1197 = tpu.vector_load %arg6[%get3A_1195, %get3A_1196] {strides = array<i32>} : memref<4x4096xi32, #tpu.memory_space<vmem>>, vector<16xi32>,
      %eq3A_1198 = arith.constant 1 : i32
      %eq3A_1199 = vector.broadcast %eq3A_1198 : i32 to vector<16xi32>
      %eq3A_1200 = arith.cmpi eq, %get3A_1197, %eq3A_1199 : vector<16xi32>
      %abs3A_1201 = math.absf %get3A_1193 : vector<16xf32>
      %neg3A_1202 = arith.constant 0.000000e+00 : f32
      %neg3A_1203 = vector.broadcast %neg3A_1202 : f32 to vector<16xf32>
      %neg3A_1204 = arith.subf %neg3A_1203, %abs3A_1201 : vector<16xf32>
      %exp3A_1205 = math.exp %neg3A_1204 : vector<16xf32>
      %neg3A_1206 = arith.constant 0.000000e+00 : f32
      %neg3A_1207 = vector.broadcast %neg3A_1206 : f32 to vector<16xf32>
      %neg3A_1208 = arith.subf %neg3A_1207, %get3A_1193 : vector<16xf32>
      %select_n3A_1209 = arith.select %eq3A_1200, %neg3A_1208, %get3A_1193 : vector<16xi1>, vector<16xf32>
      %max3A_1210 = arith.constant 0.000000e+00 : f32
      %max3A_1211 = vector.broadcast %max3A_1210 : f32 to vector<16xf32>
      %max3A_1212 = arith.maximumf %select_n3A_1209, %max3A_1211 : vector<16xf32>
      %mul3A_1213 = arith.mulf %exp3A_1205, %exp3A_1205 : vector<16xf32>
      %mul3A_1214 = arith.constant 0.995426654 : f32
      %mul3A_1215 = vector.broadcast %mul3A_1214 : f32 to vector<16xf32>
      %mul3A_1216 = arith.mulf %mul3A_1215, %exp3A_1205 : vector<16xf32>
      %add3A_1217 = arith.constant 1.41580167E-4 : f32
      %add3A_1218 = vector.broadcast %add3A_1217 : f32 to vector<16xf32>
      %add3A_1219 = arith.addf %add3A_1218, %mul3A_1216 : vector<16xf32>
      %mul3A_1220 = arith.constant 0.216408581 : f32
      %mul3A_1221 = vector.broadcast %mul3A_1220 : f32 to vector<16xf32>
      %mul3A_1222 = arith.mulf %mul3A_1221, %exp3A_1205 : vector<16xf32>
      %add3A_1223 = arith.constant -0.464070708 : f32
      %add3A_1224 = vector.broadcast %add3A_1223 : f32 to vector<16xf32>
      %add3A_1225 = arith.addf %add3A_1224, %mul3A_1222 : vector<16xf32>
      %mul3A_1226 = arith.constant -0.0548623092 : f32
      %mul3A_1227 = vector.broadcast %mul3A_1226 : f32 to vector<16xf32>
      %mul3A_1228 = arith.mulf %mul3A_1227, %mul3A_1213 : vector<16xf32>
      %add3A_1229 = arith.addf %add3A_1225, %mul3A_1228 : vector<16xf32>
      %mul3A_1230 = arith.mulf %mul3A_1213, %add3A_1229 : vector<16xf32>
      %add3A_1231 = arith.addf %add3A_1219, %mul3A_1230 : vector<16xf32>
      %add3A_1232 = arith.addf %max3A_1212, %add3A_1231 : vector<16xf32>
      %bitcast3A_1233 = vector.bitcast %add3A_1232 : vector<16xf32> to vector<16xi32>
      %swap3A_1234 = arith.index_cast %mul3A_1189 : i32 to index
      %swap3A_1235 = tpu.vector_load %arg7[%swap3A_1234] {strides = array<i32>} : memref<4096xi32, #tpu.memory_space<vmem>>, vector<16xi32>,
      tpu.vector_store %arg7[%swap3A_1234], %bitcast3A_1233 {strides = array<i32>} : memref<4096xi32, #tpu.memory_space<vmem>>, vector<16xi32>,
      %shift_right_arithmetic3A_1236 = arith.constant 27 : i32
      %shift_right_arithmetic3A_1237 = vector.broadcast %shift_right_arithmetic3A_1236 : i32 to vector<16xi32>
      %shift_right_arithmetic3A_1238 = arith.shrsi %bitcast3A_1233, %shift_right_arithmetic3A_1237 : vector<16xi32>
      %broadcast_in_dim3A_1239 = arith.constant true
      %broadcast_in_dim3A_1240 = vector.broadcast %broadcast_in_dim3A_1239 : i1 to vector<16xi1>
      %unique3A_1241, %unique3A_1242 = tpu.scan_count mask(%broadcast_in_dim3A_1240 : vector<16xi1>) value(%shift_right_arithmetic3A_1238 : vector<16xi32>) : vector<16xi1>, vector<16xi32>
      tpu.vector_store_idx %arg8[%shift_right_arithmetic3A_1238], %unique3A_1242 masked %unique3A_1241 {add = true} : memref<32xi32, #tpu.memory_space<vmem>>[vector<16xi32>], vector<16xi32>, vector<16xi1>
      %sub3A_1243 = arith.subf %add3A_807, %get3A_1193 : vector<16xf32>
      %jit3A_1244 = arith.constant -8.000000e+01 : f32
      %jit3A_1245 = arith.constant 8.000000e+01 : f32
      %max3A_1246 = vector.broadcast %jit3A_1244 : f32 to vector<16xf32>
      %max3A_1247 = arith.maximumf %max3A_1246, %sub3A_1243 : vector<16xf32>
      %min3A_1248 = vector.broadcast %jit3A_1245 : f32 to vector<16xf32>
      %min3A_1249 = arith.minimumf %min3A_1248, %max3A_1247 : vector<16xf32>
      %abs3A_1250 = math.absf %min3A_1249 : vector<16xf32>
      %neg3A_1251 = arith.constant 0.000000e+00 : f32
      %neg3A_1252 = vector.broadcast %neg3A_1251 : f32 to vector<16xf32>
      %neg3A_1253 = arith.subf %neg3A_1252, %abs3A_1250 : vector<16xf32>
      %exp3A_1254 = math.exp %neg3A_1253 : vector<16xf32>
      %max3A_1255 = arith.constant 0.000000e+00 : f32
      %max3A_1256 = vector.broadcast %max3A_1255 : f32 to vector<16xf32>
      %max3A_1257 = arith.maximumf %min3A_1249, %max3A_1256 : vector<16xf32>
      %mul3A_1258 = arith.mulf %exp3A_1254, %exp3A_1254 : vector<16xf32>
      %mul3A_1259 = arith.constant 0.995426654 : f32
      %mul3A_1260 = vector.broadcast %mul3A_1259 : f32 to vector<16xf32>
      %mul3A_1261 = arith.mulf %mul3A_1260, %exp3A_1254 : vector<16xf32>
      %add3A_1262 = arith.constant 1.41580167E-4 : f32
      %add3A_1263 = vector.broadcast %add3A_1262 : f32 to vector<16xf32>
      %add3A_1264 = arith.addf %add3A_1263, %mul3A_1261 : vector<16xf32>
      %mul3A_1265 = arith.constant 0.216408581 : f32
      %mul3A_1266 = vector.broadcast %mul3A_1265 : f32 to vector<16xf32>
      %mul3A_1267 = arith.mulf %mul3A_1266, %exp3A_1254 : vector<16xf32>
      %add3A_1268 = arith.constant -0.464070708 : f32
      %add3A_1269 = vector.broadcast %add3A_1268 : f32 to vector<16xf32>
      %add3A_1270 = arith.addf %add3A_1269, %mul3A_1267 : vector<16xf32>
      %mul3A_1271 = arith.constant -0.0548623092 : f32
      %mul3A_1272 = vector.broadcast %mul3A_1271 : f32 to vector<16xf32>
      %mul3A_1273 = arith.mulf %mul3A_1272, %mul3A_1258 : vector<16xf32>
      %add3A_1274 = arith.addf %add3A_1270, %mul3A_1273 : vector<16xf32>
      %mul3A_1275 = arith.mulf %mul3A_1258, %add3A_1274 : vector<16xf32>
      %add3A_1276 = arith.addf %add3A_1264, %mul3A_1275 : vector<16xf32>
      %add3A_1277 = arith.addf %max3A_1257, %add3A_1276 : vector<16xf32>
      %jit3A_1278 = arith.constant 0.000000e+00 : f32
      %broadcast_in_dim3A_1279 = vector.broadcast %jit3A_1278 : f32 to vector<16xf32>
      %select_n3A_1280 = arith.select %eq3A_1200, %add3A_1277, %broadcast_in_dim3A_1279 : vector<16xi1>, vector<16xf32>
      %add3A_1281 = arith.addf %add3A_1183, %select_n3A_1280 : vector<16xf32>
      %mul3A_1282 = arith.constant 4 : i32
      %mul3A_1283 = arith.muli %scan3A_991, %mul3A_1282 : i32
      %add3A_1284 = arith.constant 3 : i32
      %add3A_1285 = arith.addi %mul3A_1283, %add3A_1284 : i32
      %mul3A_1286 = arith.constant 16 : i32
      %mul3A_1287 = arith.muli %add3A_1285, %mul3A_1286 : i32
      %get3A_1288 = arith.constant 3 : i32
      %get3A_1289 = arith.index_cast %get3A_1288 : i32 to index
      %get3A_1290 = arith.index_cast %mul3A_1287 : i32 to index
      %get3A_1291 = tpu.vector_load %arg5[%get3A_1289, %get3A_1290] {strides = array<i32>} : memref<4x4096xf32, #tpu.memory_space<vmem>>, vector<16xf32>,
      %get3A_1292 = arith.constant 3 : i32
      %get3A_1293 = arith.index_cast %get3A_1292 : i32 to index
      %get3A_1294 = arith.index_cast %mul3A_1287 : i32 to index
      %get3A_1295 = tpu.vector_load %arg6[%get3A_1293, %get3A_1294] {strides = array<i32>} : memref<4x4096xi32, #tpu.memory_space<vmem>>, vector<16xi32>,
      %eq3A_1296 = arith.constant 1 : i32
      %eq3A_1297 = vector.broadcast %eq3A_1296 : i32 to vector<16xi32>
      %eq3A_1298 = arith.cmpi eq, %get3A_1295, %eq3A_1297 : vector<16xi32>
      %abs3A_1299 = math.absf %get3A_1291 : vector<16xf32>
      %neg3A_1300 = arith.constant 0.000000e+00 : f32
      %neg3A_1301 = vector.broadcast %neg3A_1300 : f32 to vector<16xf32>
      %neg3A_1302 = arith.subf %neg3A_1301, %abs3A_1299 : vector<16xf32>
      %exp3A_1303 = math.exp %neg3A_1302 : vector<16xf32>
      %neg3A_1304 = arith.constant 0.000000e+00 : f32
      %neg3A_1305 = vector.broadcast %neg3A_1304 : f32 to vector<16xf32>
      %neg3A_1306 = arith.subf %neg3A_1305, %get3A_1291 : vector<16xf32>
      %select_n3A_1307 = arith.select %eq3A_1298, %neg3A_1306, %get3A_1291 : vector<16xi1>, vector<16xf32>
      %max3A_1308 = arith.constant 0.000000e+00 : f32
      %max3A_1309 = vector.broadcast %max3A_1308 : f32 to vector<16xf32>
      %max3A_1310 = arith.maximumf %select_n3A_1307, %max3A_1309 : vector<16xf32>
      %mul3A_1311 = arith.mulf %exp3A_1303, %exp3A_1303 : vector<16xf32>
      %mul3A_1312 = arith.constant 0.995426654 : f32
      %mul3A_1313 = vector.broadcast %mul3A_1312 : f32 to vector<16xf32>
      %mul3A_1314 = arith.mulf %mul3A_1313, %exp3A_1303 : vector<16xf32>
      %add3A_1315 = arith.constant 1.41580167E-4 : f32
      %add3A_1316 = vector.broadcast %add3A_1315 : f32 to vector<16xf32>
      %add3A_1317 = arith.addf %add3A_1316, %mul3A_1314 : vector<16xf32>
      %mul3A_1318 = arith.constant 0.216408581 : f32
      %mul3A_1319 = vector.broadcast %mul3A_1318 : f32 to vector<16xf32>
      %mul3A_1320 = arith.mulf %mul3A_1319, %exp3A_1303 : vector<16xf32>
      %add3A_1321 = arith.constant -0.464070708 : f32
      %add3A_1322 = vector.broadcast %add3A_1321 : f32 to vector<16xf32>
      %add3A_1323 = arith.addf %add3A_1322, %mul3A_1320 : vector<16xf32>
      %mul3A_1324 = arith.constant -0.0548623092 : f32
      %mul3A_1325 = vector.broadcast %mul3A_1324 : f32 to vector<16xf32>
      %mul3A_1326 = arith.mulf %mul3A_1325, %mul3A_1311 : vector<16xf32>
      %add3A_1327 = arith.addf %add3A_1323, %mul3A_1326 : vector<16xf32>
      %mul3A_1328 = arith.mulf %mul3A_1311, %add3A_1327 : vector<16xf32>
      %add3A_1329 = arith.addf %add3A_1317, %mul3A_1328 : vector<16xf32>
      %add3A_1330 = arith.addf %max3A_1310, %add3A_1329 : vector<16xf32>
      %bitcast3A_1331 = vector.bitcast %add3A_1330 : vector<16xf32> to vector<16xi32>
      %swap3A_1332 = arith.index_cast %mul3A_1287 : i32 to index
      %swap3A_1333 = tpu.vector_load %arg7[%swap3A_1332] {strides = array<i32>} : memref<4096xi32, #tpu.memory_space<vmem>>, vector<16xi32>,
      tpu.vector_store %arg7[%swap3A_1332], %bitcast3A_1331 {strides = array<i32>} : memref<4096xi32, #tpu.memory_space<vmem>>, vector<16xi32>,
      %shift_right_arithmetic3A_1334 = arith.constant 27 : i32
      %shift_right_arithmetic3A_1335 = vector.broadcast %shift_right_arithmetic3A_1334 : i32 to vector<16xi32>
      %shift_right_arithmetic3A_1336 = arith.shrsi %bitcast3A_1331, %shift_right_arithmetic3A_1335 : vector<16xi32>
      %broadcast_in_dim3A_1337 = arith.constant true
      %broadcast_in_dim3A_1338 = vector.broadcast %broadcast_in_dim3A_1337 : i1 to vector<16xi1>
      %unique3A_1339, %unique3A_1340 = tpu.scan_count mask(%broadcast_in_dim3A_1338 : vector<16xi1>) value(%shift_right_arithmetic3A_1336 : vector<16xi32>) : vector<16xi1>, vector<16xi32>
      tpu.vector_store_idx %arg8[%shift_right_arithmetic3A_1336], %unique3A_1340 masked %unique3A_1339 {add = true} : memref<32xi32, #tpu.memory_space<vmem>>[vector<16xi32>], vector<16xi32>, vector<16xi1>
      %sub3A_1341 = arith.subf %add3A_807, %get3A_1291 : vector<16xf32>
      %jit3A_1342 = arith.constant -8.000000e+01 : f32
      %jit3A_1343 = arith.constant 8.000000e+01 : f32
      %max3A_1344 = vector.broadcast %jit3A_1342 : f32 to vector<16xf32>
      %max3A_1345 = arith.maximumf %max3A_1344, %sub3A_1341 : vector<16xf32>
      %min3A_1346 = vector.broadcast %jit3A_1343 : f32 to vector<16xf32>
      %min3A_1347 = arith.minimumf %min3A_1346, %max3A_1345 : vector<16xf32>
      %abs3A_1348 = math.absf %min3A_1347 : vector<16xf32>
      %neg3A_1349 = arith.constant 0.000000e+00 : f32
      %neg3A_1350 = vector.broadcast %neg3A_1349 : f32 to vector<16xf32>
      %neg3A_1351 = arith.subf %neg3A_1350, %abs3A_1348 : vector<16xf32>
      %exp3A_1352 = math.exp %neg3A_1351 : vector<16xf32>
      %max3A_1353 = arith.constant 0.000000e+00 : f32
      %max3A_1354 = vector.broadcast %max3A_1353 : f32 to vector<16xf32>
      %max3A_1355 = arith.maximumf %min3A_1347, %max3A_1354 : vector<16xf32>
      %mul3A_1356 = arith.mulf %exp3A_1352, %exp3A_1352 : vector<16xf32>
      %mul3A_1357 = arith.constant 0.995426654 : f32
      %mul3A_1358 = vector.broadcast %mul3A_1357 : f32 to vector<16xf32>
      %mul3A_1359 = arith.mulf %mul3A_1358, %exp3A_1352 : vector<16xf32>
      %add3A_1360 = arith.constant 1.41580167E-4 : f32
      %add3A_1361 = vector.broadcast %add3A_1360 : f32 to vector<16xf32>
      %add3A_1362 = arith.addf %add3A_1361, %mul3A_1359 : vector<16xf32>
      %mul3A_1363 = arith.constant 0.216408581 : f32
      %mul3A_1364 = vector.broadcast %mul3A_1363 : f32 to vector<16xf32>
      %mul3A_1365 = arith.mulf %mul3A_1364, %exp3A_1352 : vector<16xf32>
      %add3A_1366 = arith.constant -0.464070708 : f32
      %add3A_1367 = vector.broadcast %add3A_1366 : f32 to vector<16xf32>
      %add3A_1368 = arith.addf %add3A_1367, %mul3A_1365 : vector<16xf32>
      %mul3A_1369 = arith.constant -0.0548623092 : f32
      %mul3A_1370 = vector.broadcast %mul3A_1369 : f32 to vector<16xf32>
      %mul3A_1371 = arith.mulf %mul3A_1370, %mul3A_1356 : vector<16xf32>
      %add3A_1372 = arith.addf %add3A_1368, %mul3A_1371 : vector<16xf32>
      %mul3A_1373 = arith.mulf %mul3A_1356, %add3A_1372 : vector<16xf32>
      %add3A_1374 = arith.addf %add3A_1362, %mul3A_1373 : vector<16xf32>
      %add3A_1375 = arith.addf %max3A_1355, %add3A_1374 : vector<16xf32>
      %jit3A_1376 = arith.constant 0.000000e+00 : f32
      %broadcast_in_dim3A_1377 = vector.broadcast %jit3A_1376 : f32 to vector<16xf32>
      %select_n3A_1378 = arith.select %eq3A_1298, %add3A_1375, %broadcast_in_dim3A_1377 : vector<16xi1>, vector<16xf32>
      %add3A_1379 = arith.addf %add3A_1281, %select_n3A_1378 : vector<16xf32>
      scf.yield %add3A_1379 : vector<16xf32>
    }
    %scan3A_819 = arith.constant 64 : i32
    %reduce_sum3A_820 = arith.constant true
    %reduce_sum3A_821 = vector.broadcast %reduce_sum3A_820 : i1 to vector<16xi1>
    %reduce_sum3A_822 = tpu.scan <sum>, %scan3A_818 masked %reduce_sum3A_821 : vector<16xf32>, vector<16xi1> -> vector<16xf32>
    %reduce_sum3A_823 = vector.extract %reduce_sum3A_822[15] : f32 from vector<16xf32>
    %broadcast_in_dim3A_824 = arith.constant 0 : i32
    %broadcast_in_dim3A_825 = vector.broadcast %broadcast_in_dim3A_824 : i32 to vector<16xi32>
    %get3A_826 = arith.constant 0 : index
    %get3A_827 = tpu.vector_load %arg8[%get3A_826] {strides = array<i32>} : memref<32xi32, #tpu.memory_space<vmem>>, vector<16xi32>,
    %rev3A_828 = arith.constant 15 : i32
    %rev3A_829 = vector.broadcast %rev3A_828 : i32 to vector<16xi32>
    %rev3A_830 = tpu.iota {dimensions = array<i32: 0>} : vector<16xi32>
    %rev3A_831 = arith.subi %rev3A_829, %rev3A_830 : vector<16xi32>
    %rev3A_832 = tpu.dynamic_gather %get3A_827[%rev3A_831] in [0] : vector<16xi32>, vector<16xi32> -> vector<16xi32>
    %broadcast_in_dim3A_833 = arith.constant true
    %broadcast_in_dim3A_834 = vector.broadcast %broadcast_in_dim3A_833 : i1 to vector<16xi1>
    %masked_cumsum3A_835 = tpu.scan <sum>, %rev3A_832 masked %broadcast_in_dim3A_834 : vector<16xi32>, vector<16xi1> -> vector<16xi32>
    %add3A_836 = arith.addi %masked_cumsum3A_835, %broadcast_in_dim3A_825 : vector<16xi32>
    %ge3A_837 = arith.constant 128 : i32
    %ge3A_838 = vector.broadcast %ge3A_837 : i32 to vector<16xi32>
    %ge3A_839 = arith.cmpi sge, %add3A_836, %ge3A_838 : vector<16xi32>
    %all_reduce_ffs3A_840 = tpu.all_reduce %ge3A_839 {dim = 0 : i64, kind = #tpu.reduction_kind<find_first_set>} : vector<16xi1> -> vector<16xi32>
    %sub3A_841 = arith.constant 15 : i32
    %sub3A_842 = vector.broadcast %sub3A_841 : i32 to vector<16xi32>
    %sub3A_843 = arith.subi %sub3A_842, %all_reduce_ffs3A_840 : vector<16xi32>
    %gt3A_844 = arith.cmpi sgt, %iota3A, %sub3A_843 : vector<16xi32>
    %jit3A_845 = arith.constant 0 : i32
    %broadcast_in_dim3A_846 = vector.broadcast %jit3A_845 : i32 to vector<16xi32>
    %select_n3A_847 = arith.select %gt3A_844, %get3A_827, %broadcast_in_dim3A_846 : vector<16xi1>, vector<16xi32>
    %reduce_sum3A_848 = arith.constant true
    %reduce_sum3A_849 = vector.broadcast %reduce_sum3A_848 : i1 to vector<16xi1>
    %reduce_sum3A_850 = tpu.scan <sum>, %select_n3A_847 masked %reduce_sum3A_849 : vector<16xi32>, vector<16xi1> -> vector<16xi32>
    %reduce_sum3A_851 = vector.extract %reduce_sum3A_850[15] : i32 from vector<16xi32>
    %add3A_852 = vector.broadcast %reduce_sum3A_851 : i32 to vector<16xi32>
    %add3A_853 = arith.addi %broadcast_in_dim3A_825, %add3A_852 : vector<16xi32>
    %shift_left3A_854 = arith.constant 27 : i32
    %shift_left3A_855 = vector.broadcast %shift_left3A_854 : i32 to vector<16xi32>
    %shift_left3A_856 = arith.shli %sub3A_843, %shift_left3A_855 : vector<16xi32>
    %swap3A_857 = arith.constant 0 : index
    %swap3A_858 = tpu.vector_load %arg8[%swap3A_857] {strides = array<i32>} : memref<32xi32, #tpu.memory_space<vmem>>, vector<16xi32>,
    tpu.vector_store %arg8[%swap3A_857], %broadcast_in_dim3A_3 {strides = array<i32>} : memref<32xi32, #tpu.memory_space<vmem>>, vector<16xi32>,
    %swap3A_859 = arith.constant 16 : index
    %swap3A_860 = tpu.vector_load %arg8[%swap3A_859] {strides = array<i32>} : memref<32xi32, #tpu.memory_space<vmem>>, vector<16xi32>,
    tpu.vector_store %arg8[%swap3A_859], %broadcast_in_dim3A_3 {strides = array<i32>} : memref<32xi32, #tpu.memory_space<vmem>>, vector<16xi32>,
    %scan3A_861 = arith.constant 0 : i32
    %scan3A_862 = arith.constant 134217728 : i32
    %scan3A_863 = arith.constant 0 : i32
    %scan3A_864 = arith.constant 64 : i32
    %scan3A_865 = arith.addi %scan3A_863, %scan3A_864 : i32
    %scan3A_866 = arith.constant 1 : i32
    scf.for %scan3A_991 = %scan3A_863 to %scan3A_865 step %scan3A_866  : i32 {
      %mul3A_992 = arith.constant 4 : i32
      %mul3A_993 = arith.muli %scan3A_991, %mul3A_992 : i32
      %add3A_994 = arith.constant 0 : i32
      %add3A_995 = arith.addi %mul3A_993, %add3A_994 : i32
      %mul3A_996 = arith.constant 16 : i32
      %mul3A_997 = arith.muli %add3A_995, %mul3A_996 : i32
      %get3A_998 = arith.index_cast %mul3A_997 : i32 to index
      %get3A_999 = tpu.vector_load %arg7[%get3A_998] {strides = array<i32>} : memref<4096xi32, #tpu.memory_space<vmem>>, vector<16xi32>,
      %ge3A_1000 = arith.cmpi sge, %get3A_999, %shift_left3A_856 : vector<16xi32>
      %add3A_1001 = vector.broadcast %scan3A_862 : i32 to vector<16xi32>
      %add3A_1002 = arith.addi %shift_left3A_856, %add3A_1001 : vector<16xi32>
      %lt3A = arith.cmpi slt, %get3A_999, %add3A_1002 : vector<16xi32>
      %and3A_1003 = arith.andi %ge3A_1000, %lt3A : vector<16xi1>
      %shift_right_arithmetic3A_1004 = arith.constant 23 : i32
      %shift_right_arithmetic3A_1005 = vector.broadcast %shift_right_arithmetic3A_1004 : i32 to vector<16xi32>
      %shift_right_arithmetic3A_1006 = arith.shrsi %get3A_999, %shift_right_arithmetic3A_1005 : vector<16xi32>
      %and3A_1007 = arith.constant 15 : i32
      %and3A_1008 = vector.broadcast %and3A_1007 : i32 to vector<16xi32>
      %and3A_1009 = arith.andi %shift_right_arithmetic3A_1006, %and3A_1008 : vector<16xi32>
      %jit3A_1010 = arith.constant 16 : i32
      %broadcast_in_dim3A_1011 = vector.broadcast %jit3A_1010 : i32 to vector<16xi32>
      %select_n3A_1012 = arith.select %and3A_1003, %and3A_1009, %broadcast_in_dim3A_1011 : vector<16xi1>, vector<16xi32>
      %broadcast_in_dim3A_1013 = arith.constant true
      %broadcast_in_dim3A_1014 = vector.broadcast %broadcast_in_dim3A_1013 : i1 to vector<16xi1>
      %unique3A, %unique3A_1015 = tpu.scan_count mask(%broadcast_in_dim3A_1014 : vector<16xi1>) value(%select_n3A_1012 : vector<16xi32>) : vector<16xi1>, vector<16xi32>
      tpu.vector_store_idx %arg8[%select_n3A_1012], %unique3A_1015 masked %unique3A {add = true} : memref<32xi32, #tpu.memory_space<vmem>>[vector<16xi32>], vector<16xi32>, vector<16xi1>
      %mul3A_1016 = arith.constant 4 : i32
      %mul3A_1017 = arith.muli %scan3A_991, %mul3A_1016 : i32
      %add3A_1018 = arith.constant 1 : i32
      %add3A_1019 = arith.addi %mul3A_1017, %add3A_1018 : i32
      %mul3A_1020 = arith.constant 16 : i32
      %mul3A_1021 = arith.muli %add3A_1019, %mul3A_1020 : i32
      %get3A_1022 = arith.index_cast %mul3A_1021 : i32 to index
      %get3A_1023 = tpu.vector_load %arg7[%get3A_1022] {strides = array<i32>} : memref<4096xi32, #tpu.memory_space<vmem>>, vector<16xi32>,
      %ge3A_1024 = arith.cmpi sge, %get3A_1023, %shift_left3A_856 : vector<16xi32>
      %add3A_1025 = vector.broadcast %scan3A_862 : i32 to vector<16xi32>
      %add3A_1026 = arith.addi %shift_left3A_856, %add3A_1025 : vector<16xi32>
      %lt3A_1027 = arith.cmpi slt, %get3A_1023, %add3A_1026 : vector<16xi32>
      %and3A_1028 = arith.andi %ge3A_1024, %lt3A_1027 : vector<16xi1>
      %shift_right_arithmetic3A_1029 = arith.constant 23 : i32
      %shift_right_arithmetic3A_1030 = vector.broadcast %shift_right_arithmetic3A_1029 : i32 to vector<16xi32>
      %shift_right_arithmetic3A_1031 = arith.shrsi %get3A_1023, %shift_right_arithmetic3A_1030 : vector<16xi32>
      %and3A_1032 = arith.constant 15 : i32
      %and3A_1033 = vector.broadcast %and3A_1032 : i32 to vector<16xi32>
      %and3A_1034 = arith.andi %shift_right_arithmetic3A_1031, %and3A_1033 : vector<16xi32>
      %jit3A_1035 = arith.constant 16 : i32
      %broadcast_in_dim3A_1036 = vector.broadcast %jit3A_1035 : i32 to vector<16xi32>
      %select_n3A_1037 = arith.select %and3A_1028, %and3A_1034, %broadcast_in_dim3A_1036 : vector<16xi1>, vector<16xi32>
      %broadcast_in_dim3A_1038 = arith.constant true
      %broadcast_in_dim3A_1039 = vector.broadcast %broadcast_in_dim3A_1038 : i1 to vector<16xi1>
      %unique3A_1040, %unique3A_1041 = tpu.scan_count mask(%broadcast_in_dim3A_1039 : vector<16xi1>) value(%select_n3A_1037 : vector<16xi32>) : vector<16xi1>, vector<16xi32>
      tpu.vector_store_idx %arg8[%select_n3A_1037], %unique3A_1041 masked %unique3A_1040 {add = true} : memref<32xi32, #tpu.memory_space<vmem>>[vector<16xi32>], vector<16xi32>, vector<16xi1>
      %mul3A_1042 = arith.constant 4 : i32
      %mul3A_1043 = arith.muli %scan3A_991, %mul3A_1042 : i32
      %add3A_1044 = arith.constant 2 : i32
      %add3A_1045 = arith.addi %mul3A_1043, %add3A_1044 : i32
      %mul3A_1046 = arith.constant 16 : i32
      %mul3A_1047 = arith.muli %add3A_1045, %mul3A_1046 : i32
      %get3A_1048 = arith.index_cast %mul3A_1047 : i32 to index
      %get3A_1049 = tpu.vector_load %arg7[%get3A_1048] {strides = array<i32>} : memref<4096xi32, #tpu.memory_space<vmem>>, vector<16xi32>,
      %ge3A_1050 = arith.cmpi sge, %get3A_1049, %shift_left3A_856 : vector<16xi32>
      %add3A_1051 = vector.broadcast %scan3A_862 : i32 to vector<16xi32>
      %add3A_1052 = arith.addi %shift_left3A_856, %add3A_1051 : vector<16xi32>
      %lt3A_1053 = arith.cmpi slt, %get3A_1049, %add3A_1052 : vector<16xi32>
      %and3A_1054 = arith.andi %ge3A_1050, %lt3A_1053 : vector<16xi1>
      %shift_right_arithmetic3A_1055 = arith.constant 23 : i32
      %shift_right_arithmetic3A_1056 = vector.broadcast %shift_right_arithmetic3A_1055 : i32 to vector<16xi32>
      %shift_right_arithmetic3A_1057 = arith.shrsi %get3A_1049, %shift_right_arithmetic3A_1056 : vector<16xi32>
      %and3A_1058 = arith.constant 15 : i32
      %and3A_1059 = vector.broadcast %and3A_1058 : i32 to vector<16xi32>
      %and3A_1060 = arith.andi %shift_right_arithmetic3A_1057, %and3A_1059 : vector<16xi32>
      %jit3A_1061 = arith.constant 16 : i32
      %broadcast_in_dim3A_1062 = vector.broadcast %jit3A_1061 : i32 to vector<16xi32>
      %select_n3A_1063 = arith.select %and3A_1054, %and3A_1060, %broadcast_in_dim3A_1062 : vector<16xi1>, vector<16xi32>
      %broadcast_in_dim3A_1064 = arith.constant true
      %broadcast_in_dim3A_1065 = vector.broadcast %broadcast_in_dim3A_1064 : i1 to vector<16xi1>
      %unique3A_1066, %unique3A_1067 = tpu.scan_count mask(%broadcast_in_dim3A_1065 : vector<16xi1>) value(%select_n3A_1063 : vector<16xi32>) : vector<16xi1>, vector<16xi32>
      tpu.vector_store_idx %arg8[%select_n3A_1063], %unique3A_1067 masked %unique3A_1066 {add = true} : memref<32xi32, #tpu.memory_space<vmem>>[vector<16xi32>], vector<16xi32>, vector<16xi1>
      %mul3A_1068 = arith.constant 4 : i32
      %mul3A_1069 = arith.muli %scan3A_991, %mul3A_1068 : i32
      %add3A_1070 = arith.constant 3 : i32
      %add3A_1071 = arith.addi %mul3A_1069, %add3A_1070 : i32
      %mul3A_1072 = arith.constant 16 : i32
      %mul3A_1073 = arith.muli %add3A_1071, %mul3A_1072 : i32
      %get3A_1074 = arith.index_cast %mul3A_1073 : i32 to index
      %get3A_1075 = tpu.vector_load %arg7[%get3A_1074] {strides = array<i32>} : memref<4096xi32, #tpu.memory_space<vmem>>, vector<16xi32>,
      %ge3A_1076 = arith.cmpi sge, %get3A_1075, %shift_left3A_856 : vector<16xi32>
      %add3A_1077 = vector.broadcast %scan3A_862 : i32 to vector<16xi32>
      %add3A_1078 = arith.addi %shift_left3A_856, %add3A_1077 : vector<16xi32>
      %lt3A_1079 = arith.cmpi slt, %get3A_1075, %add3A_1078 : vector<16xi32>
      %and3A_1080 = arith.andi %ge3A_1076, %lt3A_1079 : vector<16xi1>
      %shift_right_arithmetic3A_1081 = arith.constant 23 : i32
      %shift_right_arithmetic3A_1082 = vector.broadcast %shift_right_arithmetic3A_1081 : i32 to vector<16xi32>
      %shift_right_arithmetic3A_1083 = arith.shrsi %get3A_1075, %shift_right_arithmetic3A_1082 : vector<16xi32>
      %and3A_1084 = arith.constant 15 : i32
      %and3A_1085 = vector.broadcast %and3A_1084 : i32 to vector<16xi32>
      %and3A_1086 = arith.andi %shift_right_arithmetic3A_1083, %and3A_1085 : vector<16xi32>
      %jit3A_1087 = arith.constant 16 : i32
      %broadcast_in_dim3A_1088 = vector.broadcast %jit3A_1087 : i32 to vector<16xi32>
      %select_n3A_1089 = arith.select %and3A_1080, %and3A_1086, %broadcast_in_dim3A_1088 : vector<16xi1>, vector<16xi32>
      %broadcast_in_dim3A_1090 = arith.constant true
      %broadcast_in_dim3A_1091 = vector.broadcast %broadcast_in_dim3A_1090 : i1 to vector<16xi1>
      %unique3A_1092, %unique3A_1093 = tpu.scan_count mask(%broadcast_in_dim3A_1091 : vector<16xi1>) value(%select_n3A_1089 : vector<16xi32>) : vector<16xi1>, vector<16xi32>
      tpu.vector_store_idx %arg8[%select_n3A_1089], %unique3A_1093 masked %unique3A_1092 {add = true} : memref<32xi32, #tpu.memory_space<vmem>>[vector<16xi32>], vector<16xi32>, vector<16xi1>
    }
    %scan3A_867 = arith.constant 64 : i32
    %get3A_868 = arith.constant 0 : index
    %get3A_869 = tpu.vector_load %arg8[%get3A_868] {strides = array<i32>} : memref<32xi32, #tpu.memory_space<vmem>>, vector<16xi32>,
    %rev3A_870 = arith.constant 15 : i32
    %rev3A_871 = vector.broadcast %rev3A_870 : i32 to vector<16xi32>
    %rev3A_872 = tpu.iota {dimensions = array<i32: 0>} : vector<16xi32>
    %rev3A_873 = arith.subi %rev3A_871, %rev3A_872 : vector<16xi32>
    %rev3A_874 = tpu.dynamic_gather %get3A_869[%rev3A_873] in [0] : vector<16xi32>, vector<16xi32> -> vector<16xi32>
    %broadcast_in_dim3A_875 = arith.constant true
    %broadcast_in_dim3A_876 = vector.broadcast %broadcast_in_dim3A_875 : i1 to vector<16xi1>
    %masked_cumsum3A_877 = tpu.scan <sum>, %rev3A_874 masked %broadcast_in_dim3A_876 : vector<16xi32>, vector<16xi1> -> vector<16xi32>
    %add3A_878 = arith.addi %masked_cumsum3A_877, %add3A_853 : vector<16xi32>
    %ge3A_879 = arith.constant 128 : i32
    %ge3A_880 = vector.broadcast %ge3A_879 : i32 to vector<16xi32>
    %ge3A_881 = arith.cmpi sge, %add3A_878, %ge3A_880 : vector<16xi32>
    %all_reduce_ffs3A_882 = tpu.all_reduce %ge3A_881 {dim = 0 : i64, kind = #tpu.reduction_kind<find_first_set>} : vector<16xi1> -> vector<16xi32>
    %sub3A_883 = arith.constant 15 : i32
    %sub3A_884 = vector.broadcast %sub3A_883 : i32 to vector<16xi32>
    %sub3A_885 = arith.subi %sub3A_884, %all_reduce_ffs3A_882 : vector<16xi32>
    %gt3A_886 = arith.cmpi sgt, %iota3A, %sub3A_885 : vector<16xi32>
    %jit3A_887 = arith.constant 0 : i32
    %broadcast_in_dim3A_888 = vector.broadcast %jit3A_887 : i32 to vector<16xi32>
    %select_n3A_889 = arith.select %gt3A_886, %get3A_869, %broadcast_in_dim3A_888 : vector<16xi1>, vector<16xi32>
    %reduce_sum3A_890 = arith.constant true
    %reduce_sum3A_891 = vector.broadcast %reduce_sum3A_890 : i1 to vector<16xi1>
    %reduce_sum3A_892 = tpu.scan <sum>, %select_n3A_889 masked %reduce_sum3A_891 : vector<16xi32>, vector<16xi1> -> vector<16xi32>
    %reduce_sum3A_893 = vector.extract %reduce_sum3A_892[15] : i32 from vector<16xi32>
    %add3A_894 = vector.broadcast %reduce_sum3A_893 : i32 to vector<16xi32>
    %add3A_895 = arith.addi %add3A_853, %add3A_894 : vector<16xi32>
    %shift_left3A_896 = arith.constant 23 : i32
    %shift_left3A_897 = vector.broadcast %shift_left3A_896 : i32 to vector<16xi32>
    %shift_left3A_898 = arith.shli %sub3A_885, %shift_left3A_897 : vector<16xi32>
    %add3A_899 = arith.addi %shift_left3A_856, %shift_left3A_898 : vector<16xi32>
    %swap3A_900 = arith.constant 0 : index
    %swap3A_901 = tpu.vector_load %arg8[%swap3A_900] {strides = array<i32>} : memref<32xi32, #tpu.memory_space<vmem>>, vector<16xi32>,
    tpu.vector_store %arg8[%swap3A_900], %broadcast_in_dim3A_3 {strides = array<i32>} : memref<32xi32, #tpu.memory_space<vmem>>, vector<16xi32>,
    %swap3A_902 = arith.constant 16 : index
    %swap3A_903 = tpu.vector_load %arg8[%swap3A_902] {strides = array<i32>} : memref<32xi32, #tpu.memory_space<vmem>>, vector<16xi32>,
    tpu.vector_store %arg8[%swap3A_902], %broadcast_in_dim3A_3 {strides = array<i32>} : memref<32xi32, #tpu.memory_space<vmem>>, vector<16xi32>,
    %scan3A_904 = arith.constant 0 : i32
    %scan3A_905 = arith.constant 8388608 : i32
    %scan3A_906 = arith.constant 0 : i32
    %scan3A_907 = arith.constant 64 : i32
    %scan3A_908 = arith.addi %scan3A_906, %scan3A_907 : i32
    %scan3A_909 = arith.constant 1 : i32
    scf.for %scan3A_991 = %scan3A_906 to %scan3A_908 step %scan3A_909  : i32 {
      %mul3A_992 = arith.constant 4 : i32
      %mul3A_993 = arith.muli %scan3A_991, %mul3A_992 : i32
      %add3A_994 = arith.constant 0 : i32
      %add3A_995 = arith.addi %mul3A_993, %add3A_994 : i32
      %mul3A_996 = arith.constant 16 : i32
      %mul3A_997 = arith.muli %add3A_995, %mul3A_996 : i32
      %get3A_998 = arith.index_cast %mul3A_997 : i32 to index
      %get3A_999 = tpu.vector_load %arg7[%get3A_998] {strides = array<i32>} : memref<4096xi32, #tpu.memory_space<vmem>>, vector<16xi32>,
      %ge3A_1000 = arith.cmpi sge, %get3A_999, %add3A_899 : vector<16xi32>
      %add3A_1001 = vector.broadcast %scan3A_905 : i32 to vector<16xi32>
      %add3A_1002 = arith.addi %add3A_899, %add3A_1001 : vector<16xi32>
      %lt3A = arith.cmpi slt, %get3A_999, %add3A_1002 : vector<16xi32>
      %and3A_1003 = arith.andi %ge3A_1000, %lt3A : vector<16xi1>
      %shift_right_arithmetic3A_1004 = arith.constant 19 : i32
      %shift_right_arithmetic3A_1005 = vector.broadcast %shift_right_arithmetic3A_1004 : i32 to vector<16xi32>
      %shift_right_arithmetic3A_1006 = arith.shrsi %get3A_999, %shift_right_arithmetic3A_1005 : vector<16xi32>
      %and3A_1007 = arith.constant 15 : i32
      %and3A_1008 = vector.broadcast %and3A_1007 : i32 to vector<16xi32>
      %and3A_1009 = arith.andi %shift_right_arithmetic3A_1006, %and3A_1008 : vector<16xi32>
      %jit3A_1010 = arith.constant 16 : i32
      %broadcast_in_dim3A_1011 = vector.broadcast %jit3A_1010 : i32 to vector<16xi32>
      %select_n3A_1012 = arith.select %and3A_1003, %and3A_1009, %broadcast_in_dim3A_1011 : vector<16xi1>, vector<16xi32>
      %broadcast_in_dim3A_1013 = arith.constant true
      %broadcast_in_dim3A_1014 = vector.broadcast %broadcast_in_dim3A_1013 : i1 to vector<16xi1>
      %unique3A, %unique3A_1015 = tpu.scan_count mask(%broadcast_in_dim3A_1014 : vector<16xi1>) value(%select_n3A_1012 : vector<16xi32>) : vector<16xi1>, vector<16xi32>
      tpu.vector_store_idx %arg8[%select_n3A_1012], %unique3A_1015 masked %unique3A {add = true} : memref<32xi32, #tpu.memory_space<vmem>>[vector<16xi32>], vector<16xi32>, vector<16xi1>
      %mul3A_1016 = arith.constant 4 : i32
      %mul3A_1017 = arith.muli %scan3A_991, %mul3A_1016 : i32
      %add3A_1018 = arith.constant 1 : i32
      %add3A_1019 = arith.addi %mul3A_1017, %add3A_1018 : i32
      %mul3A_1020 = arith.constant 16 : i32
      %mul3A_1021 = arith.muli %add3A_1019, %mul3A_1020 : i32
      %get3A_1022 = arith.index_cast %mul3A_1021 : i32 to index
      %get3A_1023 = tpu.vector_load %arg7[%get3A_1022] {strides = array<i32>} : memref<4096xi32, #tpu.memory_space<vmem>>, vector<16xi32>,
      %ge3A_1024 = arith.cmpi sge, %get3A_1023, %add3A_899 : vector<16xi32>
      %add3A_1025 = vector.broadcast %scan3A_905 : i32 to vector<16xi32>
      %add3A_1026 = arith.addi %add3A_899, %add3A_1025 : vector<16xi32>
      %lt3A_1027 = arith.cmpi slt, %get3A_1023, %add3A_1026 : vector<16xi32>
      %and3A_1028 = arith.andi %ge3A_1024, %lt3A_1027 : vector<16xi1>
      %shift_right_arithmetic3A_1029 = arith.constant 19 : i32
      %shift_right_arithmetic3A_1030 = vector.broadcast %shift_right_arithmetic3A_1029 : i32 to vector<16xi32>
      %shift_right_arithmetic3A_1031 = arith.shrsi %get3A_1023, %shift_right_arithmetic3A_1030 : vector<16xi32>
      %and3A_1032 = arith.constant 15 : i32
      %and3A_1033 = vector.broadcast %and3A_1032 : i32 to vector<16xi32>
      %and3A_1034 = arith.andi %shift_right_arithmetic3A_1031, %and3A_1033 : vector<16xi32>
      %jit3A_1035 = arith.constant 16 : i32
      %broadcast_in_dim3A_1036 = vector.broadcast %jit3A_1035 : i32 to vector<16xi32>
      %select_n3A_1037 = arith.select %and3A_1028, %and3A_1034, %broadcast_in_dim3A_1036 : vector<16xi1>, vector<16xi32>
      %broadcast_in_dim3A_1038 = arith.constant true
      %broadcast_in_dim3A_1039 = vector.broadcast %broadcast_in_dim3A_1038 : i1 to vector<16xi1>
      %unique3A_1040, %unique3A_1041 = tpu.scan_count mask(%broadcast_in_dim3A_1039 : vector<16xi1>) value(%select_n3A_1037 : vector<16xi32>) : vector<16xi1>, vector<16xi32>
      tpu.vector_store_idx %arg8[%select_n3A_1037], %unique3A_1041 masked %unique3A_1040 {add = true} : memref<32xi32, #tpu.memory_space<vmem>>[vector<16xi32>], vector<16xi32>, vector<16xi1>
      %mul3A_1042 = arith.constant 4 : i32
      %mul3A_1043 = arith.muli %scan3A_991, %mul3A_1042 : i32
      %add3A_1044 = arith.constant 2 : i32
      %add3A_1045 = arith.addi %mul3A_1043, %add3A_1044 : i32
      %mul3A_1046 = arith.constant 16 : i32
      %mul3A_1047 = arith.muli %add3A_1045, %mul3A_1046 : i32
      %get3A_1048 = arith.index_cast %mul3A_1047 : i32 to index
      %get3A_1049 = tpu.vector_load %arg7[%get3A_1048] {strides = array<i32>} : memref<4096xi32, #tpu.memory_space<vmem>>, vector<16xi32>,
      %ge3A_1050 = arith.cmpi sge, %get3A_1049, %add3A_899 : vector<16xi32>
      %add3A_1051 = vector.broadcast %scan3A_905 : i32 to vector<16xi32>
      %add3A_1052 = arith.addi %add3A_899, %add3A_1051 : vector<16xi32>
      %lt3A_1053 = arith.cmpi slt, %get3A_1049, %add3A_1052 : vector<16xi32>
      %and3A_1054 = arith.andi %ge3A_1050, %lt3A_1053 : vector<16xi1>
      %shift_right_arithmetic3A_1055 = arith.constant 19 : i32
      %shift_right_arithmetic3A_1056 = vector.broadcast %shift_right_arithmetic3A_1055 : i32 to vector<16xi32>
      %shift_right_arithmetic3A_1057 = arith.shrsi %get3A_1049, %shift_right_arithmetic3A_1056 : vector<16xi32>
      %and3A_1058 = arith.constant 15 : i32
      %and3A_1059 = vector.broadcast %and3A_1058 : i32 to vector<16xi32>
      %and3A_1060 = arith.andi %shift_right_arithmetic3A_1057, %and3A_1059 : vector<16xi32>
      %jit3A_1061 = arith.constant 16 : i32
      %broadcast_in_dim3A_1062 = vector.broadcast %jit3A_1061 : i32 to vector<16xi32>
      %select_n3A_1063 = arith.select %and3A_1054, %and3A_1060, %broadcast_in_dim3A_1062 : vector<16xi1>, vector<16xi32>
      %broadcast_in_dim3A_1064 = arith.constant true
      %broadcast_in_dim3A_1065 = vector.broadcast %broadcast_in_dim3A_1064 : i1 to vector<16xi1>
      %unique3A_1066, %unique3A_1067 = tpu.scan_count mask(%broadcast_in_dim3A_1065 : vector<16xi1>) value(%select_n3A_1063 : vector<16xi32>) : vector<16xi1>, vector<16xi32>
      tpu.vector_store_idx %arg8[%select_n3A_1063], %unique3A_1067 masked %unique3A_1066 {add = true} : memref<32xi32, #tpu.memory_space<vmem>>[vector<16xi32>], vector<16xi32>, vector<16xi1>
      %mul3A_1068 = arith.constant 4 : i32
      %mul3A_1069 = arith.muli %scan3A_991, %mul3A_1068 : i32
      %add3A_1070 = arith.constant 3 : i32
      %add3A_1071 = arith.addi %mul3A_1069, %add3A_1070 : i32
      %mul3A_1072 = arith.constant 16 : i32
      %mul3A_1073 = arith.muli %add3A_1071, %mul3A_1072 : i32
      %get3A_1074 = arith.index_cast %mul3A_1073 : i32 to index
      %get3A_1075 = tpu.vector_load %arg7[%get3A_1074] {strides = array<i32>} : memref<4096xi32, #tpu.memory_space<vmem>>, vector<16xi32>,
      %ge3A_1076 = arith.cmpi sge, %get3A_1075, %add3A_899 : vector<16xi32>
      %add3A_1077 = vector.broadcast %scan3A_905 : i32 to vector<16xi32>
      %add3A_1078 = arith.addi %add3A_899, %add3A_1077 : vector<16xi32>
      %lt3A_1079 = arith.cmpi slt, %get3A_1075, %add3A_1078 : vector<16xi32>
      %and3A_1080 = arith.andi %ge3A_1076, %lt3A_1079 : vector<16xi1>
      %shift_right_arithmetic3A_1081 = arith.constant 19 : i32
      %shift_right_arithmetic3A_1082 = vector.broadcast %shift_right_arithmetic3A_1081 : i32 to vector<16xi32>
      %shift_right_arithmetic3A_1083 = arith.shrsi %get3A_1075, %shift_right_arithmetic3A_1082 : vector<16xi32>
      %and3A_1084 = arith.constant 15 : i32
      %and3A_1085 = vector.broadcast %and3A_1084 : i32 to vector<16xi32>
      %and3A_1086 = arith.andi %shift_right_arithmetic3A_1083, %and3A_1085 : vector<16xi32>
      %jit3A_1087 = arith.constant 16 : i32
      %broadcast_in_dim3A_1088 = vector.broadcast %jit3A_1087 : i32 to vector<16xi32>
      %select_n3A_1089 = arith.select %and3A_1080, %and3A_1086, %broadcast_in_dim3A_1088 : vector<16xi1>, vector<16xi32>
      %broadcast_in_dim3A_1090 = arith.constant true
      %broadcast_in_dim3A_1091 = vector.broadcast %broadcast_in_dim3A_1090 : i1 to vector<16xi1>
      %unique3A_1092, %unique3A_1093 = tpu.scan_count mask(%broadcast_in_dim3A_1091 : vector<16xi1>) value(%select_n3A_1089 : vector<16xi32>) : vector<16xi1>, vector<16xi32>
      tpu.vector_store_idx %arg8[%select_n3A_1089], %unique3A_1093 masked %unique3A_1092 {add = true} : memref<32xi32, #tpu.memory_space<vmem>>[vector<16xi32>], vector<16xi32>, vector<16xi1>
    }
    %scan3A_910 = arith.constant 64 : i32
    %get3A_911 = arith.constant 0 : index
    %get3A_912 = tpu.vector_load %arg8[%get3A_911] {strides = array<i32>} : memref<32xi32, #tpu.memory_space<vmem>>, vector<16xi32>,
    %rev3A_913 = arith.constant 15 : i32
    %rev3A_914 = vector.broadcast %rev3A_913 : i32 to vector<16xi32>
    %rev3A_915 = tpu.iota {dimensions = array<i32: 0>} : vector<16xi32>
    %rev3A_916 = arith.subi %rev3A_914, %rev3A_915 : vector<16xi32>
    %rev3A_917 = tpu.dynamic_gather %get3A_912[%rev3A_916] in [0] : vector<16xi32>, vector<16xi32> -> vector<16xi32>
    %broadcast_in_dim3A_918 = arith.constant true
    %broadcast_in_dim3A_919 = vector.broadcast %broadcast_in_dim3A_918 : i1 to vector<16xi1>
    %masked_cumsum3A_920 = tpu.scan <sum>, %rev3A_917 masked %broadcast_in_dim3A_919 : vector<16xi32>, vector<16xi1> -> vector<16xi32>
    %add3A_921 = arith.addi %masked_cumsum3A_920, %add3A_895 : vector<16xi32>
    %ge3A_922 = arith.constant 128 : i32
    %ge3A_923 = vector.broadcast %ge3A_922 : i32 to vector<16xi32>
    %ge3A_924 = arith.cmpi sge, %add3A_921, %ge3A_923 : vector<16xi32>
    %all_reduce_ffs3A_925 = tpu.all_reduce %ge3A_924 {dim = 0 : i64, kind = #tpu.reduction_kind<find_first_set>} : vector<16xi1> -> vector<16xi32>
    %sub3A_926 = arith.constant 15 : i32
    %sub3A_927 = vector.broadcast %sub3A_926 : i32 to vector<16xi32>
    %sub3A_928 = arith.subi %sub3A_927, %all_reduce_ffs3A_925 : vector<16xi32>
    %gt3A_929 = arith.cmpi sgt, %iota3A, %sub3A_928 : vector<16xi32>
    %jit3A_930 = arith.constant 0 : i32
    %broadcast_in_dim3A_931 = vector.broadcast %jit3A_930 : i32 to vector<16xi32>
    %select_n3A_932 = arith.select %gt3A_929, %get3A_912, %broadcast_in_dim3A_931 : vector<16xi1>, vector<16xi32>
    %reduce_sum3A_933 = arith.constant true
    %reduce_sum3A_934 = vector.broadcast %reduce_sum3A_933 : i1 to vector<16xi1>
    %reduce_sum3A_935 = tpu.scan <sum>, %select_n3A_932 masked %reduce_sum3A_934 : vector<16xi32>, vector<16xi1> -> vector<16xi32>
    %reduce_sum3A_936 = vector.extract %reduce_sum3A_935[15] : i32 from vector<16xi32>
    %add3A_937 = vector.broadcast %reduce_sum3A_936 : i32 to vector<16xi32>
    %add3A_938 = arith.addi %add3A_895, %add3A_937 : vector<16xi32>
    %shift_left3A_939 = arith.constant 19 : i32
    %shift_left3A_940 = vector.broadcast %shift_left3A_939 : i32 to vector<16xi32>
    %shift_left3A_941 = arith.shli %sub3A_928, %shift_left3A_940 : vector<16xi32>
    %add3A_942 = arith.addi %add3A_899, %shift_left3A_941 : vector<16xi32>
    %add3A_943 = arith.constant 524288 : i32
    %add3A_944 = vector.broadcast %add3A_943 : i32 to vector<16xi32>
    %add3A_945 = arith.addi %add3A_942, %add3A_944 : vector<16xi32>
    %add3A_946 = arith.constant 262144 : i32
    %add3A_947 = vector.broadcast %add3A_946 : i32 to vector<16xi32>
    %add3A_948 = arith.addi %add3A_942, %add3A_947 : vector<16xi32>
    %bitcast3A_949 = vector.bitcast %add3A_948 : vector<16xi32> to vector<16xf32>
    %broadcast_in_dim3A_950 = arith.constant 0.000000e+00 : f32
    %broadcast_in_dim3A_951 = vector.broadcast %broadcast_in_dim3A_950 : f32 to vector<16xf32>
    %broadcast_in_dim3A_952 = arith.constant 0 : i32
    %broadcast_in_dim3A_953 = vector.broadcast %broadcast_in_dim3A_952 : i32 to vector<16xi32>
    %scan3A_954 = arith.constant 0 : i32
    %scan3A_955 = arith.constant 64 : i32
    %scan3A_956 = arith.addi %scan3A_954, %scan3A_955 : i32
    %scan3A_957 = arith.constant 1 : i32
    %scan3A_958:2 = scf.for %scan3A_991 = %scan3A_954 to %scan3A_956 step %scan3A_957 iter_args(%scan3A_992 = %broadcast_in_dim3A_951, %scan3A_993 = %broadcast_in_dim3A_953) -> (vector<16xf32>, vector<16xi32>)  : i32 {
      %mul3A_994 = arith.constant 4 : i32
      %mul3A_995 = arith.muli %scan3A_991, %mul3A_994 : i32
      %add3A_996 = arith.constant 0 : i32
      %add3A_997 = arith.addi %mul3A_995, %add3A_996 : i32
      %mul3A_998 = arith.constant 16 : i32
      %mul3A_999 = arith.muli %add3A_997, %mul3A_998 : i32
      %get3A_1000 = arith.index_cast %mul3A_999 : i32 to index
      %get3A_1001 = tpu.vector_load %arg7[%get3A_1000] {strides = array<i32>} : memref<4096xi32, #tpu.memory_space<vmem>>, vector<16xi32>,
      %bitcast3A_1002 = vector.bitcast %get3A_1001 : vector<16xi32> to vector<16xf32>
      %ge3A_1003 = arith.cmpi sge, %get3A_1001, %add3A_945 : vector<16xi32>
      %jit3A_1004 = arith.constant 0.000000e+00 : f32
      %broadcast_in_dim3A_1005 = vector.broadcast %jit3A_1004 : f32 to vector<16xf32>
      %select_n3A_1006 = arith.select %ge3A_1003, %bitcast3A_1002, %broadcast_in_dim3A_1005 : vector<16xi1>, vector<16xf32>
      %add3A_1007 = arith.addf %scan3A_992, %select_n3A_1006 : vector<16xf32>
      %jit3A_1008 = arith.constant 1 : i32
      %jit3A_1009 = arith.constant 0 : i32
      %broadcast_in_dim3A_1010 = vector.broadcast %jit3A_1008 : i32 to vector<16xi32>
      %broadcast_in_dim3A_1011 = vector.broadcast %jit3A_1009 : i32 to vector<16xi32>
      %select_n3A_1012 = arith.select %ge3A_1003, %broadcast_in_dim3A_1010, %broadcast_in_dim3A_1011 : vector<16xi1>, vector<16xi32>
      %add3A_1013 = arith.addi %scan3A_993, %select_n3A_1012 : vector<16xi32>
      %mul3A_1014 = arith.constant 4 : i32
      %mul3A_1015 = arith.muli %scan3A_991, %mul3A_1014 : i32
      %add3A_1016 = arith.constant 1 : i32
      %add3A_1017 = arith.addi %mul3A_1015, %add3A_1016 : i32
      %mul3A_1018 = arith.constant 16 : i32
      %mul3A_1019 = arith.muli %add3A_1017, %mul3A_1018 : i32
      %get3A_1020 = arith.index_cast %mul3A_1019 : i32 to index
      %get3A_1021 = tpu.vector_load %arg7[%get3A_1020] {strides = array<i32>} : memref<4096xi32, #tpu.memory_space<vmem>>, vector<16xi32>,
      %bitcast3A_1022 = vector.bitcast %get3A_1021 : vector<16xi32> to vector<16xf32>
      %ge3A_1023 = arith.cmpi sge, %get3A_1021, %add3A_945 : vector<16xi32>
      %jit3A_1024 = arith.constant 0.000000e+00 : f32
      %broadcast_in_dim3A_1025 = vector.broadcast %jit3A_1024 : f32 to vector<16xf32>
      %select_n3A_1026 = arith.select %ge3A_1023, %bitcast3A_1022, %broadcast_in_dim3A_1025 : vector<16xi1>, vector<16xf32>
      %add3A_1027 = arith.addf %add3A_1007, %select_n3A_1026 : vector<16xf32>
      %jit3A_1028 = arith.constant 1 : i32
      %jit3A_1029 = arith.constant 0 : i32
      %broadcast_in_dim3A_1030 = vector.broadcast %jit3A_1028 : i32 to vector<16xi32>
      %broadcast_in_dim3A_1031 = vector.broadcast %jit3A_1029 : i32 to vector<16xi32>
      %select_n3A_1032 = arith.select %ge3A_1023, %broadcast_in_dim3A_1030, %broadcast_in_dim3A_1031 : vector<16xi1>, vector<16xi32>
      %add3A_1033 = arith.addi %add3A_1013, %select_n3A_1032 : vector<16xi32>
      %mul3A_1034 = arith.constant 4 : i32
      %mul3A_1035 = arith.muli %scan3A_991, %mul3A_1034 : i32
      %add3A_1036 = arith.constant 2 : i32
      %add3A_1037 = arith.addi %mul3A_1035, %add3A_1036 : i32
      %mul3A_1038 = arith.constant 16 : i32
      %mul3A_1039 = arith.muli %add3A_1037, %mul3A_1038 : i32
      %get3A_1040 = arith.index_cast %mul3A_1039 : i32 to index
      %get3A_1041 = tpu.vector_load %arg7[%get3A_1040] {strides = array<i32>} : memref<4096xi32, #tpu.memory_space<vmem>>, vector<16xi32>,
      %bitcast3A_1042 = vector.bitcast %get3A_1041 : vector<16xi32> to vector<16xf32>
      %ge3A_1043 = arith.cmpi sge, %get3A_1041, %add3A_945 : vector<16xi32>
      %jit3A_1044 = arith.constant 0.000000e+00 : f32
      %broadcast_in_dim3A_1045 = vector.broadcast %jit3A_1044 : f32 to vector<16xf32>
      %select_n3A_1046 = arith.select %ge3A_1043, %bitcast3A_1042, %broadcast_in_dim3A_1045 : vector<16xi1>, vector<16xf32>
      %add3A_1047 = arith.addf %add3A_1027, %select_n3A_1046 : vector<16xf32>
      %jit3A_1048 = arith.constant 1 : i32
      %jit3A_1049 = arith.constant 0 : i32
      %broadcast_in_dim3A_1050 = vector.broadcast %jit3A_1048 : i32 to vector<16xi32>
      %broadcast_in_dim3A_1051 = vector.broadcast %jit3A_1049 : i32 to vector<16xi32>
      %select_n3A_1052 = arith.select %ge3A_1043, %broadcast_in_dim3A_1050, %broadcast_in_dim3A_1051 : vector<16xi1>, vector<16xi32>
      %add3A_1053 = arith.addi %add3A_1033, %select_n3A_1052 : vector<16xi32>
      %mul3A_1054 = arith.constant 4 : i32
      %mul3A_1055 = arith.muli %scan3A_991, %mul3A_1054 : i32
      %add3A_1056 = arith.constant 3 : i32
      %add3A_1057 = arith.addi %mul3A_1055, %add3A_1056 : i32
      %mul3A_1058 = arith.constant 16 : i32
      %mul3A_1059 = arith.muli %add3A_1057, %mul3A_1058 : i32
      %get3A_1060 = arith.index_cast %mul3A_1059 : i32 to index
      %get3A_1061 = tpu.vector_load %arg7[%get3A_1060] {strides = array<i32>} : memref<4096xi32, #tpu.memory_space<vmem>>, vector<16xi32>,
      %bitcast3A_1062 = vector.bitcast %get3A_1061 : vector<16xi32> to vector<16xf32>
      %ge3A_1063 = arith.cmpi sge, %get3A_1061, %add3A_945 : vector<16xi32>
      %jit3A_1064 = arith.constant 0.000000e+00 : f32
      %broadcast_in_dim3A_1065 = vector.broadcast %jit3A_1064 : f32 to vector<16xf32>
      %select_n3A_1066 = arith.select %ge3A_1063, %bitcast3A_1062, %broadcast_in_dim3A_1065 : vector<16xi1>, vector<16xf32>
      %add3A_1067 = arith.addf %add3A_1047, %select_n3A_1066 : vector<16xf32>
      %jit3A_1068 = arith.constant 1 : i32
      %jit3A_1069 = arith.constant 0 : i32
      %broadcast_in_dim3A_1070 = vector.broadcast %jit3A_1068 : i32 to vector<16xi32>
      %broadcast_in_dim3A_1071 = vector.broadcast %jit3A_1069 : i32 to vector<16xi32>
      %select_n3A_1072 = arith.select %ge3A_1063, %broadcast_in_dim3A_1070, %broadcast_in_dim3A_1071 : vector<16xi1>, vector<16xi32>
      %add3A_1073 = arith.addi %add3A_1053, %select_n3A_1072 : vector<16xi32>
      scf.yield %add3A_1067, %add3A_1073 : vector<16xf32>, vector<16xi32>
    }
    %scan3A_959 = arith.constant 64 : i32
    %reduce_sum3A_960 = arith.constant true
    %reduce_sum3A_961 = vector.broadcast %reduce_sum3A_960 : i1 to vector<16xi1>
    %reduce_sum3A_962 = tpu.scan <sum>, %scan3A_958#1 masked %reduce_sum3A_961 : vector<16xi32>, vector<16xi1> -> vector<16xi32>
    %reduce_sum3A_963 = vector.extract %reduce_sum3A_962[15] : i32 from vector<16xi32>
    %reduce_sum3A_964 = arith.constant true
    %reduce_sum3A_965 = vector.broadcast %reduce_sum3A_964 : i1 to vector<16xi1>
    %reduce_sum3A_966 = tpu.scan <sum>, %scan3A_958#0 masked %reduce_sum3A_965 : vector<16xf32>, vector<16xi1> -> vector<16xf32>
    %reduce_sum3A_967 = vector.extract %reduce_sum3A_966[15] : f32 from vector<16xf32>
    %convert_element_type3A_968 = arith.sitofp %reduce_sum3A_963 : i32 to f32
    %sub3A_969 = arith.constant 1.280000e+02 : f32
    %sub3A_970 = arith.subf %sub3A_969, %convert_element_type3A_968 : f32
    %mul3A_971 = vector.broadcast %sub3A_970 : f32 to vector<16xf32>
    %mul3A_972 = arith.mulf %mul3A_971, %bitcast3A_949 : vector<16xf32>
    %add3A_973 = vector.broadcast %reduce_sum3A_967 : f32 to vector<16xf32>
    %add3A_974 = arith.addf %add3A_973, %mul3A_972 : vector<16xf32>
    %eq3A_975 = arith.constant 3 : i32
    %eq3A_976 = vector.broadcast %eq3A_975 : i32 to vector<16xi32>
    %eq3A_977 = arith.cmpi eq, %iota3A, %eq3A_976 : vector<16xi32>
    %select_n3A_978 = arith.select %eq3A_977, %add3A_974, %select_n3A_737 : vector<16xi1>, vector<16xf32>
    %eq3A_979 = arith.constant 7 : i32
    %eq3A_980 = vector.broadcast %eq3A_979 : i32 to vector<16xi32>
    %eq3A_981 = arith.cmpi eq, %iota3A, %eq3A_980 : vector<16xi32>
    %broadcast_in_dim3A_982 = vector.broadcast %reduce_sum3A_823 : f32 to vector<16xf32>
    %select_n3A_983 = arith.select %eq3A_981, %broadcast_in_dim3A_982, %select_n3A_978 : vector<16xi1>, vector<16xf32>
    %eq3A_984 = arith.constant 11 : i32
    %eq3A_985 = vector.broadcast %eq3A_984 : i32 to vector<16xi32>
    %eq3A_986 = arith.cmpi eq, %iota3A, %eq3A_985 : vector<16xi32>
    %broadcast_in_dim3A_987 = vector.broadcast %reduce_sum3A_751 : f32 to vector<16xf32>
    %select_n3A_988 = arith.select %eq3A_986, %broadcast_in_dim3A_987, %select_n3A_983 : vector<16xi1>, vector<16xf32>
    %swap3A_989 = arith.constant 0 : index
    %swap3A_990 = tpu.vector_load %arg9[%swap3A_989] {strides = array<i32>} : memref<16xf32, #tpu.memory_space<vmem>>, vector<16xf32>,
    tpu.vector_store %arg9[%swap3A_989], %select_n3A_988 {strides = array<i32>} : memref<16xf32, #tpu.memory_space<vmem>>, vector<16xf32>,
    "tpu.region"() ({
      %run_scoped3A = tpu.sem_alloc : memref<!tpu.dma_semaphore, #tpu.memory_space<semaphore_mem>>
      %dma_start3A = arith.constant 0 : i32
      %dma_start3A_991 = tpu.memref_slice %arg4[%add3A, %dma_start3A] : memref<32x16xf32, #tpu.memory_space<hbm>> -> memref<1x16xf32, #tpu.memory_space<hbm>>
      %dma_start3A_992 = tpu.memref_squeeze %dma_start3A_991 : memref<1x16xf32, #tpu.memory_space<hbm>> -> memref<16xf32, #tpu.memory_space<hbm>>
      %dma_start3A_993 = arith.constant 0 : i32
      %dma_start3A_994 = tpu.memref_slice %arg4[%add3A, %dma_start3A_993] : memref<32x16xf32, #tpu.memory_space<hbm>> -> memref<1x16xf32, #tpu.memory_space<hbm>>
      %dma_start3A_995 = tpu.memref_squeeze %dma_start3A_994 : memref<1x16xf32, #tpu.memory_space<hbm>> -> memref<16xf32, #tpu.memory_space<hbm>>
      tpu.enqueue_dma source(%arg9 : memref<16xf32, #tpu.memory_space<vmem>>) target(%dma_start3A_995 : memref<16xf32, #tpu.memory_space<hbm>>) target_semaphore(%run_scoped3A : memref<!tpu.dma_semaphore, #tpu.memory_space<semaphore_mem>>)
      %dma_wait3A = arith.constant 0 : i32
      %dma_wait3A_996 = tpu.memref_slice %arg4[%add3A, %dma_wait3A] : memref<32x16xf32, #tpu.memory_space<hbm>> -> memref<1x16xf32, #tpu.memory_space<hbm>>
      %dma_wait3A_997 = tpu.memref_squeeze %dma_wait3A_996 : memref<1x16xf32, #tpu.memory_space<hbm>> -> memref<16xf32, #tpu.memory_space<hbm>>
      %dma_wait3A_998 = arith.constant 0 : i32
      %dma_wait3A_999 = tpu.memref_slice %arg4[%add3A, %dma_wait3A_998] : memref<32x16xf32, #tpu.memory_space<hbm>> -> memref<1x16xf32, #tpu.memory_space<hbm>>
      %dma_wait3A_1000 = tpu.memref_squeeze %dma_wait3A_999 : memref<1x16xf32, #tpu.memory_space<hbm>> -> memref<16xf32, #tpu.memory_space<hbm>>
      tpu.wait_dma2 semaphore(%run_scoped3A : memref<!tpu.dma_semaphore, #tpu.memory_space<semaphore_mem>>) src(%arg9 : memref<16xf32, #tpu.memory_space<vmem>>) dst(%dma_wait3A_1000 : memref<16xf32, #tpu.memory_space<hbm>>)
      tpu.yield
    }) : () -> ()
    return
  }
}

</mosaic_0001>

<sc_bundles>
// kernel: kernel.3.cloned.1.call-start
scs
__scs_entry_jumppad:
0x0: {  	(pc) =	sbr.rel $0x88, $3  }
0x1: {  	(tag) =	ssettag $0x0;
	lr =	simm.s32 $0x1  }
0x2: {  	[smem:$0x3F9F] =	sst lr;
	_ =	strace $0xD0000000  }
0x3: {  	_ = 	snop  }
0x4: {  	_ = 	snop  }
0x5: {  	_ = 	snop  }
0x6: {  	_ = 	snop  }
0x7: {  	_ = 	snop  }
__scs_overlays_trampoline_lowered:
0x8: {  	[smem:$0x3FAE] =	sst s0  }
0x9: {  	[smem:$0x3FAF] =	sst s1  }
0xa: {  	[smem:$0x3FB0] =	sst s2  }
0xb: {  	[smem:$0x3FB1] =	sst s3  }
0xc: {  	[smem:$0x3FB2] =	sst s4  }
0xd: {  	[smem:$0x3FB3] =	sst s5  }
0xe: {  	[smem:$0x3FB4] =	sst s6  }
0xf: {  	[smem:$0x3FB5] =	sst s7  }
0x10: {  	[smem:$0x3FB6] =	sst s8  }
0x11: {  	[smem:$0x3FB7] =	sst s9;
	s0 =	simm.s32 @!p0 $0x0  }
0x12: {  	s1 =	sld [smem:$0x3F9D];
	s0 =	simm.s32 @p0 $0x1  }
0x13: {  	[smem:$0x3FB8] =	sst s0;
	s0 =	simm.s32 @!p1 $0x0  }
0x14: {  	s2 =	sld [smem:$0x3F9C];
	s0 =	simm.s32 @p1 $0x1  }
0x15: {  	[smem:$0x3FB9] =	sst s0;
	s0 =	simm.s32 @!p2 $0x0  }
0x16: {  	s3 =	sld [smem:$0x3FDB];
	s0 =	simm.s32 @p2 $0x1  }
0x17: {  	s4 =	simm.s32 $0x1BF5;
	[smem:$0x3FBB] =	sst s0  }
0x18: {  	s0 =	sld [smem:$0x3F9E];
	_ =	swait.ge [sflag:s4], $0x0  }
0x19: {  	s7 =	sld [smem:$0x3F9F]  }
0x1a: {  	s8 =	sadd.s32 $0xFFFFE003, lr  }
0x1b: {  	s9 =	sadd.s32 $0xFFFFFEF7, lr;
	s5 =	simm.s32 $0xFFFFFFFF;
	p2 =	slt.u32 s8, $0xFFFFF086  }
0x1c: {  	p1 =	slt.u32 s9, $0xF7A;
	s5 =	simm.s32 @!p2 $0x0  }
0x1d: {  	s5 =	simm.s32 @p1 $0x1;
	p0 =	seq.s32 s7, s2  }
0x1e: {  	s7 =	smul.u32 @!p0 $0xF7A, s2;
	p2 =	seq.s32 @!p0 s5, $0x0  }
0x1f: {  	s9 =	smul.u32 $0xF7A, s1;
	s8 =	simm.s32 @!p0 $0x1BF5;
	p2 =	por !p2, p0  }
0x20: {  	[sflag:s8] =	ssyncset.s32 @!p0 $0xFFFFF086;
	s6 =	sadd.s32 @!p0 s3, s7;
	s7 =	simm.s32 @!p0 $0x108  }
0x21: {  	s3 =	sadd.s32 s3, s9;
	s6 =	sadd.s32 @!p0 $0x88, s6;
	s7 =	simm.s32 @p2 $0x1082  }
0x22: {  	[simem:s7], [sflag:s8] =	dma.local @!p0 [hbm:s6], $0xF7A  }
0x23: {  	s9 =	sor.u32 $0xD0000000, s2;
	s6 =	simm.s32 $0x108;
	_ =	swait.ge @!p0 [sflag:s8], $0x0  }
0x24: {  	s3 =	sadd.s32 $0x88, s3;
	s6 =	simm.s32 @!p1 $0x1082;
	[sflag:s4] =	ssyncset.s32 $0xFFFFF086  }
0x25: {  	[simem:s6], [sflag:s4] =	dma.local [hbm:s3], $0xF7A  }
0x26: {  	[smem:$0x3F9F] =	sst s1;
	(tag) =	ssettag s2;
	_ =	strace s9  }
0x27: {  	s1 =	sld [smem:$0x3FAF]  }
0x28: {  	s2 =	sld [smem:$0x3FB0]  }
0x29: {  	s4 =	sld [smem:$0x3FB2]  }
0x2a: {  	p0 =	seq.s32 s5, $0x0;
	s5 =	sld [smem:$0x3FB3]  }
0x2b: {  	s6 =	sld [smem:$0x3FB4]  }
0x2c: {  	s7 =	sld [smem:$0x3FB5]  }
0x2d: {  	s3 =	simm.s32 $0x108;
	s8 =	sld [smem:$0x3FB6]  }
0x2e: {  	s3 =	simm.s32 @!p0 $0x1082;
	s9 =	sld [smem:$0x3FB7]  }
0x2f: {  	lr =	sadd.s32 s0, s3;
	s0 =	sld [smem:$0x3FAE]  }
0x30: {  	s3 =	sld [smem:$0x3FB1]  }
0x31: {  	[smem:$0x3FBA] =	sst s10  }
0x32: {  	s10 =	sld [smem:$0x3FB8];
	_ =	sdelay $0x3  }
0x33: {  	p0 =	seq.s32 s10, $0x1;
	s10 =	sld [smem:$0x3FBA];
	_ =	sdelay $0x3  }
0x34: {  	[smem:$0x3FBA] =	sst s10  }
0x35: {  	s10 =	sld [smem:$0x3FB9];
	_ =	sdelay $0x3  }
0x36: {  	p1 =	seq.s32 s10, $0x1;
	s10 =	sld [smem:$0x3FBA];
	_ =	sdelay $0x3  }
0x37: {  	[smem:$0x3FBA] =	sst s10  }
0x38: {  	s10 =	sld [smem:$0x3FBB]  }
0x39: {  	_ = 	snop;
	(pc) =	sbr.ind lr, $3  }
0x3a: {  	_ = 	snop  }
0x3b: {  	_ = 	snop  }
0x3c: {  	p2 =	seq.s32 s10, $0x1;
	s10 =	sld [smem:$0x3FBA]  }
0x3d: {  	_ =	shalt  }
0x3e: {  	_ =	shalt  }
0x3f: {  	_ =	shalt  }
0x40: {  	_ =	shalt  }
0x41: {  	_ =	shalt  }
0x42: {  	_ =	shalt  }
0x43: {  	_ =	shalt  }
0x44: {  	_ =	shalt  }
0x45: {  	_ =	shalt  }
0x46: {  	_ =	shalt  }
0x47: {  	_ =	shalt  }
0x48: {  	_ =	shalt  }
0x49: {  	_ =	shalt  }
0x4a: {  	_ =	shalt  }
0x4b: {  	_ =	shalt  }
0x4c: {  	_ =	shalt  }
0x4d: {  	_ =	shalt  }
0x4e: {  	_ =	shalt  }
0x4f: {  	_ =	shalt  }
0x50: {  	_ =	shalt  }
0x51: {  	_ =	shalt  }
0x52: {  	_ =	shalt  }
0x53: {  	_ =	shalt  }
0x54: {  	_ =	shalt  }
0x55: {  	_ =	shalt  }
0x56: {  	_ =	shalt  }
0x57: {  	_ =	shalt  }
0x58: {  	_ =	shalt  }
0x59: {  	_ =	shalt  }
0x5a: {  	_ =	shalt  }
0x5b: {  	_ =	shalt  }
0x5c: {  	_ =	shalt  }
0x5d: {  	_ =	shalt  }
0x5e: {  	_ =	shalt  }
0x5f: {  	_ =	shalt  }
0x60: {  	_ =	shalt  }
0x61: {  	_ =	shalt  }
0x62: {  	_ =	shalt  }
0x63: {  	_ =	shalt  }
0x64: {  	_ =	shalt  }
0x65: {  	_ =	shalt  }
0x66: {  	_ =	shalt  }
0x67: {  	_ =	shalt  }
0x68: {  	_ =	shalt  }
0x69: {  	_ =	shalt  }
0x6a: {  	_ =	shalt  }
0x6b: {  	_ =	shalt  }
0x6c: {  	_ =	shalt  }
0x6d: {  	_ =	shalt  }
0x6e: {  	_ =	shalt  }
0x6f: {  	_ =	shalt  }
0x70: {  	_ =	shalt  }
0x71: {  	_ =	shalt  }
0x72: {  	_ =	shalt  }
0x73: {  	_ =	shalt  }
0x74: {  	_ =	shalt  }
0x75: {  	_ =	shalt  }
0x76: {  	_ =	shalt  }
0x77: {  	_ =	shalt  }
0x78: {  	_ =	shalt  }
0x79: {  	_ =	shalt  }
0x7a: {  	_ =	shalt  }
0x7b: {  	_ =	shalt  }
0x7c: {  	_ =	shalt  }
0x7d: {  	_ =	shalt  }
0x7e: {  	_ =	shalt  }
0x7f: {  	_ =	shalt  }
0x80: {  	_ =	shalt  }
0x81: {  	_ =	shalt  }
0x82: {  	_ =	shalt  }
0x83: {  	_ =	shalt  }
0x84: {  	_ =	shalt  }
0x85: {  	_ =	shalt  }
0x86: {  	_ =	shalt  }
0x87: {  	_ =	shalt  }
.Lfunc_end0:
.L_simem_size_0:
called_computation_lowered:
.L_overlay_start_0:
0x88: {  	s2 =	sld [smem:$0x3FD9]  }
0x89: {  	s3 =	sld [smem:$0x3FFE];
	_ =	sdelay $0x1  }
0x8a: {  	s1 =	srdreg.scid  }
0x8b: {  	s0 =	sand.u32 $0x1, s1  }
0x8c: {  	s17 =	sshll.u32 s0, $0xA;
	s2 =	sadd.s32 s3, s2  }
0x8d: {  	s2 =	sadd.s32 s2, s17  }
0x8e: {  	[smem:$0x3FC6] =	sst s2  }
0x8f: {  	_ = 	snop  }
0x90: {  	s2 =	sld [smem:$0x3FC9]  }
0x91: {  	s18 =	sld [smem:$0x3FC8];
	(tm) =	ssettm $0x1  }
0x92: {  	s4 =	sld [smem:$0x3FFB];
	_ =	sdelay $0x3  }
0x93: {  	_ =	strace s4  }
0x94: {  	s4 =	sld [smem:$0x3FFC];
	_ =	sdelay $0x3  }
0x95: {  	_ =	strace s4  }
0x96: {  	s4 =	sld [smem:$0x3FFD];
	_ =	sdelay $0x3  }
0x97: {  	_ =	strace s4  }
0x98: {  	_ =	strace $0x8FFFFFFF  }
0x99: {  	s19 =	sld [smem:$0x3FDB];
	_ =	sdelay $0x1  }
0x9a: {  	s5 =	simm.s32 $_scs_section_size  }
0x9b: {  	s6 =	simm.s32 $_size__tile_overlayer_lowered;
	s7 =	simm.s32 $_tile_overlayer_lowered  }
0x9c: {  	s22 =	simm.s32 $0x1BFF;
	s21 =	sshll.u32 s7, $0x1;
	s4 =	sadd.s32 s5, s19  }
0x9d: {  	s8 =	simm.s32 $0x0;
	s20 =	sshll.u32 s6, $0x1;
	s6 =	sadd.s32 s21, s4  }
0x9e: {  	[timem:s8], [sflag:s22] =	dma.local [hbm:s6], s20  }
0x9f: {  	_ =	swait.ge [sflag:s22], s20  }
0xa0: {  	s5 =	ssub.s32 $0x0, s20;
	[sflag:s22] =	ssyncset.done $0x0  }
0xa1: {  	[sflag:s22] =	ssyncadd.s32 s5;
	_ =	sdelay $0x1  }
0xa2: {  	s23 =	simm.s32 $0x1B8B  }
0xa3: {  	_ =	swait.ge [sflag:s23], $0x1  }
0xa4: {  	[sflag:s23] =	ssyncset.done $0x0  }
0xa5: {  	s25 =	simm.s32 $0x1B8E;
	s24 =	sld [smem:$0x3FFE];
	[sflag:s23] =	ssyncadd.s32 $0xFFFFFFFF  }
0xa6: {  	s26 =	simm.s32 $execute0_lowered;
	[smem:$0x3FD2] =	sst s25  }
0xa7: {  	s6 =	sshll.u32 s26, $0x1;
	_ =	strace $0x80000046;
	[dreg:$0x1] =	wrdreg $0xFFFFFFFF  }
0xa8: {  	s28 =	simm.s32 $_size_execute0_lowered;
	s4 =	sadd.s32 s4, s6;
	[dreg:$0x0] =	wrdreg $0x0  }
0xa9: {  	s6 =	sshll.u32 s28, $0x1;
	[dreg:$0x2] =	wrdreg s4  }
0xaa: {  	[dreg:$0x3] =	wrdreg s6  }
0xab: {  	[dreg:$0x4] =	wrdreg $0xC0  }
0xac: {  	_ =	task [dreg:s8], $0x5FFFF  }
0xad: {  	[dreg:$0x1] =	wrdreg $0xFFFFFFFF  }
0xae: {  	[dreg:$0x0] =	wrdreg $0x60  }
0xaf: {  	[dreg:$0x2] =	wrdreg s2  }
0xb0: {  	[dreg:$0x3] =	wrdreg s18  }
0xb1: {  	[dreg:$0x4] =	wrdreg s24  }
0xb2: {  	[dreg:$0x5] =	wrdreg $0x9  }
0xb3: {  	_ =	task.clear_ibuf [dreg:s8], $0x6FFFF;
	_ =	strace $0x90000046  }
0xb4: {  	s29 =	simm.s32 $0x9;
	_ =	strace $0x80000048  }
0xb5: {  	_ =	swait.ge [sflag:s29], $0x1  }
0xb6: {  	[sflag:s29] =	ssyncadd.s32 $0xFFFFFFFF  }
0xb7: {  	_ =	strace $0x90000048  }
0xb8: {  	_ =	sfence  }
0xb9: {  	s30 =	sld [smem:$0x0];
	_ =	sdelay $0x2  }
0xba: {  	s31 =	sshll.u32 s1, $0xD;
	s1 =	sshrl.u32 s1, $0x2  }
0xbb: {  	s3 =	sand.u32 $0x4000, s31;
	s1 =	sadd.s32 s1, s30  }
0xbc: {  	s0 =	sor.u32 s3, s0;
	s1 =	sshll.u32 s1, $0x11  }
0xbd: {  	s0 =	sor.u32 s1, s0  }
0xbe: {  	s0 =	sadd.s32 $0x8F2B, s0  }
0xbf: {  	[sflag:s0] =	ssyncadd.remote.s32 $0x1  }
0xc0: {  	_ =	sfence.sel $0xFFFF  }
0xc1: {  	[dreg:$0x0] =	wrdreg $0xFFFFFFFF;
	(pc) =	sbr.abs _section_cstart, $3  }
0xc2: {  	[dreg:$0x1] =	wrdreg $0xFFFFFFFF  }
0xc3: {  	_ =	task.clear_ibuf [dreg:s8], $0x2FFFF;
	_ =	strace $0x9FFFFFFF  }
0xc4: {  	(tm) =	ssettm $0x7FFFFFFF  }
0xc5: {  	_ =	shalt  }
tec
execute0_lowered:
.L_overlay_start_1:
0x0: {  	(tag) =	ssettag $0x1  }
0x1: {  	s3 =	rddreg [dreg:$0x0]  }
0x2: {  	s4 =	rddreg [dreg:$0x1]  }
0x3: {  	s5 =	rddreg [dreg:$0x2]  }
0x4: {  	s0 =	rddreg [dreg:$0x3];
	s2 =	simm.s32 $0x0;
	s6 =	srdreg.scid  }
0x5: {  	s1 =	stileid.u32;
	s11 =	simm.s32 $0x9000;
	s12 =	simm.s32 $0x9080  }
0x6: {  	s13 =	simm.s32 $0x0;
	[smem:$0x7FF] =	sst s2;
	s6 =	sand.u32 $0x1, s6  }
0x7: {  	s8 =	sshll.u32 s1, $0xC;
	s31 =	sshll.u32 s1, $0x5;
	s7 =	ssub.s32 $0x2, s6  }
0x8: {  	v0 =	vlaneseq.u32;
	s9 =	sshll.u32 s6, $0x6;
	_ =	strace $0x80000047;
	s6 =	sshll.u32 s6, $0x4  }
0x9: {  	v1 =	vimm.f32 $0.0e+00;
	v2 =	vimm.s32 $0x0;
	vm2 =	vcmask $0x2320;
	s10 =	sshrl.u32 s7, $0x1;
	s8 =	sor.u32 s9, s8;
	s5 =	sadd.s32 s5, s6  }
0xa: {  	vm5 =	vcmask $0x2720;
	vm3 =	vcmask $0xB30;
	v3 =	vmul.u32 $0xFFFFFFFF, v0;
	s9 =	simm.s32 $0x1;
	s7 =	ssub.s32 s7, s10;
	s3 =	sadd.s32 s3, s8  }
0xb: {  	vm0 =	vcmask $0x1B10;
	vm4 =	vcmask $0x2B20;
	vm1 =	vcmask $0x1B30;
	s4 =	sadd.s32 s4, s8;
	s5 =	sadd.s32 s31, s5;
	s8 =	simm.s32 $0x400  }
0xc: {  	vm8 =	vmor vm3, vm0;
	vm9 =	vmor vm1, vm4;
	v3 =	vadd.s32 $0xF, v3;
	s10 =	simm.s32 $0x4000;
	s6 =	smax.u32 s7, $0x1;
	s7 =	simm.s32 $0x200  }
.LBB2_1:
0xd: {  	[tilespmem:s2], [sflag:$0x1] =	stream.strided.gather [hbm4b:s3+s7], $0x4000, s8, s7, $0x38;
	[tilespmem:$0x9100] =	vst v63  }
0xe: {  	_ =	swait.ge [sflag:s9], $0x4000  }
0xf: {  	[sflag:s9] =	ssyncset.done $0x0  }
0x10: {  	[sflag:s9] =	ssyncadd.s32 $0xFFFFC000  }
0x11: {  	[tilespmem:s10], [sflag:$0x1] =	stream.strided.gather [hbm4b:s4+s7], $0x4000, s8, s7, $0x38;
	[tilespmem:$0x9100] =	vst v63  }
0x12: {  	_ =	swait.ge [sflag:s9], $0x4000  }
0x13: {  	s14 =	sand.u32 $0x40, s2;
	s15 =	sand.u32 $0x3E00, s2;
	[sflag:s9] =	ssyncset.done $0x0  }
0x14: {  	s15 =	sor.u32 s14, s15;
	[sflag:s9] =	ssyncadd.s32 $0xFFFFC000  }
0x15: {  	v4 =	vld [tilespmem:s15+$0x0];
	_ =	sdelay $0x1  }
0x16: {  	v5 =	vld [tilespmem:s15+$0x10];
	_ =	sdelay $0x1  }
0x17: {  	v6 =	vld [tilespmem:s15+$0x20]  }
0x18: {  	v4 =	vmul.f32 $1.442695020e+00, v4  }
0x19: {  	v7 =	vld [tilespmem:s15+$0x30]  }
0x1a: {  	s30 =	simm.s32 $0x40;
	s16 =	simm.s32 $0x100;
	v5 =	vmul.f32 $1.442695020e+00, v5;
	(erf) = vpow2.f32 v4  }
0x1b: {  	s14 =	sand.u32 $0x40, s30;
	s16 =	sand.u32 $0x3E00, s16;
	v9 =	vld [tilespmem:s15+$0x4020]  }
0x1c: {  	s14 =	sor.u32 s14, s16;
	v10 =	vld [tilespmem:s15+$0x4000];
	v6 =	vmul.f32 $1.442695020e+00, v6;
	(erf) = vpow2.f32 v5  }
0x1d: {  	v5 =	vld [tilespmem:s14+$0x0]  }
0x1e: {  	v11 =	vld [tilespmem:s14+$0x10];
	v7 =	vmul.f32 $1.442695020e+00, v7;
	(erf) = vpow2.f32 v6  }
0x1f: {  	v4 =	vld [tilespmem:s15+$0x4010]  }
0x20: {  	v12 =	vld [tilespmem:s14+$0x20];
	(erf) = vpow2.f32 v7;
	_ =	sdelay $0x1  }
0x21: {  	v8 =	vld [tilespmem:s14+$0x30];
	vm0 =	veq.s32 v10, $0x1;
	v5 =	vmul.f32 $1.442695020e+00, v5  }
0x22: {  	vm11 =	veq.s32 v9, $0x1;
	v9 =	vmul.f32 $1.442695020e+00, v11;
	v13 =	vsel vm0, $0x3F800000, v1;
	v7 =	vld [tilespmem:s15+$0x4030];
	v6 =	vpop (erf)  }
0x23: {  	s31 =	simm.s32 $0x80;
	s15 =	simm.s32 $0x200;
	vm12 =	veq.s32 v4, $0x1;
	v4 =	vld [tilespmem:s14+$0x4020];
	(erf) = vpow2.f32 v5;
	v5 =	vsel vm0, $0x0, v6  }
0x24: {  	s17 =	sand.u32 $0x40, s31;
	s16 =	simm.s32 $0xC0;
	v10 =	vmul.f32 $1.442695020e+00, v12;
	s18 =	sand.u32 $0x3E00, s15;
	v6 =	vld [tilespmem:s14+$0x4010];
	v12 =	vpop (erf);
	v11 =	vadd.f32 v5, v1;
	v5 =	vadd.f32 v13, v1  }
.LBB2_2:
0x25: {  	p0 =	sne.s32 s16, $0xFC0;
	s17 =	sor.u32 s17, s18;
	v13 =	vld [tilespmem:s14+$0x4000];
	(erf) = vpow2.f32 v9;
	v9 =	vsel vm12, $0x0, v12;
	v12 =	vsel vm12, $0x3F800000, v1  }
0x26: {  	v14 =	vld [tilespmem:s17+$0x0];
	v8 =	vmul.f32 $1.442695020e+00, v8;
	v9 =	vadd.f32 v9, v11;
	v5 =	vadd.f32 v12, v5;
	v11 =	vpop (erf)  }
0x27: {  	v12 =	vld [tilespmem:s17+$0x10];
	(erf) = vpow2.f32 v10;
	v10 =	vsel vm11, $0x0, v11;
	v11 =	vsel vm11, $0x3F800000, v1  }
0x28: {  	vm0 =	veq.s32 v7, $0x1;
	v9 =	vadd.f32 v10, v9;
	v5 =	vadd.f32 v11, v5;
	v7 =	vpop (erf)  }
0x29: {  	v10 =	vld [tilespmem:s17+$0x20];
	(erf) = vpow2.f32 v8;
	v7 =	vsel vm0, $0x0, v7;
	v8 =	vsel vm0, $0x3F800000, v1  }
.Ltmp0:
0x2a: {  	v11 =	vadd.f32 v7, v9;
	v5 =	vadd.f32 v8, v5;
	(pc) =	sbr.rel @p0 .LBB2_2-.Ltmp0, $4  }
0x2b: {  	vm11 =	veq.s32 v4, $0x1;
	v14 =	vmul.f32 $1.442695020e+00, v14;
	v8 =	vld [tilespmem:s17+$0x30]  }
0x2c: {  	vm12 =	veq.s32 v6, $0x1;
	vm0 =	veq.s32 v13, $0x1;
	v9 =	vmul.f32 $1.442695020e+00, v12;
	v7 =	vld [tilespmem:s14+$0x4030];
	v6 =	vpop (erf);
	s14 =	smov.u32 s17  }
0x2d: {  	s15 =	sadd.s32 $0x100, s15;
	v13 =	vsel vm0, $0x3F800000, v1;
	v4 =	vld [tilespmem:s14+$0x4020];
	(erf) = vpow2.f32 v14;
	v14 =	vsel vm0, $0x0, v6  }
0x2e: {  	s18 =	sand.u32 $0x3E00, s15;
	s17 =	sand.u32 $0x40, s16;
	s16 =	sadd.s32 $0x40, s16;
	v5 =	vadd.f32 v13, v5;
	v6 =	vld [tilespmem:s14+$0x4010];
	v10 =	vmul.f32 $1.442695020e+00, v10;
	v11 =	vadd.f32 v14, v11;
	v12 =	vpop (erf)  }
0x2f: {  	s15 =	sor.u32 s17, s18  }
0x30: {  	v13 =	vld [tilespmem:s15+$0x0];
	_ =	sdelay $0x2  }
0x31: {  	(erf) = vpow2.f32 v9;
	v8 =	vmul.f32 $1.442695020e+00, v8  }
0x32: {  	v14 =	vld [tilespmem:s14+$0x4000];
	v12 =	vsel vm12, $0x0, v12;
	(erf) = vpow2.f32 v10  }
0x33: {  	v49 =	vld [tilespmem:s15+$0x10];
	v50 =	vadd.f32 v12, v11;
	v51 =	vpop (erf);
	(erf) = vpow2.f32 v8;
	v8 =	vmul.f32 $1.442695020e+00, v13  }
0x34: {  	v52 =	vld [tilespmem:s15+$0x20];
	v11 =	vsel vm11, $0x0, v51  }
0x35: {  	vm13 =	veq.s32 v7, $0x1;
	v10 =	vadd.f32 v11, v50;
	v7 =	vpop (erf)  }
0x36: {  	v7 =	vsel vm13, $0x0, v7  }
0x37: {  	v7 =	vadd.f32 v7, v10;
	vm14 =	veq.s32 v14, $0x1;
	(erf) = vpow2.f32 v8;
	v8 =	vpop (erf)  }
0x38: {  	v53 =	vld [tilespmem:s15+$0x30];
	v9 =	vmul.f32 $1.442695020e+00, v49;
	v8 =	vsel vm14, $0x0, v8  }
0x39: {  	vm10 =	veq.s32 v6, $0x1;
	v12 =	vmul.f32 $1.442695020e+00, v52;
	v6 =	vadd.f32 v8, v7  }
0x3a: {  	(erf) = vpow2.f32 v9  }
0x3b: {  	v54 =	vld [tilespmem:s14+$0x4030];
	v7 =	vpop (erf);
	(erf) = vpow2.f32 v12  }
0x3c: {  	v7 =	vsel vm10, $0x0, v7  }
0x3d: {  	vm6 =	veq.s32 v4, $0x1;
	v55 =	vmul.f32 $1.442695020e+00, v53;
	v8 =	vld [tilespmem:s15+$0x4000];
	v4 =	vadd.f32 v7, v6;
	v6 =	vpop (erf)  }
0x3e: {  	v7 =	vld [tilespmem:s15+$0x4010];
	v6 =	vsel vm6, $0x0, v6  }
0x3f: {  	(erf) = vpow2.f32 v55;
	v4 =	vadd.f32 v6, v4;
	v6 =	vld [tilespmem:s15+$0x4020]  }
0x40: {  	vm0 =	veq.s32 v54, $0x1;
	v56 =	vpop (erf)  }
0x41: {  	v9 =	vsel vm0, $0x0, v56  }
0x42: {  	vm4 =	veq.s32 v8, $0x1;
	v8 =	vpop (erf);
	v4 =	vadd.f32 v9, v4  }
0x43: {  	v57 =	vld [tilespmem:s15+$0x4030];
	v8 =	vsel vm4, $0x0, v8;
	vm7 =	veq.s32 v7, $0x1;
	v7 =	vpop (erf)  }
0x44: {  	v4 =	vadd.f32 v8, v4;
	vm1 =	veq.s32 v6, $0x1;
	v6 =	vpop (erf)  }
0x45: {  	v7 =	vsel vm7, $0x0, v7;
	v6 =	vsel vm1, $0x0, v6  }
0x46: {  	v4 =	vadd.f32 v7, v4;
	_ =	sdelay $0x1  }
0x47: {  	vm3 =	veq.s32 v57, $0x1;
	v4 =	vadd.f32 v6, v4;
	v6 =	vpop (erf)  }
0x48: {  	v6 =	vsel vm3, $0x0, v6  }
0x49: {  	v4 =	vadd.f32 v6, v4;
	_ =	sdelay $0x1  }
0x4a: {  	(xrf2) =	vadd.scan.msk.f32 $0xffff, v4;
	_ =	sdelay $0x9  }
0x4b: {  	v4, _, _ =	vpop (xrf2)  }
0x4c: {  	(v2sf) =	vpush v4, $0xF;
	_ =	sdelay $0xe  }
0x4d: {  	s31 =	spop (v2sf)  }
0x4e: {  	s14 =	smax.f32 s31, $1.000000000e-30  }
0x4f: {  	v4 =	vmov s14  }
0x50: {  	v4 =	vbroadcast v4, $0x0;
	_ =	sdelay $0x1  }
0x51: {  	v6 =	vand.u32 $0x7FFFFF, v4  }
0x52: {  	v6 =	vor.u32 $0x3F800000, v6  }
0x53: {  	v7 =	vadd.f32 $1.000000000e+00, v6;
	_ =	sdelay $0x1  }
0x54: {  	(erf) = vrcp.f32 v7;
	_ =	sdelay $0x7  }
0x55: {  	v6 =	vadd.f32 $-1.000000000e+00, v6  }
0x56: {  	v7 =	vpop (erf)  }
0x57: {  	v6 =	vmul.f32 v7, v6  }
0x58: {  	v7 =	vsel vm12, $0x3F800000, v1  }
0x59: {  	v5 =	vadd.f32 v7, v5;
	v7 =	vmul.f32 v6, v6  }
0x5a: {  	v8 =	vsel vm11, $0x3F800000, v1  }
0x5b: {  	v5 =	vadd.f32 v8, v5;
	v8 =	vmul.f32 $2.222222240e-01, v7  }
0x5c: {  	v58 =	vsel vm13, $0x3F800000, v1  }
0x5d: {  	v5 =	vadd.f32 v58, v5;
	v8 =	vadd.f32 $2.857142980e-01, v8  }
0x5e: {  	v59 =	vsel vm14, $0x3F800000, v1  }
0x5f: {  	v5 =	vadd.f32 v59, v5;
	v8 =	vmul.f32 v8, v7  }
0x60: {  	v60 =	vsel vm10, $0x3F800000, v1  }
0x61: {  	v5 =	vadd.f32 v60, v5;
	v8 =	vadd.f32 $4.000000060e-01, v8  }
0x62: {  	v61 =	vsel vm6, $0x3F800000, v1  }
0x63: {  	v5 =	vadd.f32 v61, v5;
	v8 =	vmul.f32 v8, v7  }
0x64: {  	v62 =	vsel vm0, $0x3F800000, v1  }
0x65: {  	v5 =	vadd.f32 v62, v5;
	v8 =	vadd.f32 $6.666666860e-01, v8  }
0x66: {  	v63 =	vsel vm4, $0x3F800000, v1  }
0x67: {  	v4 =	vshra.s32 v4, $0x17;
	v5 =	vadd.f32 v63, v5;
	v7 =	vmul.f32 v8, v7  }
0x68: {  	v4 =	vadd.s32 $0xFFFFFF81, v4;
	v8 =	vsel vm7, $0x3F800000, v1  }
0x69: {  	v4 =	vcvt.s32.f32 v4;
	v5 =	vadd.f32 v8, v5;
	v7 =	vadd.f32 $2.000000000e+00, v7  }
0x6a: {  	v8 =	vsel vm1, $0x3F800000, v1  }
0x6b: {  	v5 =	vadd.f32 v8, v5;
	v8 =	vmul.f32 $6.931471820e-01, v4;
	v6 =	vmul.f32 v7, v6  }
0x6c: {  	[tilespmem:$0x9000] =	vst v2;
	v4 =	vsel vm3, $0x3F800000, v1  }
0x6d: {  	[tilespmem:$0x9010] =	vst v2;
	s15 =	simm.s32 $0x0;
	s14 =	simm.s32 $0x0;
	v4 =	vadd.f32 v4, v5;
	v5 =	vimm.f32 $0.0e+00;
	v6 =	vadd.f32 v6, v8  }
.LBB2_4:
0x6e: {  	s18 =	sand.u32 $0x40, s15;
	s17 =	sand.u32 $0x3E00, s14  }
0x6f: {  	s16 =	sor.u32 s18, s17  }
0x70: {  	v7 =	vld [tilespmem:s16+$0x0];
	_ =	sdelay $0x4  }
0x71: {  	v8 =	vand.u32 $0x7FFFFFFF, v7  }
0x72: {  	v8 =	vsub.f32 $0.0e+00, v8;
	_ =	sdelay $0x1  }
0x73: {  	v8 =	vmul.f32 $1.442695020e+00, v8;
	_ =	sdelay $0x1  }
0x74: {  	(erf) = vpow2.f32 v8;
	_ =	sdelay $0x8  }
0x75: {  	v8 =	vpop (erf)  }
0x76: {  	v9 =	vmul.f32 v8, v8;
	v10 =	vmul.f32 $2.164085810e-01, v8;
	_ =	sdelay $0x1  }
0x77: {  	v11 =	vld [tilespmem:s16+$0x4000];
	v10 =	vadd.f32 $-4.640707080e-01, v10;
	v12 =	vmul.f32 $5.486230920e-02, v9;
	_ =	sdelay $0x1  }
0x78: {  	v8 =	vmul.f32 $9.954266540e-01, v8;
	v10 =	vsub.f32 v10, v12;
	_ =	sdelay $0x1  }
0x79: {  	v17 =	vsub.f32 $0.0e+00, v7;
	v8 =	vadd.f32 $1.415801670e-04, v8;
	v9 =	vmul.f32 v10, v9  }
0x7a: {  	vm11 =	veq.s32 v11, $0x1  }
0x7b: {  	v18 =	vsel vm11, v17, v7;
	v8 =	vadd.f32 v9, v8  }
0x7c: {  	v19 =	vmax.f32 v18, $0.0e+00  }
0x7d: {  	v8 =	vadd.f32 v8, v19;
	_ =	sdelay $0x1  }
0x7e: {  	v9 =	vshra.s32 v8, $0x1B  }
0x7f: {  	(xrf1) =	vunique.msk.u32 $0xffff, v9;
	_ =	sdelay $0xd  }
0x80: {  	_, v20, vm0 =	vpop (xrf1);
	_ =	sdelay $0x3  }
0x81: {  	s28 =	sshra.s32 s14, $0x2  }
0x82: {  	s19 =	sor.u32 $0x10, s18;
	[tilespmem:s28+$0x8000] =	vst v8  }
0x83: {  	s29 =	sor.u32 s17, s19;
	[tilespmem:v9+s11+$0x0] =	vst.idx.add.s32.msk vm0, v20  }
0x84: {  	v7 =	vsub.f32 v6, v7;
	v8 =	vld [tilespmem:s29+$0x0];
	_ =	sdelay $0x1  }
0x85: {  	v7 =	vmax.f32 v7, $-8.000000000e+01  }
0x86: {  	v21 =	vmin.f32 v7, $8.000000000e+01  }
0x87: {  	v9 =	vand.u32 $0x7FFFFFFF, v21  }
0x88: {  	v9 =	vsub.f32 $0.0e+00, v9;
	v22 =	vand.u32 $0x7FFFFFFF, v8  }
0x89: {  	v10 =	vsub.f32 $0.0e+00, v22  }
0x8a: {  	v9 =	vmul.f32 $1.442695020e+00, v9  }
0x8b: {  	v10 =	vmul.f32 $1.442695020e+00, v10  }
0x8c: {  	(erf) = vpow2.f32 v9  }
0x8d: {  	(erf) = vpow2.f32 v10;
	_ =	sdelay $0x7  }
0x8e: {  	v9 =	vpop (erf)  }
0x8f: {  	v10 =	vpop (erf)  }
0x90: {  	v23 =	vmul.f32 v10, v10;
	v24 =	vmul.f32 $2.164085810e-01, v10;
	_ =	sdelay $0x1  }
0x91: {  	v13 =	vld [tilespmem:s29+$0x4000];
	v12 =	vadd.f32 $-4.640707080e-01, v24;
	v14 =	vmul.f32 $5.486230920e-02, v23;
	_ =	sdelay $0x1  }
0x92: {  	v10 =	vmul.f32 $9.954266540e-01, v10;
	v12 =	vsub.f32 v12, v14;
	_ =	sdelay $0x1  }
0x93: {  	v25 =	vsub.f32 $0.0e+00, v8;
	v10 =	vadd.f32 $1.415801670e-04, v10;
	v11 =	vmul.f32 v12, v23  }
0x94: {  	vm12 =	veq.s32 v13, $0x1  }
0x95: {  	v26 =	vsel vm12, v25, v8;
	v10 =	vadd.f32 v11, v10  }
0x96: {  	v27 =	vmax.f32 v26, $0.0e+00  }
0x97: {  	v10 =	vadd.f32 v10, v27;
	_ =	sdelay $0x1  }
0x98: {  	v11 =	vshra.s32 v10, $0x1B  }
0x99: {  	(xrf1) =	vunique.msk.u32 $0xffff, v11;
	_ =	sdelay $0xd  }
0x9a: {  	_, v28, vm0 =	vpop (xrf1);
	_ =	sdelay $0x1  }
0x9b: {  	s30 =	sand.u32 $0xF80, s15  }
0x9c: {  	s16 =	sor.u32 $0x8000, s30  }
0x9d: {  	s19 =	sor.u32 s19, s16  }
0x9e: {  	s31 =	sor.u32 $0x20, s18;
	[tilespmem:s19+$0x0] =	vst v10  }
0x9f: {  	s20 =	sor.u32 s17, s31;
	[tilespmem:v11+s11+$0x0] =	vst.idx.add.s32.msk vm0, v28  }
0xa0: {  	v8 =	vsub.f32 v6, v8;
	v10 =	vld [tilespmem:s20+$0x0];
	_ =	sdelay $0x1  }
0xa1: {  	v8 =	vmax.f32 v8, $-8.000000000e+01  }
0xa2: {  	v29 =	vmin.f32 v8, $8.000000000e+01  }
0xa3: {  	v11 =	vand.u32 $0x7FFFFFFF, v29  }
0xa4: {  	v11 =	vsub.f32 $0.0e+00, v11;
	v30 =	vand.u32 $0x7FFFFFFF, v10  }
0xa5: {  	v12 =	vsub.f32 $0.0e+00, v30  }
0xa6: {  	v11 =	vmul.f32 $1.442695020e+00, v11  }
0xa7: {  	v12 =	vmul.f32 $1.442695020e+00, v12  }
0xa8: {  	(erf) = vpow2.f32 v11  }
0xa9: {  	(erf) = vpow2.f32 v12;
	_ =	sdelay $0x7  }
0xaa: {  	v11 =	vpop (erf)  }
0xab: {  	v12 =	vpop (erf)  }
0xac: {  	v31 =	vmul.f32 v12, v12;
	v32 =	vmul.f32 $2.164085810e-01, v12;
	_ =	sdelay $0x1  }
0xad: {  	v15 =	vld [tilespmem:s20+$0x4000];
	v14 =	vadd.f32 $-4.640707080e-01, v32;
	v16 =	vmul.f32 $5.486230920e-02, v31;
	_ =	sdelay $0x1  }
0xae: {  	v12 =	vmul.f32 $9.954266540e-01, v12;
	v14 =	vsub.f32 v14, v16;
	_ =	sdelay $0x1  }
0xaf: {  	v33 =	vsub.f32 $0.0e+00, v10;
	v12 =	vadd.f32 $1.415801670e-04, v12;
	v13 =	vmul.f32 v14, v31  }
0xb0: {  	vm13 =	veq.s32 v15, $0x1  }
0xb1: {  	v34 =	vsel vm13, v33, v10;
	v12 =	vadd.f32 v13, v12  }
0xb2: {  	v35 =	vmax.f32 v34, $0.0e+00  }
0xb3: {  	v12 =	vadd.f32 v12, v35;
	_ =	sdelay $0x1  }
0xb4: {  	v13 =	vshra.s32 v12, $0x1B  }
0xb5: {  	(xrf1) =	vunique.msk.u32 $0xffff, v13;
	_ =	sdelay $0xd  }
0xb6: {  	_, v36, vm0 =	vpop (xrf1);
	_ =	sdelay $0x3  }
0xb7: {  	s19 =	sor.u32 s31, s16  }
0xb8: {  	s18 =	sor.u32 $0x30, s18;
	[tilespmem:s19+$0x0] =	vst v12  }
0xb9: {  	s17 =	sor.u32 s17, s18;
	[tilespmem:v13+s11+$0x0] =	vst.idx.add.s32.msk vm0, v36  }
0xba: {  	v10 =	vsub.f32 v6, v10;
	v12 =	vld [tilespmem:s17+$0x0];
	_ =	sdelay $0x1  }
0xbb: {  	v10 =	vmax.f32 v10, $-8.000000000e+01  }
0xbc: {  	v37 =	vmin.f32 v10, $8.000000000e+01  }
0xbd: {  	v13 =	vand.u32 $0x7FFFFFFF, v37  }
0xbe: {  	v13 =	vsub.f32 $0.0e+00, v13;
	v38 =	vand.u32 $0x7FFFFFFF, v12  }
0xbf: {  	v14 =	vsub.f32 $0.0e+00, v38  }
0xc0: {  	v13 =	vmul.f32 $1.442695020e+00, v13  }
0xc1: {  	v14 =	vmul.f32 $1.442695020e+00, v14  }
0xc2: {  	(erf) = vpow2.f32 v13  }
0xc3: {  	(erf) = vpow2.f32 v14;
	_ =	sdelay $0x7  }
0xc4: {  	v13 =	vpop (erf)  }
0xc5: {  	v14 =	vpop (erf)  }
0xc6: {  	v39 =	vmul.f32 v14, v14;
	v40 =	vmul.f32 $2.164085810e-01, v14  }
0xc7: {  	v17 =	vsub.f32 v6, v12  }
0xc8: {  	v18 =	vld [tilespmem:s17+$0x4000];
	v16 =	vadd.f32 $-4.640707080e-01, v40;
	v19 =	vmul.f32 $5.486230920e-02, v39  }
0xc9: {  	v17 =	vmax.f32 v17, $-8.000000000e+01  }
0xca: {  	v41 =	vmin.f32 v17, $8.000000000e+01;
	v14 =	vmul.f32 $9.954266540e-01, v14;
	v16 =	vsub.f32 v16, v19  }
0xcb: {  	v20 =	vsub.f32 $0.0e+00, v12;
	v19 =	vand.u32 $0x7FFFFFFF, v41  }
0xcc: {  	v14 =	vadd.f32 $1.415801670e-04, v14;
	v42 =	vsub.f32 $0.0e+00, v19;
	v15 =	vmul.f32 v16, v39  }
0xcd: {  	vm10 =	veq.s32 v18, $0x1  }
0xce: {  	v12 =	vsel vm10, v20, v12;
	v43 =	vmul.f32 $1.442695020e+00, v42;
	v14 =	vadd.f32 v15, v14  }
0xcf: {  	v12 =	vmax.f32 v12, $0.0e+00  }
0xd0: {  	(erf) = vpow2.f32 v43;
	v12 =	vadd.f32 v14, v12;
	_ =	sdelay $0x1  }
0xd1: {  	v7 =	vclamp.gez.f32 v7, $8.000000000e+01;
	v47 =	vshra.s32 v12, $0x1B  }
0xd2: {  	v44 =	vmul.f32 v9, v9;
	v45 =	vmul.f32 $2.164085810e-01, v9;
	(xrf1) =	vunique.msk.u32 $0xffff, v47  }
0xd3: {  	v8 =	vclamp.gez.f32 v8, $8.000000000e+01;
	v49 =	vmul.f32 $2.164085810e-01, v11  }
0xd4: {  	v46 =	vmul.f32 $5.486230920e-02, v44;
	v48 =	vmul.f32 v11, v11;
	v14 =	vadd.f32 $-4.640707080e-01, v45  }
0xd5: {  	v9 =	vmul.f32 $9.954266540e-01, v9;
	v50 =	vadd.f32 $-4.640707080e-01, v49;
	v22 =	vmul.f32 $2.164085810e-01, v13  }
0xd6: {  	v51 =	vmul.f32 $5.486230920e-02, v48;
	v21 =	vmul.f32 v13, v13;
	v14 =	vsub.f32 v14, v46  }
0xd7: {  	v9 =	vadd.f32 $1.415801670e-04, v9;
	v11 =	vmul.f32 $9.954266540e-01, v11;
	v52 =	vadd.f32 $-4.640707080e-01, v22  }
0xd8: {  	v53 =	vmul.f32 $5.486230920e-02, v21;
	v15 =	vsub.f32 v50, v51;
	v14 =	vmul.f32 v14, v44;
	v55 =	vpop (erf)  }
0xd9: {  	v11 =	vadd.f32 $1.415801670e-04, v11;
	v56 =	vmul.f32 v55, v55;
	v57 =	vmul.f32 $2.164085810e-01, v55  }
0xda: {  	v13 =	vmul.f32 $9.954266540e-01, v13;
	v16 =	vsub.f32 v52, v53;
	v54 =	vmul.f32 v15, v48  }
0xdb: {  	v9 =	vadd.f32 v14, v9;
	v58 =	vadd.f32 $-4.640707080e-01, v57;
	v59 =	vmul.f32 $5.486230920e-02, v56  }
0xdc: {  	v13 =	vadd.f32 $1.415801670e-04, v13;
	v60 =	vmul.f32 v16, v21;
	v11 =	vadd.f32 v54, v11  }
0xdd: {  	v7 =	vadd.f32 v9, v7;
	v15 =	vmul.f32 $9.954266540e-01, v55;
	v9 =	vsub.f32 v58, v59  }
0xde: {  	v61 =	vadd.f32 v60, v13;
	v8 =	vadd.f32 v11, v8  }
0xdf: {  	v7 =	vnsel vm11, $0x0, v7;
	v62 =	vadd.f32 $1.415801670e-04, v15;
	v9 =	vmul.f32 v9, v56  }
0xe0: {  	v5 =	vadd.f32 v7, v5;
	v7 =	vclamp.gez.f32 v10, $8.000000000e+01;
	_, v63, vm0 =	vpop (xrf1)  }
0xe1: {  	p0 =	sne.s32 s15, $0xFC0;
	v8 =	vnsel vm12, $0x0, v8;
	v7 =	vadd.f32 v61, v7;
	v9 =	vadd.f32 v9, v62  }
.Ltmp1:
0xe2: {  	v5 =	vadd.f32 v8, v5;
	v8 =	vclamp.gez.f32 v17, $8.000000000e+01;
	(pc) =	sbr.rel @p0 .LBB2_4-.Ltmp1, $4  }
0xe3: {  	v7 =	vnsel vm13, $0x0, v7;
	v8 =	vadd.f32 v9, v8  }
0xe4: {  	s16 =	sor.u32 s18, s16;
	v5 =	vadd.f32 v7, v5  }
0xe5: {  	[tilespmem:s16+$0x0] =	vst v12;
	v7 =	vnsel vm10, $0x0, v8  }
0xe6: {  	s14 =	sadd.s32 $0x100, s14;
	s15 =	sadd.s32 $0x40, s15;
	v5 =	vadd.f32 v7, v5;
	[tilespmem:v47+s11+$0x0] =	vst.idx.add.s32.msk vm0, v63  }
0xe7: {  	v8 =	vld [tilespmem:$0x9000];
	_ =	sdelay $0x4  }
0xe8: {  	v6 =	vperm.xlane v8, v3;
	_ =	sdelay $0x1  }
0xe9: {  	(xrf0) =	vadd.scan.msk.s32 $0xffff, v6;
	_ =	sdelay $0x5  }
0xea: {  	v6, _, _ =	vpop (xrf0)  }
0xeb: {  	vm0 =	vgt.s32 v6, $0x7F  }
0xec: {  	v6 =	vmctz.xlane vm0;
	_ =	sdelay $0x1  }
0xed: {  	v9 =	vsub.s32 $0xF, v6  }
0xee: {  	[tilespmem:$0x9000] =	vst v2;
	v6 =	vshll.u32 v9, $0x1B  }
0xef: {  	[tilespmem:$0x9010] =	vst v2;
	s14 =	simm.s32 $0x0;
	v7 =	vadd.s32 $0x8000000, v6  }
.LBB2_6:
0xf0: {  	s15 =	sshra.s32 s14, $0x2  }
0xf1: {  	v10 =	vld [tilespmem:s15+$0x8000];
	_ =	sdelay $0x4  }
0xf2: {  	vm0 =	vge.s32 v10, v6;
	vm1 =	vlt.s32 v10, v7;
	v10 =	vshrl.u32 v10, $0x17  }
0xf3: {  	vm0 =	vmand vm0, vm1;
	v10 =	vand.u32 $0xF, v10  }
0xf4: {  	v10 =	vnsel vm0, $0x10, v10  }
0xf5: {  	(xrf1) =	vunique.msk.u32 $0xffff, v10;
	_ =	sdelay $0xd  }
0xf6: {  	_, v11, vm0 =	vpop (xrf1);
	_ =	sdelay $0x5  }
0xf7: {  	[tilespmem:v10+s11+$0x0] =	vst.idx.add.s32.msk vm0, v11  }
0xf8: {  	v10 =	vld [tilespmem:s15+$0x8010];
	_ =	sdelay $0x4  }
0xf9: {  	vm0 =	vge.s32 v10, v6;
	vm1 =	vlt.s32 v10, v7;
	v10 =	vshrl.u32 v10, $0x17  }
0xfa: {  	vm0 =	vmand vm0, vm1;
	v10 =	vand.u32 $0xF, v10  }
0xfb: {  	v10 =	vnsel vm0, $0x10, v10  }
0xfc: {  	(xrf1) =	vunique.msk.u32 $0xffff, v10;
	_ =	sdelay $0xd  }
0xfd: {  	_, v11, vm0 =	vpop (xrf1);
	_ =	sdelay $0x5  }
0xfe: {  	[tilespmem:v10+s11+$0x0] =	vst.idx.add.s32.msk vm0, v11  }
0xff: {  	v10 =	vld [tilespmem:s15+$0x8020];
	_ =	sdelay $0x4  }
0x100: {  	vm0 =	vge.s32 v10, v6;
	vm1 =	vlt.s32 v10, v7;
	v10 =	vshrl.u32 v10, $0x17  }
0x101: {  	vm0 =	vmand vm0, vm1;
	v10 =	vand.u32 $0xF, v10  }
0x102: {  	v10 =	vnsel vm0, $0x10, v10  }
0x103: {  	(xrf1) =	vunique.msk.u32 $0xffff, v10;
	_ =	sdelay $0xd  }
0x104: {  	_, v11, vm0 =	vpop (xrf1);
	_ =	sdelay $0x5  }
0x105: {  	[tilespmem:v10+s11+$0x0] =	vst.idx.add.s32.msk vm0, v11  }
0x106: {  	v10 =	vld [tilespmem:s15+$0x8030];
	_ =	sdelay $0x4  }
0x107: {  	vm0 =	vge.s32 v10, v6;
	vm1 =	vlt.s32 v10, v7;
	v10 =	vshrl.u32 v10, $0x17  }
0x108: {  	vm0 =	vmand vm0, vm1;
	v10 =	vand.u32 $0xF, v10  }
0x109: {  	v10 =	vnsel vm0, $0x10, v10  }
0x10a: {  	(xrf1) =	vunique.msk.u32 $0xffff, v10;
	_ =	sdelay $0xd  }
0x10b: {  	_, v11, vm0 =	vpop (xrf1)  }
0x10c: {  	p0 =	sne.s32 s14, $0x3F00  }
.Ltmp2:
0x10d: {  	_ = 	snop;
	(pc) =	sbr.rel @p0 .LBB2_6-.Ltmp2, $2  }
0x10e: {  	_ =	sdelay $0x2  }
0x10f: {  	s14 =	sadd.s32 $0x100, s14;
	[tilespmem:v10+s11+$0x0] =	vst.idx.add.s32.msk vm0, v11  }
0x110: {  	v7 =	vld [tilespmem:$0x9000];
	_ =	sdelay $0x2  }
0x111: {  	vm0 =	vlt.s32 v9, v0  }
0x112: {  	v8 =	vnsel vm0, $0x0, v8  }
0x113: {  	(xrf0) =	vadd.scan.msk.s32 $0xffff, v8;
	v8 =	vperm.xlane v7, v3;
	_ =	sdelay $0x1  }
0x114: {  	(xrf0) =	vadd.scan.msk.s32 $0xffff, v8;
	_ =	sdelay $0x3  }
0x115: {  	v8, _, _ =	vpop (xrf0)  }
0x116: {  	v9 =	vbroadcast v8, $0xF  }
0x117: {  	v10, _, _ =	vpop (xrf0)  }
0x118: {  	v9 =	vadd.s32 v9, v10  }
0x119: {  	vm0 =	vgt.s32 v9, $0x7F  }
0x11a: {  	v9 =	vmctz.xlane vm0;
	_ =	sdelay $0x1  }
0x11b: {  	v9 =	vsub.s32 $0xF, v9  }
0x11c: {  	v10 =	vshll.u32 v9, $0x17  }
0x11d: {  	[tilespmem:$0x9000] =	vst v2;
	v6 =	vadd.s32 v6, v10  }
0x11e: {  	[tilespmem:$0x9010] =	vst v2;
	s14 =	simm.s32 $0x0;
	v10 =	vadd.s32 $0x800000, v6  }
.LBB2_8:
0x11f: {  	s15 =	sshra.s32 s14, $0x2  }
0x120: {  	v11 =	vld [tilespmem:s15+$0x8000];
	_ =	sdelay $0x4  }
0x121: {  	vm0 =	vge.s32 v11, v6;
	vm1 =	vlt.s32 v11, v10;
	v11 =	vshrl.u32 v11, $0x13  }
0x122: {  	vm0 =	vmand vm0, vm1;
	v11 =	vand.u32 $0xF, v11  }
0x123: {  	v11 =	vnsel vm0, $0x10, v11  }
0x124: {  	(xrf1) =	vunique.msk.u32 $0xffff, v11;
	_ =	sdelay $0xd  }
0x125: {  	_, v12, vm0 =	vpop (xrf1);
	_ =	sdelay $0x5  }
0x126: {  	[tilespmem:v11+s11+$0x0] =	vst.idx.add.s32.msk vm0, v12  }
0x127: {  	v11 =	vld [tilespmem:s15+$0x8010];
	_ =	sdelay $0x4  }
0x128: {  	vm0 =	vge.s32 v11, v6;
	vm1 =	vlt.s32 v11, v10;
	v11 =	vshrl.u32 v11, $0x13  }
0x129: {  	vm0 =	vmand vm0, vm1;
	v11 =	vand.u32 $0xF, v11  }
0x12a: {  	v11 =	vnsel vm0, $0x10, v11  }
0x12b: {  	(xrf1) =	vunique.msk.u32 $0xffff, v11;
	_ =	sdelay $0xd  }
0x12c: {  	_, v61, vm0 =	vpop (xrf1);
	_ =	sdelay $0x5  }
0x12d: {  	[tilespmem:v11+s11+$0x0] =	vst.idx.add.s32.msk vm0, v61  }
0x12e: {  	v11 =	vld [tilespmem:s15+$0x8020];
	_ =	sdelay $0x4  }
0x12f: {  	vm0 =	vge.s32 v11, v6;
	vm1 =	vlt.s32 v11, v10;
	v11 =	vshrl.u32 v11, $0x13  }
0x130: {  	vm0 =	vmand vm0, vm1;
	v11 =	vand.u32 $0xF, v11  }
0x131: {  	v11 =	vnsel vm0, $0x10, v11  }
0x132: {  	(xrf1) =	vunique.msk.u32 $0xffff, v11;
	_ =	sdelay $0xd  }
0x133: {  	_, v62, vm0 =	vpop (xrf1);
	_ =	sdelay $0x5  }
0x134: {  	[tilespmem:v11+s11+$0x0] =	vst.idx.add.s32.msk vm0, v62  }
0x135: {  	v11 =	vld [tilespmem:s15+$0x8030];
	_ =	sdelay $0x4  }
0x136: {  	vm0 =	vge.s32 v11, v6;
	vm1 =	vlt.s32 v11, v10;
	v11 =	vshrl.u32 v11, $0x13  }
0x137: {  	vm0 =	vmand vm0, vm1;
	v11 =	vand.u32 $0xF, v11  }
0x138: {  	v11 =	vnsel vm0, $0x10, v11  }
0x139: {  	(xrf1) =	vunique.msk.u32 $0xffff, v11;
	_ =	sdelay $0xd  }
0x13a: {  	_, v63, vm0 =	vpop (xrf1)  }
0x13b: {  	p0 =	sne.s32 s14, $0x3F00  }
.Ltmp3:
0x13c: {  	_ = 	snop;
	(pc) =	sbr.rel @p0 .LBB2_8-.Ltmp3, $2  }
0x13d: {  	_ =	sdelay $0x2  }
0x13e: {  	s14 =	sadd.s32 $0x100, s14;
	[tilespmem:v11+s11+$0x0] =	vst.idx.add.s32.msk vm0, v63  }
0x13f: {  	v10 =	vld [tilespmem:$0x9000];
	_ =	sdelay $0x1  }
0x140: {  	vm0 =	vlt.s32 v9, v0  }
0x141: {  	v7 =	vnsel vm0, $0x0, v7  }
0x142: {  	(xrf0) =	vadd.scan.msk.s32 $0xffff, v7  }
0x143: {  	v7 =	vperm.xlane v10, v3;
	_ =	sdelay $0x1  }
0x144: {  	(xrf0) =	vadd.scan.msk.s32 $0xffff, v7;
	_ =	sdelay $0x2  }
0x145: {  	v7, _, _ =	vpop (xrf0)  }
0x146: {  	v7 =	vadd.s32 v8, v7  }
0x147: {  	v7 =	vbroadcast v7, $0xF  }
0x148: {  	v8, _, _ =	vpop (xrf0)  }
0x149: {  	v7 =	vadd.s32 v7, v8  }
0x14a: {  	s16 =	simm.s32 $0x0;
	vm0 =	vgt.s32 v7, $0x7F  }
0x14b: {  	v11 =	vld [tilespmem:s16+$0x8000];
	v7 =	vmctz.xlane vm0;
	_ =	sdelay $0x1  }
0x14c: {  	v7 =	vshll.u32 v7, $0x13  }
0x14d: {  	v6 =	vsub.s32 v6, v7  }
0x14e: {  	v10 =	vld [tilespmem:s16+$0x8010];
	v7 =	vadd.s32 $0x800000, v6  }
0x14f: {  	v8 =	vld [tilespmem:s16+$0x8030];
	vm0 =	vge.s32 v11, v7  }
0x150: {  	v13 =	vnsel vm0, $0x0, v11;
	v11 =	vld [tilespmem:s16+$0x8020];
	_ =	sdelay $0x1  }
0x151: {  	v9 =	vimm.f32 $0.0e+00;
	s15 =	simm.s32 $0x0  }
0x152: {  	v12 =	vimm.s32 $0x0;
	s14 =	simm.s32 $0x100;
	s17 =	simm.s32 $0x200;
	vm1 =	vge.s32 v10, v7;
	s16 =	simm.s32 $0x40;
	v13 =	vadd.f32 v13, v9  }
.LBB2_10:
0x153: {  	p0 =	sne.s32 s17, $0x3F00;
	v14 =	vld [tilespmem:s16+$0x8000];
	v10 =	vnsel vm1, $0x0, v10;
	vm3 =	vge.s32 v8, v7;
	v15 =	vmov v8  }
0x154: {  	v8 =	vsel vm0, $0x1, v2;
	v13 =	vadd.f32 v10, v13;
	vm0 =	vge.s32 v11, v7  }
0x155: {  	v16 =	vsel vm1, $0x1, v2;
	v12 =	vadd.s32 v8, v12;
	v10 =	vld [tilespmem:s16+$0x8010];
	v11 =	vnsel vm0, $0x0, v11  }
.Ltmp4:
0x156: {  	v12 =	vadd.s32 v16, v12;
	v16 =	vsel vm0, $0x1, v2;
	v8 =	vld [tilespmem:s16+$0x8030];
	v13 =	vadd.f32 v11, v13;
	(pc) =	sbr.rel @p0 .LBB2_10-.Ltmp4, $4  }
0x157: {  	v15 =	vnsel vm3, $0x0, v15;
	v12 =	vadd.s32 v16, v12;
	v16 =	vsel vm3, $0x1, v2;
	v11 =	vld [tilespmem:s16+$0x8020]  }
0x158: {  	v12 =	vadd.s32 v16, v12;
	vm0 =	vge.s32 v14, v7;
	v13 =	vadd.f32 v15, v13  }
0x159: {  	v14 =	vnsel vm0, $0x0, v14  }
0x15a: {  	s16 =	sshra.s32 s17, $0x2;
	s17 =	sadd.s32 $0x100, s17;
	v13 =	vadd.f32 v14, v13;
	vm1 =	vge.s32 v10, v7  }
0x15b: {  	s17 =	sand.u32 $0x40, s15;
	s29 =	sand.u32 $0x3E00, s15;
	v14 =	vld [tilespmem:s16+$0x8000];
	v10 =	vnsel vm1, $0x0, v10  }
0x15c: {  	v15 =	vld [tilespmem:s16+$0x8010];
	s15 =	sor.u32 s17, s29;
	v10 =	vadd.f32 v10, v13;
	vm3 =	vge.s32 v11, v7  }
0x15d: {  	v16 =	vsel vm0, $0x1, v2;
	vm0 =	vge.s32 v8, v7;
	v13 =	vld [tilespmem:s15+$0x80];
	v11 =	vnsel vm3, $0x0, v11  }
0x15e: {  	v12 =	vadd.s32 v16, v12;
	v16 =	vsel vm1, $0x1, v2;
	v10 =	vadd.f32 v11, v10;
	v11 =	vld [tilespmem:s15+$0x90]  }
0x15f: {  	v8 =	vnsel vm0, $0x0, v8;
	v12 =	vadd.s32 v16, v12  }
0x160: {  	v16 =	vld [tilespmem:s16+$0x8020];
	vm1 =	vge.s32 v14, v7;
	v8 =	vadd.f32 v8, v10;
	v10 =	vsel vm3, $0x1, v2  }
0x161: {  	v14 =	vnsel vm1, $0x0, v14;
	v10 =	vadd.s32 v10, v12;
	v12 =	vsel vm0, $0x1, v2  }
0x162: {  	v18 =	vld [tilespmem:s15+$0xA0];
	vm0 =	vge.s32 v15, v7;
	v13 =	vmul.f32 $1.442695020e+00, v13;
	v8 =	vadd.f32 v14, v8  }
0x163: {  	v17 =	vld [tilespmem:s16+$0x8030];
	s30 =	simm.s32 $0x40;
	v10 =	vadd.s32 v12, v10;
	v12 =	vnsel vm0, $0x0, v15;
	v11 =	vmul.f32 $1.442695020e+00, v11  }
0x164: {  	s14 =	sand.u32 $0x3E00, s14;
	s16 =	sand.u32 $0x40, s30;
	v14 =	vld [tilespmem:s15+$0xB0];
	(erf) = vpow2.f32 v13;
	v13 =	vsel vm1, $0x1, v2;
	v8 =	vadd.f32 v12, v8  }
0x165: {  	v19 =	vld [tilespmem:s15+$0x40A0];
	s14 =	sor.u32 s16, s14;
	vm1 =	vge.s32 v16, v7;
	v12 =	vsel vm0, $0x1, v2;
	v10 =	vadd.s32 v13, v10  }
0x166: {  	v20 =	vld [tilespmem:s14+$0x90];
	v10 =	vadd.s32 v12, v10;
	v12 =	vsel vm1, $0x1, v2  }
0x167: {  	v15 =	vld [tilespmem:s15+$0x4090];
	(erf) = vpow2.f32 v11;
	v10 =	vadd.s32 v12, v10;
	v12 =	vmul.f32 $1.442695020e+00, v18  }
0x168: {  	v13 =	vnsel vm1, $0x0, v16;
	v16 =	vld [tilespmem:s14+$0x80]  }
0x169: {  	v11 =	vld [tilespmem:s15+$0x4080];
	v14 =	vmul.f32 $1.442695020e+00, v14;
	(erf) = vpow2.f32 v12  }
0x16a: {  	vm0 =	vge.s32 v17, v7  }
0x16b: {  	v7 =	vnsel vm0, $0x0, v17;
	v17 =	vld [tilespmem:s14+$0xA0];
	v8 =	vadd.f32 v13, v8;
	(erf) = vpow2.f32 v14  }
0x16c: {  	vm11 =	veq.s32 v19, $0x1;
	v13 =	vsel vm0, $0x1, v2  }
0x16d: {  	v7 =	vadd.f32 v7, v8;
	v8 =	vadd.s32 v13, v10;
	v13 =	vld [tilespmem:s14+$0xB0];
	v16 =	vmul.f32 $1.442695020e+00, v16  }
0x16e: {  	vm12 =	veq.s32 v15, $0x1;
	v10 =	vld [tilespmem:s14+$0x40A0];
	v14 =	vmul.f32 $1.442695020e+00, v20;
	vm0 =	veq.s32 v11, $0x1;
	v11 =	vpop (erf)  }
0x16f: {  	s31 =	simm.s32 $0x80;
	v12 =	vld [tilespmem:s15+$0x40B0];
	s15 =	simm.s32 $0x200;
	v18 =	vsel vm0, $0x3F800000, v1;
	(erf) = vpow2.f32 v16;
	v16 =	vsel vm0, $0x0, v11  }
0x170: {  	s17 =	sand.u32 $0x40, s31;
	s16 =	simm.s32 $0xC0;
	s18 =	sand.u32 $0x3E00, s15;
	v15 =	vmul.f32 $1.442695020e+00, v17;
	v11 =	vld [tilespmem:s14+$0x4090];
	v17 =	vpop (erf);
	v16 =	vadd.f32 v16, v9;
	v9 =	vadd.f32 v18, v9  }
.LBB2_12:
0x171: {  	p0 =	sne.s32 s16, $0xFC0;
	s17 =	sor.u32 s17, s18;
	v18 =	vld [tilespmem:s14+$0x4080];
	(erf) = vpow2.f32 v14;
	v14 =	vsel vm12, $0x0, v17;
	v17 =	vsel vm12, $0x3F800000, v1  }
0x172: {  	v19 =	vld [tilespmem:s17+$0x80];
	v13 =	vmul.f32 $1.442695020e+00, v13;
	v14 =	vadd.f32 v14, v16;
	v9 =	vadd.f32 v17, v9;
	v16 =	vpop (erf)  }
0x173: {  	v17 =	vld [tilespmem:s17+$0x90];
	(erf) = vpow2.f32 v15;
	v15 =	vsel vm11, $0x0, v16;
	v16 =	vsel vm11, $0x3F800000, v1  }
0x174: {  	vm0 =	veq.s32 v12, $0x1;
	v14 =	vadd.f32 v15, v14;
	v9 =	vadd.f32 v16, v9;
	v12 =	vpop (erf)  }
0x175: {  	v15 =	vld [tilespmem:s17+$0xA0];
	(erf) = vpow2.f32 v13;
	v12 =	vsel vm0, $0x0, v12;
	v13 =	vsel vm0, $0x3F800000, v1  }
.Ltmp5:
0x176: {  	v16 =	vadd.f32 v12, v14;
	v9 =	vadd.f32 v13, v9;
	(pc) =	sbr.rel @p0 .LBB2_12-.Ltmp5, $4  }
0x177: {  	vm11 =	veq.s32 v10, $0x1;
	v19 =	vmul.f32 $1.442695020e+00, v19;
	v13 =	vld [tilespmem:s17+$0xB0]  }
0x178: {  	vm12 =	veq.s32 v11, $0x1;
	vm0 =	veq.s32 v18, $0x1;
	v14 =	vmul.f32 $1.442695020e+00, v17;
	v12 =	vld [tilespmem:s14+$0x40B0];
	v11 =	vpop (erf);
	s14 =	smov.u32 s17  }
0x179: {  	s15 =	sadd.s32 $0x100, s15;
	v18 =	vsel vm0, $0x3F800000, v1;
	v10 =	vld [tilespmem:s14+$0x40A0];
	(erf) = vpow2.f32 v19;
	v19 =	vsel vm0, $0x0, v11  }
0x17a: {  	s18 =	sand.u32 $0x3E00, s15;
	s17 =	sand.u32 $0x40, s16;
	s16 =	sadd.s32 $0x40, s16;
	v9 =	vadd.f32 v18, v9;
	v11 =	vld [tilespmem:s14+$0x4090];
	v15 =	vmul.f32 $1.442695020e+00, v15;
	v16 =	vadd.f32 v19, v16;
	v17 =	vpop (erf)  }
0x17b: {  	_ = 	snop  }
0x17c: {  	s15 =	sor.u32 s17, s18;
	v19 =	vld [tilespmem:s14+$0x4080]  }
0x17d: {  	(erf) = vpow2.f32 v14;
	v17 =	vsel vm12, $0x0, v17;
	v18 =	vld [tilespmem:s15+$0x80]  }
0x17e: {  	v33 =	vld [tilespmem:s15+$0x90];
	v34 =	vadd.f32 v17, v16;
	v35 =	vpop (erf)  }
0x17f: {  	v13 =	vmul.f32 $1.442695020e+00, v13;
	(erf) = vpow2.f32 v15;
	v36 =	vld [tilespmem:s15+$0xA0];
	v16 =	vsel vm11, $0x0, v35  }
0x180: {  	vm13 =	veq.s32 v12, $0x1;
	v15 =	vadd.f32 v16, v34;
	v38 =	vpop (erf)  }
0x181: {  	(erf) = vpow2.f32 v13;
	v12 =	vsel vm13, $0x0, v38  }
0x182: {  	v12 =	vadd.f32 v12, v15;
	vm14 =	veq.s32 v19, $0x1;
	v37 =	vmul.f32 $1.442695020e+00, v18;
	v40 =	vpop (erf)  }
0x183: {  	v39 =	vld [tilespmem:s15+$0xB0];
	vm10 =	veq.s32 v11, $0x1;
	v14 =	vmul.f32 $1.442695020e+00, v33;
	v13 =	vsel vm14, $0x0, v40  }
0x184: {  	v17 =	vmul.f32 $1.442695020e+00, v36;
	(erf) = vpow2.f32 v37;
	v11 =	vadd.f32 v13, v12  }
0x185: {  	(erf) = vpow2.f32 v14  }
0x186: {  	v41 =	vld [tilespmem:s14+$0x40B0];
	v42 =	vpop (erf);
	(erf) = vpow2.f32 v17  }
0x187: {  	v12 =	vsel vm10, $0x0, v42  }
0x188: {  	v43 =	vld [tilespmem:s15+$0x4080];
	vm6 =	veq.s32 v10, $0x1;
	v44 =	vmul.f32 $1.442695020e+00, v39;
	v10 =	vadd.f32 v12, v11;
	v11 =	vpop (erf)  }
0x189: {  	v45 =	vld [tilespmem:s15+$0x4090];
	v11 =	vsel vm6, $0x0, v11  }
0x18a: {  	(erf) = vpow2.f32 v44;
	v10 =	vadd.f32 v11, v10;
	v11 =	vld [tilespmem:s15+$0x40A0]  }
0x18b: {  	vm0 =	veq.s32 v41, $0x1;
	v46 =	vpop (erf)  }
0x18c: {  	v14 =	vsel vm0, $0x0, v46  }
0x18d: {  	vm4 =	veq.s32 v43, $0x1;
	v10 =	vadd.f32 v14, v10;
	v47 =	vpop (erf)  }
0x18e: {  	v48 =	vld [tilespmem:s15+$0x40B0];
	v13 =	vsel vm4, $0x0, v47;
	v49 =	vpop (erf)  }
0x18f: {  	vm7 =	veq.s32 v45, $0x1;
	v10 =	vadd.f32 v13, v10;
	vm1 =	veq.s32 v11, $0x1;
	v11 =	vpop (erf)  }
0x190: {  	v12 =	vsel vm7, $0x0, v49;
	v11 =	vsel vm1, $0x0, v11  }
0x191: {  	v10 =	vadd.f32 v12, v10;
	_ =	sdelay $0x1  }
0x192: {  	vm3 =	veq.s32 v48, $0x1;
	v10 =	vadd.f32 v11, v10;
	v11 =	vpop (erf)  }
0x193: {  	v11 =	vsel vm3, $0x0, v11  }
0x194: {  	v10 =	vadd.f32 v11, v10;
	_ =	sdelay $0x1  }
0x195: {  	(xrf2) =	vadd.scan.msk.f32 $0xffff, v10;
	_ =	sdelay $0x9  }
0x196: {  	v10, _, _ =	vpop (xrf2)  }
0x197: {  	(v2sf) =	vpush v10, $0xF;
	_ =	sdelay $0xe  }
0x198: {  	s31 =	spop (v2sf)  }
0x199: {  	s14 =	smax.f32 s31, $1.000000000e-30  }
0x19a: {  	v10 =	vmov s14  }
0x19b: {  	v10 =	vbroadcast v10, $0x0;
	_ =	sdelay $0x1  }
0x19c: {  	v11 =	vand.u32 $0x7FFFFF, v10  }
0x19d: {  	v11 =	vor.u32 $0x3F800000, v11  }
0x19e: {  	v50 =	vadd.f32 $1.000000000e+00, v11;
	_ =	sdelay $0x1  }
0x19f: {  	(erf) = vrcp.f32 v50;
	_ =	sdelay $0x7  }
0x1a0: {  	v11 =	vadd.f32 $-1.000000000e+00, v11  }
0x1a1: {  	v12 =	vpop (erf)  }
0x1a2: {  	v11 =	vmul.f32 v12, v11  }
0x1a3: {  	v51 =	vsel vm12, $0x3F800000, v1  }
0x1a4: {  	v9 =	vadd.f32 v51, v9;
	v52 =	vmul.f32 v11, v11  }
0x1a5: {  	v53 =	vsel vm11, $0x3F800000, v1  }
0x1a6: {  	v9 =	vadd.f32 v53, v9;
	v54 =	vmul.f32 $2.222222240e-01, v52  }
0x1a7: {  	v55 =	vsel vm13, $0x3F800000, v1  }
0x1a8: {  	v9 =	vadd.f32 v55, v9;
	v13 =	vadd.f32 $2.857142980e-01, v54  }
0x1a9: {  	v56 =	vsel vm14, $0x3F800000, v1  }
0x1aa: {  	v9 =	vadd.f32 v56, v9;
	v13 =	vmul.f32 v13, v52  }
0x1ab: {  	v57 =	vsel vm10, $0x3F800000, v1  }
0x1ac: {  	v9 =	vadd.f32 v57, v9;
	v13 =	vadd.f32 $4.000000060e-01, v13  }
0x1ad: {  	v58 =	vsel vm6, $0x3F800000, v1  }
0x1ae: {  	v9 =	vadd.f32 v58, v9;
	v13 =	vmul.f32 v13, v52  }
0x1af: {  	v59 =	vsel vm0, $0x3F800000, v1  }
0x1b0: {  	v9 =	vadd.f32 v59, v9;
	v13 =	vadd.f32 $6.666666860e-01, v13  }
0x1b1: {  	v60 =	vsel vm4, $0x3F800000, v1  }
0x1b2: {  	v9 =	vadd.f32 v60, v9;
	v10 =	vshra.s32 v10, $0x17;
	v12 =	vmul.f32 v13, v52  }
0x1b3: {  	v61 =	vsel vm7, $0x3F800000, v1;
	v10 =	vadd.s32 $0xFFFFFF81, v10  }
0x1b4: {  	v9 =	vadd.f32 v61, v9;
	v10 =	vcvt.s32.f32 v10;
	v12 =	vadd.f32 $2.000000000e+00, v12  }
0x1b5: {  	v62 =	vsel vm1, $0x3F800000, v1  }
0x1b6: {  	v9 =	vadd.f32 v62, v9;
	v10 =	vmul.f32 $6.931471820e-01, v10;
	v11 =	vmul.f32 v12, v11  }
0x1b7: {  	v63 =	vsel vm3, $0x3F800000, v1;
	[tilespmem:$0x9000] =	vst v2  }
0x1b8: {  	[tilespmem:$0x9010] =	vst v2;
	s15 =	simm.s32 $0x0;
	v9 =	vadd.f32 v63, v9;
	s14 =	simm.s32 $0x0;
	v11 =	vadd.f32 v11, v10;
	v10 =	vimm.f32 $0.0e+00  }
.LBB2_14:
0x1b9: {  	s18 =	sand.u32 $0x40, s15;
	s17 =	sand.u32 $0x3E00, s14  }
0x1ba: {  	s16 =	sor.u32 s18, s17  }
0x1bb: {  	v12 =	vld [tilespmem:s16+$0x80];
	_ =	sdelay $0x4  }
0x1bc: {  	v13 =	vand.u32 $0x7FFFFFFF, v12  }
0x1bd: {  	v13 =	vsub.f32 $0.0e+00, v13;
	_ =	sdelay $0x1  }
0x1be: {  	v13 =	vmul.f32 $1.442695020e+00, v13;
	_ =	sdelay $0x1  }
0x1bf: {  	(erf) = vpow2.f32 v13;
	_ =	sdelay $0x8  }
0x1c0: {  	v13 =	vpop (erf)  }
0x1c1: {  	v14 =	vmul.f32 v13, v13;
	v15 =	vmul.f32 $2.164085810e-01, v13;
	_ =	sdelay $0x1  }
0x1c2: {  	v16 =	vld [tilespmem:s16+$0x4080];
	v15 =	vadd.f32 $-4.640707080e-01, v15;
	v17 =	vmul.f32 $5.486230920e-02, v14;
	_ =	sdelay $0x1  }
0x1c3: {  	v13 =	vmul.f32 $9.954266540e-01, v13;
	v15 =	vsub.f32 v15, v17;
	_ =	sdelay $0x1  }
0x1c4: {  	v57 =	vsub.f32 $0.0e+00, v12;
	v13 =	vadd.f32 $1.415801670e-04, v13;
	v14 =	vmul.f32 v15, v14  }
0x1c5: {  	vm11 =	veq.s32 v16, $0x1  }
0x1c6: {  	v58 =	vsel vm11, v57, v12;
	v13 =	vadd.f32 v14, v13  }
0x1c7: {  	v59 =	vmax.f32 v58, $0.0e+00  }
0x1c8: {  	v13 =	vadd.f32 v13, v59;
	_ =	sdelay $0x1  }
0x1c9: {  	v14 =	vshra.s32 v13, $0x1B  }
0x1ca: {  	(xrf1) =	vunique.msk.u32 $0xffff, v14;
	_ =	sdelay $0xd  }
0x1cb: {  	_, v60, vm0 =	vpop (xrf1);
	_ =	sdelay $0x3  }
0x1cc: {  	s28 =	sshra.s32 s14, $0x2  }
0x1cd: {  	s19 =	sor.u32 $0x10, s18;
	[tilespmem:s28+$0x8000] =	vst v13  }
0x1ce: {  	s29 =	sor.u32 s19, s17;
	[tilespmem:v14+s11+$0x0] =	vst.idx.add.s32.msk vm0, v60  }
0x1cf: {  	v12 =	vsub.f32 v11, v12;
	v13 =	vld [tilespmem:s29+$0x80];
	_ =	sdelay $0x1  }
0x1d0: {  	v12 =	vmax.f32 v12, $-8.000000000e+01  }
0x1d1: {  	v61 =	vmin.f32 v12, $8.000000000e+01  }
0x1d2: {  	v14 =	vand.u32 $0x7FFFFFFF, v61  }
0x1d3: {  	v14 =	vsub.f32 $0.0e+00, v14;
	v62 =	vand.u32 $0x7FFFFFFF, v13  }
0x1d4: {  	v15 =	vsub.f32 $0.0e+00, v62  }
0x1d5: {  	v14 =	vmul.f32 $1.442695020e+00, v14  }
0x1d6: {  	v15 =	vmul.f32 $1.442695020e+00, v15  }
0x1d7: {  	(erf) = vpow2.f32 v14  }
0x1d8: {  	(erf) = vpow2.f32 v15;
	_ =	sdelay $0x7  }
0x1d9: {  	v14 =	vpop (erf)  }
0x1da: {  	v15 =	vpop (erf)  }
0x1db: {  	v63 =	vmul.f32 v15, v15;
	v21 =	vmul.f32 $2.164085810e-01, v15;
	_ =	sdelay $0x1  }
0x1dc: {  	v18 =	vld [tilespmem:s29+$0x4080];
	v17 =	vadd.f32 $-4.640707080e-01, v21;
	v19 =	vmul.f32 $5.486230920e-02, v63;
	_ =	sdelay $0x1  }
0x1dd: {  	v15 =	vmul.f32 $9.954266540e-01, v15;
	v17 =	vsub.f32 v17, v19;
	_ =	sdelay $0x1  }
0x1de: {  	v22 =	vsub.f32 $0.0e+00, v13;
	v15 =	vadd.f32 $1.415801670e-04, v15;
	v16 =	vmul.f32 v17, v63  }
0x1df: {  	vm12 =	veq.s32 v18, $0x1  }
0x1e0: {  	v23 =	vsel vm12, v22, v13;
	v15 =	vadd.f32 v16, v15  }
0x1e1: {  	v24 =	vmax.f32 v23, $0.0e+00  }
0x1e2: {  	v15 =	vadd.f32 v15, v24;
	_ =	sdelay $0x1  }
0x1e3: {  	v16 =	vshra.s32 v15, $0x1B  }
0x1e4: {  	(xrf1) =	vunique.msk.u32 $0xffff, v16;
	_ =	sdelay $0xd  }
0x1e5: {  	_, v25, vm0 =	vpop (xrf1);
	_ =	sdelay $0x1  }
0x1e6: {  	s30 =	sand.u32 $0xF80, s15  }
0x1e7: {  	s16 =	sor.u32 $0x8000, s30  }
0x1e8: {  	s19 =	sor.u32 s19, s16  }
0x1e9: {  	s31 =	sor.u32 $0x20, s18;
	[tilespmem:s19+$0x0] =	vst v15  }
0x1ea: {  	s20 =	sor.u32 s31, s17;
	[tilespmem:v16+s11+$0x0] =	vst.idx.add.s32.msk vm0, v25  }
0x1eb: {  	v13 =	vsub.f32 v11, v13;
	v15 =	vld [tilespmem:s20+$0x80];
	_ =	sdelay $0x1  }
0x1ec: {  	v13 =	vmax.f32 v13, $-8.000000000e+01  }
0x1ed: {  	v26 =	vmin.f32 v13, $8.000000000e+01  }
0x1ee: {  	v16 =	vand.u32 $0x7FFFFFFF, v26  }
0x1ef: {  	v16 =	vsub.f32 $0.0e+00, v16;
	v27 =	vand.u32 $0x7FFFFFFF, v15  }
0x1f0: {  	v17 =	vsub.f32 $0.0e+00, v27  }
0x1f1: {  	v16 =	vmul.f32 $1.442695020e+00, v16  }
0x1f2: {  	v17 =	vmul.f32 $1.442695020e+00, v17  }
0x1f3: {  	(erf) = vpow2.f32 v16  }
0x1f4: {  	(erf) = vpow2.f32 v17;
	_ =	sdelay $0x7  }
0x1f5: {  	v16 =	vpop (erf)  }
0x1f6: {  	v17 =	vpop (erf)  }
0x1f7: {  	v28 =	vmul.f32 v17, v17;
	v29 =	vmul.f32 $2.164085810e-01, v17;
	_ =	sdelay $0x1  }
0x1f8: {  	v20 =	vld [tilespmem:s20+$0x4080];
	v19 =	vadd.f32 $-4.640707080e-01, v29;
	v21 =	vmul.f32 $5.486230920e-02, v28;
	_ =	sdelay $0x1  }
0x1f9: {  	v17 =	vmul.f32 $9.954266540e-01, v17;
	v19 =	vsub.f32 v19, v21;
	_ =	sdelay $0x1  }
0x1fa: {  	v30 =	vsub.f32 $0.0e+00, v15;
	v17 =	vadd.f32 $1.415801670e-04, v17;
	v18 =	vmul.f32 v19, v28  }
0x1fb: {  	vm13 =	veq.s32 v20, $0x1  }
0x1fc: {  	v31 =	vsel vm13, v30, v15;
	v17 =	vadd.f32 v18, v17  }
0x1fd: {  	v32 =	vmax.f32 v31, $0.0e+00  }
0x1fe: {  	v17 =	vadd.f32 v17, v32;
	_ =	sdelay $0x1  }
0x1ff: {  	v18 =	vshra.s32 v17, $0x1B  }
0x200: {  	(xrf1) =	vunique.msk.u32 $0xffff, v18;
	_ =	sdelay $0xd  }
0x201: {  	_, v33, vm0 =	vpop (xrf1);
	_ =	sdelay $0x3  }
0x202: {  	s19 =	sor.u32 s31, s16  }
0x203: {  	s18 =	sor.u32 $0x30, s18;
	[tilespmem:s19+$0x0] =	vst v17  }
0x204: {  	s17 =	sor.u32 s18, s17;
	[tilespmem:v18+s11+$0x0] =	vst.idx.add.s32.msk vm0, v33  }
0x205: {  	v15 =	vsub.f32 v11, v15;
	v17 =	vld [tilespmem:s17+$0x80];
	_ =	sdelay $0x1  }
0x206: {  	v15 =	vmax.f32 v15, $-8.000000000e+01  }
0x207: {  	v34 =	vmin.f32 v15, $8.000000000e+01  }
0x208: {  	v18 =	vand.u32 $0x7FFFFFFF, v34  }
0x209: {  	v18 =	vsub.f32 $0.0e+00, v18;
	v35 =	vand.u32 $0x7FFFFFFF, v17  }
0x20a: {  	v19 =	vsub.f32 $0.0e+00, v35  }
0x20b: {  	v18 =	vmul.f32 $1.442695020e+00, v18  }
0x20c: {  	v19 =	vmul.f32 $1.442695020e+00, v19  }
0x20d: {  	(erf) = vpow2.f32 v18  }
0x20e: {  	(erf) = vpow2.f32 v19;
	_ =	sdelay $0x7  }
0x20f: {  	v18 =	vpop (erf)  }
0x210: {  	v19 =	vpop (erf)  }
0x211: {  	v36 =	vmul.f32 v19, v19;
	v37 =	vmul.f32 $2.164085810e-01, v19  }
0x212: {  	v22 =	vsub.f32 v11, v17  }
0x213: {  	v23 =	vld [tilespmem:s17+$0x4080];
	v21 =	vadd.f32 $-4.640707080e-01, v37;
	v24 =	vmul.f32 $5.486230920e-02, v36  }
0x214: {  	v22 =	vmax.f32 v22, $-8.000000000e+01  }
0x215: {  	v38 =	vmin.f32 v22, $8.000000000e+01;
	v19 =	vmul.f32 $9.954266540e-01, v19;
	v21 =	vsub.f32 v21, v24  }
0x216: {  	v25 =	vsub.f32 $0.0e+00, v17;
	v24 =	vand.u32 $0x7FFFFFFF, v38  }
0x217: {  	v19 =	vadd.f32 $1.415801670e-04, v19;
	v39 =	vsub.f32 $0.0e+00, v24;
	v20 =	vmul.f32 v21, v36  }
0x218: {  	vm10 =	veq.s32 v23, $0x1  }
0x219: {  	v17 =	vsel vm10, v25, v17;
	v40 =	vmul.f32 $1.442695020e+00, v39;
	v19 =	vadd.f32 v20, v19  }
0x21a: {  	v17 =	vmax.f32 v17, $0.0e+00  }
0x21b: {  	(erf) = vpow2.f32 v40;
	v17 =	vadd.f32 v19, v17;
	_ =	sdelay $0x1  }
0x21c: {  	v12 =	vclamp.gez.f32 v12, $8.000000000e+01;
	v44 =	vshra.s32 v17, $0x1B  }
0x21d: {  	v41 =	vmul.f32 v14, v14;
	v42 =	vmul.f32 $2.164085810e-01, v14;
	(xrf1) =	vunique.msk.u32 $0xffff, v44  }
0x21e: {  	v13 =	vclamp.gez.f32 v13, $8.000000000e+01;
	v46 =	vmul.f32 $2.164085810e-01, v16  }
0x21f: {  	v43 =	vmul.f32 $5.486230920e-02, v41;
	v45 =	vmul.f32 v16, v16;
	v19 =	vadd.f32 $-4.640707080e-01, v42  }
0x220: {  	v14 =	vmul.f32 $9.954266540e-01, v14;
	v47 =	vadd.f32 $-4.640707080e-01, v46;
	v27 =	vmul.f32 $2.164085810e-01, v18  }
0x221: {  	v48 =	vmul.f32 $5.486230920e-02, v45;
	v26 =	vmul.f32 v18, v18;
	v19 =	vsub.f32 v19, v43  }
0x222: {  	v14 =	vadd.f32 $1.415801670e-04, v14;
	v16 =	vmul.f32 $9.954266540e-01, v16;
	v49 =	vadd.f32 $-4.640707080e-01, v27  }
0x223: {  	v50 =	vmul.f32 $5.486230920e-02, v26;
	v20 =	vsub.f32 v47, v48;
	v19 =	vmul.f32 v19, v41;
	v52 =	vpop (erf)  }
0x224: {  	v16 =	vadd.f32 $1.415801670e-04, v16;
	v53 =	vmul.f32 v52, v52;
	v54 =	vmul.f32 $2.164085810e-01, v52  }
0x225: {  	v18 =	vmul.f32 $9.954266540e-01, v18;
	v21 =	vsub.f32 v49, v50;
	v51 =	vmul.f32 v20, v45  }
0x226: {  	v14 =	vadd.f32 v19, v14;
	v55 =	vadd.f32 $-4.640707080e-01, v54;
	v56 =	vmul.f32 $5.486230920e-02, v53  }
0x227: {  	v18 =	vadd.f32 $1.415801670e-04, v18;
	v57 =	vmul.f32 v21, v26;
	v16 =	vadd.f32 v51, v16  }
0x228: {  	v12 =	vadd.f32 v14, v12;
	v20 =	vmul.f32 $9.954266540e-01, v52;
	v14 =	vsub.f32 v55, v56  }
0x229: {  	v58 =	vadd.f32 v57, v18;
	v13 =	vadd.f32 v16, v13  }
0x22a: {  	v12 =	vnsel vm11, $0x0, v12;
	v59 =	vadd.f32 $1.415801670e-04, v20;
	v14 =	vmul.f32 v14, v53  }
0x22b: {  	v60 =	vclamp.gez.f32 v15, $8.000000000e+01;
	v10 =	vadd.f32 v12, v10;
	_, v61, vm0 =	vpop (xrf1)  }
0x22c: {  	p0 =	sne.s32 s15, $0xFC0;
	v13 =	vnsel vm12, $0x0, v13;
	v12 =	vadd.f32 v58, v60;
	v14 =	vadd.f32 v14, v59  }
.Ltmp6:
0x22d: {  	v62 =	vclamp.gez.f32 v22, $8.000000000e+01;
	v10 =	vadd.f32 v13, v10;
	(pc) =	sbr.rel @p0 .LBB2_14-.Ltmp6, $4  }
0x22e: {  	v12 =	vnsel vm13, $0x0, v12;
	v13 =	vadd.f32 v14, v62  }
0x22f: {  	s16 =	sor.u32 s18, s16;
	v10 =	vadd.f32 v12, v10  }
0x230: {  	[tilespmem:s16+$0x0] =	vst v17;
	v63 =	vnsel vm10, $0x0, v13  }
0x231: {  	s14 =	sadd.s32 $0x100, s14;
	s15 =	sadd.s32 $0x40, s15;
	v10 =	vadd.f32 v63, v10;
	[tilespmem:v44+s11+$0x0] =	vst.idx.add.s32.msk vm0, v61  }
0x232: {  	v13 =	vld [tilespmem:$0x9000];
	_ =	sdelay $0x4  }
0x233: {  	v11 =	vperm.xlane v13, v3;
	_ =	sdelay $0x1  }
0x234: {  	(xrf0) =	vadd.scan.msk.s32 $0xffff, v11;
	_ =	sdelay $0x5  }
0x235: {  	v11, _, _ =	vpop (xrf0)  }
0x236: {  	vm0 =	vgt.s32 v11, $0x7F  }
0x237: {  	v11 =	vmctz.xlane vm0;
	_ =	sdelay $0x1  }
0x238: {  	v14 =	vsub.s32 $0xF, v11  }
0x239: {  	[tilespmem:$0x9000] =	vst v2;
	v11 =	vshll.u32 v14, $0x1B  }
0x23a: {  	[tilespmem:$0x9010] =	vst v2;
	s14 =	simm.s32 $0x0;
	v12 =	vadd.s32 $0x8000000, v11  }
.LBB2_16:
0x23b: {  	s15 =	sshra.s32 s14, $0x2  }
0x23c: {  	v15 =	vld [tilespmem:s15+$0x8000];
	_ =	sdelay $0x4  }
0x23d: {  	vm0 =	vge.s32 v15, v11;
	vm1 =	vlt.s32 v15, v12;
	v15 =	vshrl.u32 v15, $0x17  }
0x23e: {  	vm0 =	vmand vm0, vm1;
	v15 =	vand.u32 $0xF, v15  }
0x23f: {  	v15 =	vnsel vm0, $0x10, v15  }
0x240: {  	(xrf1) =	vunique.msk.u32 $0xffff, v15;
	_ =	sdelay $0xd  }
0x241: {  	_, v16, vm0 =	vpop (xrf1);
	_ =	sdelay $0x5  }
0x242: {  	[tilespmem:v15+s11+$0x0] =	vst.idx.add.s32.msk vm0, v16  }
0x243: {  	v15 =	vld [tilespmem:s15+$0x8010];
	_ =	sdelay $0x4  }
0x244: {  	vm0 =	vge.s32 v15, v11;
	vm1 =	vlt.s32 v15, v12;
	v15 =	vshrl.u32 v15, $0x17  }
0x245: {  	vm0 =	vmand vm0, vm1;
	v15 =	vand.u32 $0xF, v15  }
0x246: {  	v15 =	vnsel vm0, $0x10, v15  }
0x247: {  	(xrf1) =	vunique.msk.u32 $0xffff, v15;
	_ =	sdelay $0xd  }
0x248: {  	_, v61, vm0 =	vpop (xrf1);
	_ =	sdelay $0x5  }
0x249: {  	[tilespmem:v15+s11+$0x0] =	vst.idx.add.s32.msk vm0, v61  }
0x24a: {  	v15 =	vld [tilespmem:s15+$0x8020];
	_ =	sdelay $0x4  }
0x24b: {  	vm0 =	vge.s32 v15, v11;
	vm1 =	vlt.s32 v15, v12;
	v15 =	vshrl.u32 v15, $0x17  }
0x24c: {  	vm0 =	vmand vm0, vm1;
	v15 =	vand.u32 $0xF, v15  }
0x24d: {  	v15 =	vnsel vm0, $0x10, v15  }
0x24e: {  	(xrf1) =	vunique.msk.u32 $0xffff, v15;
	_ =	sdelay $0xd  }
0x24f: {  	_, v62, vm0 =	vpop (xrf1);
	_ =	sdelay $0x5  }
0x250: {  	[tilespmem:v15+s11+$0x0] =	vst.idx.add.s32.msk vm0, v62  }
0x251: {  	v15 =	vld [tilespmem:s15+$0x8030];
	_ =	sdelay $0x4  }
0x252: {  	vm0 =	vge.s32 v15, v11;
	vm1 =	vlt.s32 v15, v12;
	v15 =	vshrl.u32 v15, $0x17  }
0x253: {  	vm0 =	vmand vm0, vm1;
	v15 =	vand.u32 $0xF, v15  }
0x254: {  	v15 =	vnsel vm0, $0x10, v15  }
0x255: {  	(xrf1) =	vunique.msk.u32 $0xffff, v15;
	_ =	sdelay $0xd  }
0x256: {  	_, v63, vm0 =	vpop (xrf1)  }
0x257: {  	p0 =	sne.s32 s14, $0x3F00  }
.Ltmp7:
0x258: {  	_ = 	snop;
	(pc) =	sbr.rel @p0 .LBB2_16-.Ltmp7, $2  }
0x259: {  	_ =	sdelay $0x2  }
0x25a: {  	s14 =	sadd.s32 $0x100, s14;
	[tilespmem:v15+s11+$0x0] =	vst.idx.add.s32.msk vm0, v63  }
0x25b: {  	v12 =	vld [tilespmem:$0x9000];
	_ =	sdelay $0x2  }
0x25c: {  	vm0 =	vlt.s32 v14, v0  }
0x25d: {  	v13 =	vnsel vm0, $0x0, v13  }
0x25e: {  	(xrf0) =	vadd.scan.msk.s32 $0xffff, v13;
	v13 =	vperm.xlane v12, v3;
	_ =	sdelay $0x1  }
0x25f: {  	(xrf0) =	vadd.scan.msk.s32 $0xffff, v13;
	_ =	sdelay $0x3  }
0x260: {  	v13, _, _ =	vpop (xrf0)  }
0x261: {  	v14 =	vbroadcast v13, $0xF  }
0x262: {  	v15, _, _ =	vpop (xrf0)  }
0x263: {  	v14 =	vadd.s32 v14, v15  }
0x264: {  	vm0 =	vgt.s32 v14, $0x7F  }
0x265: {  	v14 =	vmctz.xlane vm0;
	_ =	sdelay $0x1  }
0x266: {  	v14 =	vsub.s32 $0xF, v14  }
0x267: {  	v15 =	vshll.u32 v14, $0x17  }
0x268: {  	[tilespmem:$0x9000] =	vst v2;
	v11 =	vadd.s32 v11, v15  }
0x269: {  	[tilespmem:$0x9010] =	vst v2;
	s14 =	simm.s32 $0x0;
	v15 =	vadd.s32 $0x800000, v11  }
.LBB2_18:
0x26a: {  	s15 =	sshra.s32 s14, $0x2  }
0x26b: {  	v16 =	vld [tilespmem:s15+$0x8000];
	_ =	sdelay $0x4  }
0x26c: {  	vm0 =	vge.s32 v16, v11;
	vm1 =	vlt.s32 v16, v15;
	v16 =	vshrl.u32 v16, $0x13  }
0x26d: {  	vm0 =	vmand vm0, vm1;
	v16 =	vand.u32 $0xF, v16  }
0x26e: {  	v16 =	vnsel vm0, $0x10, v16  }
0x26f: {  	(xrf1) =	vunique.msk.u32 $0xffff, v16;
	_ =	sdelay $0xd  }
0x270: {  	_, v17, vm0 =	vpop (xrf1);
	_ =	sdelay $0x5  }
0x271: {  	[tilespmem:v16+s11+$0x0] =	vst.idx.add.s32.msk vm0, v17  }
0x272: {  	v16 =	vld [tilespmem:s15+$0x8010];
	_ =	sdelay $0x4  }
0x273: {  	vm0 =	vge.s32 v16, v11;
	vm1 =	vlt.s32 v16, v15;
	v16 =	vshrl.u32 v16, $0x13  }
0x274: {  	vm0 =	vmand vm0, vm1;
	v16 =	vand.u32 $0xF, v16  }
0x275: {  	v16 =	vnsel vm0, $0x10, v16  }
0x276: {  	(xrf1) =	vunique.msk.u32 $0xffff, v16;
	_ =	sdelay $0xd  }
0x277: {  	_, v17, vm0 =	vpop (xrf1);
	_ =	sdelay $0x5  }
0x278: {  	[tilespmem:v16+s11+$0x0] =	vst.idx.add.s32.msk vm0, v17  }
0x279: {  	v16 =	vld [tilespmem:s15+$0x8020];
	_ =	sdelay $0x4  }
0x27a: {  	vm0 =	vge.s32 v16, v11;
	vm1 =	vlt.s32 v16, v15;
	v16 =	vshrl.u32 v16, $0x13  }
0x27b: {  	vm0 =	vmand vm0, vm1;
	v16 =	vand.u32 $0xF, v16  }
0x27c: {  	v16 =	vnsel vm0, $0x10, v16  }
0x27d: {  	(xrf1) =	vunique.msk.u32 $0xffff, v16;
	_ =	sdelay $0xd  }
0x27e: {  	_, v17, vm0 =	vpop (xrf1);
	_ =	sdelay $0x5  }
0x27f: {  	[tilespmem:v16+s11+$0x0] =	vst.idx.add.s32.msk vm0, v17  }
0x280: {  	v16 =	vld [tilespmem:s15+$0x8030];
	_ =	sdelay $0x4  }
0x281: {  	vm0 =	vge.s32 v16, v11;
	vm1 =	vlt.s32 v16, v15;
	v16 =	vshrl.u32 v16, $0x13  }
0x282: {  	vm0 =	vmand vm0, vm1;
	v16 =	vand.u32 $0xF, v16  }
0x283: {  	v16 =	vnsel vm0, $0x10, v16  }
0x284: {  	(xrf1) =	vunique.msk.u32 $0xffff, v16;
	_ =	sdelay $0xd  }
0x285: {  	_, v17, vm0 =	vpop (xrf1)  }
0x286: {  	p0 =	sne.s32 s14, $0x3F00  }
.Ltmp8:
0x287: {  	_ = 	snop;
	(pc) =	sbr.rel @p0 .LBB2_18-.Ltmp8, $2  }
0x288: {  	_ =	sdelay $0x2  }
0x289: {  	s14 =	sadd.s32 $0x100, s14;
	[tilespmem:v16+s11+$0x0] =	vst.idx.add.s32.msk vm0, v17  }
0x28a: {  	v15 =	vld [tilespmem:$0x9000];
	_ =	sdelay $0x1  }
0x28b: {  	vm0 =	vlt.s32 v14, v0  }
0x28c: {  	v12 =	vnsel vm0, $0x0, v12  }
0x28d: {  	(xrf0) =	vadd.scan.msk.s32 $0xffff, v12  }
0x28e: {  	v12 =	vperm.xlane v15, v3;
	_ =	sdelay $0x1  }
0x28f: {  	(xrf0) =	vadd.scan.msk.s32 $0xffff, v12;
	_ =	sdelay $0x2  }
0x290: {  	v12, _, _ =	vpop (xrf0)  }
0x291: {  	v12 =	vadd.s32 v13, v12  }
0x292: {  	v12 =	vbroadcast v12, $0xF  }
0x293: {  	v13, _, _ =	vpop (xrf0)  }
0x294: {  	v12 =	vadd.s32 v12, v13  }
0x295: {  	s15 =	simm.s32 $0x0;
	vm0 =	vgt.s32 v12, $0x7F  }
0x296: {  	v16 =	vld [tilespmem:s15+$0x8000];
	v12 =	vmctz.xlane vm0;
	_ =	sdelay $0x1  }
0x297: {  	v12 =	vshll.u32 v12, $0x13  }
0x298: {  	v11 =	vsub.s32 v11, v12  }
0x299: {  	v15 =	vld [tilespmem:s15+$0x8010];
	v12 =	vadd.s32 $0x800000, v11  }
0x29a: {  	v13 =	vld [tilespmem:s15+$0x8030];
	vm0 =	vge.s32 v16, v12  }
0x29b: {  	v18 =	vnsel vm0, $0x0, v16;
	v16 =	vld [tilespmem:s15+$0x8020];
	_ =	sdelay $0x1  }
0x29c: {  	v14 =	vimm.f32 $0.0e+00  }
0x29d: {  	v17 =	vimm.s32 $0x0;
	s14 =	simm.s32 $0x100;
	s16 =	simm.s32 $0x200;
	vm1 =	vge.s32 v15, v12;
	s15 =	simm.s32 $0x40;
	v18 =	vadd.f32 v18, v14  }
.LBB2_20:
0x29e: {  	p0 =	sne.s32 s16, $0x3F00;
	v19 =	vld [tilespmem:s15+$0x8000];
	v15 =	vnsel vm1, $0x0, v15;
	vm3 =	vge.s32 v13, v12;
	v20 =	vmov v13  }
0x29f: {  	v13 =	vsel vm0, $0x1, v2;
	v18 =	vadd.f32 v15, v18;
	vm0 =	vge.s32 v16, v12  }
0x2a0: {  	v21 =	vsel vm1, $0x1, v2;
	v17 =	vadd.s32 v13, v17;
	v15 =	vld [tilespmem:s15+$0x8010];
	v16 =	vnsel vm0, $0x0, v16  }
.Ltmp9:
0x2a1: {  	v17 =	vadd.s32 v21, v17;
	v21 =	vsel vm0, $0x1, v2;
	v13 =	vld [tilespmem:s15+$0x8030];
	v18 =	vadd.f32 v16, v18;
	(pc) =	sbr.rel @p0 .LBB2_20-.Ltmp9, $4  }
0x2a2: {  	v20 =	vnsel vm3, $0x0, v20;
	v17 =	vadd.s32 v21, v17;
	v21 =	vsel vm3, $0x1, v2;
	v16 =	vld [tilespmem:s15+$0x8020]  }
0x2a3: {  	v17 =	vadd.s32 v21, v17;
	vm0 =	vge.s32 v19, v12;
	v18 =	vadd.f32 v20, v18  }
0x2a4: {  	v19 =	vnsel vm0, $0x0, v19  }
0x2a5: {  	s15 =	sshra.s32 s16, $0x2;
	s16 =	sadd.s32 $0x100, s16;
	v18 =	vadd.f32 v19, v18;
	vm1 =	vge.s32 v15, v12  }
0x2a6: {  	p0 =	por $0x0, $0x0;
	s16 =	simm.s32 $0x1  }
0x2a7: {  	s16 =	simm.s32 @!p0 $0x0  }
0x2a8: {  	v15 =	vnsel vm1, $0x0, v15;
	s16 =	sshll.u32 s16, $0x6  }
0x2a9: {  	v19 =	vld [tilespmem:s15+$0x8000];
	v15 =	vadd.f32 v15, v18;
	vm3 =	vge.s32 v16, v12;
	s16 =	sadd.s32 $0x0, s16  }
0x2aa: {  	v21 =	vld [tilespmem:s15+$0x8010];
	v16 =	vnsel vm3, $0x0, v16;
	s18 =	sor.u32 $0x100, s16  }
0x2ab: {  	v20 =	vsel vm0, $0x1, v2;
	vm0 =	vge.s32 v13, v12;
	v15 =	vadd.f32 v16, v15;
	v18 =	vld [tilespmem:s18+$0x0]  }
0x2ac: {  	v22 =	vld [tilespmem:s15+$0x8030];
	v13 =	vnsel vm0, $0x0, v13;
	s30 =	sor.u32 $0x110, s16  }
0x2ad: {  	v17 =	vadd.s32 v20, v17;
	v20 =	vsel vm1, $0x1, v2;
	v13 =	vadd.f32 v13, v15;
	v15 =	vld [tilespmem:s30+$0x0]  }
0x2ae: {  	v16 =	vadd.s32 v20, v17;
	v17 =	vld [tilespmem:s15+$0x8020];
	v20 =	vsel vm3, $0x1, v2;
	s17 =	sor.u32 $0x120, s16;
	vm1 =	vge.s32 v19, v12  }
0x2af: {  	s19 =	simm.s32 $0x1;
	p0 =	por !p0, !p0;
	v23 =	vsel vm0, $0x1, v2;
	v16 =	vadd.s32 v20, v16;
	s21 =	sor.u32 $0x130, s16;
	v20 =	vld [tilespmem:s17+$0x0];
	v19 =	vnsel vm1, $0x0, v19  }
0x2b0: {  	s19 =	simm.s32 @!p0 $0x0;
	vm0 =	vge.s32 v21, v12;
	v13 =	vadd.f32 v19, v13;
	v19 =	vld [tilespmem:s21+$0x0];
	v18 =	vmul.f32 $1.442695020e+00, v18  }
0x2b1: {  	s31 =	sshll.u32 s19, $0x6;
	v16 =	vadd.s32 v23, v16;
	vm3 =	vge.s32 v22, v12;
	v21 =	vnsel vm0, $0x0, v21  }
0x2b2: {  	s16 =	sadd.s32 $0x100, s31;
	v23 =	vld [tilespmem:s17+$0x4000];
	v15 =	vmul.f32 $1.442695020e+00, v15;
	(erf) = vpow2.f32 v18;
	v18 =	vsel vm1, $0x1, v2  }
0x2b3: {  	s15 =	sor.u32 $0x100, s16;
	v25 =	vld [tilespmem:s18+$0x4000];
	v13 =	vadd.f32 v21, v13;
	vm1 =	vge.s32 v17, v12;
	v12 =	vadd.s32 v18, v16  }
0x2b4: {  	v24 =	vld [tilespmem:s15+$0x0];
	v16 =	vsel vm0, $0x1, v2;
	v18 =	vmul.f32 $1.442695020e+00, v20;
	(erf) = vpow2.f32 v15  }
0x2b5: {  	s17 =	sor.u32 $0x110, s16;
	v21 =	vld [tilespmem:s30+$0x4000];
	v17 =	vnsel vm1, $0x0, v17;
	v15 =	vmul.f32 $1.442695020e+00, v19;
	v12 =	vadd.s32 v16, v12  }
0x2b6: {  	v16 =	vld [tilespmem:s17+$0x0];
	v13 =	vadd.f32 v17, v13;
	v17 =	vsel vm1, $0x1, v2;
	(erf) = vpow2.f32 v18  }
0x2b7: {  	s18 =	sor.u32 $0x120, s16;
	v17 =	vadd.s32 v17, v12;
	v12 =	vnsel vm3, $0x0, v22;
	v18 =	vsel vm3, $0x1, v2  }
0x2b8: {  	v12 =	vadd.f32 v12, v13;
	v13 =	vadd.s32 v18, v17;
	v18 =	vld [tilespmem:s18+$0x0];
	(erf) = vpow2.f32 v15  }
0x2b9: {  	s16 =	sor.u32 $0x130, s16  }
0x2ba: {  	s20 =	simm.s32 $0x1;
	p0 =	por !p0, !p0;
	vm11 =	veq.s32 v23, $0x1;
	vm13 =	veq.s32 v25, $0x1;
	v20 =	vmul.f32 $1.442695020e+00, v24;
	v17 =	vld [tilespmem:s16+$0x0]  }
0x2bb: {  	s20 =	simm.s32 @!p0 $0x0;
	s19 =	simm.s32 $0xC0;
	vm12 =	veq.s32 v21, $0x1;
	v15 =	vimm.f32 $0.0e+00;
	v19 =	vmul.f32 $1.442695020e+00, v16;
	v16 =	vld [tilespmem:s21+$0x4000];
	v21 =	vpop (erf)  }
.LBB2_22:
0x2bc: {  	p1 =	sne.s32 s19, $0xFC0;
	s20 =	sshll.u32 s20, $0x6;
	v22 =	vld [tilespmem:s18+$0x4000];
	s14 =	sadd.s32 $0x100, s14;
	(erf) = vpow2.f32 v20;
	v24 =	vsel vm13, $0x0, v21;
	v21 =	vsel vm13, $0x3F800000, v1  }
0x2bd: {  	s20 =	sadd.s32 s20, s14;
	v23 =	vld [tilespmem:s17+$0x4000];
	v18 =	vmul.f32 $1.442695020e+00, v18;
	v14 =	vadd.f32 v24, v14;
	v15 =	vadd.f32 v21, v15;
	v20 =	vpop (erf)  }
0x2be: {  	v21 =	vld [tilespmem:s15+$0x4000];
	s15 =	sor.u32 $0x100, s20;
	(erf) = vpow2.f32 v19;
	v25 =	vsel vm12, $0x0, v20;
	v20 =	vsel vm12, $0x3F800000, v1  }
0x2bf: {  	s17 =	sor.u32 $0x110, s20;
	v24 =	vld [tilespmem:s15+$0x0];
	v17 =	vmul.f32 $1.442695020e+00, v17;
	v14 =	vadd.f32 v25, v14;
	v15 =	vadd.f32 v20, v15;
	v19 =	vpop (erf)  }
0x2c0: {  	v25 =	vld [tilespmem:s17+$0x0];
	(erf) = vpow2.f32 v18;
	v18 =	vsel vm11, $0x0, v19;
	v19 =	vsel vm11, $0x3F800000, v1  }
.Ltmp10:
0x2c1: {  	s18 =	sor.u32 $0x120, s20;
	vm0 =	veq.s32 v16, $0x1;
	v14 =	vadd.f32 v18, v14;
	v15 =	vadd.f32 v19, v15;
	v16 =	vpop (erf);
	(pc) =	sbr.rel @p1 .LBB2_22-.Ltmp10, $4  }
0x2c2: {  	v18 =	vld [tilespmem:s18+$0x0];
	(erf) = vpow2.f32 v17;
	v16 =	vsel vm0, $0x0, v16;
	v17 =	vsel vm0, $0x3F800000, v1  }
0x2c3: {  	s21 =	sor.u32 $0x130, s20;
	v14 =	vadd.f32 v16, v14;
	v15 =	vadd.f32 v17, v15  }
0x2c4: {  	p0 =	por !p0, !p0;
	s20 =	simm.s32 $0x1;
	vm11 =	veq.s32 v22, $0x1;
	v20 =	vmul.f32 $1.442695020e+00, v24;
	v17 =	vld [tilespmem:s21+$0x0]  }
0x2c5: {  	s19 =	sadd.s32 $0x40, s19;
	s20 =	simm.s32 @!p0 $0x0;
	vm12 =	veq.s32 v23, $0x1;
	vm13 =	veq.s32 v21, $0x1;
	v19 =	vmul.f32 $1.442695020e+00, v25;
	v16 =	vld [tilespmem:s16+$0x4000];
	v21 =	vpop (erf);
	s16 =	smov.u32 s21  }
0x2c6: {  	_ = 	snop  }
0x2c7: {  	(erf) = vpow2.f32 v20;
	v18 =	vmul.f32 $1.442695020e+00, v18;
	_ =	sdelay $0x1  }
0x2c8: {  	v21 =	vsel vm13, $0x0, v21  }
0x2c9: {  	s19 =	sshll.u32 s20, $0x6;
	s14 =	sadd.s32 $0x100, s14;
	(erf) = vpow2.f32 v19;
	v14 =	vadd.f32 v21, v14;
	v19 =	vpop (erf)  }
0x2ca: {  	v22 =	vld [tilespmem:s15+$0x4000];
	s14 =	sadd.s32 s19, s14;
	v19 =	vsel vm12, $0x0, v19;
	(erf) = vpow2.f32 v18;
	v18 =	vpop (erf)  }
0x2cb: {  	s19 =	sor.u32 $0x100, s14;
	v14 =	vadd.f32 v19, v14;
	vm14 =	veq.s32 v16, $0x1;
	v16 =	vpop (erf)  }
0x2cc: {  	v60 =	vld [tilespmem:s19+$0x0];
	v18 =	vsel vm11, $0x0, v18;
	v16 =	vsel vm14, $0x0, v16  }
0x2cd: {  	v23 =	vld [tilespmem:s17+$0x4000];
	s29 =	sor.u32 $0x110, s14;
	v17 =	vmul.f32 $1.442695020e+00, v17;
	v14 =	vadd.f32 v18, v14  }
0x2ce: {  	s30 =	sor.u32 $0x120, s14;
	s14 =	sor.u32 $0x130, s14;
	v61 =	vld [tilespmem:s29+$0x0]  }
0x2cf: {  	(erf) = vpow2.f32 v17;
	vm15 =	veq.s32 v22, $0x1;
	v18 =	vld [tilespmem:s14+$0x0];
	v14 =	vadd.f32 v16, v14;
	v16 =	vpop (erf)  }
0x2d0: {  	v19 =	vld [tilespmem:s30+$0x0];
	v16 =	vsel vm15, $0x0, v16  }
0x2d1: {  	v17 =	vmul.f32 $1.442695020e+00, v60  }
0x2d2: {  	v62 =	vld [tilespmem:s18+$0x4000]  }
0x2d3: {  	vm10 =	veq.s32 v23, $0x1;
	(erf) = vpow2.f32 v17;
	v17 =	vld [tilespmem:s16+$0x4000];
	v14 =	vadd.f32 v16, v14;
	v16 =	vpop (erf)  }
0x2d4: {  	v21 =	vmul.f32 $1.442695020e+00, v61;
	v18 =	vmul.f32 $1.442695020e+00, v18;
	v16 =	vsel vm10, $0x0, v16  }
0x2d5: {  	v19 =	vmul.f32 $1.442695020e+00, v19  }
0x2d6: {  	(erf) = vpow2.f32 v21  }
0x2d7: {  	v63 =	vld [tilespmem:s19+$0x4000];
	(erf) = vpow2.f32 v19;
	v14 =	vadd.f32 v16, v14;
	v16 =	vpop (erf)  }
0x2d8: {  	vm6 =	veq.s32 v62, $0x1;
	vm7 =	veq.s32 v17, $0x1;
	(erf) = vpow2.f32 v18;
	v18 =	vpop (erf)  }
0x2d9: {  	v16 =	vsel vm6, $0x0, v16;
	v17 =	vsel vm7, $0x0, v18  }
0x2da: {  	v14 =	vadd.f32 v16, v14  }
0x2db: {  	v19 =	vld [tilespmem:s29+$0x4000]  }
0x2dc: {  	vm3 =	veq.s32 v63, $0x1;
	v16 =	vld [tilespmem:s30+$0x4000];
	v14 =	vadd.f32 v17, v14;
	v17 =	vpop (erf)  }
0x2dd: {  	v17 =	vsel vm3, $0x0, v17;
	_ =	sdelay $0x2  }
0x2de: {  	v18 =	vld [tilespmem:s14+$0x4000];
	v14 =	vadd.f32 v17, v14;
	v17 =	vpop (erf)  }
0x2df: {  	vm4 =	veq.s32 v19, $0x1;
	vm0 =	veq.s32 v16, $0x1;
	v16 =	vpop (erf)  }
0x2e0: {  	v17 =	vsel vm4, $0x0, v17;
	v16 =	vsel vm0, $0x0, v16  }
0x2e1: {  	v14 =	vadd.f32 v17, v14;
	_ =	sdelay $0x1  }
0x2e2: {  	vm1 =	veq.s32 v18, $0x1;
	v14 =	vadd.f32 v16, v14;
	v16 =	vpop (erf)  }
0x2e3: {  	v16 =	vsel vm1, $0x0, v16  }
0x2e4: {  	v14 =	vadd.f32 v16, v14;
	_ =	sdelay $0x1  }
0x2e5: {  	(xrf2) =	vadd.scan.msk.f32 $0xffff, v14;
	_ =	sdelay $0x9  }
0x2e6: {  	v14, _, _ =	vpop (xrf2)  }
0x2e7: {  	(v2sf) =	vpush v14, $0xF;
	_ =	sdelay $0xe  }
0x2e8: {  	s31 =	spop (v2sf)  }
0x2e9: {  	s14 =	smax.f32 s31, $1.000000000e-30  }
0x2ea: {  	v14 =	vmov s14  }
0x2eb: {  	v14 =	vbroadcast v14, $0x0;
	_ =	sdelay $0x1  }
0x2ec: {  	v16 =	vand.u32 $0x7FFFFF, v14  }
0x2ed: {  	v16 =	vor.u32 $0x3F800000, v16  }
0x2ee: {  	v17 =	vadd.f32 $1.000000000e+00, v16;
	_ =	sdelay $0x1  }
0x2ef: {  	(erf) = vrcp.f32 v17;
	_ =	sdelay $0x7  }
0x2f0: {  	v16 =	vadd.f32 $-1.000000000e+00, v16  }
0x2f1: {  	v17 =	vsel vm13, $0x3F800000, v1;
	v18 =	vpop (erf)  }
0x2f2: {  	v15 =	vadd.f32 v17, v15;
	v16 =	vmul.f32 v18, v16  }
0x2f3: {  	v17 =	vsel vm12, $0x3F800000, v1  }
0x2f4: {  	v15 =	vadd.f32 v17, v15;
	v17 =	vmul.f32 v16, v16  }
0x2f5: {  	v18 =	vsel vm11, $0x3F800000, v1  }
0x2f6: {  	v15 =	vadd.f32 v18, v15;
	v18 =	vmul.f32 $2.222222240e-01, v17  }
0x2f7: {  	v19 =	vsel vm14, $0x3F800000, v1  }
0x2f8: {  	v15 =	vadd.f32 v19, v15;
	v18 =	vadd.f32 $2.857142980e-01, v18  }
0x2f9: {  	v19 =	vsel vm15, $0x3F800000, v1  }
0x2fa: {  	v15 =	vadd.f32 v19, v15;
	v18 =	vmul.f32 v18, v17  }
0x2fb: {  	v19 =	vsel vm10, $0x3F800000, v1  }
0x2fc: {  	v15 =	vadd.f32 v19, v15;
	v18 =	vadd.f32 $4.000000060e-01, v18  }
0x2fd: {  	v19 =	vsel vm6, $0x3F800000, v1  }
0x2fe: {  	v15 =	vadd.f32 v19, v15;
	v18 =	vmul.f32 v18, v17  }
0x2ff: {  	v19 =	vsel vm7, $0x3F800000, v1  }
0x300: {  	v15 =	vadd.f32 v19, v15;
	v18 =	vadd.f32 $6.666666860e-01, v18  }
0x301: {  	v19 =	vsel vm3, $0x3F800000, v1  }
0x302: {  	v14 =	vshra.s32 v14, $0x17;
	v15 =	vadd.f32 v19, v15;
	v17 =	vmul.f32 v18, v17  }
0x303: {  	v14 =	vadd.s32 $0xFFFFFF81, v14;
	v18 =	vsel vm4, $0x3F800000, v1  }
0x304: {  	v14 =	vcvt.s32.f32 v14;
	v15 =	vadd.f32 v18, v15;
	v17 =	vadd.f32 $2.000000000e+00, v17  }
0x305: {  	v18 =	vsel vm0, $0x3F800000, v1  }
0x306: {  	v15 =	vadd.f32 v18, v15;
	v18 =	vmul.f32 $6.931471820e-01, v14;
	v16 =	vmul.f32 v17, v16  }
0x307: {  	[tilespmem:$0x9000] =	vst v2;
	v14 =	vsel vm1, $0x3F800000, v1  }
0x308: {  	p0 =	por $0x0, $0x0;
	s15 =	simm.s32 $0x0;
	[tilespmem:$0x9010] =	vst v2;
	s14 =	simm.s32 $0x0;
	v14 =	vadd.f32 v14, v15;
	v15 =	vimm.f32 $0.0e+00;
	v16 =	vadd.f32 v16, v18  }
.LBB2_24:
0x309: {  	s16 =	simm.s32 $0x1  }
0x30a: {  	s16 =	simm.s32 @!p0 $0x0  }
0x30b: {  	s16 =	sshll.u32 s16, $0x6  }
0x30c: {  	s17 =	sadd.s32 s16, s15  }
0x30d: {  	s16 =	sor.u32 $0x100, s17  }
0x30e: {  	v17 =	vld [tilespmem:s16+$0x0];
	_ =	sdelay $0x4  }
0x30f: {  	v18 =	vand.u32 $0x7FFFFFFF, v17  }
0x310: {  	v18 =	vsub.f32 $0.0e+00, v18;
	_ =	sdelay $0x1  }
0x311: {  	v18 =	vmul.f32 $1.442695020e+00, v18;
	_ =	sdelay $0x1  }
0x312: {  	(erf) = vpow2.f32 v18;
	_ =	sdelay $0x8  }
0x313: {  	v18 =	vpop (erf)  }
0x314: {  	v19 =	vmul.f32 v18, v18;
	v20 =	vmul.f32 $2.164085810e-01, v18;
	_ =	sdelay $0x1  }
0x315: {  	v21 =	vld [tilespmem:s16+$0x4000];
	v20 =	vadd.f32 $-4.640707080e-01, v20;
	v22 =	vmul.f32 $5.486230920e-02, v19;
	_ =	sdelay $0x1  }
0x316: {  	v18 =	vmul.f32 $9.954266540e-01, v18;
	v20 =	vsub.f32 v20, v22;
	_ =	sdelay $0x1  }
0x317: {  	v57 =	vsub.f32 $0.0e+00, v17;
	v18 =	vadd.f32 $1.415801670e-04, v18;
	v19 =	vmul.f32 v20, v19  }
0x318: {  	vm11 =	veq.s32 v21, $0x1  }
0x319: {  	v58 =	vsel vm11, v57, v17;
	v18 =	vadd.f32 v19, v18  }
0x31a: {  	v19 =	vmax.f32 v58, $0.0e+00  }
0x31b: {  	v18 =	vadd.f32 v18, v19;
	_ =	sdelay $0x1  }
0x31c: {  	v19 =	vshra.s32 v18, $0x1B  }
0x31d: {  	(xrf1) =	vunique.msk.u32 $0xffff, v19;
	_ =	sdelay $0xd  }
0x31e: {  	_, v59, vm0 =	vpop (xrf1);
	_ =	sdelay $0x3  }
0x31f: {  	s29 =	sshra.s32 s15, $0x2  }
0x320: {  	s30 =	sadd.s32 $0x10, s17;
	[tilespmem:s29+$0x8000] =	vst v18  }
0x321: {  	s16 =	sor.u32 $0x100, s30;
	[tilespmem:v19+s11+$0x0] =	vst.idx.add.s32.msk vm0, v59  }
0x322: {  	v17 =	vsub.f32 v16, v17;
	v18 =	vld [tilespmem:s16+$0x0];
	_ =	sdelay $0x1  }
0x323: {  	v17 =	vmax.f32 v17, $-8.000000000e+01  }
0x324: {  	v19 =	vmin.f32 v17, $8.000000000e+01  }
0x325: {  	v19 =	vand.u32 $0x7FFFFFFF, v19  }
0x326: {  	v19 =	vsub.f32 $0.0e+00, v19;
	v60 =	vand.u32 $0x7FFFFFFF, v18  }
0x327: {  	v20 =	vsub.f32 $0.0e+00, v60  }
0x328: {  	v19 =	vmul.f32 $1.442695020e+00, v19  }
0x329: {  	v20 =	vmul.f32 $1.442695020e+00, v20  }
0x32a: {  	(erf) = vpow2.f32 v19  }
0x32b: {  	(erf) = vpow2.f32 v20;
	_ =	sdelay $0x7  }
0x32c: {  	v19 =	vpop (erf)  }
0x32d: {  	v20 =	vpop (erf)  }
0x32e: {  	v61 =	vmul.f32 v20, v20;
	v62 =	vmul.f32 $2.164085810e-01, v20;
	_ =	sdelay $0x1  }
0x32f: {  	v23 =	vld [tilespmem:s16+$0x4000];
	v22 =	vadd.f32 $-4.640707080e-01, v62;
	v24 =	vmul.f32 $5.486230920e-02, v61;
	_ =	sdelay $0x1  }
0x330: {  	v20 =	vmul.f32 $9.954266540e-01, v20;
	v22 =	vsub.f32 v22, v24;
	_ =	sdelay $0x1  }
0x331: {  	v63 =	vsub.f32 $0.0e+00, v18;
	v20 =	vadd.f32 $1.415801670e-04, v20;
	v21 =	vmul.f32 v22, v61  }
0x332: {  	vm12 =	veq.s32 v23, $0x1  }
0x333: {  	v27 =	vsel vm12, v63, v18;
	v20 =	vadd.f32 v21, v20  }
0x334: {  	v28 =	vmax.f32 v27, $0.0e+00  }
0x335: {  	v20 =	vadd.f32 v20, v28;
	_ =	sdelay $0x1  }
0x336: {  	v21 =	vshra.s32 v20, $0x1B  }
0x337: {  	(xrf1) =	vunique.msk.u32 $0xffff, v21;
	_ =	sdelay $0xd  }
0x338: {  	_, v29, vm0 =	vpop (xrf1);
	_ =	sdelay $0x3  }
0x339: {  	s31 =	sand.u32 $0xFC0, s14  }
0x33a: {  	s18 =	sadd.s32 $0x20, s17;
	[tilespmem:s31+$0x8010] =	vst v20  }
0x33b: {  	s18 =	sor.u32 $0x100, s18;
	[tilespmem:v21+s11+$0x0] =	vst.idx.add.s32.msk vm0, v29  }
0x33c: {  	v18 =	vsub.f32 v16, v18;
	v20 =	vld [tilespmem:s18+$0x0];
	_ =	sdelay $0x1  }
0x33d: {  	v18 =	vmax.f32 v18, $-8.000000000e+01  }
0x33e: {  	v30 =	vmin.f32 v18, $8.000000000e+01  }
0x33f: {  	v21 =	vand.u32 $0x7FFFFFFF, v30  }
0x340: {  	v21 =	vsub.f32 $0.0e+00, v21;
	v31 =	vand.u32 $0x7FFFFFFF, v20  }
0x341: {  	v22 =	vsub.f32 $0.0e+00, v31  }
0x342: {  	v21 =	vmul.f32 $1.442695020e+00, v21  }
0x343: {  	v22 =	vmul.f32 $1.442695020e+00, v22  }
0x344: {  	(erf) = vpow2.f32 v21  }
0x345: {  	(erf) = vpow2.f32 v22;
	_ =	sdelay $0x7  }
0x346: {  	v21 =	vpop (erf)  }
0x347: {  	v22 =	vpop (erf)  }
0x348: {  	v32 =	vmul.f32 v22, v22;
	v33 =	vmul.f32 $2.164085810e-01, v22;
	_ =	sdelay $0x1  }
0x349: {  	v25 =	vld [tilespmem:s18+$0x4000];
	v24 =	vadd.f32 $-4.640707080e-01, v33;
	v26 =	vmul.f32 $5.486230920e-02, v32;
	_ =	sdelay $0x1  }
0x34a: {  	v22 =	vmul.f32 $9.954266540e-01, v22;
	v24 =	vsub.f32 v24, v26;
	_ =	sdelay $0x1  }
0x34b: {  	v34 =	vsub.f32 $0.0e+00, v20;
	v22 =	vadd.f32 $1.415801670e-04, v22;
	v23 =	vmul.f32 v24, v32  }
0x34c: {  	vm13 =	veq.s32 v25, $0x1  }
0x34d: {  	v35 =	vsel vm13, v34, v20;
	v22 =	vadd.f32 v23, v22  }
0x34e: {  	v36 =	vmax.f32 v35, $0.0e+00  }
0x34f: {  	v22 =	vadd.f32 v22, v36;
	_ =	sdelay $0x1  }
0x350: {  	v23 =	vshra.s32 v22, $0x1B  }
0x351: {  	(xrf1) =	vunique.msk.u32 $0xffff, v23;
	_ =	sdelay $0xd  }
0x352: {  	_, v37, vm0 =	vpop (xrf1);
	_ =	sdelay $0x4  }
0x353: {  	s17 =	sadd.s32 $0x30, s17;
	[tilespmem:s31+$0x8020] =	vst v22  }
0x354: {  	s17 =	sor.u32 $0x100, s17;
	[tilespmem:v23+s11+$0x0] =	vst.idx.add.s32.msk vm0, v37  }
0x355: {  	v20 =	vsub.f32 v16, v20;
	v22 =	vld [tilespmem:s17+$0x0];
	_ =	sdelay $0x1  }
0x356: {  	v20 =	vmax.f32 v20, $-8.000000000e+01  }
0x357: {  	v38 =	vmin.f32 v20, $8.000000000e+01  }
0x358: {  	v23 =	vand.u32 $0x7FFFFFFF, v38  }
0x359: {  	v23 =	vsub.f32 $0.0e+00, v23;
	v39 =	vand.u32 $0x7FFFFFFF, v22  }
0x35a: {  	v24 =	vsub.f32 $0.0e+00, v39  }
0x35b: {  	v23 =	vmul.f32 $1.442695020e+00, v23  }
0x35c: {  	v24 =	vmul.f32 $1.442695020e+00, v24  }
0x35d: {  	(erf) = vpow2.f32 v23  }
0x35e: {  	(erf) = vpow2.f32 v24;
	_ =	sdelay $0x7  }
0x35f: {  	v23 =	vpop (erf)  }
0x360: {  	v24 =	vpop (erf)  }
0x361: {  	v40 =	vmul.f32 v24, v24;
	v41 =	vmul.f32 $2.164085810e-01, v24  }
0x362: {  	v27 =	vsub.f32 v16, v22  }
0x363: {  	v28 =	vld [tilespmem:s17+$0x4000];
	v26 =	vadd.f32 $-4.640707080e-01, v41;
	v29 =	vmul.f32 $5.486230920e-02, v40  }
0x364: {  	v27 =	vmax.f32 v27, $-8.000000000e+01  }
0x365: {  	v42 =	vmin.f32 v27, $8.000000000e+01;
	v24 =	vmul.f32 $9.954266540e-01, v24;
	v26 =	vsub.f32 v26, v29  }
0x366: {  	v30 =	vsub.f32 $0.0e+00, v22;
	v29 =	vand.u32 $0x7FFFFFFF, v42  }
0x367: {  	v24 =	vadd.f32 $1.415801670e-04, v24;
	v43 =	vsub.f32 $0.0e+00, v29;
	v25 =	vmul.f32 v26, v40  }
0x368: {  	vm10 =	veq.s32 v28, $0x1  }
0x369: {  	v22 =	vsel vm10, v30, v22;
	v44 =	vmul.f32 $1.442695020e+00, v43;
	v24 =	vadd.f32 v25, v24  }
0x36a: {  	v22 =	vmax.f32 v22, $0.0e+00  }
0x36b: {  	(erf) = vpow2.f32 v44;
	v22 =	vadd.f32 v24, v22;
	_ =	sdelay $0x1  }
0x36c: {  	v45 =	vmul.f32 v19, v19;
	v46 =	vmul.f32 $2.164085810e-01, v19;
	v48 =	vshra.s32 v22, $0x1B  }
0x36d: {  	v17 =	vclamp.gez.f32 v17, $8.000000000e+01;
	(xrf1) =	vunique.msk.u32 $0xffff, v48  }
0x36e: {  	v47 =	vmul.f32 $5.486230920e-02, v45;
	v49 =	vmul.f32 v21, v21;
	v24 =	vadd.f32 $-4.640707080e-01, v46  }
0x36f: {  	v19 =	vmul.f32 $9.954266540e-01, v19;
	v50 =	vmul.f32 $2.164085810e-01, v21  }
0x370: {  	v21 =	vmul.f32 $9.954266540e-01, v21;
	v52 =	vmul.f32 $5.486230920e-02, v49;
	v24 =	vsub.f32 v24, v47  }
0x371: {  	v51 =	vadd.f32 $-4.640707080e-01, v50;
	v31 =	vmul.f32 v23, v23;
	v32 =	vmul.f32 $2.164085810e-01, v23  }
0x372: {  	v19 =	vadd.f32 $1.415801670e-04, v19;
	v21 =	vadd.f32 $1.415801670e-04, v21;
	v24 =	vmul.f32 v24, v45  }
0x373: {  	v53 =	vadd.f32 $-4.640707080e-01, v32;
	v54 =	vmul.f32 $5.486230920e-02, v31;
	v25 =	vsub.f32 v51, v52;
	v56 =	vpop (erf)  }
0x374: {  	v19 =	vadd.f32 v24, v19;
	v57 =	vmul.f32 v56, v56;
	v58 =	vmul.f32 $2.164085810e-01, v56  }
0x375: {  	v23 =	vmul.f32 $9.954266540e-01, v23;
	v26 =	vsub.f32 v53, v54;
	v55 =	vmul.f32 v25, v49  }
0x376: {  	v17 =	vadd.f32 v19, v17;
	v19 =	vadd.f32 $-4.640707080e-01, v58;
	v59 =	vmul.f32 $5.486230920e-02, v57  }
0x377: {  	v23 =	vadd.f32 $1.415801670e-04, v23;
	v60 =	vmul.f32 v26, v31;
	v21 =	vadd.f32 v55, v21  }
0x378: {  	v18 =	vclamp.gez.f32 v18, $8.000000000e+01;
	v25 =	vmul.f32 $9.954266540e-01, v56;
	v19 =	vsub.f32 v19, v59  }
0x379: {  	v61 =	vadd.f32 v60, v23;
	v18 =	vadd.f32 v21, v18  }
0x37a: {  	v17 =	vnsel vm11, $0x0, v17;
	v62 =	vadd.f32 $1.415801670e-04, v25;
	v19 =	vmul.f32 v19, v57  }
0x37b: {  	v15 =	vadd.f32 v17, v15;
	v17 =	vclamp.gez.f32 v20, $8.000000000e+01;
	_, v63, vm0 =	vpop (xrf1)  }
0x37c: {  	p1 =	sne.s32 s15, $0x3F00;
	v18 =	vnsel vm12, $0x0, v18;
	v17 =	vadd.f32 v61, v17;
	v19 =	vadd.f32 v19, v62  }
.Ltmp11:
0x37d: {  	v15 =	vadd.f32 v18, v15;
	v18 =	vclamp.gez.f32 v27, $8.000000000e+01;
	(pc) =	sbr.rel @p1 .LBB2_24-.Ltmp11, $4  }
0x37e: {  	v17 =	vnsel vm13, $0x0, v17;
	v18 =	vadd.f32 v19, v18  }
0x37f: {  	v15 =	vadd.f32 v17, v15  }
0x380: {  	[tilespmem:s31+$0x8030] =	vst v22;
	v17 =	vnsel vm10, $0x0, v18  }
0x381: {  	s14 =	sadd.s32 $0x40, s14;
	p0 =	por !p0, !p0;
	s15 =	sadd.s32 $0x100, s15;
	v15 =	vadd.f32 v17, v15;
	[tilespmem:v48+s11+$0x0] =	vst.idx.add.s32.msk vm0, v63  }
0x382: {  	v18 =	vld [tilespmem:$0x9000];
	_ =	sdelay $0x4  }
0x383: {  	v16 =	vperm.xlane v18, v3;
	_ =	sdelay $0x1  }
0x384: {  	(xrf0) =	vadd.scan.msk.s32 $0xffff, v16;
	_ =	sdelay $0x5  }
0x385: {  	v16, _, _ =	vpop (xrf0)  }
0x386: {  	vm0 =	vgt.s32 v16, $0x7F  }
0x387: {  	v16 =	vmctz.xlane vm0;
	_ =	sdelay $0x1  }
0x388: {  	v19 =	vsub.s32 $0xF, v16  }
0x389: {  	[tilespmem:$0x9000] =	vst v2;
	v16 =	vshll.u32 v19, $0x1B  }
0x38a: {  	[tilespmem:$0x9010] =	vst v2;
	s14 =	simm.s32 $0x0;
	v17 =	vadd.s32 $0x8000000, v16  }
.LBB2_26:
0x38b: {  	s15 =	sshra.s32 s14, $0x2  }
0x38c: {  	v20 =	vld [tilespmem:s15+$0x8000];
	_ =	sdelay $0x4  }
0x38d: {  	vm0 =	vge.s32 v20, v16;
	vm1 =	vlt.s32 v20, v17;
	v20 =	vshrl.u32 v20, $0x17  }
0x38e: {  	vm0 =	vmand vm0, vm1;
	v20 =	vand.u32 $0xF, v20  }
0x38f: {  	v20 =	vnsel vm0, $0x10, v20  }
0x390: {  	(xrf1) =	vunique.msk.u32 $0xffff, v20;
	_ =	sdelay $0xd  }
0x391: {  	_, v21, vm0 =	vpop (xrf1);
	_ =	sdelay $0x5  }
0x392: {  	[tilespmem:v20+s11+$0x0] =	vst.idx.add.s32.msk vm0, v21  }
0x393: {  	v20 =	vld [tilespmem:s15+$0x8010];
	_ =	sdelay $0x4  }
0x394: {  	vm0 =	vge.s32 v20, v16;
	vm1 =	vlt.s32 v20, v17;
	v20 =	vshrl.u32 v20, $0x17  }
0x395: {  	vm0 =	vmand vm0, vm1;
	v20 =	vand.u32 $0xF, v20  }
0x396: {  	v20 =	vnsel vm0, $0x10, v20  }
0x397: {  	(xrf1) =	vunique.msk.u32 $0xffff, v20;
	_ =	sdelay $0xd  }
0x398: {  	_, v61, vm0 =	vpop (xrf1);
	_ =	sdelay $0x5  }
0x399: {  	[tilespmem:v20+s11+$0x0] =	vst.idx.add.s32.msk vm0, v61  }
0x39a: {  	v20 =	vld [tilespmem:s15+$0x8020];
	_ =	sdelay $0x4  }
0x39b: {  	vm0 =	vge.s32 v20, v16;
	vm1 =	vlt.s32 v20, v17;
	v20 =	vshrl.u32 v20, $0x17  }
0x39c: {  	vm0 =	vmand vm0, vm1;
	v20 =	vand.u32 $0xF, v20  }
0x39d: {  	v20 =	vnsel vm0, $0x10, v20  }
0x39e: {  	(xrf1) =	vunique.msk.u32 $0xffff, v20;
	_ =	sdelay $0xd  }
0x39f: {  	_, v62, vm0 =	vpop (xrf1);
	_ =	sdelay $0x5  }
0x3a0: {  	[tilespmem:v20+s11+$0x0] =	vst.idx.add.s32.msk vm0, v62  }
0x3a1: {  	v20 =	vld [tilespmem:s15+$0x8030];
	_ =	sdelay $0x4  }
0x3a2: {  	vm0 =	vge.s32 v20, v16;
	vm1 =	vlt.s32 v20, v17;
	v20 =	vshrl.u32 v20, $0x17  }
0x3a3: {  	vm0 =	vmand vm0, vm1;
	v20 =	vand.u32 $0xF, v20  }
0x3a4: {  	v20 =	vnsel vm0, $0x10, v20  }
0x3a5: {  	(xrf1) =	vunique.msk.u32 $0xffff, v20;
	_ =	sdelay $0xd  }
0x3a6: {  	_, v63, vm0 =	vpop (xrf1)  }
0x3a7: {  	p0 =	sne.s32 s14, $0x3F00  }
.Ltmp12:
0x3a8: {  	_ = 	snop;
	(pc) =	sbr.rel @p0 .LBB2_26-.Ltmp12, $2  }
0x3a9: {  	_ =	sdelay $0x2  }
0x3aa: {  	s14 =	sadd.s32 $0x100, s14;
	[tilespmem:v20+s11+$0x0] =	vst.idx.add.s32.msk vm0, v63  }
0x3ab: {  	v17 =	vld [tilespmem:$0x9000];
	_ =	sdelay $0x2  }
0x3ac: {  	vm0 =	vlt.s32 v19, v0  }
0x3ad: {  	v18 =	vnsel vm0, $0x0, v18  }
0x3ae: {  	(xrf0) =	vadd.scan.msk.s32 $0xffff, v18;
	v18 =	vperm.xlane v17, v3;
	_ =	sdelay $0x1  }
0x3af: {  	(xrf0) =	vadd.scan.msk.s32 $0xffff, v18;
	_ =	sdelay $0x3  }
0x3b0: {  	v18, _, _ =	vpop (xrf0)  }
0x3b1: {  	v19 =	vbroadcast v18, $0xF  }
0x3b2: {  	v20, _, _ =	vpop (xrf0)  }
0x3b3: {  	v19 =	vadd.s32 v19, v20  }
0x3b4: {  	vm0 =	vgt.s32 v19, $0x7F  }
0x3b5: {  	v19 =	vmctz.xlane vm0;
	_ =	sdelay $0x1  }
0x3b6: {  	v19 =	vsub.s32 $0xF, v19  }
0x3b7: {  	v20 =	vshll.u32 v19, $0x17  }
0x3b8: {  	[tilespmem:$0x9000] =	vst v2;
	v16 =	vadd.s32 v16, v20  }
0x3b9: {  	[tilespmem:$0x9010] =	vst v2;
	s14 =	simm.s32 $0x0;
	v20 =	vadd.s32 $0x800000, v16  }
.LBB2_28:
0x3ba: {  	s15 =	sshra.s32 s14, $0x2  }
0x3bb: {  	v21 =	vld [tilespmem:s15+$0x8000];
	_ =	sdelay $0x4  }
0x3bc: {  	vm0 =	vge.s32 v21, v16;
	vm1 =	vlt.s32 v21, v20;
	v21 =	vshrl.u32 v21, $0x13  }
0x3bd: {  	vm0 =	vmand vm0, vm1;
	v21 =	vand.u32 $0xF, v21  }
0x3be: {  	v21 =	vnsel vm0, $0x10, v21  }
0x3bf: {  	(xrf1) =	vunique.msk.u32 $0xffff, v21;
	_ =	sdelay $0xd  }
0x3c0: {  	_, v22, vm0 =	vpop (xrf1);
	_ =	sdelay $0x5  }
0x3c1: {  	[tilespmem:v21+s11+$0x0] =	vst.idx.add.s32.msk vm0, v22  }
0x3c2: {  	v21 =	vld [tilespmem:s15+$0x8010];
	_ =	sdelay $0x4  }
0x3c3: {  	vm0 =	vge.s32 v21, v16;
	vm1 =	vlt.s32 v21, v20;
	v21 =	vshrl.u32 v21, $0x13  }
0x3c4: {  	vm0 =	vmand vm0, vm1;
	v21 =	vand.u32 $0xF, v21  }
0x3c5: {  	v21 =	vnsel vm0, $0x10, v21  }
0x3c6: {  	(xrf1) =	vunique.msk.u32 $0xffff, v21;
	_ =	sdelay $0xd  }
0x3c7: {  	_, v22, vm0 =	vpop (xrf1);
	_ =	sdelay $0x5  }
0x3c8: {  	[tilespmem:v21+s11+$0x0] =	vst.idx.add.s32.msk vm0, v22  }
0x3c9: {  	v21 =	vld [tilespmem:s15+$0x8020];
	_ =	sdelay $0x4  }
0x3ca: {  	vm0 =	vge.s32 v21, v16;
	vm1 =	vlt.s32 v21, v20;
	v21 =	vshrl.u32 v21, $0x13  }
0x3cb: {  	vm0 =	vmand vm0, vm1;
	v21 =	vand.u32 $0xF, v21  }
0x3cc: {  	v21 =	vnsel vm0, $0x10, v21  }
0x3cd: {  	(xrf1) =	vunique.msk.u32 $0xffff, v21;
	_ =	sdelay $0xd  }
0x3ce: {  	_, v22, vm0 =	vpop (xrf1);
	_ =	sdelay $0x5  }
0x3cf: {  	[tilespmem:v21+s11+$0x0] =	vst.idx.add.s32.msk vm0, v22  }
0x3d0: {  	v21 =	vld [tilespmem:s15+$0x8030];
	_ =	sdelay $0x4  }
0x3d1: {  	vm0 =	vge.s32 v21, v16;
	vm1 =	vlt.s32 v21, v20;
	v21 =	vshrl.u32 v21, $0x13  }
0x3d2: {  	vm0 =	vmand vm0, vm1;
	v21 =	vand.u32 $0xF, v21  }
0x3d3: {  	v21 =	vnsel vm0, $0x10, v21  }
0x3d4: {  	(xrf1) =	vunique.msk.u32 $0xffff, v21;
	_ =	sdelay $0xd  }
0x3d5: {  	_, v22, vm0 =	vpop (xrf1)  }
0x3d6: {  	p0 =	sne.s32 s14, $0x3F00  }
.Ltmp13:
0x3d7: {  	_ = 	snop;
	(pc) =	sbr.rel @p0 .LBB2_28-.Ltmp13, $2  }
0x3d8: {  	_ =	sdelay $0x2  }
0x3d9: {  	s14 =	sadd.s32 $0x100, s14;
	[tilespmem:v21+s11+$0x0] =	vst.idx.add.s32.msk vm0, v22  }
0x3da: {  	v20 =	vld [tilespmem:$0x9000];
	_ =	sdelay $0x1  }
0x3db: {  	vm0 =	vlt.s32 v19, v0  }
0x3dc: {  	v17 =	vnsel vm0, $0x0, v17  }
0x3dd: {  	(xrf0) =	vadd.scan.msk.s32 $0xffff, v17  }
0x3de: {  	v17 =	vperm.xlane v20, v3;
	_ =	sdelay $0x1  }
0x3df: {  	(xrf0) =	vadd.scan.msk.s32 $0xffff, v17;
	_ =	sdelay $0x2  }
0x3e0: {  	v17, _, _ =	vpop (xrf0)  }
0x3e1: {  	v17 =	vadd.s32 v18, v17  }
0x3e2: {  	v17 =	vbroadcast v17, $0xF  }
0x3e3: {  	v18, _, _ =	vpop (xrf0)  }
0x3e4: {  	v17 =	vadd.s32 v17, v18  }
0x3e5: {  	s15 =	simm.s32 $0x0;
	vm0 =	vgt.s32 v17, $0x7F  }
0x3e6: {  	v21 =	vld [tilespmem:s15+$0x8000];
	v17 =	vmctz.xlane vm0;
	_ =	sdelay $0x1  }
0x3e7: {  	v17 =	vshll.u32 v17, $0x13  }
0x3e8: {  	v16 =	vsub.s32 v16, v17  }
0x3e9: {  	v20 =	vld [tilespmem:s15+$0x8010];
	v17 =	vadd.s32 $0x800000, v16  }
0x3ea: {  	v18 =	vld [tilespmem:s15+$0x8030];
	vm0 =	vge.s32 v21, v17  }
0x3eb: {  	v23 =	vnsel vm0, $0x0, v21;
	v21 =	vld [tilespmem:s15+$0x8020];
	_ =	sdelay $0x1  }
0x3ec: {  	v19 =	vimm.f32 $0.0e+00  }
0x3ed: {  	v22 =	vimm.s32 $0x0;
	s14 =	simm.s32 $0x100;
	s16 =	simm.s32 $0x200;
	vm1 =	vge.s32 v20, v17;
	s15 =	simm.s32 $0x40;
	v23 =	vadd.f32 v23, v19  }
.LBB2_30:
0x3ee: {  	p0 =	sne.s32 s16, $0x3F00;
	v24 =	vld [tilespmem:s15+$0x8000];
	v20 =	vnsel vm1, $0x0, v20;
	vm3 =	vge.s32 v18, v17;
	v25 =	vmov v18  }
0x3ef: {  	v18 =	vsel vm0, $0x1, v2;
	v23 =	vadd.f32 v20, v23;
	vm0 =	vge.s32 v21, v17  }
0x3f0: {  	v26 =	vsel vm1, $0x1, v2;
	v22 =	vadd.s32 v18, v22;
	v20 =	vld [tilespmem:s15+$0x8010];
	v21 =	vnsel vm0, $0x0, v21  }
.Ltmp14:
0x3f1: {  	v22 =	vadd.s32 v26, v22;
	v26 =	vsel vm0, $0x1, v2;
	v18 =	vld [tilespmem:s15+$0x8030];
	v23 =	vadd.f32 v21, v23;
	(pc) =	sbr.rel @p0 .LBB2_30-.Ltmp14, $4  }
0x3f2: {  	v25 =	vnsel vm3, $0x0, v25;
	v22 =	vadd.s32 v26, v22;
	v26 =	vsel vm3, $0x1, v2;
	v21 =	vld [tilespmem:s15+$0x8020]  }
0x3f3: {  	v22 =	vadd.s32 v26, v22;
	vm0 =	vge.s32 v24, v17;
	v23 =	vadd.f32 v25, v23  }
0x3f4: {  	v24 =	vnsel vm0, $0x0, v24  }
0x3f5: {  	s15 =	sshra.s32 s16, $0x2;
	s16 =	sadd.s32 $0x100, s16;
	v23 =	vadd.f32 v24, v23;
	vm1 =	vge.s32 v20, v17  }
0x3f6: {  	p0 =	por $0x0, $0x0;
	s16 =	simm.s32 $0x1  }
0x3f7: {  	s16 =	simm.s32 @!p0 $0x0  }
0x3f8: {  	v20 =	vnsel vm1, $0x0, v20;
	s16 =	sshll.u32 s16, $0x6  }
0x3f9: {  	v24 =	vld [tilespmem:s15+$0x8000];
	v20 =	vadd.f32 v20, v23;
	vm3 =	vge.s32 v21, v17;
	s16 =	sadd.s32 $0x0, s16  }
0x3fa: {  	v26 =	vld [tilespmem:s15+$0x8010];
	v21 =	vnsel vm3, $0x0, v21;
	s18 =	sor.u32 $0x180, s16  }
0x3fb: {  	v25 =	vsel vm0, $0x1, v2;
	vm0 =	vge.s32 v18, v17;
	v20 =	vadd.f32 v21, v20;
	v23 =	vld [tilespmem:s18+$0x0]  }
0x3fc: {  	v27 =	vld [tilespmem:s15+$0x8030];
	v18 =	vnsel vm0, $0x0, v18;
	s30 =	sor.u32 $0x190, s16  }
0x3fd: {  	v22 =	vadd.s32 v25, v22;
	v25 =	vsel vm1, $0x1, v2;
	v18 =	vadd.f32 v18, v20;
	v20 =	vld [tilespmem:s30+$0x0]  }
0x3fe: {  	v21 =	vadd.s32 v25, v22;
	v22 =	vld [tilespmem:s15+$0x8020];
	v25 =	vsel vm3, $0x1, v2;
	s17 =	sor.u32 $0x1A0, s16;
	vm1 =	vge.s32 v24, v17  }
0x3ff: {  	s19 =	simm.s32 $0x1;
	p0 =	por !p0, !p0;
	v28 =	vsel vm0, $0x1, v2;
	v21 =	vadd.s32 v25, v21;
	s21 =	sor.u32 $0x1B0, s16;
	v25 =	vld [tilespmem:s17+$0x0];
	v24 =	vnsel vm1, $0x0, v24  }
0x400: {  	s19 =	simm.s32 @!p0 $0x0;
	vm0 =	vge.s32 v26, v17;
	v18 =	vadd.f32 v24, v18;
	v24 =	vld [tilespmem:s21+$0x0];
	v23 =	vmul.f32 $1.442695020e+00, v23  }
0x401: {  	s31 =	sshll.u32 s19, $0x6;
	v21 =	vadd.s32 v28, v21;
	vm3 =	vge.s32 v27, v17;
	v26 =	vnsel vm0, $0x0, v26  }
0x402: {  	s16 =	sadd.s32 $0x100, s31;
	v63 =	vld [tilespmem:s17+$0x4000];
	v20 =	vmul.f32 $1.442695020e+00, v20;
	(erf) = vpow2.f32 v23;
	v23 =	vsel vm1, $0x1, v2  }
0x403: {  	s15 =	sor.u32 $0x180, s16;
	v30 =	vld [tilespmem:s18+$0x4000];
	v18 =	vadd.f32 v26, v18;
	vm1 =	vge.s32 v22, v17;
	v17 =	vadd.s32 v23, v21  }
0x404: {  	v29 =	vld [tilespmem:s15+$0x0];
	v21 =	vsel vm0, $0x1, v2;
	v23 =	vmul.f32 $1.442695020e+00, v25;
	(erf) = vpow2.f32 v20  }
0x405: {  	s17 =	sor.u32 $0x190, s16;
	v26 =	vld [tilespmem:s30+$0x4000];
	v22 =	vnsel vm1, $0x0, v22;
	v20 =	vmul.f32 $1.442695020e+00, v24;
	v17 =	vadd.s32 v21, v17  }
0x406: {  	v21 =	vld [tilespmem:s17+$0x0];
	v18 =	vadd.f32 v22, v18;
	v22 =	vsel vm1, $0x1, v2;
	(erf) = vpow2.f32 v23  }
0x407: {  	s18 =	sor.u32 $0x1A0, s16;
	v22 =	vadd.s32 v22, v17;
	v17 =	vnsel vm3, $0x0, v27;
	v23 =	vsel vm3, $0x1, v2  }
0x408: {  	v17 =	vadd.f32 v17, v18;
	v18 =	vadd.s32 v23, v22;
	v23 =	vld [tilespmem:s18+$0x0];
	(erf) = vpow2.f32 v20  }
0x409: {  	s16 =	sor.u32 $0x1B0, s16  }
0x40a: {  	s20 =	simm.s32 $0x1;
	p0 =	por !p0, !p0;
	vm11 =	veq.s32 v63, $0x1;
	vm13 =	veq.s32 v30, $0x1;
	v25 =	vmul.f32 $1.442695020e+00, v29;
	v22 =	vld [tilespmem:s16+$0x0]  }
0x40b: {  	s20 =	simm.s32 @!p0 $0x0;
	s19 =	simm.s32 $0xC0;
	vm12 =	veq.s32 v26, $0x1;
	v20 =	vimm.f32 $0.0e+00;
	v24 =	vmul.f32 $1.442695020e+00, v21;
	v21 =	vld [tilespmem:s21+$0x4000];
	v26 =	vpop (erf)  }
.LBB2_32:
0x40c: {  	p1 =	sne.s32 s19, $0xFC0;
	s20 =	sshll.u32 s20, $0x6;
	v27 =	vld [tilespmem:s18+$0x4000];
	s14 =	sadd.s32 $0x100, s14;
	(erf) = vpow2.f32 v25;
	v29 =	vsel vm13, $0x0, v26;
	v26 =	vsel vm13, $0x3F800000, v1  }
0x40d: {  	s20 =	sadd.s32 s20, s14;
	v28 =	vld [tilespmem:s17+$0x4000];
	v23 =	vmul.f32 $1.442695020e+00, v23;
	v19 =	vadd.f32 v29, v19;
	v20 =	vadd.f32 v26, v20;
	v25 =	vpop (erf)  }
0x40e: {  	v26 =	vld [tilespmem:s15+$0x4000];
	s15 =	sor.u32 $0x180, s20;
	(erf) = vpow2.f32 v24;
	v30 =	vsel vm12, $0x0, v25;
	v25 =	vsel vm12, $0x3F800000, v1  }
0x40f: {  	s17 =	sor.u32 $0x190, s20;
	v29 =	vld [tilespmem:s15+$0x0];
	v22 =	vmul.f32 $1.442695020e+00, v22;
	v19 =	vadd.f32 v30, v19;
	v20 =	vadd.f32 v25, v20;
	v24 =	vpop (erf)  }
0x410: {  	v30 =	vld [tilespmem:s17+$0x0];
	(erf) = vpow2.f32 v23;
	v23 =	vsel vm11, $0x0, v24;
	v24 =	vsel vm11, $0x3F800000, v1  }
.Ltmp15:
0x411: {  	s18 =	sor.u32 $0x1A0, s20;
	vm0 =	veq.s32 v21, $0x1;
	v19 =	vadd.f32 v23, v19;
	v20 =	vadd.f32 v24, v20;
	v21 =	vpop (erf);
	(pc) =	sbr.rel @p1 .LBB2_32-.Ltmp15, $4  }
0x412: {  	v23 =	vld [tilespmem:s18+$0x0];
	(erf) = vpow2.f32 v22;
	v21 =	vsel vm0, $0x0, v21;
	v22 =	vsel vm0, $0x3F800000, v1  }
0x413: {  	s21 =	sor.u32 $0x1B0, s20;
	v19 =	vadd.f32 v21, v19;
	v20 =	vadd.f32 v22, v20  }
0x414: {  	p0 =	por !p0, !p0;
	s20 =	simm.s32 $0x1;
	vm11 =	veq.s32 v27, $0x1;
	v25 =	vmul.f32 $1.442695020e+00, v29;
	v22 =	vld [tilespmem:s21+$0x0]  }
0x415: {  	s19 =	sadd.s32 $0x40, s19;
	s20 =	simm.s32 @!p0 $0x0;
	vm12 =	veq.s32 v28, $0x1;
	vm13 =	veq.s32 v26, $0x1;
	v24 =	vmul.f32 $1.442695020e+00, v30;
	v21 =	vld [tilespmem:s16+$0x4000];
	v26 =	vpop (erf);
	s16 =	smov.u32 s21  }
0x416: {  	_ = 	snop  }
0x417: {  	(erf) = vpow2.f32 v25;
	v23 =	vmul.f32 $1.442695020e+00, v23;
	_ =	sdelay $0x1  }
0x418: {  	v26 =	vsel vm13, $0x0, v26  }
0x419: {  	s19 =	sshll.u32 s20, $0x6;
	s14 =	sadd.s32 $0x100, s14;
	(erf) = vpow2.f32 v24;
	v19 =	vadd.f32 v26, v19;
	v52 =	vpop (erf)  }
0x41a: {  	v27 =	vld [tilespmem:s15+$0x4000];
	s14 =	sadd.s32 s19, s14;
	v24 =	vsel vm12, $0x0, v52;
	(erf) = vpow2.f32 v23;
	v23 =	vpop (erf)  }
0x41b: {  	s19 =	sor.u32 $0x180, s14;
	v19 =	vadd.f32 v24, v19;
	vm14 =	veq.s32 v21, $0x1;
	v21 =	vpop (erf)  }
0x41c: {  	v51 =	vld [tilespmem:s19+$0x0];
	v23 =	vsel vm11, $0x0, v23;
	v21 =	vsel vm14, $0x0, v21  }
0x41d: {  	v28 =	vld [tilespmem:s17+$0x4000];
	s29 =	sor.u32 $0x190, s14;
	v22 =	vmul.f32 $1.442695020e+00, v22;
	v19 =	vadd.f32 v23, v19  }
0x41e: {  	s30 =	sor.u32 $0x1A0, s14;
	s14 =	sor.u32 $0x1B0, s14;
	v53 =	vld [tilespmem:s29+$0x0]  }
0x41f: {  	(erf) = vpow2.f32 v22;
	vm15 =	veq.s32 v27, $0x1;
	v23 =	vld [tilespmem:s14+$0x0];
	v19 =	vadd.f32 v21, v19;
	v21 =	vpop (erf)  }
0x420: {  	v54 =	vld [tilespmem:s30+$0x0];
	v21 =	vsel vm15, $0x0, v21  }
0x421: {  	v22 =	vmul.f32 $1.442695020e+00, v51  }
0x422: {  	v55 =	vld [tilespmem:s18+$0x4000]  }
0x423: {  	vm10 =	veq.s32 v28, $0x1;
	(erf) = vpow2.f32 v22;
	v22 =	vld [tilespmem:s16+$0x4000];
	v19 =	vadd.f32 v21, v19;
	v21 =	vpop (erf)  }
0x424: {  	v26 =	vmul.f32 $1.442695020e+00, v53;
	v23 =	vmul.f32 $1.442695020e+00, v23;
	v21 =	vsel vm10, $0x0, v21  }
0x425: {  	v24 =	vmul.f32 $1.442695020e+00, v54  }
0x426: {  	(erf) = vpow2.f32 v26  }
0x427: {  	v56 =	vld [tilespmem:s19+$0x4000];
	(erf) = vpow2.f32 v24;
	v19 =	vadd.f32 v21, v19;
	v21 =	vpop (erf)  }
0x428: {  	vm6 =	veq.s32 v55, $0x1;
	vm0 =	veq.s32 v22, $0x1;
	(erf) = vpow2.f32 v23;
	v23 =	vpop (erf)  }
0x429: {  	v21 =	vsel vm6, $0x0, v21;
	v22 =	vsel vm0, $0x0, v23  }
0x42a: {  	v19 =	vadd.f32 v21, v19  }
0x42b: {  	v57 =	vld [tilespmem:s29+$0x4000]  }
0x42c: {  	vm3 =	veq.s32 v56, $0x1;
	v21 =	vld [tilespmem:s30+$0x4000];
	v19 =	vadd.f32 v22, v19;
	v22 =	vpop (erf)  }
0x42d: {  	v22 =	vsel vm3, $0x0, v22;
	_ =	sdelay $0x2  }
0x42e: {  	v23 =	vld [tilespmem:s14+$0x4000];
	v19 =	vadd.f32 v22, v19;
	v22 =	vpop (erf)  }
0x42f: {  	vm4 =	veq.s32 v57, $0x1;
	vm7 =	veq.s32 v21, $0x1;
	v21 =	vpop (erf)  }
0x430: {  	v22 =	vsel vm4, $0x0, v22;
	v21 =	vsel vm7, $0x0, v21  }
0x431: {  	v19 =	vadd.f32 v22, v19;
	_ =	sdelay $0x1  }
0x432: {  	vm1 =	veq.s32 v23, $0x1;
	v19 =	vadd.f32 v21, v19;
	v21 =	vpop (erf)  }
0x433: {  	v21 =	vsel vm1, $0x0, v21  }
0x434: {  	v19 =	vadd.f32 v21, v19;
	_ =	sdelay $0x1  }
0x435: {  	(xrf2) =	vadd.scan.msk.f32 $0xffff, v19;
	_ =	sdelay $0x9  }
0x436: {  	v19, _, _ =	vpop (xrf2)  }
0x437: {  	(v2sf) =	vpush v19, $0xF;
	_ =	sdelay $0xe  }
0x438: {  	s31 =	spop (v2sf)  }
0x439: {  	s14 =	smax.f32 s31, $1.000000000e-30  }
0x43a: {  	v19 =	vmov s14  }
0x43b: {  	v19 =	vbroadcast v19, $0x0;
	_ =	sdelay $0x1  }
0x43c: {  	v21 =	vand.u32 $0x7FFFFF, v19  }
0x43d: {  	v21 =	vor.u32 $0x3F800000, v21  }
0x43e: {  	v22 =	vadd.f32 $1.000000000e+00, v21;
	_ =	sdelay $0x1  }
0x43f: {  	(erf) = vrcp.f32 v22;
	_ =	sdelay $0x7  }
0x440: {  	v21 =	vadd.f32 $-1.000000000e+00, v21  }
0x441: {  	v22 =	vsel vm13, $0x3F800000, v1;
	v23 =	vpop (erf)  }
0x442: {  	v20 =	vadd.f32 v22, v20;
	v21 =	vmul.f32 v23, v21  }
0x443: {  	v22 =	vsel vm12, $0x3F800000, v1  }
0x444: {  	v20 =	vadd.f32 v22, v20;
	v22 =	vmul.f32 v21, v21  }
0x445: {  	v23 =	vsel vm11, $0x3F800000, v1  }
0x446: {  	v20 =	vadd.f32 v23, v20;
	v23 =	vmul.f32 $2.222222240e-01, v22  }
0x447: {  	v58 =	vsel vm14, $0x3F800000, v1  }
0x448: {  	v20 =	vadd.f32 v58, v20;
	v23 =	vadd.f32 $2.857142980e-01, v23  }
0x449: {  	v59 =	vsel vm15, $0x3F800000, v1  }
0x44a: {  	v20 =	vadd.f32 v59, v20;
	v23 =	vmul.f32 v23, v22  }
0x44b: {  	v60 =	vsel vm10, $0x3F800000, v1  }
0x44c: {  	v20 =	vadd.f32 v60, v20;
	v23 =	vadd.f32 $4.000000060e-01, v23  }
0x44d: {  	v61 =	vsel vm6, $0x3F800000, v1  }
0x44e: {  	v20 =	vadd.f32 v61, v20;
	v23 =	vmul.f32 v23, v22  }
0x44f: {  	v62 =	vsel vm0, $0x3F800000, v1  }
0x450: {  	v20 =	vadd.f32 v62, v20;
	v23 =	vadd.f32 $6.666666860e-01, v23  }
0x451: {  	v63 =	vsel vm3, $0x3F800000, v1  }
0x452: {  	v19 =	vshra.s32 v19, $0x17;
	v20 =	vadd.f32 v63, v20;
	v22 =	vmul.f32 v23, v22  }
0x453: {  	v19 =	vadd.s32 $0xFFFFFF81, v19;
	v23 =	vsel vm4, $0x3F800000, v1  }
0x454: {  	v19 =	vcvt.s32.f32 v19;
	v20 =	vadd.f32 v23, v20;
	v22 =	vadd.f32 $2.000000000e+00, v22  }
0x455: {  	v23 =	vsel vm7, $0x3F800000, v1  }
0x456: {  	v20 =	vadd.f32 v23, v20;
	v23 =	vmul.f32 $6.931471820e-01, v19;
	v21 =	vmul.f32 v22, v21  }
0x457: {  	[tilespmem:$0x9000] =	vst v2;
	v19 =	vsel vm1, $0x3F800000, v1  }
0x458: {  	p0 =	por $0x0, $0x0;
	s15 =	simm.s32 $0x0;
	[tilespmem:$0x9010] =	vst v2;
	s14 =	simm.s32 $0x0;
	v19 =	vadd.f32 v19, v20;
	v20 =	vimm.f32 $0.0e+00;
	v21 =	vadd.f32 v21, v23  }
.LBB2_34:
0x459: {  	s16 =	simm.s32 $0x1  }
0x45a: {  	s16 =	simm.s32 @!p0 $0x0  }
0x45b: {  	s16 =	sshll.u32 s16, $0x6  }
0x45c: {  	s17 =	sadd.s32 s16, s15  }
0x45d: {  	s16 =	sor.u32 $0x180, s17  }
0x45e: {  	v22 =	vld [tilespmem:s16+$0x0];
	_ =	sdelay $0x4  }
0x45f: {  	v23 =	vand.u32 $0x7FFFFFFF, v22  }
0x460: {  	v23 =	vsub.f32 $0.0e+00, v23;
	_ =	sdelay $0x1  }
0x461: {  	v23 =	vmul.f32 $1.442695020e+00, v23;
	_ =	sdelay $0x1  }
0x462: {  	(erf) = vpow2.f32 v23;
	_ =	sdelay $0x8  }
0x463: {  	v23 =	vpop (erf)  }
0x464: {  	v24 =	vmul.f32 v23, v23;
	v25 =	vmul.f32 $2.164085810e-01, v23;
	_ =	sdelay $0x1  }
0x465: {  	v26 =	vld [tilespmem:s16+$0x4000];
	v25 =	vadd.f32 $-4.640707080e-01, v25;
	v27 =	vmul.f32 $5.486230920e-02, v24;
	_ =	sdelay $0x1  }
0x466: {  	v23 =	vmul.f32 $9.954266540e-01, v23;
	v25 =	vsub.f32 v25, v27;
	_ =	sdelay $0x1  }
0x467: {  	v48 =	vsub.f32 $0.0e+00, v22;
	v23 =	vadd.f32 $1.415801670e-04, v23;
	v24 =	vmul.f32 v25, v24  }
0x468: {  	vm11 =	veq.s32 v26, $0x1  }
0x469: {  	v49 =	vsel vm11, v48, v22;
	v23 =	vadd.f32 v24, v23  }
0x46a: {  	v50 =	vmax.f32 v49, $0.0e+00  }
0x46b: {  	v23 =	vadd.f32 v23, v50;
	_ =	sdelay $0x1  }
0x46c: {  	v24 =	vshra.s32 v23, $0x1B  }
0x46d: {  	(xrf1) =	vunique.msk.u32 $0xffff, v24;
	_ =	sdelay $0xd  }
0x46e: {  	_, v51, vm0 =	vpop (xrf1);
	_ =	sdelay $0x3  }
0x46f: {  	s29 =	sshra.s32 s15, $0x2  }
0x470: {  	s30 =	sadd.s32 $0x10, s17;
	[tilespmem:s29+$0x8000] =	vst v23  }
0x471: {  	s16 =	sor.u32 $0x180, s30;
	[tilespmem:v24+s11+$0x0] =	vst.idx.add.s32.msk vm0, v51  }
0x472: {  	v22 =	vsub.f32 v21, v22;
	v23 =	vld [tilespmem:s16+$0x0];
	_ =	sdelay $0x1  }
0x473: {  	v22 =	vmax.f32 v22, $-8.000000000e+01  }
0x474: {  	v52 =	vmin.f32 v22, $8.000000000e+01  }
0x475: {  	v24 =	vand.u32 $0x7FFFFFFF, v52  }
0x476: {  	v24 =	vsub.f32 $0.0e+00, v24;
	v53 =	vand.u32 $0x7FFFFFFF, v23  }
0x477: {  	v25 =	vsub.f32 $0.0e+00, v53  }
0x478: {  	v24 =	vmul.f32 $1.442695020e+00, v24  }
0x479: {  	v25 =	vmul.f32 $1.442695020e+00, v25  }
0x47a: {  	(erf) = vpow2.f32 v24  }
0x47b: {  	(erf) = vpow2.f32 v25;
	_ =	sdelay $0x7  }
0x47c: {  	v24 =	vpop (erf)  }
0x47d: {  	v25 =	vpop (erf)  }
0x47e: {  	v54 =	vmul.f32 v25, v25;
	v55 =	vmul.f32 $2.164085810e-01, v25;
	_ =	sdelay $0x1  }
0x47f: {  	v28 =	vld [tilespmem:s16+$0x4000];
	v27 =	vadd.f32 $-4.640707080e-01, v55;
	v29 =	vmul.f32 $5.486230920e-02, v54;
	_ =	sdelay $0x1  }
0x480: {  	v25 =	vmul.f32 $9.954266540e-01, v25;
	v27 =	vsub.f32 v27, v29;
	_ =	sdelay $0x1  }
0x481: {  	v56 =	vsub.f32 $0.0e+00, v23;
	v25 =	vadd.f32 $1.415801670e-04, v25;
	v26 =	vmul.f32 v27, v54  }
0x482: {  	vm12 =	veq.s32 v28, $0x1  }
0x483: {  	v57 =	vsel vm12, v56, v23;
	v25 =	vadd.f32 v26, v25  }
0x484: {  	v58 =	vmax.f32 v57, $0.0e+00  }
0x485: {  	v25 =	vadd.f32 v25, v58;
	_ =	sdelay $0x1  }
0x486: {  	v26 =	vshra.s32 v25, $0x1B  }
0x487: {  	(xrf1) =	vunique.msk.u32 $0xffff, v26;
	_ =	sdelay $0xd  }
0x488: {  	_, v59, vm0 =	vpop (xrf1);
	_ =	sdelay $0x3  }
0x489: {  	s31 =	sand.u32 $0xFC0, s14  }
0x48a: {  	s18 =	sadd.s32 $0x20, s17;
	[tilespmem:s31+$0x8010] =	vst v25  }
0x48b: {  	s18 =	sor.u32 $0x180, s18;
	[tilespmem:v26+s11+$0x0] =	vst.idx.add.s32.msk vm0, v59  }
0x48c: {  	v23 =	vsub.f32 v21, v23;
	v25 =	vld [tilespmem:s18+$0x0];
	_ =	sdelay $0x1  }
0x48d: {  	v23 =	vmax.f32 v23, $-8.000000000e+01  }
0x48e: {  	v60 =	vmin.f32 v23, $8.000000000e+01  }
0x48f: {  	v26 =	vand.u32 $0x7FFFFFFF, v60  }
0x490: {  	v26 =	vsub.f32 $0.0e+00, v26;
	v61 =	vand.u32 $0x7FFFFFFF, v25  }
0x491: {  	v27 =	vsub.f32 $0.0e+00, v61  }
0x492: {  	v26 =	vmul.f32 $1.442695020e+00, v26  }
0x493: {  	v27 =	vmul.f32 $1.442695020e+00, v27  }
0x494: {  	(erf) = vpow2.f32 v26  }
0x495: {  	(erf) = vpow2.f32 v27;
	_ =	sdelay $0x7  }
0x496: {  	v26 =	vpop (erf)  }
0x497: {  	v27 =	vpop (erf)  }
0x498: {  	v62 =	vmul.f32 v27, v27;
	v63 =	vmul.f32 $2.164085810e-01, v27;
	_ =	sdelay $0x1  }
0x499: {  	v30 =	vld [tilespmem:s18+$0x4000];
	v29 =	vadd.f32 $-4.640707080e-01, v63;
	v31 =	vmul.f32 $5.486230920e-02, v62;
	_ =	sdelay $0x1  }
0x49a: {  	v27 =	vmul.f32 $9.954266540e-01, v27;
	v29 =	vsub.f32 v29, v31;
	_ =	sdelay $0x1  }
0x49b: {  	v33 =	vsub.f32 $0.0e+00, v25;
	v27 =	vadd.f32 $1.415801670e-04, v27;
	v28 =	vmul.f32 v29, v62  }
0x49c: {  	vm13 =	veq.s32 v30, $0x1  }
0x49d: {  	v34 =	vsel vm13, v33, v25;
	v27 =	vadd.f32 v28, v27  }
0x49e: {  	v35 =	vmax.f32 v34, $0.0e+00  }
0x49f: {  	v27 =	vadd.f32 v27, v35;
	_ =	sdelay $0x1  }
0x4a0: {  	v28 =	vshra.s32 v27, $0x1B  }
0x4a1: {  	(xrf1) =	vunique.msk.u32 $0xffff, v28;
	_ =	sdelay $0xd  }
0x4a2: {  	_, v36, vm0 =	vpop (xrf1);
	_ =	sdelay $0x4  }
0x4a3: {  	s17 =	sadd.s32 $0x30, s17;
	[tilespmem:s31+$0x8020] =	vst v27  }
0x4a4: {  	s17 =	sor.u32 $0x180, s17;
	[tilespmem:v28+s11+$0x0] =	vst.idx.add.s32.msk vm0, v36  }
0x4a5: {  	v25 =	vsub.f32 v21, v25;
	v27 =	vld [tilespmem:s17+$0x0];
	_ =	sdelay $0x1  }
0x4a6: {  	v25 =	vmax.f32 v25, $-8.000000000e+01  }
0x4a7: {  	v37 =	vmin.f32 v25, $8.000000000e+01  }
0x4a8: {  	v28 =	vand.u32 $0x7FFFFFFF, v37  }
0x4a9: {  	v28 =	vsub.f32 $0.0e+00, v28;
	v38 =	vand.u32 $0x7FFFFFFF, v27  }
0x4aa: {  	v29 =	vsub.f32 $0.0e+00, v38  }
0x4ab: {  	v28 =	vmul.f32 $1.442695020e+00, v28  }
0x4ac: {  	v29 =	vmul.f32 $1.442695020e+00, v29  }
0x4ad: {  	(erf) = vpow2.f32 v28  }
0x4ae: {  	(erf) = vpow2.f32 v29;
	_ =	sdelay $0x7  }
0x4af: {  	v28 =	vpop (erf)  }
0x4b0: {  	v29 =	vpop (erf)  }
0x4b1: {  	v39 =	vmul.f32 v29, v29;
	v40 =	vmul.f32 $2.164085810e-01, v29  }
0x4b2: {  	v32 =	vsub.f32 v21, v27  }
0x4b3: {  	v33 =	vld [tilespmem:s17+$0x4000];
	v31 =	vadd.f32 $-4.640707080e-01, v40;
	v34 =	vmul.f32 $5.486230920e-02, v39  }
0x4b4: {  	v32 =	vmax.f32 v32, $-8.000000000e+01  }
0x4b5: {  	v41 =	vmin.f32 v32, $8.000000000e+01;
	v29 =	vmul.f32 $9.954266540e-01, v29;
	v31 =	vsub.f32 v31, v34  }
0x4b6: {  	v35 =	vsub.f32 $0.0e+00, v27;
	v34 =	vand.u32 $0x7FFFFFFF, v41  }
0x4b7: {  	v29 =	vadd.f32 $1.415801670e-04, v29;
	v42 =	vsub.f32 $0.0e+00, v34;
	v30 =	vmul.f32 v31, v39  }
0x4b8: {  	vm10 =	veq.s32 v33, $0x1  }
0x4b9: {  	v27 =	vsel vm10, v35, v27;
	v43 =	vmul.f32 $1.442695020e+00, v42;
	v29 =	vadd.f32 v30, v29  }
0x4ba: {  	v27 =	vmax.f32 v27, $0.0e+00  }
0x4bb: {  	(erf) = vpow2.f32 v43;
	v27 =	vadd.f32 v29, v27;
	_ =	sdelay $0x1  }
0x4bc: {  	v22 =	vclamp.gez.f32 v22, $8.000000000e+01;
	v47 =	vshra.s32 v27, $0x1B  }
0x4bd: {  	v44 =	vmul.f32 v24, v24;
	v45 =	vmul.f32 $2.164085810e-01, v24;
	(xrf1) =	vunique.msk.u32 $0xffff, v47  }
0x4be: {  	v23 =	vclamp.gez.f32 v23, $8.000000000e+01;
	v49 =	vmul.f32 $2.164085810e-01, v26  }
0x4bf: {  	v46 =	vmul.f32 $5.486230920e-02, v44;
	v48 =	vmul.f32 v26, v26;
	v29 =	vadd.f32 $-4.640707080e-01, v45  }
0x4c0: {  	v24 =	vmul.f32 $9.954266540e-01, v24;
	v50 =	vadd.f32 $-4.640707080e-01, v49;
	v37 =	vmul.f32 $2.164085810e-01, v28  }
0x4c1: {  	v51 =	vmul.f32 $5.486230920e-02, v48;
	v36 =	vmul.f32 v28, v28;
	v29 =	vsub.f32 v29, v46  }
0x4c2: {  	v24 =	vadd.f32 $1.415801670e-04, v24;
	v26 =	vmul.f32 $9.954266540e-01, v26;
	v52 =	vadd.f32 $-4.640707080e-01, v37  }
0x4c3: {  	v53 =	vmul.f32 $5.486230920e-02, v36;
	v30 =	vsub.f32 v50, v51;
	v29 =	vmul.f32 v29, v44;
	v55 =	vpop (erf)  }
0x4c4: {  	v26 =	vadd.f32 $1.415801670e-04, v26;
	v56 =	vmul.f32 v55, v55;
	v57 =	vmul.f32 $2.164085810e-01, v55  }
0x4c5: {  	v28 =	vmul.f32 $9.954266540e-01, v28;
	v31 =	vsub.f32 v52, v53;
	v54 =	vmul.f32 v30, v48  }
0x4c6: {  	v24 =	vadd.f32 v29, v24;
	v58 =	vadd.f32 $-4.640707080e-01, v57;
	v59 =	vmul.f32 $5.486230920e-02, v56  }
0x4c7: {  	v28 =	vadd.f32 $1.415801670e-04, v28;
	v60 =	vmul.f32 v31, v36;
	v26 =	vadd.f32 v54, v26  }
0x4c8: {  	v22 =	vadd.f32 v24, v22;
	v30 =	vmul.f32 $9.954266540e-01, v55;
	v24 =	vsub.f32 v58, v59  }
0x4c9: {  	v61 =	vadd.f32 v60, v28;
	v23 =	vadd.f32 v26, v23  }
0x4ca: {  	v22 =	vnsel vm11, $0x0, v22;
	v62 =	vadd.f32 $1.415801670e-04, v30;
	v24 =	vmul.f32 v24, v56  }
0x4cb: {  	v20 =	vadd.f32 v22, v20;
	v22 =	vclamp.gez.f32 v25, $8.000000000e+01;
	_, v63, vm0 =	vpop (xrf1)  }
0x4cc: {  	p1 =	sne.s32 s15, $0x3F00;
	v23 =	vnsel vm12, $0x0, v23;
	v22 =	vadd.f32 v61, v22;
	v24 =	vadd.f32 v24, v62  }
.Ltmp16:
0x4cd: {  	v20 =	vadd.f32 v23, v20;
	v23 =	vclamp.gez.f32 v32, $8.000000000e+01;
	(pc) =	sbr.rel @p1 .LBB2_34-.Ltmp16, $4  }
0x4ce: {  	v22 =	vnsel vm13, $0x0, v22;
	v23 =	vadd.f32 v24, v23  }
0x4cf: {  	v20 =	vadd.f32 v22, v20  }
0x4d0: {  	[tilespmem:s31+$0x8030] =	vst v27;
	v22 =	vnsel vm10, $0x0, v23  }
0x4d1: {  	s14 =	sadd.s32 $0x40, s14;
	p0 =	por !p0, !p0;
	s15 =	sadd.s32 $0x100, s15;
	v20 =	vadd.f32 v22, v20;
	[tilespmem:v47+s11+$0x0] =	vst.idx.add.s32.msk vm0, v63  }
0x4d2: {  	v23 =	vld [tilespmem:$0x9000];
	_ =	sdelay $0x4  }
0x4d3: {  	v21 =	vperm.xlane v23, v3;
	_ =	sdelay $0x1  }
0x4d4: {  	(xrf0) =	vadd.scan.msk.s32 $0xffff, v21;
	_ =	sdelay $0x5  }
0x4d5: {  	v21, _, _ =	vpop (xrf0)  }
0x4d6: {  	vm0 =	vgt.s32 v21, $0x7F  }
0x4d7: {  	v21 =	vmctz.xlane vm0;
	_ =	sdelay $0x1  }
0x4d8: {  	v24 =	vsub.s32 $0xF, v21  }
0x4d9: {  	[tilespmem:$0x9000] =	vst v2;
	v21 =	vshll.u32 v24, $0x1B  }
0x4da: {  	[tilespmem:$0x9010] =	vst v2;
	s14 =	simm.s32 $0x0;
	v22 =	vadd.s32 $0x8000000, v21  }
.LBB2_36:
0x4db: {  	s15 =	sshra.s32 s14, $0x2  }
0x4dc: {  	v25 =	vld [tilespmem:s15+$0x8000];
	_ =	sdelay $0x4  }
0x4dd: {  	vm0 =	vge.s32 v25, v21;
	vm1 =	vlt.s32 v25, v22;
	v25 =	vshrl.u32 v25, $0x17  }
0x4de: {  	vm0 =	vmand vm0, vm1;
	v25 =	vand.u32 $0xF, v25  }
0x4df: {  	v25 =	vnsel vm0, $0x10, v25  }
0x4e0: {  	(xrf1) =	vunique.msk.u32 $0xffff, v25;
	_ =	sdelay $0xd  }
0x4e1: {  	_, v26, vm0 =	vpop (xrf1);
	_ =	sdelay $0x5  }
0x4e2: {  	[tilespmem:v25+s11+$0x0] =	vst.idx.add.s32.msk vm0, v26  }
0x4e3: {  	v25 =	vld [tilespmem:s15+$0x8010];
	_ =	sdelay $0x4  }
0x4e4: {  	vm0 =	vge.s32 v25, v21;
	vm1 =	vlt.s32 v25, v22;
	v25 =	vshrl.u32 v25, $0x17  }
0x4e5: {  	vm0 =	vmand vm0, vm1;
	v25 =	vand.u32 $0xF, v25  }
0x4e6: {  	v25 =	vnsel vm0, $0x10, v25  }
0x4e7: {  	(xrf1) =	vunique.msk.u32 $0xffff, v25;
	_ =	sdelay $0xd  }
0x4e8: {  	_, v26, vm0 =	vpop (xrf1);
	_ =	sdelay $0x5  }
0x4e9: {  	[tilespmem:v25+s11+$0x0] =	vst.idx.add.s32.msk vm0, v26  }
0x4ea: {  	v25 =	vld [tilespmem:s15+$0x8020];
	_ =	sdelay $0x4  }
0x4eb: {  	vm0 =	vge.s32 v25, v21;
	vm1 =	vlt.s32 v25, v22;
	v25 =	vshrl.u32 v25, $0x17  }
0x4ec: {  	vm0 =	vmand vm0, vm1;
	v25 =	vand.u32 $0xF, v25  }
0x4ed: {  	v25 =	vnsel vm0, $0x10, v25  }
0x4ee: {  	(xrf1) =	vunique.msk.u32 $0xffff, v25;
	_ =	sdelay $0xd  }
0x4ef: {  	_, v26, vm0 =	vpop (xrf1);
	_ =	sdelay $0x5  }
0x4f0: {  	[tilespmem:v25+s11+$0x0] =	vst.idx.add.s32.msk vm0, v26  }
0x4f1: {  	v25 =	vld [tilespmem:s15+$0x8030];
	_ =	sdelay $0x4  }
0x4f2: {  	vm0 =	vge.s32 v25, v21;
	vm1 =	vlt.s32 v25, v22;
	v25 =	vshrl.u32 v25, $0x17  }
0x4f3: {  	vm0 =	vmand vm0, vm1;
	v25 =	vand.u32 $0xF, v25  }
0x4f4: {  	v25 =	vnsel vm0, $0x10, v25  }
0x4f5: {  	(xrf1) =	vunique.msk.u32 $0xffff, v25;
	_ =	sdelay $0xd  }
0x4f6: {  	_, v26, vm0 =	vpop (xrf1)  }
0x4f7: {  	p0 =	sne.s32 s14, $0x3F00  }
.Ltmp17:
0x4f8: {  	_ = 	snop;
	(pc) =	sbr.rel @p0 .LBB2_36-.Ltmp17, $2  }
0x4f9: {  	_ =	sdelay $0x2  }
0x4fa: {  	s14 =	sadd.s32 $0x100, s14;
	[tilespmem:v25+s11+$0x0] =	vst.idx.add.s32.msk vm0, v26  }
0x4fb: {  	v22 =	vld [tilespmem:$0x9000];
	_ =	sdelay $0x2  }
0x4fc: {  	vm0 =	vlt.s32 v24, v0  }
0x4fd: {  	v23 =	vnsel vm0, $0x0, v23  }
0x4fe: {  	(xrf0) =	vadd.scan.msk.s32 $0xffff, v23;
	v23 =	vperm.xlane v22, v3;
	_ =	sdelay $0x1  }
0x4ff: {  	(xrf0) =	vadd.scan.msk.s32 $0xffff, v23;
	_ =	sdelay $0x3  }
0x500: {  	v23, _, _ =	vpop (xrf0)  }
0x501: {  	v24 =	vbroadcast v23, $0xF  }
0x502: {  	v25, _, _ =	vpop (xrf0)  }
0x503: {  	v24 =	vadd.s32 v24, v25  }
0x504: {  	vm0 =	vgt.s32 v24, $0x7F  }
0x505: {  	v24 =	vmctz.xlane vm0;
	_ =	sdelay $0x1  }
0x506: {  	v24 =	vsub.s32 $0xF, v24  }
0x507: {  	v25 =	vshll.u32 v24, $0x17  }
0x508: {  	[tilespmem:$0x9000] =	vst v2;
	v21 =	vadd.s32 v21, v25  }
0x509: {  	[tilespmem:$0x9010] =	vst v2;
	s14 =	simm.s32 $0x0;
	v25 =	vadd.s32 $0x800000, v21  }
.LBB2_38:
0x50a: {  	s15 =	sshra.s32 s14, $0x2  }
0x50b: {  	v26 =	vld [tilespmem:s15+$0x8000];
	_ =	sdelay $0x4  }
0x50c: {  	vm0 =	vge.s32 v26, v21;
	vm1 =	vlt.s32 v26, v25;
	v26 =	vshrl.u32 v26, $0x13  }
0x50d: {  	vm0 =	vmand vm0, vm1;
	v26 =	vand.u32 $0xF, v26  }
0x50e: {  	v26 =	vnsel vm0, $0x10, v26  }
0x50f: {  	(xrf1) =	vunique.msk.u32 $0xffff, v26;
	_ =	sdelay $0xd  }
0x510: {  	_, v27, vm0 =	vpop (xrf1);
	_ =	sdelay $0x5  }
0x511: {  	[tilespmem:v26+s11+$0x0] =	vst.idx.add.s32.msk vm0, v27  }
0x512: {  	v26 =	vld [tilespmem:s15+$0x8010];
	_ =	sdelay $0x4  }
0x513: {  	vm0 =	vge.s32 v26, v21;
	vm1 =	vlt.s32 v26, v25;
	v26 =	vshrl.u32 v26, $0x13  }
0x514: {  	vm0 =	vmand vm0, vm1;
	v26 =	vand.u32 $0xF, v26  }
0x515: {  	v26 =	vnsel vm0, $0x10, v26  }
0x516: {  	(xrf1) =	vunique.msk.u32 $0xffff, v26;
	_ =	sdelay $0xd  }
0x517: {  	_, v27, vm0 =	vpop (xrf1);
	_ =	sdelay $0x5  }
0x518: {  	[tilespmem:v26+s11+$0x0] =	vst.idx.add.s32.msk vm0, v27  }
0x519: {  	v26 =	vld [tilespmem:s15+$0x8020];
	_ =	sdelay $0x4  }
0x51a: {  	vm0 =	vge.s32 v26, v21;
	vm1 =	vlt.s32 v26, v25;
	v26 =	vshrl.u32 v26, $0x13  }
0x51b: {  	vm0 =	vmand vm0, vm1;
	v26 =	vand.u32 $0xF, v26  }
0x51c: {  	v26 =	vnsel vm0, $0x10, v26  }
0x51d: {  	(xrf1) =	vunique.msk.u32 $0xffff, v26;
	_ =	sdelay $0xd  }
0x51e: {  	_, v27, vm0 =	vpop (xrf1);
	_ =	sdelay $0x5  }
0x51f: {  	[tilespmem:v26+s11+$0x0] =	vst.idx.add.s32.msk vm0, v27  }
0x520: {  	v26 =	vld [tilespmem:s15+$0x8030];
	_ =	sdelay $0x4  }
0x521: {  	vm0 =	vge.s32 v26, v21;
	vm1 =	vlt.s32 v26, v25;
	v26 =	vshrl.u32 v26, $0x13  }
0x522: {  	vm0 =	vmand vm0, vm1;
	v26 =	vand.u32 $0xF, v26  }
0x523: {  	v26 =	vnsel vm0, $0x10, v26  }
0x524: {  	(xrf1) =	vunique.msk.u32 $0xffff, v26;
	_ =	sdelay $0xd  }
0x525: {  	_, v27, vm0 =	vpop (xrf1)  }
0x526: {  	p0 =	sne.s32 s14, $0x3F00  }
.Ltmp18:
0x527: {  	_ = 	snop;
	(pc) =	sbr.rel @p0 .LBB2_38-.Ltmp18, $2  }
0x528: {  	_ =	sdelay $0x2  }
0x529: {  	s14 =	sadd.s32 $0x100, s14;
	[tilespmem:v26+s11+$0x0] =	vst.idx.add.s32.msk vm0, v27  }
0x52a: {  	v25 =	vld [tilespmem:$0x9000];
	_ =	sdelay $0x1  }
0x52b: {  	vm0 =	vlt.s32 v24, v0  }
0x52c: {  	v22 =	vnsel vm0, $0x0, v22  }
0x52d: {  	(xrf0) =	vadd.scan.msk.s32 $0xffff, v22  }
0x52e: {  	v22 =	vperm.xlane v25, v3;
	_ =	sdelay $0x1  }
0x52f: {  	(xrf0) =	vadd.scan.msk.s32 $0xffff, v22;
	_ =	sdelay $0x2  }
0x530: {  	v22, _, _ =	vpop (xrf0)  }
0x531: {  	v22 =	vadd.s32 v23, v22  }
0x532: {  	v22 =	vbroadcast v22, $0xF  }
0x533: {  	v23, _, _ =	vpop (xrf0)  }
0x534: {  	v22 =	vadd.s32 v22, v23  }
0x535: {  	s14 =	simm.s32 $0x0;
	vm0 =	vgt.s32 v22, $0x7F  }
0x536: {  	v25 =	vld [tilespmem:s14+$0x8000];
	v22 =	vmctz.xlane vm0;
	_ =	sdelay $0x1  }
0x537: {  	v22 =	vshll.u32 v22, $0x13  }
0x538: {  	v21 =	vsub.s32 v21, v22  }
0x539: {  	v23 =	vld [tilespmem:s14+$0x8010];
	v24 =	vadd.s32 $0x800000, v21  }
0x53a: {  	v22 =	vld [tilespmem:s14+$0x8030];
	vm1 =	vge.s32 v25, v24  }
0x53b: {  	v28 =	vnsel vm1, $0x0, v25;
	v25 =	vld [tilespmem:s14+$0x8020];
	_ =	sdelay $0x1  }
0x53c: {  	v26 =	vimm.f32 $0.0e+00  }
0x53d: {  	v27 =	vimm.s32 $0x0;
	s15 =	simm.s32 $0x200;
	vm0 =	vge.s32 v23, v24;
	s14 =	simm.s32 $0x40;
	v26 =	vadd.f32 v28, v26  }
.LBB2_40:
0x53e: {  	p0 =	sne.s32 s15, $0x3F00;
	v28 =	vld [tilespmem:s14+$0x8000];
	v23 =	vnsel vm0, $0x0, v23;
	vm3 =	vge.s32 v22, v24;
	v29 =	vmov v22  }
0x53f: {  	v22 =	vsel vm1, $0x1, v2;
	v26 =	vadd.f32 v23, v26;
	vm1 =	vge.s32 v25, v24  }
0x540: {  	v30 =	vsel vm0, $0x1, v2;
	v27 =	vadd.s32 v22, v27;
	v23 =	vld [tilespmem:s14+$0x8010];
	v25 =	vnsel vm1, $0x0, v25  }
.Ltmp19:
0x541: {  	v27 =	vadd.s32 v30, v27;
	v30 =	vsel vm1, $0x1, v2;
	v22 =	vld [tilespmem:s14+$0x8030];
	v26 =	vadd.f32 v25, v26;
	(pc) =	sbr.rel @p0 .LBB2_40-.Ltmp19, $4  }
0x542: {  	v29 =	vnsel vm3, $0x0, v29;
	v27 =	vadd.s32 v30, v27;
	v30 =	vsel vm3, $0x1, v2;
	v25 =	vld [tilespmem:s14+$0x8020]  }
0x543: {  	v27 =	vadd.s32 v30, v27;
	vm1 =	vge.s32 v28, v24;
	v26 =	vadd.f32 v29, v26  }
0x544: {  	v28 =	vnsel vm1, $0x0, v28  }
0x545: {  	s14 =	sshra.s32 s15, $0x2;
	s15 =	sadd.s32 $0x100, s15;
	v26 =	vadd.f32 v28, v26;
	vm0 =	vge.s32 v23, v24  }
0x546: {  	(xrf0) =	vadd.scan.msk.s32 $0xffff, v8  }
0x547: {  	v37 =	vld [tilespmem:s14+$0x8000]  }
0x548: {  	v38 =	vsel vm1, $0x1, v2;
	v28 =	vld [tilespmem:s14+$0x8010]  }
0x549: {  	v39 =	vsel vm0, $0x1, v2;
	v29 =	vld [tilespmem:s14+$0x8020];
	(xrf0) =	vadd.scan.msk.s32 $0xffff, v13;
	vm4 =	vge.s32 v25, v24;
	v13 =	vadd.s32 v38, v27  }
0x54a: {  	vm3 =	vge.s32 v22, v24;
	v30 =	vld [tilespmem:s14+$0x8030];
	v13 =	vadd.s32 v39, v13;
	v40 =	vsel vm4, $0x1, v2  }
0x54b: {  	v41 =	vsel vm3, $0x1, v2;
	v13 =	vadd.s32 v40, v13  }
0x54c: {  	v13 =	vadd.s32 v41, v13;
	vm7 =	vge.s32 v37, v24;
	v31, _, _ =	vpop (xrf0)  }
0x54d: {  	vm10 =	vge.s32 v28, v24;
	v42 =	vsel vm7, $0x1, v2;
	(v2sf) =	vpush v31, $0xF  }
0x54e: {  	vm6 =	vge.s32 v29, v24;
	(xrf0) =	vadd.scan.msk.s32 $0xffff, v18;
	v44 =	vsel vm10, $0x1, v2;
	v13 =	vadd.s32 v42, v13  }
0x54f: {  	vm1 =	vge.s32 v30, v24;
	v45 =	vsel vm6, $0x1, v2;
	v43, _, _ =	vpop (xrf0);
	v13 =	vadd.s32 v44, v13  }
0x550: {  	v46 =	vsel vm1, $0x1, v2;
	(v2sf) =	vpush v43, $0xF;
	v13 =	vadd.s32 v45, v13  }
0x551: {  	v13 =	vadd.s32 v46, v13  }
0x552: {  	v48 =	vnsel vm0, $0x0, v23;
	(xrf0) =	vadd.scan.msk.s32 $0xffff, v13  }
0x553: {  	(xrf2) =	vadd.scan.msk.f32 $0xffff, v4;
	v4 =	vadd.f32 v48, v26  }
0x554: {  	(xrf2) =	vadd.scan.msk.f32 $0xffff, v5;
	v5 =	vnsel vm4, $0x0, v25;
	v47, _, _ =	vpop (xrf0)  }
0x555: {  	v4 =	vadd.f32 v5, v4;
	v5 =	vnsel vm3, $0x0, v22;
	(v2sf) =	vpush v47, $0xF  }
0x556: {  	(xrf2) =	vadd.scan.msk.f32 $0xffff, v7  }
0x557: {  	(xrf2) =	vadd.scan.msk.f32 $0xffff, v9  }
0x558: {  	(xrf2) =	vadd.scan.msk.f32 $0xffff, v10;
	v4 =	vadd.f32 v5, v4;
	v5, _, _ =	vpop (xrf0)  }
0x559: {  	(xrf2) =	vadd.scan.msk.f32 $0xffff, v12;
	v49 =	vnsel vm7, $0x0, v37;
	(v2sf) =	vpush v5, $0xF  }
0x55a: {  	v4 =	vadd.f32 v49, v4  }
0x55b: {  	v5 =	vnsel vm10, $0x0, v28  }
0x55c: {  	v4 =	vadd.f32 v5, v4;
	v5 =	vnsel vm6, $0x0, v29;
	s28 =	spop (v2sf)  }
0x55d: {  	(xrf2) =	vadd.scan.msk.f32 $0xffff, v14;
	s14 =	scvt.s32.f32 s28  }
0x55e: {  	v50, _, _ =	vpop (xrf2);
	(xrf2) =	vadd.scan.msk.f32 $0xffff, v15;
	v4 =	vadd.f32 v5, v4  }
0x55f: {  	v52 =	vnsel vm1, $0x0, v30;
	v5, _, _ =	vpop (xrf2);
	(xrf2) =	vadd.scan.msk.f32 $0xffff, v17;
	s15 =	spop (v2sf);
	s14 =	ssub.f32 $1.280000000e+02, s14  }
0x560: {  	v6 =	vadd.s32 $0x7C0000, v6;
	v51, _, _ =	vpop (xrf2);
	v4 =	vadd.f32 v52, v4;
	(xrf2) =	vadd.scan.msk.f32 $0xffff, v19;
	s15 =	scvt.s32.f32 s15  }
0x561: {  	v11 =	vadd.s32 $0x7C0000, v11;
	v8 =	vbroadcast v51, $0xF;
	v53, _, _ =	vpop (xrf2);
	(xrf2) =	vadd.scan.msk.f32 $0xffff, v20;
	v6 =	vmul.f32 s14, v6  }
0x562: {  	vm0 =	vmmov $0x1;
	vm4 =	vcmask $0x1710;
	vm3 =	vcmask $0x730;
	v10, _, _ =	vpop (xrf2);
	(xrf2) =	vadd.scan.msk.f32 $0xffff, v4;
	s29 =	ssub.f32 $1.280000000e+02, s15  }
0x563: {  	v7 =	vbroadcast v50, $0xF;
	v4 =	vbroadcast v5, $0xF;
	v54, _, _ =	vpop (xrf2);
	v6 =	vadd.f32 v6, v8  }
0x564: {  	vm1 =	vcmask $0x1310;
	v5 =	vbroadcast v54, $0xF;
	v11 =	vmul.f32 s29, v11;
	s30 =	spop (v2sf)  }
0x565: {  	v9 =	vbroadcast v53, $0xF;
	s14 =	scvt.s32.f32 s30;
	v6 =	vnsel vm0, $0x0, v6;
	vm0 =	vcmask $0x330  }
0x566: {  	v5 =	vadd.f32 v11, v5;
	v4 =	vsel vm0, v6, v4;
	vm0 =	vmor vm0, vm1  }
0x567: {  	v10 =	vbroadcast v10, $0xF;
	v55, _, _ =	vpop (xrf2);
	s14 =	ssub.f32 $1.280000000e+02, s14;
	v4 =	vsel vm0, v4, v7;
	vm0 =	vmor vm0, vm2  }
0x568: {  	v56, _, _ =	vpop (xrf2);
	s31 =	spop (v2sf);
	v4 =	vsel vm0, v4, v5;
	vm0 =	vmor vm3, vm1;
	v5 =	vadd.s32 $0x7C0000, v16  }
0x569: {  	v57, _, _ =	vpop (xrf2);
	vm1 =	vmor vm3, vm4;
	vm0 =	vmor vm0, vm2;
	v5 =	vmul.f32 s14, v5;
	s14 =	scvt.s32.f32 s31  }
0x56a: {  	v8 =	vbroadcast v57, $0xF;
	v58, _, _ =	vpop (xrf2);
	v4 =	vsel vm0, v4, v10;
	vm0 =	vmor vm1, vm2  }
0x56b: {  	v60 =	vadd.s32 $0x7C0000, v21;
	v7 =	vbroadcast v56, $0xF;
	v59, _, _ =	vpop (xrf2);
	v4 =	vsel vm0, v4, v9;
	s14 =	ssub.f32 $1.280000000e+02, s14  }
0x56c: {  	v61, _, _ =	vpop (xrf2);
	v5 =	vadd.f32 v5, v8;
	vm0 =	vmor vm1, vm5;
	vm1 =	vcmask $0xB30  }
0x56d: {  	v9 =	vbroadcast v61, $0xF;
	vm1 =	vmor vm1, vm4;
	v8 =	vmul.f32 s14, v60  }
0x56e: {  	v4 =	vsel vm0, v4, v5;
	vm0 =	vmor vm1, vm5;
	v5 =	vbroadcast v55, $0xF  }
0x56f: {  	v4 =	vsel vm0, v4, v7;
	vm0 =	vmor vm8, vm5  }
0x570: {  	v62 =	vadd.f32 v8, v9;
	v4 =	vsel vm0, v4, v5;
	vm0 =	vcmask $0x2B20  }
0x571: {  	v5 =	vbroadcast v59, $0xF;
	vm0 =	vmor vm8, vm0  }
0x572: {  	v63 =	vbroadcast v58, $0xF;
	v4 =	vsel vm0, v4, v62  }
0x573: {  	s13 =	sadd.s32 $0x1, s13;
	vm0 =	vcmask $0x2B30;
	v4 =	vsel vm9, v4, v5  }
0x574: {  	p0 =	sne.s32 s13, s6;
	v4 =	vsel vm0, v4, v63  }
.Ltmp20:
0x575: {  	[tilespmem:$0x9080] =	vst v4;
	(pc) =	sbr.rel @p0 .LBB2_1-.Ltmp20, $4  }
0x576: {  	[hbm4b:s5+s2] =	stream.linear.scatter [tilespmem:s12], [sflag:$0x1], $0x80, $0x38;
	[tilespmem:$0x9100] =	vst v63  }
0x577: {  	_ =	swait.ge [sflag:s9], $0x80  }
0x578: {  	[sflag:s9] =	ssyncset.done $0x0  }
0x579: {  	[sflag:s9] =	ssyncadd.s32 $0xFFFFFF80  }
0x57a: {  	_ =	sfence.sel $0x180000  }
0x57b: {  	[bflag:$0x0] =	sbarrier.arrive $0xFFFF  }
0x57c: {  	p0 =	sne.s32 s1, $0x0;
	_ =	strace $0x90000047  }
0x57d: {  	s0 =	sadd.s32 @!p0 $0x100000, s0;
	[bflag:$0x2] =	sbarrier.arrive $0xFFFF  }
0x57e: {  	[sflag:s0] =	ssyncadd.tile.s32 @!p0 $0x1;
	_ =	shalt  }
.Lfunc_end2:
_tile_overlayer_lowered:
.L_overlay_start_2:
0x57f: {  	(tag) =	ssettag $0x2  }
0x580: {  	s0 =	rddreg [dreg:$0x0];
	s2 =	stileid.u32  }
0x581: {  	s1 =	rddreg [dreg:$0x1];
	p0 =	sne.s32 s2, $0x0  }
0x582: {  	s3 =	rddreg [dreg:$0x2];
	[bflag:$0x3] =	sbarrier.arrive $0xFFFF;
	s2 =	simm.s32 @!p0 $0x1C01  }
0x583: {  	[timem:s3], [sflag:s2] =	dma.local @!p0 [hbm:s0], s1  }
0x584: {  	s0 =	simm.s32 @!p0 $0x1  }
0x585: {  	_ =	swait.ge @!p0 [sflag:s0], s1  }
0x586: {  	s1 =	ssub.s32 @!p0 $0x0, s1;
	[sflag:s0] =	ssyncset.done @!p0 $0x0  }
0x587: {  	[sflag:s0] =	ssyncadd.s32 @!p0 s1  }
0x588: {  	[bflag:$0x3] =	sbarrier.arrive $0xFFFF  }
0x589: {  	_ =	shalt  }

</sc_bundles>
